<compile_context>
chip_gen: v7x
topology: tpu7x:2x2x1
jax: 0.10.2.dev20260603
libtpu: 0.0.44.dev20260713+nightly
codegen_flags: <defaults>
</compile_context>

<pallas_src>
import functools

import jax
import jax.numpy as jnp
from jax import lax
from jax.experimental import pallas as pl
from jax.experimental.pallas import tpu as pltpu
from jax.experimental.pallas import tpu_sc as plsc

EDGE_DIM = 16
NODE_DIM = 128
HID = 128
WPAIR = HID // 2
N_NODES = 10000
N_EDGES = 320000

NC = 2
NS = 16
NW = NC * NS

HALF = N_EDGES // 2
BLK = 2000
PCH = 40
PAIRS_PER_TILE = HALF // NW
SEG = BLK // 2
NSEG = PAIRS_PER_TILE // SEG
TILE_CHUNKS = PAIRS_PER_TILE // PCH
NSLOT = 4
LANES = 16



def _pre_body(v_ref, wse_ref, wso_ref, wde_ref, wdo_ref, us_ref, ud_ref):
    v = v_ref[...]

    def packcols(we, wo):
        e = jnp.dot(v, we, preferred_element_type=jnp.float32)
        o = jnp.dot(v, wo, preferred_element_type=jnp.float32)
        ei = lax.bitcast_convert_type(e, jnp.int32)
        oi = lax.bitcast_convert_type(o, jnp.int32)
        return (lax.shift_right_logical(ei + 0x8000, 16)
                | ((oi + 0x8000) & jnp.int32(-65536)))

    us_ref[...] = packcols(wse_ref[...], wso_ref[...])
    ud_ref[...] = packcols(wde_ref[...], wdo_ref[...])


def _precompute_tables(V, W1se, W1so, W1de, W1do):
    return pl.pallas_call(
        _pre_body,
        out_shape=(
            jax.ShapeDtypeStruct((N_NODES, WPAIR), jnp.int32),
            jax.ShapeDtypeStruct((N_NODES, WPAIR), jnp.int32),
        ),
    )(V, W1se, W1so, W1de, W1do)




def _packadd(wa, wb):
    mhi = jnp.int32(-65536)
    ls = (lax.bitcast_convert_type(wa << 16, jnp.float32)
          + lax.bitcast_convert_type(wb << 16, jnp.float32))
    hs = (lax.bitcast_convert_type(wa & mhi, jnp.float32)
          + lax.bitcast_convert_type(wb & mhi, jnp.float32))
    li = lax.shift_right_logical(
        lax.bitcast_convert_type(ls, jnp.int32) + 0x8000, 16)
    hi = (lax.bitcast_convert_type(hs, jnp.int32) + 0x8000) & mhi
    return hi | li


def _sc_body(us_hbm, ud_hbm, src_hbm, dst_hbm, out_hbm,
             idx_sa, idx_da, idx_sb, idx_db, gbufs, sts, gsems, wsems):
    cid = lax.axis_index("c")
    sid = lax.axis_index("s")
    wid = sid * NC + cid
    pbase = pl.multiple_of(wid * PAIRS_PER_TILE, PCH)
    n = TILE_CHUNKS
    for k in range(NSEG):
        h = wid * NSEG + k
        basea = pl.multiple_of((h // 2) * 2 * BLK + (h % 2) * SEG, PCH)
        dsl = pl.ds(k * SEG, SEG)
        pltpu.sync_copy(src_hbm.at[pl.ds(basea, SEG)], idx_sa.at[dsl])
        pltpu.sync_copy(dst_hbm.at[pl.ds(basea, SEG)], idx_da.at[dsl])
        pltpu.sync_copy(src_hbm.at[pl.ds(basea + BLK, SEG)], idx_sb.at[dsl])
        pltpu.sync_copy(dst_hbm.at[pl.ds(basea + BLK, SEG)], idx_db.at[dsl])
    idxs = (idx_sa, idx_da, idx_sb, idx_db)
    tabs = (us_hbm, ud_hbm, us_hbm, ud_hbm)

    def issue_gather(b, i):
        off = pl.multiple_of(i * PCH, PCH)
        for buf, idx, tab in zip(gbufs[b], idxs, tabs):
            pltpu.make_async_copy(
                tab.at[idx.at[pl.ds(off, PCH)]], buf, gsems[b]).start()

    def wait_gather(b, i):
        off = pl.multiple_of(i * PCH, PCH)
        for buf, idx, tab in zip(gbufs[b], idxs, tabs):
            pltpu.make_async_copy(
                tab.at[idx.at[pl.ds(off, PCH)]], buf, gsems[b]).wait()

    def issue_write(b, i):
        off = pl.multiple_of(pbase + i * PCH, PCH)
        pltpu.make_async_copy(
            sts[b], out_hbm.at[pl.ds(off, PCH), :], wsems[b]).start()

    def wait_write(b):
        pltpu.make_async_copy(
            sts[b], out_hbm.at[pl.ds(0, PCH), :], wsems[b]).wait()

    issue_gather(0, 0)
    issue_gather(1, 1)

    def quad(j, carry):
        for b in range(NSLOT):
            i = j * NSLOT + b
            bn = (b + 2) % NSLOT

            @pl.when((i >= 2) & (i < n))
            def _():
                wait_write(bn)

            @pl.when(i + 2 < n)
            def _():
                issue_gather(bn, i + 2)

            @pl.when(i < n)
            def _():
                wait_gather(b, i)
                usa, uda, usb, udb = gbufs[b]
                st = sts[b]

                @plsc.parallel_loop(0, PCH, unroll=2)
                def _add(r):
                    for jj in range(WPAIR // LANES):
                        sl = pl.ds(jj * LANES, LANES)
                        slr = pl.ds(WPAIR + jj * LANES, LANES)
                        st[r, sl] = _packadd(usa[r, sl], uda[r, sl])
                        st[r, slr] = _packadd(usb[r, sl], udb[r, sl])

                issue_write(b, i)
        return carry

    lax.fori_loop(0, (n + NSLOT - 1) // NSLOT, quad, 0)
    wait_write((n - 2) % NSLOT)
    wait_write((n - 1) % NSLOT)


_sc_gather_add = functools.partial(
    pl.kernel,
    mesh=plsc.VectorSubcoreMesh(core_axis_name="c", subcore_axis_name="s"),
    compiler_params=pltpu.CompilerParams(use_tc_tiling_on_sc=False),
    out_type=jax.ShapeDtypeStruct((HALF, HID), jnp.int32),
    scratch_types=[
        pltpu.VMEM((PAIRS_PER_TILE,), jnp.int32),
        pltpu.VMEM((PAIRS_PER_TILE,), jnp.int32),
        pltpu.VMEM((PAIRS_PER_TILE,), jnp.int32),
        pltpu.VMEM((PAIRS_PER_TILE,), jnp.int32),
        [[pltpu.VMEM((PCH, WPAIR), jnp.int32) for _ in range(4)]
         for _ in range(NSLOT)],
        [pltpu.VMEM((PCH, HID), jnp.int32) for _ in range(NSLOT)],
        [pltpu.SemaphoreType.DMA for _ in range(NSLOT)],
        [pltpu.SemaphoreType.DMA for _ in range(NSLOT)],
    ],
)(_sc_body)



N_STEPS = HALF // BLK


def _mlp_body(e_ref, g_ref, w1ee_ref, w1eo_ref, b1e_ref, b1o_ref,
              w2e_ref, w2o_ref, b2_ref, out_ref):
    g = g_ref[...]
    ge = lax.bitcast_convert_type(g << 16, jnp.float32)
    go = lax.bitcast_convert_type(g & jnp.int32(-65536), jnp.float32)
    w1ee = w1ee_ref[...]
    w1eo = w1eo_ref[...]
    w2e = w2e_ref[...]
    w2o = w2o_ref[...]
    for half, rows in ((0, slice(0, BLK)), (1, slice(BLK, 2 * BLK))):
        e = e_ref[rows, :]
        cols = slice(half * WPAIR, (half + 1) * WPAIR)
        he = jnp.dot(e, w1ee, preferred_element_type=jnp.float32)
        he = jnp.maximum(he + ge[:, cols] + b1e_ref[...], 0.0)
        ho = jnp.dot(e, w1eo, preferred_element_type=jnp.float32)
        ho = jnp.maximum(ho + go[:, cols] + b1o_ref[...], 0.0)
        out = jnp.dot(he, w2e, preferred_element_type=jnp.float32)
        out += jnp.dot(ho, w2o, preferred_element_type=jnp.float32)
        out_ref[rows, :] = out + b2_ref[...]


def _mlp(E, G2, W1ee, W1eo, b1e, b1o, W2e, W2o, b2):
    in_specs = [
        pl.BlockSpec((2 * BLK, EDGE_DIM), lambda i: (i, 0)),
        pl.BlockSpec((BLK, HID), lambda i: (i, 0)),
        pl.BlockSpec((EDGE_DIM, WPAIR), lambda i: (0, 0)),
        pl.BlockSpec((EDGE_DIM, WPAIR), lambda i: (0, 0)),
        pl.BlockSpec((1, WPAIR), lambda i: (0, 0)),
        pl.BlockSpec((1, WPAIR), lambda i: (0, 0)),
        pl.BlockSpec((WPAIR, HID), lambda i: (0, 0)),
        pl.BlockSpec((WPAIR, HID), lambda i: (0, 0)),
        pl.BlockSpec((1, HID), lambda i: (0, 0)),
    ]
    out_spec = pl.BlockSpec((2 * BLK, HID), lambda i: (i, 0))
    return pl.pallas_call(
        _mlp_body,
        grid=(N_STEPS,),
        in_specs=in_specs,
        out_specs=out_spec,
        out_shape=jax.ShapeDtypeStruct((N_EDGES, HID), jnp.float32),
    )(E, G2, W1ee, W1eo, b1e, b1o, W2e, W2o, b2)




def kernel(E, V, edge_index, W1, b1, W2, b2):
    src = edge_index[0].astype(jnp.int32)
    dst = edge_index[1].astype(jnp.int32)
    W1e = W1[:EDGE_DIM]
    W1s = W1[EDGE_DIM:EDGE_DIM + NODE_DIM]
    W1d = W1[EDGE_DIM + NODE_DIM:]
    W1ee = W1e[:, 0::2]
    W1eo = W1e[:, 1::2]
    b1e = b1[0::2].reshape(1, WPAIR)
    b1o = b1[1::2].reshape(1, WPAIR)
    W2e = W2[0::2]
    W2o = W2[1::2]
    b2r = b2.reshape(1, HID)
    Us32, Ud32 = _precompute_tables(
        V, W1s[:, 0::2], W1s[:, 1::2], W1d[:, 0::2], W1d[:, 1::2])
    G2 = _sc_gather_add(Us32, Ud32, src, dst)
    return _mlp(E, G2, W1ee, W1eo, b1e, b1o, W2e, W2o, b2r)

# --- scband reference (transcript-rebuilt; emitter-appended) ---
"""Pipeline reference for scband-edge-update-60885456388953 (READ-ONLY COPY).

The authoritative reference and input builder live on the scoring server;
editing this copy changes nothing except your own understanding.
"""

import jax, jax.numpy as jnp
import numpy as np

EDGE_DIM = 16
NODE_DIM = 128
HIDDEN_DIM = 128
N_NODES = 10000
N_EDGES = 320000


def setup_inputs(seed: int = 0) -> dict:
    key = jax.random.key(seed)
    k_e, k_v, k_idx, k_w1, k_b1, k_w2, k_b2 = jax.random.split(key, 7)
    E = jax.random.normal(k_e, (N_EDGES, EDGE_DIM), dtype=jnp.float32)
    V = jax.random.normal(k_v, (N_NODES, NODE_DIM), dtype=jnp.float32)
    edge_index = jax.random.randint(k_idx, (2, N_EDGES), 0, N_NODES, dtype=jnp.int64)
    in_dim = EDGE_DIM + 2 * NODE_DIM
    W1 = jax.random.normal(k_w1, (in_dim, HIDDEN_DIM), dtype=jnp.float32) * (1.0 / np.sqrt(in_dim))
    b1 = jax.random.normal(k_b1, (HIDDEN_DIM,), dtype=jnp.float32) * 0.01
    W2 = jax.random.normal(k_w2, (HIDDEN_DIM, HIDDEN_DIM), dtype=jnp.float32) * (1.0 / np.sqrt(HIDDEN_DIM))
    b2 = jax.random.normal(k_b2, (HIDDEN_DIM,), dtype=jnp.float32) * 0.01
    return {"E": E, "V": V, "edge_index": edge_index, "W1": W1, "b1": b1, "W2": W2, "b2": b2}


def reference(E, V, edge_index, W1, b1, W2, b2):
    src = edge_index[0]
    dst = edge_index[1]
    v_src = jnp.take(V, src, axis=0)
    v_dst = jnp.take(V, dst, axis=0)
    x = jnp.concatenate([E, v_src, v_dst], axis=-1)
    h = jax.nn.relu(jnp.dot(x, W1) + b1)
    out = jnp.dot(h, W2) + b2
    return out

if __name__ == "__main__":
    import jax
    _d = setup_inputs()
    print(jax.jit(kernel)(*tuple(_d.values())))

</pallas_src>

<mosaic_0001>
#map = affine_map<(d0, d1) -> (0, 0)>
#map1 = affine_map<(d0, d1) -> (0)>
module attributes {stable_mosaic.version = 14 : i64} {
  func.func @_sc_body(%arg0: i32, %arg1: i32, %arg2: memref<10000x64xi32, #tpu.memory_space<hbm>>, %arg3: memref<10000x64xi32, #tpu.memory_space<hbm>>, %arg4: memref<320000xi32, #tpu.memory_space<hbm>>, %arg5: memref<320000xi32, #tpu.memory_space<hbm>>, %arg6: memref<160000x128xi32, #tpu.memory_space<hbm>>, %arg7: memref<5000xi32, #tpu.memory_space<vmem>>, %arg8: memref<5000xi32, #tpu.memory_space<vmem>>, %arg9: memref<5000xi32, #tpu.memory_space<vmem>>, %arg10: memref<5000xi32, #tpu.memory_space<vmem>>, %arg11: memref<40x64xi32, #tpu.memory_space<vmem>>, %arg12: memref<40x64xi32, #tpu.memory_space<vmem>>, %arg13: memref<40x64xi32, #tpu.memory_space<vmem>>, %arg14: memref<40x64xi32, #tpu.memory_space<vmem>>, %arg15: memref<40x64xi32, #tpu.memory_space<vmem>>, %arg16: memref<40x64xi32, #tpu.memory_space<vmem>>, %arg17: memref<40x64xi32, #tpu.memory_space<vmem>>, %arg18: memref<40x64xi32, #tpu.memory_space<vmem>>, %arg19: memref<40x64xi32, #tpu.memory_space<vmem>>, %arg20: memref<40x64xi32, #tpu.memory_space<vmem>>, %arg21: memref<40x64xi32, #tpu.memory_space<vmem>>, %arg22: memref<40x64xi32, #tpu.memory_space<vmem>>, %arg23: memref<40x64xi32, #tpu.memory_space<vmem>>, %arg24: memref<40x64xi32, #tpu.memory_space<vmem>>, %arg25: memref<40x64xi32, #tpu.memory_space<vmem>>, %arg26: memref<40x64xi32, #tpu.memory_space<vmem>>, %arg27: memref<40x128xi32, #tpu.memory_space<vmem>>, %arg28: memref<40x128xi32, #tpu.memory_space<vmem>>, %arg29: memref<40x128xi32, #tpu.memory_space<vmem>>, %arg30: memref<40x128xi32, #tpu.memory_space<vmem>>, %arg31: memref<!tpu.dma_semaphore, #tpu.memory_space<semaphore_mem>>, %arg32: memref<!tpu.dma_semaphore, #tpu.memory_space<semaphore_mem>>, %arg33: memref<!tpu.dma_semaphore, #tpu.memory_space<semaphore_mem>>, %arg34: memref<!tpu.dma_semaphore, #tpu.memory_space<semaphore_mem>>, %arg35: memref<!tpu.dma_semaphore, #tpu.memory_space<semaphore_mem>>, %arg36: memref<!tpu.dma_semaphore, #tpu.memory_space<semaphore_mem>>, %arg37: memref<!tpu.dma_semaphore, #tpu.memory_space<semaphore_mem>>, %arg38: memref<!tpu.dma_semaphore, #tpu.memory_space<semaphore_mem>>) attributes {dimension_semantics = [#tpu.dimension_semantics<core_parallel>, #tpu.dimension_semantics<subcore_parallel>], iteration_bounds = array<i64: 2, 16>, scalar_prefetch = 0 : i64, scratch_operands = 32 : i64, tpu.core_type = #tpu.core_type<sc_vector_subcore>, window_params = [{transform_indices = #map}, {transform_indices = #map}, {transform_indices = #map1}, {transform_indices = #map1}, {transform_indices = #map}]} {
    %mul3A = arith.constant 2 : i32
    %mul3A_0 = arith.muli %arg1, %mul3A : i32
    %add3A = arith.addi %mul3A_0, %arg0 : i32
    %mul3A_1 = arith.constant 5000 : i32
    %mul3A_2 = arith.muli %add3A, %mul3A_1 : i32
    %multiple_of3A = tpu.assume_multiple %mul3A_2, 40 : i32
    %mul3A_3 = arith.constant 5 : i32
    %mul3A_4 = arith.muli %add3A, %mul3A_3 : i32
    %add3A_5 = arith.constant 0 : i32
    %add3A_6 = arith.addi %mul3A_4, %add3A_5 : i32
    %jit3A = arith.constant 2 : i32
    %div3A = arith.divsi %add3A_6, %jit3A : i32
    %sign3A = arith.constant 0 : i32
    %sign3A_7 = arith.cmpi sgt, %add3A_6, %sign3A : i32
    %sign3A_8 = arith.extui %sign3A_7 : i1 to i32
    %sign3A_9 = arith.constant 0 : i32
    %sign3A_10 = arith.cmpi slt, %add3A_6, %sign3A_9 : i32
    %sign3A_11 = arith.extui %sign3A_10 : i1 to i32
    %sign3A_12 = arith.subi %sign3A_8, %sign3A_11 : i32
    %sign3A_13 = arith.constant 0 : i32
    %sign3A_14 = arith.cmpi sgt, %jit3A, %sign3A_13 : i32
    %sign3A_15 = arith.extui %sign3A_14 : i1 to i32
    %sign3A_16 = arith.constant 0 : i32
    %sign3A_17 = arith.cmpi slt, %jit3A, %sign3A_16 : i32
    %sign3A_18 = arith.extui %sign3A_17 : i1 to i32
    %sign3A_19 = arith.subi %sign3A_15, %sign3A_18 : i32
    %ne3A = arith.cmpi ne, %sign3A_12, %sign3A_19 : i32
    %rem3A = arith.remsi %add3A_6, %jit3A : i32
    %ne3A_20 = arith.constant 0 : i32
    %ne3A_21 = arith.cmpi ne, %rem3A, %ne3A_20 : i32
    %and3A = arith.andi %ne3A, %ne3A_21 : i1
    %sub3A = arith.constant 1 : i32
    %sub3A_22 = arith.subi %div3A, %sub3A : i32
    %select_n3A = arith.select %and3A, %sub3A_22, %div3A : i32
    %mul3A_23 = arith.constant 2 : i32
    %mul3A_24 = arith.muli %select_n3A, %mul3A_23 : i32
    %mul3A_25 = arith.constant 2000 : i32
    %mul3A_26 = arith.muli %mul3A_24, %mul3A_25 : i32
    %jit3A_27 = arith.constant 2 : i32
    %eq3A = arith.constant 0 : i32
    %eq3A_28 = arith.cmpi eq, %jit3A_27, %eq3A : i32
    %jit3A_29 = arith.constant 1 : i32
    %select_n3A_30 = arith.select %eq3A_28, %jit3A_29, %jit3A_27 : i32
    %rem3A_31 = arith.remsi %add3A_6, %select_n3A_30 : i32
    %ne3A_32 = arith.constant 0 : i32
    %ne3A_33 = arith.cmpi ne, %rem3A_31, %ne3A_32 : i32
    %lt3A = arith.constant 0 : i32
    %lt3A_34 = arith.cmpi slt, %rem3A_31, %lt3A : i32
    %lt3A_35 = arith.constant 0 : i32
    %lt3A_36 = arith.cmpi slt, %select_n3A_30, %lt3A_35 : i32
    %ne3A_37 = arith.xori %lt3A_34, %lt3A_36 : i1
    %and3A_38 = arith.andi %ne3A_37, %ne3A_33 : i1
    %add3A_39 = arith.addi %rem3A_31, %select_n3A_30 : i32
    %select_n3A_40 = arith.select %and3A_38, %add3A_39, %rem3A_31 : i32
    %mul3A_41 = arith.constant 1000 : i32
    %mul3A_42 = arith.muli %select_n3A_40, %mul3A_41 : i32
    %add3A_43 = arith.addi %mul3A_26, %mul3A_42 : i32
    %multiple_of3A_44 = tpu.assume_multiple %add3A_43, 40 : i32
    "tpu.region"() ({
      %run_scoped3A = tpu.sem_alloc : memref<!tpu.dma_semaphore, #tpu.memory_space<semaphore_mem>>
      %dma_start3A_324 = arith.constant 0 : i32
      %dma_start3A_325 = tpu.memref_slice %arg7[%dma_start3A_324] : memref<5000xi32, #tpu.memory_space<vmem>> -> memref<1000xi32, #tpu.memory_space<vmem>>
      %dma_start3A_326 = tpu.memref_slice %arg4[%multiple_of3A_44] : memref<320000xi32, #tpu.memory_space<hbm>> -> memref<1000xi32, #tpu.memory_space<hbm>>
      %dma_start3A_327 = arith.constant 0 : i32
      %dma_start3A_328 = tpu.memref_slice %arg7[%dma_start3A_327] : memref<5000xi32, #tpu.memory_space<vmem>> -> memref<1000xi32, #tpu.memory_space<vmem>>
      %dma_start3A_329 = tpu.memref_slice %arg4[%multiple_of3A_44] : memref<320000xi32, #tpu.memory_space<hbm>> -> memref<1000xi32, #tpu.memory_space<hbm>>
      tpu.enqueue_dma source(%dma_start3A_329 : memref<1000xi32, #tpu.memory_space<hbm>>) target(%dma_start3A_328 : memref<1000xi32, #tpu.memory_space<vmem>>) target_semaphore(%run_scoped3A : memref<!tpu.dma_semaphore, #tpu.memory_space<semaphore_mem>>)
      %dma_wait3A_330 = arith.constant 0 : i32
      %dma_wait3A_331 = tpu.memref_slice %arg7[%dma_wait3A_330] : memref<5000xi32, #tpu.memory_space<vmem>> -> memref<1000xi32, #tpu.memory_space<vmem>>
      %dma_wait3A_332 = tpu.memref_slice %arg4[%multiple_of3A_44] : memref<320000xi32, #tpu.memory_space<hbm>> -> memref<1000xi32, #tpu.memory_space<hbm>>
      %dma_wait3A_333 = arith.constant 0 : i32
      %dma_wait3A_334 = tpu.memref_slice %arg7[%dma_wait3A_333] : memref<5000xi32, #tpu.memory_space<vmem>> -> memref<1000xi32, #tpu.memory_space<vmem>>
      %dma_wait3A_335 = tpu.memref_slice %arg4[%multiple_of3A_44] : memref<320000xi32, #tpu.memory_space<hbm>> -> memref<1000xi32, #tpu.memory_space<hbm>>
      tpu.wait_dma2 semaphore(%run_scoped3A : memref<!tpu.dma_semaphore, #tpu.memory_space<semaphore_mem>>) src(%dma_wait3A_335 : memref<1000xi32, #tpu.memory_space<hbm>>) dst(%dma_wait3A_334 : memref<1000xi32, #tpu.memory_space<vmem>>)
      tpu.yield
    }) : () -> ()
    "tpu.region"() ({
      %run_scoped3A = tpu.sem_alloc : memref<!tpu.dma_semaphore, #tpu.memory_space<semaphore_mem>>
      %dma_start3A_324 = arith.constant 0 : i32
      %dma_start3A_325 = tpu.memref_slice %arg8[%dma_start3A_324] : memref<5000xi32, #tpu.memory_space<vmem>> -> memref<1000xi32, #tpu.memory_space<vmem>>
      %dma_start3A_326 = tpu.memref_slice %arg5[%multiple_of3A_44] : memref<320000xi32, #tpu.memory_space<hbm>> -> memref<1000xi32, #tpu.memory_space<hbm>>
      %dma_start3A_327 = arith.constant 0 : i32
      %dma_start3A_328 = tpu.memref_slice %arg8[%dma_start3A_327] : memref<5000xi32, #tpu.memory_space<vmem>> -> memref<1000xi32, #tpu.memory_space<vmem>>
      %dma_start3A_329 = tpu.memref_slice %arg5[%multiple_of3A_44] : memref<320000xi32, #tpu.memory_space<hbm>> -> memref<1000xi32, #tpu.memory_space<hbm>>
      tpu.enqueue_dma source(%dma_start3A_329 : memref<1000xi32, #tpu.memory_space<hbm>>) target(%dma_start3A_328 : memref<1000xi32, #tpu.memory_space<vmem>>) target_semaphore(%run_scoped3A : memref<!tpu.dma_semaphore, #tpu.memory_space<semaphore_mem>>)
      %dma_wait3A_330 = arith.constant 0 : i32
      %dma_wait3A_331 = tpu.memref_slice %arg8[%dma_wait3A_330] : memref<5000xi32, #tpu.memory_space<vmem>> -> memref<1000xi32, #tpu.memory_space<vmem>>
      %dma_wait3A_332 = tpu.memref_slice %arg5[%multiple_of3A_44] : memref<320000xi32, #tpu.memory_space<hbm>> -> memref<1000xi32, #tpu.memory_space<hbm>>
      %dma_wait3A_333 = arith.constant 0 : i32
      %dma_wait3A_334 = tpu.memref_slice %arg8[%dma_wait3A_333] : memref<5000xi32, #tpu.memory_space<vmem>> -> memref<1000xi32, #tpu.memory_space<vmem>>
      %dma_wait3A_335 = tpu.memref_slice %arg5[%multiple_of3A_44] : memref<320000xi32, #tpu.memory_space<hbm>> -> memref<1000xi32, #tpu.memory_space<hbm>>
      tpu.wait_dma2 semaphore(%run_scoped3A : memref<!tpu.dma_semaphore, #tpu.memory_space<semaphore_mem>>) src(%dma_wait3A_335 : memref<1000xi32, #tpu.memory_space<hbm>>) dst(%dma_wait3A_334 : memref<1000xi32, #tpu.memory_space<vmem>>)
      tpu.yield
    }) : () -> ()
    %add3A_45 = arith.constant 2000 : i32
    %add3A_46 = arith.addi %multiple_of3A_44, %add3A_45 : i32
    "tpu.region"() ({
      %run_scoped3A = tpu.sem_alloc : memref<!tpu.dma_semaphore, #tpu.memory_space<semaphore_mem>>
      %dma_start3A_324 = arith.constant 0 : i32
      %dma_start3A_325 = tpu.memref_slice %arg9[%dma_start3A_324] : memref<5000xi32, #tpu.memory_space<vmem>> -> memref<1000xi32, #tpu.memory_space<vmem>>
      %dma_start3A_326 = tpu.memref_slice %arg4[%add3A_46] : memref<320000xi32, #tpu.memory_space<hbm>> -> memref<1000xi32, #tpu.memory_space<hbm>>
      %dma_start3A_327 = arith.constant 0 : i32
      %dma_start3A_328 = tpu.memref_slice %arg9[%dma_start3A_327] : memref<5000xi32, #tpu.memory_space<vmem>> -> memref<1000xi32, #tpu.memory_space<vmem>>
      %dma_start3A_329 = tpu.memref_slice %arg4[%add3A_46] : memref<320000xi32, #tpu.memory_space<hbm>> -> memref<1000xi32, #tpu.memory_space<hbm>>
      tpu.enqueue_dma source(%dma_start3A_329 : memref<1000xi32, #tpu.memory_space<hbm>>) target(%dma_start3A_328 : memref<1000xi32, #tpu.memory_space<vmem>>) target_semaphore(%run_scoped3A : memref<!tpu.dma_semaphore, #tpu.memory_space<semaphore_mem>>)
      %dma_wait3A_330 = arith.constant 0 : i32
      %dma_wait3A_331 = tpu.memref_slice %arg9[%dma_wait3A_330] : memref<5000xi32, #tpu.memory_space<vmem>> -> memref<1000xi32, #tpu.memory_space<vmem>>
      %dma_wait3A_332 = tpu.memref_slice %arg4[%add3A_46] : memref<320000xi32, #tpu.memory_space<hbm>> -> memref<1000xi32, #tpu.memory_space<hbm>>
      %dma_wait3A_333 = arith.constant 0 : i32
      %dma_wait3A_334 = tpu.memref_slice %arg9[%dma_wait3A_333] : memref<5000xi32, #tpu.memory_space<vmem>> -> memref<1000xi32, #tpu.memory_space<vmem>>
      %dma_wait3A_335 = tpu.memref_slice %arg4[%add3A_46] : memref<320000xi32, #tpu.memory_space<hbm>> -> memref<1000xi32, #tpu.memory_space<hbm>>
      tpu.wait_dma2 semaphore(%run_scoped3A : memref<!tpu.dma_semaphore, #tpu.memory_space<semaphore_mem>>) src(%dma_wait3A_335 : memref<1000xi32, #tpu.memory_space<hbm>>) dst(%dma_wait3A_334 : memref<1000xi32, #tpu.memory_space<vmem>>)
      tpu.yield
    }) : () -> ()
    %add3A_47 = arith.constant 2000 : i32
    %add3A_48 = arith.addi %multiple_of3A_44, %add3A_47 : i32
    "tpu.region"() ({
      %run_scoped3A = tpu.sem_alloc : memref<!tpu.dma_semaphore, #tpu.memory_space<semaphore_mem>>
      %dma_start3A_324 = arith.constant 0 : i32
      %dma_start3A_325 = tpu.memref_slice %arg10[%dma_start3A_324] : memref<5000xi32, #tpu.memory_space<vmem>> -> memref<1000xi32, #tpu.memory_space<vmem>>
      %dma_start3A_326 = tpu.memref_slice %arg5[%add3A_48] : memref<320000xi32, #tpu.memory_space<hbm>> -> memref<1000xi32, #tpu.memory_space<hbm>>
      %dma_start3A_327 = arith.constant 0 : i32
      %dma_start3A_328 = tpu.memref_slice %arg10[%dma_start3A_327] : memref<5000xi32, #tpu.memory_space<vmem>> -> memref<1000xi32, #tpu.memory_space<vmem>>
      %dma_start3A_329 = tpu.memref_slice %arg5[%add3A_48] : memref<320000xi32, #tpu.memory_space<hbm>> -> memref<1000xi32, #tpu.memory_space<hbm>>
      tpu.enqueue_dma source(%dma_start3A_329 : memref<1000xi32, #tpu.memory_space<hbm>>) target(%dma_start3A_328 : memref<1000xi32, #tpu.memory_space<vmem>>) target_semaphore(%run_scoped3A : memref<!tpu.dma_semaphore, #tpu.memory_space<semaphore_mem>>)
      %dma_wait3A_330 = arith.constant 0 : i32
      %dma_wait3A_331 = tpu.memref_slice %arg10[%dma_wait3A_330] : memref<5000xi32, #tpu.memory_space<vmem>> -> memref<1000xi32, #tpu.memory_space<vmem>>
      %dma_wait3A_332 = tpu.memref_slice %arg5[%add3A_48] : memref<320000xi32, #tpu.memory_space<hbm>> -> memref<1000xi32, #tpu.memory_space<hbm>>
      %dma_wait3A_333 = arith.constant 0 : i32
      %dma_wait3A_334 = tpu.memref_slice %arg10[%dma_wait3A_333] : memref<5000xi32, #tpu.memory_space<vmem>> -> memref<1000xi32, #tpu.memory_space<vmem>>
      %dma_wait3A_335 = tpu.memref_slice %arg5[%add3A_48] : memref<320000xi32, #tpu.memory_space<hbm>> -> memref<1000xi32, #tpu.memory_space<hbm>>
      tpu.wait_dma2 semaphore(%run_scoped3A : memref<!tpu.dma_semaphore, #tpu.memory_space<semaphore_mem>>) src(%dma_wait3A_335 : memref<1000xi32, #tpu.memory_space<hbm>>) dst(%dma_wait3A_334 : memref<1000xi32, #tpu.memory_space<vmem>>)
      tpu.yield
    }) : () -> ()
    %mul3A_49 = arith.constant 5 : i32
    %mul3A_50 = arith.muli %add3A, %mul3A_49 : i32
    %add3A_51 = arith.constant 1 : i32
    %add3A_52 = arith.addi %mul3A_50, %add3A_51 : i32
    %jit3A_53 = arith.constant 2 : i32
    %div3A_54 = arith.divsi %add3A_52, %jit3A_53 : i32
    %sign3A_55 = arith.constant 0 : i32
    %sign3A_56 = arith.cmpi sgt, %add3A_52, %sign3A_55 : i32
    %sign3A_57 = arith.extui %sign3A_56 : i1 to i32
    %sign3A_58 = arith.constant 0 : i32
    %sign3A_59 = arith.cmpi slt, %add3A_52, %sign3A_58 : i32
    %sign3A_60 = arith.extui %sign3A_59 : i1 to i32
    %sign3A_61 = arith.subi %sign3A_57, %sign3A_60 : i32
    %sign3A_62 = arith.constant 0 : i32
    %sign3A_63 = arith.cmpi sgt, %jit3A_53, %sign3A_62 : i32
    %sign3A_64 = arith.extui %sign3A_63 : i1 to i32
    %sign3A_65 = arith.constant 0 : i32
    %sign3A_66 = arith.cmpi slt, %jit3A_53, %sign3A_65 : i32
    %sign3A_67 = arith.extui %sign3A_66 : i1 to i32
    %sign3A_68 = arith.subi %sign3A_64, %sign3A_67 : i32
    %ne3A_69 = arith.cmpi ne, %sign3A_61, %sign3A_68 : i32
    %rem3A_70 = arith.remsi %add3A_52, %jit3A_53 : i32
    %ne3A_71 = arith.constant 0 : i32
    %ne3A_72 = arith.cmpi ne, %rem3A_70, %ne3A_71 : i32
    %and3A_73 = arith.andi %ne3A_69, %ne3A_72 : i1
    %sub3A_74 = arith.constant 1 : i32
    %sub3A_75 = arith.subi %div3A_54, %sub3A_74 : i32
    %select_n3A_76 = arith.select %and3A_73, %sub3A_75, %div3A_54 : i32
    %mul3A_77 = arith.constant 2 : i32
    %mul3A_78 = arith.muli %select_n3A_76, %mul3A_77 : i32
    %mul3A_79 = arith.constant 2000 : i32
    %mul3A_80 = arith.muli %mul3A_78, %mul3A_79 : i32
    %jit3A_81 = arith.constant 2 : i32
    %eq3A_82 = arith.constant 0 : i32
    %eq3A_83 = arith.cmpi eq, %jit3A_81, %eq3A_82 : i32
    %jit3A_84 = arith.constant 1 : i32
    %select_n3A_85 = arith.select %eq3A_83, %jit3A_84, %jit3A_81 : i32
    %rem3A_86 = arith.remsi %add3A_52, %select_n3A_85 : i32
    %ne3A_87 = arith.constant 0 : i32
    %ne3A_88 = arith.cmpi ne, %rem3A_86, %ne3A_87 : i32
    %lt3A_89 = arith.constant 0 : i32
    %lt3A_90 = arith.cmpi slt, %rem3A_86, %lt3A_89 : i32
    %lt3A_91 = arith.constant 0 : i32
    %lt3A_92 = arith.cmpi slt, %select_n3A_85, %lt3A_91 : i32
    %ne3A_93 = arith.xori %lt3A_90, %lt3A_92 : i1
    %and3A_94 = arith.andi %ne3A_93, %ne3A_88 : i1
    %add3A_95 = arith.addi %rem3A_86, %select_n3A_85 : i32
    %select_n3A_96 = arith.select %and3A_94, %add3A_95, %rem3A_86 : i32
    %mul3A_97 = arith.constant 1000 : i32
    %mul3A_98 = arith.muli %select_n3A_96, %mul3A_97 : i32
    %add3A_99 = arith.addi %mul3A_80, %mul3A_98 : i32
    %multiple_of3A_100 = tpu.assume_multiple %add3A_99, 40 : i32
    "tpu.region"() ({
      %run_scoped3A = tpu.sem_alloc : memref<!tpu.dma_semaphore, #tpu.memory_space<semaphore_mem>>
      %dma_start3A_324 = arith.constant 1000 : i32
      %dma_start3A_325 = tpu.memref_slice %arg7[%dma_start3A_324] : memref<5000xi32, #tpu.memory_space<vmem>> -> memref<1000xi32, #tpu.memory_space<vmem>>
      %dma_start3A_326 = tpu.memref_slice %arg4[%multiple_of3A_100] : memref<320000xi32, #tpu.memory_space<hbm>> -> memref<1000xi32, #tpu.memory_space<hbm>>
      %dma_start3A_327 = arith.constant 1000 : i32
      %dma_start3A_328 = tpu.memref_slice %arg7[%dma_start3A_327] : memref<5000xi32, #tpu.memory_space<vmem>> -> memref<1000xi32, #tpu.memory_space<vmem>>
      %dma_start3A_329 = tpu.memref_slice %arg4[%multiple_of3A_100] : memref<320000xi32, #tpu.memory_space<hbm>> -> memref<1000xi32, #tpu.memory_space<hbm>>
      tpu.enqueue_dma source(%dma_start3A_329 : memref<1000xi32, #tpu.memory_space<hbm>>) target(%dma_start3A_328 : memref<1000xi32, #tpu.memory_space<vmem>>) target_semaphore(%run_scoped3A : memref<!tpu.dma_semaphore, #tpu.memory_space<semaphore_mem>>)
      %dma_wait3A_330 = arith.constant 1000 : i32
      %dma_wait3A_331 = tpu.memref_slice %arg7[%dma_wait3A_330] : memref<5000xi32, #tpu.memory_space<vmem>> -> memref<1000xi32, #tpu.memory_space<vmem>>
      %dma_wait3A_332 = tpu.memref_slice %arg4[%multiple_of3A_100] : memref<320000xi32, #tpu.memory_space<hbm>> -> memref<1000xi32, #tpu.memory_space<hbm>>
      %dma_wait3A_333 = arith.constant 1000 : i32
      %dma_wait3A_334 = tpu.memref_slice %arg7[%dma_wait3A_333] : memref<5000xi32, #tpu.memory_space<vmem>> -> memref<1000xi32, #tpu.memory_space<vmem>>
      %dma_wait3A_335 = tpu.memref_slice %arg4[%multiple_of3A_100] : memref<320000xi32, #tpu.memory_space<hbm>> -> memref<1000xi32, #tpu.memory_space<hbm>>
      tpu.wait_dma2 semaphore(%run_scoped3A : memref<!tpu.dma_semaphore, #tpu.memory_space<semaphore_mem>>) src(%dma_wait3A_335 : memref<1000xi32, #tpu.memory_space<hbm>>) dst(%dma_wait3A_334 : memref<1000xi32, #tpu.memory_space<vmem>>)
      tpu.yield
    }) : () -> ()
    "tpu.region"() ({
      %run_scoped3A = tpu.sem_alloc : memref<!tpu.dma_semaphore, #tpu.memory_space<semaphore_mem>>
      %dma_start3A_324 = arith.constant 1000 : i32
      %dma_start3A_325 = tpu.memref_slice %arg8[%dma_start3A_324] : memref<5000xi32, #tpu.memory_space<vmem>> -> memref<1000xi32, #tpu.memory_space<vmem>>
      %dma_start3A_326 = tpu.memref_slice %arg5[%multiple_of3A_100] : memref<320000xi32, #tpu.memory_space<hbm>> -> memref<1000xi32, #tpu.memory_space<hbm>>
      %dma_start3A_327 = arith.constant 1000 : i32
      %dma_start3A_328 = tpu.memref_slice %arg8[%dma_start3A_327] : memref<5000xi32, #tpu.memory_space<vmem>> -> memref<1000xi32, #tpu.memory_space<vmem>>
      %dma_start3A_329 = tpu.memref_slice %arg5[%multiple_of3A_100] : memref<320000xi32, #tpu.memory_space<hbm>> -> memref<1000xi32, #tpu.memory_space<hbm>>
      tpu.enqueue_dma source(%dma_start3A_329 : memref<1000xi32, #tpu.memory_space<hbm>>) target(%dma_start3A_328 : memref<1000xi32, #tpu.memory_space<vmem>>) target_semaphore(%run_scoped3A : memref<!tpu.dma_semaphore, #tpu.memory_space<semaphore_mem>>)
      %dma_wait3A_330 = arith.constant 1000 : i32
      %dma_wait3A_331 = tpu.memref_slice %arg8[%dma_wait3A_330] : memref<5000xi32, #tpu.memory_space<vmem>> -> memref<1000xi32, #tpu.memory_space<vmem>>
      %dma_wait3A_332 = tpu.memref_slice %arg5[%multiple_of3A_100] : memref<320000xi32, #tpu.memory_space<hbm>> -> memref<1000xi32, #tpu.memory_space<hbm>>
      %dma_wait3A_333 = arith.constant 1000 : i32
      %dma_wait3A_334 = tpu.memref_slice %arg8[%dma_wait3A_333] : memref<5000xi32, #tpu.memory_space<vmem>> -> memref<1000xi32, #tpu.memory_space<vmem>>
      %dma_wait3A_335 = tpu.memref_slice %arg5[%multiple_of3A_100] : memref<320000xi32, #tpu.memory_space<hbm>> -> memref<1000xi32, #tpu.memory_space<hbm>>
      tpu.wait_dma2 semaphore(%run_scoped3A : memref<!tpu.dma_semaphore, #tpu.memory_space<semaphore_mem>>) src(%dma_wait3A_335 : memref<1000xi32, #tpu.memory_space<hbm>>) dst(%dma_wait3A_334 : memref<1000xi32, #tpu.memory_space<vmem>>)
      tpu.yield
    }) : () -> ()
    %add3A_101 = arith.constant 2000 : i32
    %add3A_102 = arith.addi %multiple_of3A_100, %add3A_101 : i32
    "tpu.region"() ({
      %run_scoped3A = tpu.sem_alloc : memref<!tpu.dma_semaphore, #tpu.memory_space<semaphore_mem>>
      %dma_start3A_324 = arith.constant 1000 : i32
      %dma_start3A_325 = tpu.memref_slice %arg9[%dma_start3A_324] : memref<5000xi32, #tpu.memory_space<vmem>> -> memref<1000xi32, #tpu.memory_space<vmem>>
      %dma_start3A_326 = tpu.memref_slice %arg4[%add3A_102] : memref<320000xi32, #tpu.memory_space<hbm>> -> memref<1000xi32, #tpu.memory_space<hbm>>
      %dma_start3A_327 = arith.constant 1000 : i32
      %dma_start3A_328 = tpu.memref_slice %arg9[%dma_start3A_327] : memref<5000xi32, #tpu.memory_space<vmem>> -> memref<1000xi32, #tpu.memory_space<vmem>>
      %dma_start3A_329 = tpu.memref_slice %arg4[%add3A_102] : memref<320000xi32, #tpu.memory_space<hbm>> -> memref<1000xi32, #tpu.memory_space<hbm>>
      tpu.enqueue_dma source(%dma_start3A_329 : memref<1000xi32, #tpu.memory_space<hbm>>) target(%dma_start3A_328 : memref<1000xi32, #tpu.memory_space<vmem>>) target_semaphore(%run_scoped3A : memref<!tpu.dma_semaphore, #tpu.memory_space<semaphore_mem>>)
      %dma_wait3A_330 = arith.constant 1000 : i32
      %dma_wait3A_331 = tpu.memref_slice %arg9[%dma_wait3A_330] : memref<5000xi32, #tpu.memory_space<vmem>> -> memref<1000xi32, #tpu.memory_space<vmem>>
      %dma_wait3A_332 = tpu.memref_slice %arg4[%add3A_102] : memref<320000xi32, #tpu.memory_space<hbm>> -> memref<1000xi32, #tpu.memory_space<hbm>>
      %dma_wait3A_333 = arith.constant 1000 : i32
      %dma_wait3A_334 = tpu.memref_slice %arg9[%dma_wait3A_333] : memref<5000xi32, #tpu.memory_space<vmem>> -> memref<1000xi32, #tpu.memory_space<vmem>>
      %dma_wait3A_335 = tpu.memref_slice %arg4[%add3A_102] : memref<320000xi32, #tpu.memory_space<hbm>> -> memref<1000xi32, #tpu.memory_space<hbm>>
      tpu.wait_dma2 semaphore(%run_scoped3A : memref<!tpu.dma_semaphore, #tpu.memory_space<semaphore_mem>>) src(%dma_wait3A_335 : memref<1000xi32, #tpu.memory_space<hbm>>) dst(%dma_wait3A_334 : memref<1000xi32, #tpu.memory_space<vmem>>)
      tpu.yield
    }) : () -> ()
    %add3A_103 = arith.constant 2000 : i32
    %add3A_104 = arith.addi %multiple_of3A_100, %add3A_103 : i32
    "tpu.region"() ({
      %run_scoped3A = tpu.sem_alloc : memref<!tpu.dma_semaphore, #tpu.memory_space<semaphore_mem>>
      %dma_start3A_324 = arith.constant 1000 : i32
      %dma_start3A_325 = tpu.memref_slice %arg10[%dma_start3A_324] : memref<5000xi32, #tpu.memory_space<vmem>> -> memref<1000xi32, #tpu.memory_space<vmem>>
      %dma_start3A_326 = tpu.memref_slice %arg5[%add3A_104] : memref<320000xi32, #tpu.memory_space<hbm>> -> memref<1000xi32, #tpu.memory_space<hbm>>
      %dma_start3A_327 = arith.constant 1000 : i32
      %dma_start3A_328 = tpu.memref_slice %arg10[%dma_start3A_327] : memref<5000xi32, #tpu.memory_space<vmem>> -> memref<1000xi32, #tpu.memory_space<vmem>>
      %dma_start3A_329 = tpu.memref_slice %arg5[%add3A_104] : memref<320000xi32, #tpu.memory_space<hbm>> -> memref<1000xi32, #tpu.memory_space<hbm>>
      tpu.enqueue_dma source(%dma_start3A_329 : memref<1000xi32, #tpu.memory_space<hbm>>) target(%dma_start3A_328 : memref<1000xi32, #tpu.memory_space<vmem>>) target_semaphore(%run_scoped3A : memref<!tpu.dma_semaphore, #tpu.memory_space<semaphore_mem>>)
      %dma_wait3A_330 = arith.constant 1000 : i32
      %dma_wait3A_331 = tpu.memref_slice %arg10[%dma_wait3A_330] : memref<5000xi32, #tpu.memory_space<vmem>> -> memref<1000xi32, #tpu.memory_space<vmem>>
      %dma_wait3A_332 = tpu.memref_slice %arg5[%add3A_104] : memref<320000xi32, #tpu.memory_space<hbm>> -> memref<1000xi32, #tpu.memory_space<hbm>>
      %dma_wait3A_333 = arith.constant 1000 : i32
      %dma_wait3A_334 = tpu.memref_slice %arg10[%dma_wait3A_333] : memref<5000xi32, #tpu.memory_space<vmem>> -> memref<1000xi32, #tpu.memory_space<vmem>>
      %dma_wait3A_335 = tpu.memref_slice %arg5[%add3A_104] : memref<320000xi32, #tpu.memory_space<hbm>> -> memref<1000xi32, #tpu.memory_space<hbm>>
      tpu.wait_dma2 semaphore(%run_scoped3A : memref<!tpu.dma_semaphore, #tpu.memory_space<semaphore_mem>>) src(%dma_wait3A_335 : memref<1000xi32, #tpu.memory_space<hbm>>) dst(%dma_wait3A_334 : memref<1000xi32, #tpu.memory_space<vmem>>)
      tpu.yield
    }) : () -> ()
    %mul3A_105 = arith.constant 5 : i32
    %mul3A_106 = arith.muli %add3A, %mul3A_105 : i32
    %add3A_107 = arith.constant 2 : i32
    %add3A_108 = arith.addi %mul3A_106, %add3A_107 : i32
    %jit3A_109 = arith.constant 2 : i32
    %div3A_110 = arith.divsi %add3A_108, %jit3A_109 : i32
    %sign3A_111 = arith.constant 0 : i32
    %sign3A_112 = arith.cmpi sgt, %add3A_108, %sign3A_111 : i32
    %sign3A_113 = arith.extui %sign3A_112 : i1 to i32
    %sign3A_114 = arith.constant 0 : i32
    %sign3A_115 = arith.cmpi slt, %add3A_108, %sign3A_114 : i32
    %sign3A_116 = arith.extui %sign3A_115 : i1 to i32
    %sign3A_117 = arith.subi %sign3A_113, %sign3A_116 : i32
    %sign3A_118 = arith.constant 0 : i32
    %sign3A_119 = arith.cmpi sgt, %jit3A_109, %sign3A_118 : i32
    %sign3A_120 = arith.extui %sign3A_119 : i1 to i32
    %sign3A_121 = arith.constant 0 : i32
    %sign3A_122 = arith.cmpi slt, %jit3A_109, %sign3A_121 : i32
    %sign3A_123 = arith.extui %sign3A_122 : i1 to i32
    %sign3A_124 = arith.subi %sign3A_120, %sign3A_123 : i32
    %ne3A_125 = arith.cmpi ne, %sign3A_117, %sign3A_124 : i32
    %rem3A_126 = arith.remsi %add3A_108, %jit3A_109 : i32
    %ne3A_127 = arith.constant 0 : i32
    %ne3A_128 = arith.cmpi ne, %rem3A_126, %ne3A_127 : i32
    %and3A_129 = arith.andi %ne3A_125, %ne3A_128 : i1
    %sub3A_130 = arith.constant 1 : i32
    %sub3A_131 = arith.subi %div3A_110, %sub3A_130 : i32
    %select_n3A_132 = arith.select %and3A_129, %sub3A_131, %div3A_110 : i32
    %mul3A_133 = arith.constant 2 : i32
    %mul3A_134 = arith.muli %select_n3A_132, %mul3A_133 : i32
    %mul3A_135 = arith.constant 2000 : i32
    %mul3A_136 = arith.muli %mul3A_134, %mul3A_135 : i32
    %jit3A_137 = arith.constant 2 : i32
    %eq3A_138 = arith.constant 0 : i32
    %eq3A_139 = arith.cmpi eq, %jit3A_137, %eq3A_138 : i32
    %jit3A_140 = arith.constant 1 : i32
    %select_n3A_141 = arith.select %eq3A_139, %jit3A_140, %jit3A_137 : i32
    %rem3A_142 = arith.remsi %add3A_108, %select_n3A_141 : i32
    %ne3A_143 = arith.constant 0 : i32
    %ne3A_144 = arith.cmpi ne, %rem3A_142, %ne3A_143 : i32
    %lt3A_145 = arith.constant 0 : i32
    %lt3A_146 = arith.cmpi slt, %rem3A_142, %lt3A_145 : i32
    %lt3A_147 = arith.constant 0 : i32
    %lt3A_148 = arith.cmpi slt, %select_n3A_141, %lt3A_147 : i32
    %ne3A_149 = arith.xori %lt3A_146, %lt3A_148 : i1
    %and3A_150 = arith.andi %ne3A_149, %ne3A_144 : i1
    %add3A_151 = arith.addi %rem3A_142, %select_n3A_141 : i32
    %select_n3A_152 = arith.select %and3A_150, %add3A_151, %rem3A_142 : i32
    %mul3A_153 = arith.constant 1000 : i32
    %mul3A_154 = arith.muli %select_n3A_152, %mul3A_153 : i32
    %add3A_155 = arith.addi %mul3A_136, %mul3A_154 : i32
    %multiple_of3A_156 = tpu.assume_multiple %add3A_155, 40 : i32
    "tpu.region"() ({
      %run_scoped3A = tpu.sem_alloc : memref<!tpu.dma_semaphore, #tpu.memory_space<semaphore_mem>>
      %dma_start3A_324 = arith.constant 2000 : i32
      %dma_start3A_325 = tpu.memref_slice %arg7[%dma_start3A_324] : memref<5000xi32, #tpu.memory_space<vmem>> -> memref<1000xi32, #tpu.memory_space<vmem>>
      %dma_start3A_326 = tpu.memref_slice %arg4[%multiple_of3A_156] : memref<320000xi32, #tpu.memory_space<hbm>> -> memref<1000xi32, #tpu.memory_space<hbm>>
      %dma_start3A_327 = arith.constant 2000 : i32
      %dma_start3A_328 = tpu.memref_slice %arg7[%dma_start3A_327] : memref<5000xi32, #tpu.memory_space<vmem>> -> memref<1000xi32, #tpu.memory_space<vmem>>
      %dma_start3A_329 = tpu.memref_slice %arg4[%multiple_of3A_156] : memref<320000xi32, #tpu.memory_space<hbm>> -> memref<1000xi32, #tpu.memory_space<hbm>>
      tpu.enqueue_dma source(%dma_start3A_329 : memref<1000xi32, #tpu.memory_space<hbm>>) target(%dma_start3A_328 : memref<1000xi32, #tpu.memory_space<vmem>>) target_semaphore(%run_scoped3A : memref<!tpu.dma_semaphore, #tpu.memory_space<semaphore_mem>>)
      %dma_wait3A_330 = arith.constant 2000 : i32
      %dma_wait3A_331 = tpu.memref_slice %arg7[%dma_wait3A_330] : memref<5000xi32, #tpu.memory_space<vmem>> -> memref<1000xi32, #tpu.memory_space<vmem>>
      %dma_wait3A_332 = tpu.memref_slice %arg4[%multiple_of3A_156] : memref<320000xi32, #tpu.memory_space<hbm>> -> memref<1000xi32, #tpu.memory_space<hbm>>
      %dma_wait3A_333 = arith.constant 2000 : i32
      %dma_wait3A_334 = tpu.memref_slice %arg7[%dma_wait3A_333] : memref<5000xi32, #tpu.memory_space<vmem>> -> memref<1000xi32, #tpu.memory_space<vmem>>
      %dma_wait3A_335 = tpu.memref_slice %arg4[%multiple_of3A_156] : memref<320000xi32, #tpu.memory_space<hbm>> -> memref<1000xi32, #tpu.memory_space<hbm>>
      tpu.wait_dma2 semaphore(%run_scoped3A : memref<!tpu.dma_semaphore, #tpu.memory_space<semaphore_mem>>) src(%dma_wait3A_335 : memref<1000xi32, #tpu.memory_space<hbm>>) dst(%dma_wait3A_334 : memref<1000xi32, #tpu.memory_space<vmem>>)
      tpu.yield
    }) : () -> ()
    "tpu.region"() ({
      %run_scoped3A = tpu.sem_alloc : memref<!tpu.dma_semaphore, #tpu.memory_space<semaphore_mem>>
      %dma_start3A_324 = arith.constant 2000 : i32
      %dma_start3A_325 = tpu.memref_slice %arg8[%dma_start3A_324] : memref<5000xi32, #tpu.memory_space<vmem>> -> memref<1000xi32, #tpu.memory_space<vmem>>
      %dma_start3A_326 = tpu.memref_slice %arg5[%multiple_of3A_156] : memref<320000xi32, #tpu.memory_space<hbm>> -> memref<1000xi32, #tpu.memory_space<hbm>>
      %dma_start3A_327 = arith.constant 2000 : i32
      %dma_start3A_328 = tpu.memref_slice %arg8[%dma_start3A_327] : memref<5000xi32, #tpu.memory_space<vmem>> -> memref<1000xi32, #tpu.memory_space<vmem>>
      %dma_start3A_329 = tpu.memref_slice %arg5[%multiple_of3A_156] : memref<320000xi32, #tpu.memory_space<hbm>> -> memref<1000xi32, #tpu.memory_space<hbm>>
      tpu.enqueue_dma source(%dma_start3A_329 : memref<1000xi32, #tpu.memory_space<hbm>>) target(%dma_start3A_328 : memref<1000xi32, #tpu.memory_space<vmem>>) target_semaphore(%run_scoped3A : memref<!tpu.dma_semaphore, #tpu.memory_space<semaphore_mem>>)
      %dma_wait3A_330 = arith.constant 2000 : i32
      %dma_wait3A_331 = tpu.memref_slice %arg8[%dma_wait3A_330] : memref<5000xi32, #tpu.memory_space<vmem>> -> memref<1000xi32, #tpu.memory_space<vmem>>
      %dma_wait3A_332 = tpu.memref_slice %arg5[%multiple_of3A_156] : memref<320000xi32, #tpu.memory_space<hbm>> -> memref<1000xi32, #tpu.memory_space<hbm>>
      %dma_wait3A_333 = arith.constant 2000 : i32
      %dma_wait3A_334 = tpu.memref_slice %arg8[%dma_wait3A_333] : memref<5000xi32, #tpu.memory_space<vmem>> -> memref<1000xi32, #tpu.memory_space<vmem>>
      %dma_wait3A_335 = tpu.memref_slice %arg5[%multiple_of3A_156] : memref<320000xi32, #tpu.memory_space<hbm>> -> memref<1000xi32, #tpu.memory_space<hbm>>
      tpu.wait_dma2 semaphore(%run_scoped3A : memref<!tpu.dma_semaphore, #tpu.memory_space<semaphore_mem>>) src(%dma_wait3A_335 : memref<1000xi32, #tpu.memory_space<hbm>>) dst(%dma_wait3A_334 : memref<1000xi32, #tpu.memory_space<vmem>>)
      tpu.yield
    }) : () -> ()
    %add3A_157 = arith.constant 2000 : i32
    %add3A_158 = arith.addi %multiple_of3A_156, %add3A_157 : i32
    "tpu.region"() ({
      %run_scoped3A = tpu.sem_alloc : memref<!tpu.dma_semaphore, #tpu.memory_space<semaphore_mem>>
      %dma_start3A_324 = arith.constant 2000 : i32
      %dma_start3A_325 = tpu.memref_slice %arg9[%dma_start3A_324] : memref<5000xi32, #tpu.memory_space<vmem>> -> memref<1000xi32, #tpu.memory_space<vmem>>
      %dma_start3A_326 = tpu.memref_slice %arg4[%add3A_158] : memref<320000xi32, #tpu.memory_space<hbm>> -> memref<1000xi32, #tpu.memory_space<hbm>>
      %dma_start3A_327 = arith.constant 2000 : i32
      %dma_start3A_328 = tpu.memref_slice %arg9[%dma_start3A_327] : memref<5000xi32, #tpu.memory_space<vmem>> -> memref<1000xi32, #tpu.memory_space<vmem>>
      %dma_start3A_329 = tpu.memref_slice %arg4[%add3A_158] : memref<320000xi32, #tpu.memory_space<hbm>> -> memref<1000xi32, #tpu.memory_space<hbm>>
      tpu.enqueue_dma source(%dma_start3A_329 : memref<1000xi32, #tpu.memory_space<hbm>>) target(%dma_start3A_328 : memref<1000xi32, #tpu.memory_space<vmem>>) target_semaphore(%run_scoped3A : memref<!tpu.dma_semaphore, #tpu.memory_space<semaphore_mem>>)
      %dma_wait3A_330 = arith.constant 2000 : i32
      %dma_wait3A_331 = tpu.memref_slice %arg9[%dma_wait3A_330] : memref<5000xi32, #tpu.memory_space<vmem>> -> memref<1000xi32, #tpu.memory_space<vmem>>
      %dma_wait3A_332 = tpu.memref_slice %arg4[%add3A_158] : memref<320000xi32, #tpu.memory_space<hbm>> -> memref<1000xi32, #tpu.memory_space<hbm>>
      %dma_wait3A_333 = arith.constant 2000 : i32
      %dma_wait3A_334 = tpu.memref_slice %arg9[%dma_wait3A_333] : memref<5000xi32, #tpu.memory_space<vmem>> -> memref<1000xi32, #tpu.memory_space<vmem>>
      %dma_wait3A_335 = tpu.memref_slice %arg4[%add3A_158] : memref<320000xi32, #tpu.memory_space<hbm>> -> memref<1000xi32, #tpu.memory_space<hbm>>
      tpu.wait_dma2 semaphore(%run_scoped3A : memref<!tpu.dma_semaphore, #tpu.memory_space<semaphore_mem>>) src(%dma_wait3A_335 : memref<1000xi32, #tpu.memory_space<hbm>>) dst(%dma_wait3A_334 : memref<1000xi32, #tpu.memory_space<vmem>>)
      tpu.yield
    }) : () -> ()
    %add3A_159 = arith.constant 2000 : i32
    %add3A_160 = arith.addi %multiple_of3A_156, %add3A_159 : i32
    "tpu.region"() ({
      %run_scoped3A = tpu.sem_alloc : memref<!tpu.dma_semaphore, #tpu.memory_space<semaphore_mem>>
      %dma_start3A_324 = arith.constant 2000 : i32
      %dma_start3A_325 = tpu.memref_slice %arg10[%dma_start3A_324] : memref<5000xi32, #tpu.memory_space<vmem>> -> memref<1000xi32, #tpu.memory_space<vmem>>
      %dma_start3A_326 = tpu.memref_slice %arg5[%add3A_160] : memref<320000xi32, #tpu.memory_space<hbm>> -> memref<1000xi32, #tpu.memory_space<hbm>>
      %dma_start3A_327 = arith.constant 2000 : i32
      %dma_start3A_328 = tpu.memref_slice %arg10[%dma_start3A_327] : memref<5000xi32, #tpu.memory_space<vmem>> -> memref<1000xi32, #tpu.memory_space<vmem>>
      %dma_start3A_329 = tpu.memref_slice %arg5[%add3A_160] : memref<320000xi32, #tpu.memory_space<hbm>> -> memref<1000xi32, #tpu.memory_space<hbm>>
      tpu.enqueue_dma source(%dma_start3A_329 : memref<1000xi32, #tpu.memory_space<hbm>>) target(%dma_start3A_328 : memref<1000xi32, #tpu.memory_space<vmem>>) target_semaphore(%run_scoped3A : memref<!tpu.dma_semaphore, #tpu.memory_space<semaphore_mem>>)
      %dma_wait3A_330 = arith.constant 2000 : i32
      %dma_wait3A_331 = tpu.memref_slice %arg10[%dma_wait3A_330] : memref<5000xi32, #tpu.memory_space<vmem>> -> memref<1000xi32, #tpu.memory_space<vmem>>
      %dma_wait3A_332 = tpu.memref_slice %arg5[%add3A_160] : memref<320000xi32, #tpu.memory_space<hbm>> -> memref<1000xi32, #tpu.memory_space<hbm>>
      %dma_wait3A_333 = arith.constant 2000 : i32
      %dma_wait3A_334 = tpu.memref_slice %arg10[%dma_wait3A_333] : memref<5000xi32, #tpu.memory_space<vmem>> -> memref<1000xi32, #tpu.memory_space<vmem>>
      %dma_wait3A_335 = tpu.memref_slice %arg5[%add3A_160] : memref<320000xi32, #tpu.memory_space<hbm>> -> memref<1000xi32, #tpu.memory_space<hbm>>
      tpu.wait_dma2 semaphore(%run_scoped3A : memref<!tpu.dma_semaphore, #tpu.memory_space<semaphore_mem>>) src(%dma_wait3A_335 : memref<1000xi32, #tpu.memory_space<hbm>>) dst(%dma_wait3A_334 : memref<1000xi32, #tpu.memory_space<vmem>>)
      tpu.yield
    }) : () -> ()
    %mul3A_161 = arith.constant 5 : i32
    %mul3A_162 = arith.muli %add3A, %mul3A_161 : i32
    %add3A_163 = arith.constant 3 : i32
    %add3A_164 = arith.addi %mul3A_162, %add3A_163 : i32
    %jit3A_165 = arith.constant 2 : i32
    %div3A_166 = arith.divsi %add3A_164, %jit3A_165 : i32
    %sign3A_167 = arith.constant 0 : i32
    %sign3A_168 = arith.cmpi sgt, %add3A_164, %sign3A_167 : i32
    %sign3A_169 = arith.extui %sign3A_168 : i1 to i32
    %sign3A_170 = arith.constant 0 : i32
    %sign3A_171 = arith.cmpi slt, %add3A_164, %sign3A_170 : i32
    %sign3A_172 = arith.extui %sign3A_171 : i1 to i32
    %sign3A_173 = arith.subi %sign3A_169, %sign3A_172 : i32
    %sign3A_174 = arith.constant 0 : i32
    %sign3A_175 = arith.cmpi sgt, %jit3A_165, %sign3A_174 : i32
    %sign3A_176 = arith.extui %sign3A_175 : i1 to i32
    %sign3A_177 = arith.constant 0 : i32
    %sign3A_178 = arith.cmpi slt, %jit3A_165, %sign3A_177 : i32
    %sign3A_179 = arith.extui %sign3A_178 : i1 to i32
    %sign3A_180 = arith.subi %sign3A_176, %sign3A_179 : i32
    %ne3A_181 = arith.cmpi ne, %sign3A_173, %sign3A_180 : i32
    %rem3A_182 = arith.remsi %add3A_164, %jit3A_165 : i32
    %ne3A_183 = arith.constant 0 : i32
    %ne3A_184 = arith.cmpi ne, %rem3A_182, %ne3A_183 : i32
    %and3A_185 = arith.andi %ne3A_181, %ne3A_184 : i1
    %sub3A_186 = arith.constant 1 : i32
    %sub3A_187 = arith.subi %div3A_166, %sub3A_186 : i32
    %select_n3A_188 = arith.select %and3A_185, %sub3A_187, %div3A_166 : i32
    %mul3A_189 = arith.constant 2 : i32
    %mul3A_190 = arith.muli %select_n3A_188, %mul3A_189 : i32
    %mul3A_191 = arith.constant 2000 : i32
    %mul3A_192 = arith.muli %mul3A_190, %mul3A_191 : i32
    %jit3A_193 = arith.constant 2 : i32
    %eq3A_194 = arith.constant 0 : i32
    %eq3A_195 = arith.cmpi eq, %jit3A_193, %eq3A_194 : i32
    %jit3A_196 = arith.constant 1 : i32
    %select_n3A_197 = arith.select %eq3A_195, %jit3A_196, %jit3A_193 : i32
    %rem3A_198 = arith.remsi %add3A_164, %select_n3A_197 : i32
    %ne3A_199 = arith.constant 0 : i32
    %ne3A_200 = arith.cmpi ne, %rem3A_198, %ne3A_199 : i32
    %lt3A_201 = arith.constant 0 : i32
    %lt3A_202 = arith.cmpi slt, %rem3A_198, %lt3A_201 : i32
    %lt3A_203 = arith.constant 0 : i32
    %lt3A_204 = arith.cmpi slt, %select_n3A_197, %lt3A_203 : i32
    %ne3A_205 = arith.xori %lt3A_202, %lt3A_204 : i1
    %and3A_206 = arith.andi %ne3A_205, %ne3A_200 : i1
    %add3A_207 = arith.addi %rem3A_198, %select_n3A_197 : i32
    %select_n3A_208 = arith.select %and3A_206, %add3A_207, %rem3A_198 : i32
    %mul3A_209 = arith.constant 1000 : i32
    %mul3A_210 = arith.muli %select_n3A_208, %mul3A_209 : i32
    %add3A_211 = arith.addi %mul3A_192, %mul3A_210 : i32
    %multiple_of3A_212 = tpu.assume_multiple %add3A_211, 40 : i32
    "tpu.region"() ({
      %run_scoped3A = tpu.sem_alloc : memref<!tpu.dma_semaphore, #tpu.memory_space<semaphore_mem>>
      %dma_start3A_324 = arith.constant 3000 : i32
      %dma_start3A_325 = tpu.memref_slice %arg7[%dma_start3A_324] : memref<5000xi32, #tpu.memory_space<vmem>> -> memref<1000xi32, #tpu.memory_space<vmem>>
      %dma_start3A_326 = tpu.memref_slice %arg4[%multiple_of3A_212] : memref<320000xi32, #tpu.memory_space<hbm>> -> memref<1000xi32, #tpu.memory_space<hbm>>
      %dma_start3A_327 = arith.constant 3000 : i32
      %dma_start3A_328 = tpu.memref_slice %arg7[%dma_start3A_327] : memref<5000xi32, #tpu.memory_space<vmem>> -> memref<1000xi32, #tpu.memory_space<vmem>>
      %dma_start3A_329 = tpu.memref_slice %arg4[%multiple_of3A_212] : memref<320000xi32, #tpu.memory_space<hbm>> -> memref<1000xi32, #tpu.memory_space<hbm>>
      tpu.enqueue_dma source(%dma_start3A_329 : memref<1000xi32, #tpu.memory_space<hbm>>) target(%dma_start3A_328 : memref<1000xi32, #tpu.memory_space<vmem>>) target_semaphore(%run_scoped3A : memref<!tpu.dma_semaphore, #tpu.memory_space<semaphore_mem>>)
      %dma_wait3A_330 = arith.constant 3000 : i32
      %dma_wait3A_331 = tpu.memref_slice %arg7[%dma_wait3A_330] : memref<5000xi32, #tpu.memory_space<vmem>> -> memref<1000xi32, #tpu.memory_space<vmem>>
      %dma_wait3A_332 = tpu.memref_slice %arg4[%multiple_of3A_212] : memref<320000xi32, #tpu.memory_space<hbm>> -> memref<1000xi32, #tpu.memory_space<hbm>>
      %dma_wait3A_333 = arith.constant 3000 : i32
      %dma_wait3A_334 = tpu.memref_slice %arg7[%dma_wait3A_333] : memref<5000xi32, #tpu.memory_space<vmem>> -> memref<1000xi32, #tpu.memory_space<vmem>>
      %dma_wait3A_335 = tpu.memref_slice %arg4[%multiple_of3A_212] : memref<320000xi32, #tpu.memory_space<hbm>> -> memref<1000xi32, #tpu.memory_space<hbm>>
      tpu.wait_dma2 semaphore(%run_scoped3A : memref<!tpu.dma_semaphore, #tpu.memory_space<semaphore_mem>>) src(%dma_wait3A_335 : memref<1000xi32, #tpu.memory_space<hbm>>) dst(%dma_wait3A_334 : memref<1000xi32, #tpu.memory_space<vmem>>)
      tpu.yield
    }) : () -> ()
    "tpu.region"() ({
      %run_scoped3A = tpu.sem_alloc : memref<!tpu.dma_semaphore, #tpu.memory_space<semaphore_mem>>
      %dma_start3A_324 = arith.constant 3000 : i32
      %dma_start3A_325 = tpu.memref_slice %arg8[%dma_start3A_324] : memref<5000xi32, #tpu.memory_space<vmem>> -> memref<1000xi32, #tpu.memory_space<vmem>>
      %dma_start3A_326 = tpu.memref_slice %arg5[%multiple_of3A_212] : memref<320000xi32, #tpu.memory_space<hbm>> -> memref<1000xi32, #tpu.memory_space<hbm>>
      %dma_start3A_327 = arith.constant 3000 : i32
      %dma_start3A_328 = tpu.memref_slice %arg8[%dma_start3A_327] : memref<5000xi32, #tpu.memory_space<vmem>> -> memref<1000xi32, #tpu.memory_space<vmem>>
      %dma_start3A_329 = tpu.memref_slice %arg5[%multiple_of3A_212] : memref<320000xi32, #tpu.memory_space<hbm>> -> memref<1000xi32, #tpu.memory_space<hbm>>
      tpu.enqueue_dma source(%dma_start3A_329 : memref<1000xi32, #tpu.memory_space<hbm>>) target(%dma_start3A_328 : memref<1000xi32, #tpu.memory_space<vmem>>) target_semaphore(%run_scoped3A : memref<!tpu.dma_semaphore, #tpu.memory_space<semaphore_mem>>)
      %dma_wait3A_330 = arith.constant 3000 : i32
      %dma_wait3A_331 = tpu.memref_slice %arg8[%dma_wait3A_330] : memref<5000xi32, #tpu.memory_space<vmem>> -> memref<1000xi32, #tpu.memory_space<vmem>>
      %dma_wait3A_332 = tpu.memref_slice %arg5[%multiple_of3A_212] : memref<320000xi32, #tpu.memory_space<hbm>> -> memref<1000xi32, #tpu.memory_space<hbm>>
      %dma_wait3A_333 = arith.constant 3000 : i32
      %dma_wait3A_334 = tpu.memref_slice %arg8[%dma_wait3A_333] : memref<5000xi32, #tpu.memory_space<vmem>> -> memref<1000xi32, #tpu.memory_space<vmem>>
      %dma_wait3A_335 = tpu.memref_slice %arg5[%multiple_of3A_212] : memref<320000xi32, #tpu.memory_space<hbm>> -> memref<1000xi32, #tpu.memory_space<hbm>>
      tpu.wait_dma2 semaphore(%run_scoped3A : memref<!tpu.dma_semaphore, #tpu.memory_space<semaphore_mem>>) src(%dma_wait3A_335 : memref<1000xi32, #tpu.memory_space<hbm>>) dst(%dma_wait3A_334 : memref<1000xi32, #tpu.memory_space<vmem>>)
      tpu.yield
    }) : () -> ()
    %add3A_213 = arith.constant 2000 : i32
    %add3A_214 = arith.addi %multiple_of3A_212, %add3A_213 : i32
    "tpu.region"() ({
      %run_scoped3A = tpu.sem_alloc : memref<!tpu.dma_semaphore, #tpu.memory_space<semaphore_mem>>
      %dma_start3A_324 = arith.constant 3000 : i32
      %dma_start3A_325 = tpu.memref_slice %arg9[%dma_start3A_324] : memref<5000xi32, #tpu.memory_space<vmem>> -> memref<1000xi32, #tpu.memory_space<vmem>>
      %dma_start3A_326 = tpu.memref_slice %arg4[%add3A_214] : memref<320000xi32, #tpu.memory_space<hbm>> -> memref<1000xi32, #tpu.memory_space<hbm>>
      %dma_start3A_327 = arith.constant 3000 : i32
      %dma_start3A_328 = tpu.memref_slice %arg9[%dma_start3A_327] : memref<5000xi32, #tpu.memory_space<vmem>> -> memref<1000xi32, #tpu.memory_space<vmem>>
      %dma_start3A_329 = tpu.memref_slice %arg4[%add3A_214] : memref<320000xi32, #tpu.memory_space<hbm>> -> memref<1000xi32, #tpu.memory_space<hbm>>
      tpu.enqueue_dma source(%dma_start3A_329 : memref<1000xi32, #tpu.memory_space<hbm>>) target(%dma_start3A_328 : memref<1000xi32, #tpu.memory_space<vmem>>) target_semaphore(%run_scoped3A : memref<!tpu.dma_semaphore, #tpu.memory_space<semaphore_mem>>)
      %dma_wait3A_330 = arith.constant 3000 : i32
      %dma_wait3A_331 = tpu.memref_slice %arg9[%dma_wait3A_330] : memref<5000xi32, #tpu.memory_space<vmem>> -> memref<1000xi32, #tpu.memory_space<vmem>>
      %dma_wait3A_332 = tpu.memref_slice %arg4[%add3A_214] : memref<320000xi32, #tpu.memory_space<hbm>> -> memref<1000xi32, #tpu.memory_space<hbm>>
      %dma_wait3A_333 = arith.constant 3000 : i32
      %dma_wait3A_334 = tpu.memref_slice %arg9[%dma_wait3A_333] : memref<5000xi32, #tpu.memory_space<vmem>> -> memref<1000xi32, #tpu.memory_space<vmem>>
      %dma_wait3A_335 = tpu.memref_slice %arg4[%add3A_214] : memref<320000xi32, #tpu.memory_space<hbm>> -> memref<1000xi32, #tpu.memory_space<hbm>>
      tpu.wait_dma2 semaphore(%run_scoped3A : memref<!tpu.dma_semaphore, #tpu.memory_space<semaphore_mem>>) src(%dma_wait3A_335 : memref<1000xi32, #tpu.memory_space<hbm>>) dst(%dma_wait3A_334 : memref<1000xi32, #tpu.memory_space<vmem>>)
      tpu.yield
    }) : () -> ()
    %add3A_215 = arith.constant 2000 : i32
    %add3A_216 = arith.addi %multiple_of3A_212, %add3A_215 : i32
    "tpu.region"() ({
      %run_scoped3A = tpu.sem_alloc : memref<!tpu.dma_semaphore, #tpu.memory_space<semaphore_mem>>
      %dma_start3A_324 = arith.constant 3000 : i32
      %dma_start3A_325 = tpu.memref_slice %arg10[%dma_start3A_324] : memref<5000xi32, #tpu.memory_space<vmem>> -> memref<1000xi32, #tpu.memory_space<vmem>>
      %dma_start3A_326 = tpu.memref_slice %arg5[%add3A_216] : memref<320000xi32, #tpu.memory_space<hbm>> -> memref<1000xi32, #tpu.memory_space<hbm>>
      %dma_start3A_327 = arith.constant 3000 : i32
      %dma_start3A_328 = tpu.memref_slice %arg10[%dma_start3A_327] : memref<5000xi32, #tpu.memory_space<vmem>> -> memref<1000xi32, #tpu.memory_space<vmem>>
      %dma_start3A_329 = tpu.memref_slice %arg5[%add3A_216] : memref<320000xi32, #tpu.memory_space<hbm>> -> memref<1000xi32, #tpu.memory_space<hbm>>
      tpu.enqueue_dma source(%dma_start3A_329 : memref<1000xi32, #tpu.memory_space<hbm>>) target(%dma_start3A_328 : memref<1000xi32, #tpu.memory_space<vmem>>) target_semaphore(%run_scoped3A : memref<!tpu.dma_semaphore, #tpu.memory_space<semaphore_mem>>)
      %dma_wait3A_330 = arith.constant 3000 : i32
      %dma_wait3A_331 = tpu.memref_slice %arg10[%dma_wait3A_330] : memref<5000xi32, #tpu.memory_space<vmem>> -> memref<1000xi32, #tpu.memory_space<vmem>>
      %dma_wait3A_332 = tpu.memref_slice %arg5[%add3A_216] : memref<320000xi32, #tpu.memory_space<hbm>> -> memref<1000xi32, #tpu.memory_space<hbm>>
      %dma_wait3A_333 = arith.constant 3000 : i32
      %dma_wait3A_334 = tpu.memref_slice %arg10[%dma_wait3A_333] : memref<5000xi32, #tpu.memory_space<vmem>> -> memref<1000xi32, #tpu.memory_space<vmem>>
      %dma_wait3A_335 = tpu.memref_slice %arg5[%add3A_216] : memref<320000xi32, #tpu.memory_space<hbm>> -> memref<1000xi32, #tpu.memory_space<hbm>>
      tpu.wait_dma2 semaphore(%run_scoped3A : memref<!tpu.dma_semaphore, #tpu.memory_space<semaphore_mem>>) src(%dma_wait3A_335 : memref<1000xi32, #tpu.memory_space<hbm>>) dst(%dma_wait3A_334 : memref<1000xi32, #tpu.memory_space<vmem>>)
      tpu.yield
    }) : () -> ()
    %mul3A_217 = arith.constant 5 : i32
    %mul3A_218 = arith.muli %add3A, %mul3A_217 : i32
    %add3A_219 = arith.constant 4 : i32
    %add3A_220 = arith.addi %mul3A_218, %add3A_219 : i32
    %jit3A_221 = arith.constant 2 : i32
    %div3A_222 = arith.divsi %add3A_220, %jit3A_221 : i32
    %sign3A_223 = arith.constant 0 : i32
    %sign3A_224 = arith.cmpi sgt, %add3A_220, %sign3A_223 : i32
    %sign3A_225 = arith.extui %sign3A_224 : i1 to i32
    %sign3A_226 = arith.constant 0 : i32
    %sign3A_227 = arith.cmpi slt, %add3A_220, %sign3A_226 : i32
    %sign3A_228 = arith.extui %sign3A_227 : i1 to i32
    %sign3A_229 = arith.subi %sign3A_225, %sign3A_228 : i32
    %sign3A_230 = arith.constant 0 : i32
    %sign3A_231 = arith.cmpi sgt, %jit3A_221, %sign3A_230 : i32
    %sign3A_232 = arith.extui %sign3A_231 : i1 to i32
    %sign3A_233 = arith.constant 0 : i32
    %sign3A_234 = arith.cmpi slt, %jit3A_221, %sign3A_233 : i32
    %sign3A_235 = arith.extui %sign3A_234 : i1 to i32
    %sign3A_236 = arith.subi %sign3A_232, %sign3A_235 : i32
    %ne3A_237 = arith.cmpi ne, %sign3A_229, %sign3A_236 : i32
    %rem3A_238 = arith.remsi %add3A_220, %jit3A_221 : i32
    %ne3A_239 = arith.constant 0 : i32
    %ne3A_240 = arith.cmpi ne, %rem3A_238, %ne3A_239 : i32
    %and3A_241 = arith.andi %ne3A_237, %ne3A_240 : i1
    %sub3A_242 = arith.constant 1 : i32
    %sub3A_243 = arith.subi %div3A_222, %sub3A_242 : i32
    %select_n3A_244 = arith.select %and3A_241, %sub3A_243, %div3A_222 : i32
    %mul3A_245 = arith.constant 2 : i32
    %mul3A_246 = arith.muli %select_n3A_244, %mul3A_245 : i32
    %mul3A_247 = arith.constant 2000 : i32
    %mul3A_248 = arith.muli %mul3A_246, %mul3A_247 : i32
    %jit3A_249 = arith.constant 2 : i32
    %eq3A_250 = arith.constant 0 : i32
    %eq3A_251 = arith.cmpi eq, %jit3A_249, %eq3A_250 : i32
    %jit3A_252 = arith.constant 1 : i32
    %select_n3A_253 = arith.select %eq3A_251, %jit3A_252, %jit3A_249 : i32
    %rem3A_254 = arith.remsi %add3A_220, %select_n3A_253 : i32
    %ne3A_255 = arith.constant 0 : i32
    %ne3A_256 = arith.cmpi ne, %rem3A_254, %ne3A_255 : i32
    %lt3A_257 = arith.constant 0 : i32
    %lt3A_258 = arith.cmpi slt, %rem3A_254, %lt3A_257 : i32
    %lt3A_259 = arith.constant 0 : i32
    %lt3A_260 = arith.cmpi slt, %select_n3A_253, %lt3A_259 : i32
    %ne3A_261 = arith.xori %lt3A_258, %lt3A_260 : i1
    %and3A_262 = arith.andi %ne3A_261, %ne3A_256 : i1
    %add3A_263 = arith.addi %rem3A_254, %select_n3A_253 : i32
    %select_n3A_264 = arith.select %and3A_262, %add3A_263, %rem3A_254 : i32
    %mul3A_265 = arith.constant 1000 : i32
    %mul3A_266 = arith.muli %select_n3A_264, %mul3A_265 : i32
    %add3A_267 = arith.addi %mul3A_248, %mul3A_266 : i32
    %multiple_of3A_268 = tpu.assume_multiple %add3A_267, 40 : i32
    "tpu.region"() ({
      %run_scoped3A = tpu.sem_alloc : memref<!tpu.dma_semaphore, #tpu.memory_space<semaphore_mem>>
      %dma_start3A_324 = arith.constant 4000 : i32
      %dma_start3A_325 = tpu.memref_slice %arg7[%dma_start3A_324] : memref<5000xi32, #tpu.memory_space<vmem>> -> memref<1000xi32, #tpu.memory_space<vmem>>
      %dma_start3A_326 = tpu.memref_slice %arg4[%multiple_of3A_268] : memref<320000xi32, #tpu.memory_space<hbm>> -> memref<1000xi32, #tpu.memory_space<hbm>>
      %dma_start3A_327 = arith.constant 4000 : i32
      %dma_start3A_328 = tpu.memref_slice %arg7[%dma_start3A_327] : memref<5000xi32, #tpu.memory_space<vmem>> -> memref<1000xi32, #tpu.memory_space<vmem>>
      %dma_start3A_329 = tpu.memref_slice %arg4[%multiple_of3A_268] : memref<320000xi32, #tpu.memory_space<hbm>> -> memref<1000xi32, #tpu.memory_space<hbm>>
      tpu.enqueue_dma source(%dma_start3A_329 : memref<1000xi32, #tpu.memory_space<hbm>>) target(%dma_start3A_328 : memref<1000xi32, #tpu.memory_space<vmem>>) target_semaphore(%run_scoped3A : memref<!tpu.dma_semaphore, #tpu.memory_space<semaphore_mem>>)
      %dma_wait3A_330 = arith.constant 4000 : i32
      %dma_wait3A_331 = tpu.memref_slice %arg7[%dma_wait3A_330] : memref<5000xi32, #tpu.memory_space<vmem>> -> memref<1000xi32, #tpu.memory_space<vmem>>
      %dma_wait3A_332 = tpu.memref_slice %arg4[%multiple_of3A_268] : memref<320000xi32, #tpu.memory_space<hbm>> -> memref<1000xi32, #tpu.memory_space<hbm>>
      %dma_wait3A_333 = arith.constant 4000 : i32
      %dma_wait3A_334 = tpu.memref_slice %arg7[%dma_wait3A_333] : memref<5000xi32, #tpu.memory_space<vmem>> -> memref<1000xi32, #tpu.memory_space<vmem>>
      %dma_wait3A_335 = tpu.memref_slice %arg4[%multiple_of3A_268] : memref<320000xi32, #tpu.memory_space<hbm>> -> memref<1000xi32, #tpu.memory_space<hbm>>
      tpu.wait_dma2 semaphore(%run_scoped3A : memref<!tpu.dma_semaphore, #tpu.memory_space<semaphore_mem>>) src(%dma_wait3A_335 : memref<1000xi32, #tpu.memory_space<hbm>>) dst(%dma_wait3A_334 : memref<1000xi32, #tpu.memory_space<vmem>>)
      tpu.yield
    }) : () -> ()
    "tpu.region"() ({
      %run_scoped3A = tpu.sem_alloc : memref<!tpu.dma_semaphore, #tpu.memory_space<semaphore_mem>>
      %dma_start3A_324 = arith.constant 4000 : i32
      %dma_start3A_325 = tpu.memref_slice %arg8[%dma_start3A_324] : memref<5000xi32, #tpu.memory_space<vmem>> -> memref<1000xi32, #tpu.memory_space<vmem>>
      %dma_start3A_326 = tpu.memref_slice %arg5[%multiple_of3A_268] : memref<320000xi32, #tpu.memory_space<hbm>> -> memref<1000xi32, #tpu.memory_space<hbm>>
      %dma_start3A_327 = arith.constant 4000 : i32
      %dma_start3A_328 = tpu.memref_slice %arg8[%dma_start3A_327] : memref<5000xi32, #tpu.memory_space<vmem>> -> memref<1000xi32, #tpu.memory_space<vmem>>
      %dma_start3A_329 = tpu.memref_slice %arg5[%multiple_of3A_268] : memref<320000xi32, #tpu.memory_space<hbm>> -> memref<1000xi32, #tpu.memory_space<hbm>>
      tpu.enqueue_dma source(%dma_start3A_329 : memref<1000xi32, #tpu.memory_space<hbm>>) target(%dma_start3A_328 : memref<1000xi32, #tpu.memory_space<vmem>>) target_semaphore(%run_scoped3A : memref<!tpu.dma_semaphore, #tpu.memory_space<semaphore_mem>>)
      %dma_wait3A_330 = arith.constant 4000 : i32
      %dma_wait3A_331 = tpu.memref_slice %arg8[%dma_wait3A_330] : memref<5000xi32, #tpu.memory_space<vmem>> -> memref<1000xi32, #tpu.memory_space<vmem>>
      %dma_wait3A_332 = tpu.memref_slice %arg5[%multiple_of3A_268] : memref<320000xi32, #tpu.memory_space<hbm>> -> memref<1000xi32, #tpu.memory_space<hbm>>
      %dma_wait3A_333 = arith.constant 4000 : i32
      %dma_wait3A_334 = tpu.memref_slice %arg8[%dma_wait3A_333] : memref<5000xi32, #tpu.memory_space<vmem>> -> memref<1000xi32, #tpu.memory_space<vmem>>
      %dma_wait3A_335 = tpu.memref_slice %arg5[%multiple_of3A_268] : memref<320000xi32, #tpu.memory_space<hbm>> -> memref<1000xi32, #tpu.memory_space<hbm>>
      tpu.wait_dma2 semaphore(%run_scoped3A : memref<!tpu.dma_semaphore, #tpu.memory_space<semaphore_mem>>) src(%dma_wait3A_335 : memref<1000xi32, #tpu.memory_space<hbm>>) dst(%dma_wait3A_334 : memref<1000xi32, #tpu.memory_space<vmem>>)
      tpu.yield
    }) : () -> ()
    %add3A_269 = arith.constant 2000 : i32
    %add3A_270 = arith.addi %multiple_of3A_268, %add3A_269 : i32
    "tpu.region"() ({
      %run_scoped3A = tpu.sem_alloc : memref<!tpu.dma_semaphore, #tpu.memory_space<semaphore_mem>>
      %dma_start3A_324 = arith.constant 4000 : i32
      %dma_start3A_325 = tpu.memref_slice %arg9[%dma_start3A_324] : memref<5000xi32, #tpu.memory_space<vmem>> -> memref<1000xi32, #tpu.memory_space<vmem>>
      %dma_start3A_326 = tpu.memref_slice %arg4[%add3A_270] : memref<320000xi32, #tpu.memory_space<hbm>> -> memref<1000xi32, #tpu.memory_space<hbm>>
      %dma_start3A_327 = arith.constant 4000 : i32
      %dma_start3A_328 = tpu.memref_slice %arg9[%dma_start3A_327] : memref<5000xi32, #tpu.memory_space<vmem>> -> memref<1000xi32, #tpu.memory_space<vmem>>
      %dma_start3A_329 = tpu.memref_slice %arg4[%add3A_270] : memref<320000xi32, #tpu.memory_space<hbm>> -> memref<1000xi32, #tpu.memory_space<hbm>>
      tpu.enqueue_dma source(%dma_start3A_329 : memref<1000xi32, #tpu.memory_space<hbm>>) target(%dma_start3A_328 : memref<1000xi32, #tpu.memory_space<vmem>>) target_semaphore(%run_scoped3A : memref<!tpu.dma_semaphore, #tpu.memory_space<semaphore_mem>>)
      %dma_wait3A_330 = arith.constant 4000 : i32
      %dma_wait3A_331 = tpu.memref_slice %arg9[%dma_wait3A_330] : memref<5000xi32, #tpu.memory_space<vmem>> -> memref<1000xi32, #tpu.memory_space<vmem>>
      %dma_wait3A_332 = tpu.memref_slice %arg4[%add3A_270] : memref<320000xi32, #tpu.memory_space<hbm>> -> memref<1000xi32, #tpu.memory_space<hbm>>
      %dma_wait3A_333 = arith.constant 4000 : i32
      %dma_wait3A_334 = tpu.memref_slice %arg9[%dma_wait3A_333] : memref<5000xi32, #tpu.memory_space<vmem>> -> memref<1000xi32, #tpu.memory_space<vmem>>
      %dma_wait3A_335 = tpu.memref_slice %arg4[%add3A_270] : memref<320000xi32, #tpu.memory_space<hbm>> -> memref<1000xi32, #tpu.memory_space<hbm>>
      tpu.wait_dma2 semaphore(%run_scoped3A : memref<!tpu.dma_semaphore, #tpu.memory_space<semaphore_mem>>) src(%dma_wait3A_335 : memref<1000xi32, #tpu.memory_space<hbm>>) dst(%dma_wait3A_334 : memref<1000xi32, #tpu.memory_space<vmem>>)
      tpu.yield
    }) : () -> ()
    %add3A_271 = arith.constant 2000 : i32
    %add3A_272 = arith.addi %multiple_of3A_268, %add3A_271 : i32
    "tpu.region"() ({
      %run_scoped3A = tpu.sem_alloc : memref<!tpu.dma_semaphore, #tpu.memory_space<semaphore_mem>>
      %dma_start3A_324 = arith.constant 4000 : i32
      %dma_start3A_325 = tpu.memref_slice %arg10[%dma_start3A_324] : memref<5000xi32, #tpu.memory_space<vmem>> -> memref<1000xi32, #tpu.memory_space<vmem>>
      %dma_start3A_326 = tpu.memref_slice %arg5[%add3A_272] : memref<320000xi32, #tpu.memory_space<hbm>> -> memref<1000xi32, #tpu.memory_space<hbm>>
      %dma_start3A_327 = arith.constant 4000 : i32
      %dma_start3A_328 = tpu.memref_slice %arg10[%dma_start3A_327] : memref<5000xi32, #tpu.memory_space<vmem>> -> memref<1000xi32, #tpu.memory_space<vmem>>
      %dma_start3A_329 = tpu.memref_slice %arg5[%add3A_272] : memref<320000xi32, #tpu.memory_space<hbm>> -> memref<1000xi32, #tpu.memory_space<hbm>>
      tpu.enqueue_dma source(%dma_start3A_329 : memref<1000xi32, #tpu.memory_space<hbm>>) target(%dma_start3A_328 : memref<1000xi32, #tpu.memory_space<vmem>>) target_semaphore(%run_scoped3A : memref<!tpu.dma_semaphore, #tpu.memory_space<semaphore_mem>>)
      %dma_wait3A_330 = arith.constant 4000 : i32
      %dma_wait3A_331 = tpu.memref_slice %arg10[%dma_wait3A_330] : memref<5000xi32, #tpu.memory_space<vmem>> -> memref<1000xi32, #tpu.memory_space<vmem>>
      %dma_wait3A_332 = tpu.memref_slice %arg5[%add3A_272] : memref<320000xi32, #tpu.memory_space<hbm>> -> memref<1000xi32, #tpu.memory_space<hbm>>
      %dma_wait3A_333 = arith.constant 4000 : i32
      %dma_wait3A_334 = tpu.memref_slice %arg10[%dma_wait3A_333] : memref<5000xi32, #tpu.memory_space<vmem>> -> memref<1000xi32, #tpu.memory_space<vmem>>
      %dma_wait3A_335 = tpu.memref_slice %arg5[%add3A_272] : memref<320000xi32, #tpu.memory_space<hbm>> -> memref<1000xi32, #tpu.memory_space<hbm>>
      tpu.wait_dma2 semaphore(%run_scoped3A : memref<!tpu.dma_semaphore, #tpu.memory_space<semaphore_mem>>) src(%dma_wait3A_335 : memref<1000xi32, #tpu.memory_space<hbm>>) dst(%dma_wait3A_334 : memref<1000xi32, #tpu.memory_space<vmem>>)
      tpu.yield
    }) : () -> ()
    %multiple_of3A_273 = arith.constant 0 : i32
    %multiple_of3A_274 = tpu.assume_multiple %multiple_of3A_273, 40 : i32
    %dma_start3A = tpu.memref_slice %arg7[%multiple_of3A_274] : memref<5000xi32, #tpu.memory_space<vmem>> -> memref<40xi32, #tpu.memory_space<vmem>>
    %dma_start3A_275 = arith.constant 0 : i32
    %dma_start3A_276 = arith.constant 0 : i32
    %dma_start3A_277 = tpu.memref_slice %arg2[%dma_start3A_275, %dma_start3A_276] : memref<10000x64xi32, #tpu.memory_space<hbm>> -> memref<10000x64xi32, #tpu.memory_space<hbm>>
    tpu.enqueue_indirect_dma source(%dma_start3A_277 : memref<10000x64xi32, #tpu.memory_space<hbm>>) target(%arg11 : memref<40x64xi32, #tpu.memory_space<vmem>>) offsets(%dma_start3A : memref<40xi32, #tpu.memory_space<vmem>>) semaphore(%arg31 : memref<!tpu.dma_semaphore, #tpu.memory_space<semaphore_mem>>)
    %dma_start3A_278 = tpu.memref_slice %arg8[%multiple_of3A_274] : memref<5000xi32, #tpu.memory_space<vmem>> -> memref<40xi32, #tpu.memory_space<vmem>>
    %dma_start3A_279 = arith.constant 0 : i32
    %dma_start3A_280 = arith.constant 0 : i32
    %dma_start3A_281 = tpu.memref_slice %arg3[%dma_start3A_279, %dma_start3A_280] : memref<10000x64xi32, #tpu.memory_space<hbm>> -> memref<10000x64xi32, #tpu.memory_space<hbm>>
    tpu.enqueue_indirect_dma source(%dma_start3A_281 : memref<10000x64xi32, #tpu.memory_space<hbm>>) target(%arg12 : memref<40x64xi32, #tpu.memory_space<vmem>>) offsets(%dma_start3A_278 : memref<40xi32, #tpu.memory_space<vmem>>) semaphore(%arg31 : memref<!tpu.dma_semaphore, #tpu.memory_space<semaphore_mem>>)
    %dma_start3A_282 = tpu.memref_slice %arg9[%multiple_of3A_274] : memref<5000xi32, #tpu.memory_space<vmem>> -> memref<40xi32, #tpu.memory_space<vmem>>
    %dma_start3A_283 = arith.constant 0 : i32
    %dma_start3A_284 = arith.constant 0 : i32
    %dma_start3A_285 = tpu.memref_slice %arg2[%dma_start3A_283, %dma_start3A_284] : memref<10000x64xi32, #tpu.memory_space<hbm>> -> memref<10000x64xi32, #tpu.memory_space<hbm>>
    tpu.enqueue_indirect_dma source(%dma_start3A_285 : memref<10000x64xi32, #tpu.memory_space<hbm>>) target(%arg13 : memref<40x64xi32, #tpu.memory_space<vmem>>) offsets(%dma_start3A_282 : memref<40xi32, #tpu.memory_space<vmem>>) semaphore(%arg31 : memref<!tpu.dma_semaphore, #tpu.memory_space<semaphore_mem>>)
    %dma_start3A_286 = tpu.memref_slice %arg10[%multiple_of3A_274] : memref<5000xi32, #tpu.memory_space<vmem>> -> memref<40xi32, #tpu.memory_space<vmem>>
    %dma_start3A_287 = arith.constant 0 : i32
    %dma_start3A_288 = arith.constant 0 : i32
    %dma_start3A_289 = tpu.memref_slice %arg3[%dma_start3A_287, %dma_start3A_288] : memref<10000x64xi32, #tpu.memory_space<hbm>> -> memref<10000x64xi32, #tpu.memory_space<hbm>>
    tpu.enqueue_indirect_dma source(%dma_start3A_289 : memref<10000x64xi32, #tpu.memory_space<hbm>>) target(%arg14 : memref<40x64xi32, #tpu.memory_space<vmem>>) offsets(%dma_start3A_286 : memref<40xi32, #tpu.memory_space<vmem>>) semaphore(%arg31 : memref<!tpu.dma_semaphore, #tpu.memory_space<semaphore_mem>>)
    %multiple_of3A_290 = arith.constant 40 : i32
    %multiple_of3A_291 = tpu.assume_multiple %multiple_of3A_290, 40 : i32
    %dma_start3A_292 = tpu.memref_slice %arg7[%multiple_of3A_291] : memref<5000xi32, #tpu.memory_space<vmem>> -> memref<40xi32, #tpu.memory_space<vmem>>
    %dma_start3A_293 = arith.constant 0 : i32
    %dma_start3A_294 = arith.constant 0 : i32
    %dma_start3A_295 = tpu.memref_slice %arg2[%dma_start3A_293, %dma_start3A_294] : memref<10000x64xi32, #tpu.memory_space<hbm>> -> memref<10000x64xi32, #tpu.memory_space<hbm>>
    tpu.enqueue_indirect_dma source(%dma_start3A_295 : memref<10000x64xi32, #tpu.memory_space<hbm>>) target(%arg15 : memref<40x64xi32, #tpu.memory_space<vmem>>) offsets(%dma_start3A_292 : memref<40xi32, #tpu.memory_space<vmem>>) semaphore(%arg32 : memref<!tpu.dma_semaphore, #tpu.memory_space<semaphore_mem>>)
    %dma_start3A_296 = tpu.memref_slice %arg8[%multiple_of3A_291] : memref<5000xi32, #tpu.memory_space<vmem>> -> memref<40xi32, #tpu.memory_space<vmem>>
    %dma_start3A_297 = arith.constant 0 : i32
    %dma_start3A_298 = arith.constant 0 : i32
    %dma_start3A_299 = tpu.memref_slice %arg3[%dma_start3A_297, %dma_start3A_298] : memref<10000x64xi32, #tpu.memory_space<hbm>> -> memref<10000x64xi32, #tpu.memory_space<hbm>>
    tpu.enqueue_indirect_dma source(%dma_start3A_299 : memref<10000x64xi32, #tpu.memory_space<hbm>>) target(%arg16 : memref<40x64xi32, #tpu.memory_space<vmem>>) offsets(%dma_start3A_296 : memref<40xi32, #tpu.memory_space<vmem>>) semaphore(%arg32 : memref<!tpu.dma_semaphore, #tpu.memory_space<semaphore_mem>>)
    %dma_start3A_300 = tpu.memref_slice %arg9[%multiple_of3A_291] : memref<5000xi32, #tpu.memory_space<vmem>> -> memref<40xi32, #tpu.memory_space<vmem>>
    %dma_start3A_301 = arith.constant 0 : i32
    %dma_start3A_302 = arith.constant 0 : i32
    %dma_start3A_303 = tpu.memref_slice %arg2[%dma_start3A_301, %dma_start3A_302] : memref<10000x64xi32, #tpu.memory_space<hbm>> -> memref<10000x64xi32, #tpu.memory_space<hbm>>
    tpu.enqueue_indirect_dma source(%dma_start3A_303 : memref<10000x64xi32, #tpu.memory_space<hbm>>) target(%arg17 : memref<40x64xi32, #tpu.memory_space<vmem>>) offsets(%dma_start3A_300 : memref<40xi32, #tpu.memory_space<vmem>>) semaphore(%arg32 : memref<!tpu.dma_semaphore, #tpu.memory_space<semaphore_mem>>)
    %dma_start3A_304 = tpu.memref_slice %arg10[%multiple_of3A_291] : memref<5000xi32, #tpu.memory_space<vmem>> -> memref<40xi32, #tpu.memory_space<vmem>>
    %dma_start3A_305 = arith.constant 0 : i32
    %dma_start3A_306 = arith.constant 0 : i32
    %dma_start3A_307 = tpu.memref_slice %arg3[%dma_start3A_305, %dma_start3A_306] : memref<10000x64xi32, #tpu.memory_space<hbm>> -> memref<10000x64xi32, #tpu.memory_space<hbm>>
    tpu.enqueue_indirect_dma source(%dma_start3A_307 : memref<10000x64xi32, #tpu.memory_space<hbm>>) target(%arg18 : memref<40x64xi32, #tpu.memory_space<vmem>>) offsets(%dma_start3A_304 : memref<40xi32, #tpu.memory_space<vmem>>) semaphore(%arg32 : memref<!tpu.dma_semaphore, #tpu.memory_space<semaphore_mem>>)
    %scan3A = arith.constant 0 : i32
    %scan3A_308 = arith.constant 0 : i32
    %scan3A_309 = arith.constant 32 : i32
    %scan3A_310 = arith.addi %scan3A_308, %scan3A_309 : i32
    %scan3A_311 = arith.constant 1 : i32
    scf.for %scan3A_324 = %scan3A_308 to %scan3A_310 step %scan3A_311  : i32 {
      %mul3A_325 = arith.constant 4 : i32
      %mul3A_326 = arith.muli %scan3A_324, %mul3A_325 : i32
      %add3A_327 = arith.constant 0 : i32
      %add3A_328 = arith.addi %mul3A_326, %add3A_327 : i32
      %ge3A = arith.constant 2 : i32
      %ge3A_329 = arith.cmpi sge, %add3A_328, %ge3A : i32
      %lt3A_330 = arith.constant 125 : i32
      %lt3A_331 = arith.cmpi slt, %add3A_328, %lt3A_330 : i32
      %and3A_332 = arith.andi %ge3A_329, %lt3A_331 : i1
      %convert_element_type3A = arith.extui %and3A_332 : i1 to i32
      %cond3A = arith.constant 0 : i32
      %cond3A_333 = arith.cmpi ne, %convert_element_type3A, %cond3A : i32
      scf.if %cond3A_333 {
        %dma_wait3A_418 = arith.constant 0 : i32
        %dma_wait3A_419 = arith.constant 0 : i32
        %dma_wait3A_420 = tpu.memref_slice %arg6[%dma_wait3A_418, %dma_wait3A_419] : memref<160000x128xi32, #tpu.memory_space<hbm>> -> memref<40x128xi32, #tpu.memory_space<hbm>>
        %dma_wait3A_421 = arith.constant 0 : i32
        %dma_wait3A_422 = arith.constant 0 : i32
        %dma_wait3A_423 = tpu.memref_slice %arg6[%dma_wait3A_421, %dma_wait3A_422] : memref<160000x128xi32, #tpu.memory_space<hbm>> -> memref<40x128xi32, #tpu.memory_space<hbm>>
        tpu.wait_dma2 semaphore(%arg37 : memref<!tpu.dma_semaphore, #tpu.memory_space<semaphore_mem>>) src(%arg29 : memref<40x128xi32, #tpu.memory_space<vmem>>) dst(%dma_wait3A_423 : memref<40x128xi32, #tpu.memory_space<hbm>>)
      } else {
      }
      %add3A_334 = arith.constant 2 : i32
      %add3A_335 = arith.addi %add3A_328, %add3A_334 : i32
      %lt3A_336 = arith.constant 125 : i32
      %lt3A_337 = arith.cmpi slt, %add3A_335, %lt3A_336 : i32
      %convert_element_type3A_338 = arith.extui %lt3A_337 : i1 to i32
      %cond3A_339 = arith.constant 0 : i32
      %cond3A_340 = arith.cmpi ne, %convert_element_type3A_338, %cond3A_339 : i32
      scf.if %cond3A_340 {
        %add3A_418 = arith.constant 2 : i32
        %add3A_419 = arith.addi %add3A_328, %add3A_418 : i32
        %mul3A_420 = arith.constant 40 : i32
        %mul3A_421 = arith.muli %add3A_419, %mul3A_420 : i32
        %multiple_of3A_422 = tpu.assume_multiple %mul3A_421, 40 : i32
        %dma_start3A_423 = tpu.memref_slice %arg7[%multiple_of3A_422] : memref<5000xi32, #tpu.memory_space<vmem>> -> memref<40xi32, #tpu.memory_space<vmem>>
        %dma_start3A_424 = arith.constant 0 : i32
        %dma_start3A_425 = arith.constant 0 : i32
        %dma_start3A_426 = tpu.memref_slice %arg2[%dma_start3A_424, %dma_start3A_425] : memref<10000x64xi32, #tpu.memory_space<hbm>> -> memref<10000x64xi32, #tpu.memory_space<hbm>>
        tpu.enqueue_indirect_dma source(%dma_start3A_426 : memref<10000x64xi32, #tpu.memory_space<hbm>>) target(%arg19 : memref<40x64xi32, #tpu.memory_space<vmem>>) offsets(%dma_start3A_423 : memref<40xi32, #tpu.memory_space<vmem>>) semaphore(%arg33 : memref<!tpu.dma_semaphore, #tpu.memory_space<semaphore_mem>>)
        %dma_start3A_427 = tpu.memref_slice %arg8[%multiple_of3A_422] : memref<5000xi32, #tpu.memory_space<vmem>> -> memref<40xi32, #tpu.memory_space<vmem>>
        %dma_start3A_428 = arith.constant 0 : i32
        %dma_start3A_429 = arith.constant 0 : i32
        %dma_start3A_430 = tpu.memref_slice %arg3[%dma_start3A_428, %dma_start3A_429] : memref<10000x64xi32, #tpu.memory_space<hbm>> -> memref<10000x64xi32, #tpu.memory_space<hbm>>
        tpu.enqueue_indirect_dma source(%dma_start3A_430 : memref<10000x64xi32, #tpu.memory_space<hbm>>) target(%arg20 : memref<40x64xi32, #tpu.memory_space<vmem>>) offsets(%dma_start3A_427 : memref<40xi32, #tpu.memory_space<vmem>>) semaphore(%arg33 : memref<!tpu.dma_semaphore, #tpu.memory_space<semaphore_mem>>)
        %dma_start3A_431 = tpu.memref_slice %arg9[%multiple_of3A_422] : memref<5000xi32, #tpu.memory_space<vmem>> -> memref<40xi32, #tpu.memory_space<vmem>>
        %dma_start3A_432 = arith.constant 0 : i32
        %dma_start3A_433 = arith.constant 0 : i32
        %dma_start3A_434 = tpu.memref_slice %arg2[%dma_start3A_432, %dma_start3A_433] : memref<10000x64xi32, #tpu.memory_space<hbm>> -> memref<10000x64xi32, #tpu.memory_space<hbm>>
        tpu.enqueue_indirect_dma source(%dma_start3A_434 : memref<10000x64xi32, #tpu.memory_space<hbm>>) target(%arg21 : memref<40x64xi32, #tpu.memory_space<vmem>>) offsets(%dma_start3A_431 : memref<40xi32, #tpu.memory_space<vmem>>) semaphore(%arg33 : memref<!tpu.dma_semaphore, #tpu.memory_space<semaphore_mem>>)
        %dma_start3A_435 = tpu.memref_slice %arg10[%multiple_of3A_422] : memref<5000xi32, #tpu.memory_space<vmem>> -> memref<40xi32, #tpu.memory_space<vmem>>
        %dma_start3A_436 = arith.constant 0 : i32
        %dma_start3A_437 = arith.constant 0 : i32
        %dma_start3A_438 = tpu.memref_slice %arg3[%dma_start3A_436, %dma_start3A_437] : memref<10000x64xi32, #tpu.memory_space<hbm>> -> memref<10000x64xi32, #tpu.memory_space<hbm>>
        tpu.enqueue_indirect_dma source(%dma_start3A_438 : memref<10000x64xi32, #tpu.memory_space<hbm>>) target(%arg22 : memref<40x64xi32, #tpu.memory_space<vmem>>) offsets(%dma_start3A_435 : memref<40xi32, #tpu.memory_space<vmem>>) semaphore(%arg33 : memref<!tpu.dma_semaphore, #tpu.memory_space<semaphore_mem>>)
      } else {
      }
      %lt3A_341 = arith.constant 125 : i32
      %lt3A_342 = arith.cmpi slt, %add3A_328, %lt3A_341 : i32
      %convert_element_type3A_343 = arith.extui %lt3A_342 : i1 to i32
      %cond3A_344 = arith.constant 0 : i32
      %cond3A_345 = arith.cmpi ne, %convert_element_type3A_343, %cond3A_344 : i32
      scf.if %cond3A_345 {
        %mul3A_418 = arith.constant 40 : i32
        %mul3A_419 = arith.muli %add3A_328, %mul3A_418 : i32
        %multiple_of3A_420 = tpu.assume_multiple %mul3A_419, 40 : i32
        %dma_wait3A_421 = tpu.memref_slice %arg7[%multiple_of3A_420] : memref<5000xi32, #tpu.memory_space<vmem>> -> memref<40xi32, #tpu.memory_space<vmem>>
        %dma_wait3A_422 = arith.constant 0 : i32
        %dma_wait3A_423 = arith.constant 0 : i32
        %dma_wait3A_424 = tpu.memref_slice %arg2[%dma_wait3A_422, %dma_wait3A_423] : memref<10000x64xi32, #tpu.memory_space<hbm>> -> memref<10000x64xi32, #tpu.memory_space<hbm>>
        tpu.wait_indirect_dma semaphore(%arg31 : memref<!tpu.dma_semaphore, #tpu.memory_space<semaphore_mem>>) src(%dma_wait3A_424 : memref<10000x64xi32, #tpu.memory_space<hbm>>) dst(%arg11 : memref<40x64xi32, #tpu.memory_space<vmem>>)
        %dma_wait3A_425 = tpu.memref_slice %arg8[%multiple_of3A_420] : memref<5000xi32, #tpu.memory_space<vmem>> -> memref<40xi32, #tpu.memory_space<vmem>>
        %dma_wait3A_426 = arith.constant 0 : i32
        %dma_wait3A_427 = arith.constant 0 : i32
        %dma_wait3A_428 = tpu.memref_slice %arg3[%dma_wait3A_426, %dma_wait3A_427] : memref<10000x64xi32, #tpu.memory_space<hbm>> -> memref<10000x64xi32, #tpu.memory_space<hbm>>
        tpu.wait_indirect_dma semaphore(%arg31 : memref<!tpu.dma_semaphore, #tpu.memory_space<semaphore_mem>>) src(%dma_wait3A_428 : memref<10000x64xi32, #tpu.memory_space<hbm>>) dst(%arg12 : memref<40x64xi32, #tpu.memory_space<vmem>>)
        %dma_wait3A_429 = tpu.memref_slice %arg9[%multiple_of3A_420] : memref<5000xi32, #tpu.memory_space<vmem>> -> memref<40xi32, #tpu.memory_space<vmem>>
        %dma_wait3A_430 = arith.constant 0 : i32
        %dma_wait3A_431 = arith.constant 0 : i32
        %dma_wait3A_432 = tpu.memref_slice %arg2[%dma_wait3A_430, %dma_wait3A_431] : memref<10000x64xi32, #tpu.memory_space<hbm>> -> memref<10000x64xi32, #tpu.memory_space<hbm>>
        tpu.wait_indirect_dma semaphore(%arg31 : memref<!tpu.dma_semaphore, #tpu.memory_space<semaphore_mem>>) src(%dma_wait3A_432 : memref<10000x64xi32, #tpu.memory_space<hbm>>) dst(%arg13 : memref<40x64xi32, #tpu.memory_space<vmem>>)
        %dma_wait3A_433 = tpu.memref_slice %arg10[%multiple_of3A_420] : memref<5000xi32, #tpu.memory_space<vmem>> -> memref<40xi32, #tpu.memory_space<vmem>>
        %dma_wait3A_434 = arith.constant 0 : i32
        %dma_wait3A_435 = arith.constant 0 : i32
        %dma_wait3A_436 = tpu.memref_slice %arg3[%dma_wait3A_434, %dma_wait3A_435] : memref<10000x64xi32, #tpu.memory_space<hbm>> -> memref<10000x64xi32, #tpu.memory_space<hbm>>
        tpu.wait_indirect_dma semaphore(%arg31 : memref<!tpu.dma_semaphore, #tpu.memory_space<semaphore_mem>>) src(%dma_wait3A_436 : memref<10000x64xi32, #tpu.memory_space<hbm>>) dst(%arg14 : memref<40x64xi32, #tpu.memory_space<vmem>>)
        %parallel_loop3A = arith.constant 0 : i32
        %parallel_loop3A_437 = arith.constant 40 : i32
        %parallel_loop3A_438 = arith.constant 1 : i32
        scf.for %parallel_loop3A_447 = %parallel_loop3A to %parallel_loop3A_437 step %parallel_loop3A_438  : i32 {
          %parallel_loop3A_448 = arith.index_cast %parallel_loop3A_447 : i32 to index
          %parallel_loop3A_449 = arith.constant 0 : index
          %parallel_loop3A_450 = tpu.vector_load %arg11[%parallel_loop3A_448, %parallel_loop3A_449] {strides = array<i32>} : memref<40x64xi32, #tpu.memory_space<vmem>>, vector<1x16xi32>,
          %parallel_loop3A_451 = vector.shape_cast %parallel_loop3A_450 : vector<1x16xi32> to vector<16xi32>
          %parallel_loop3A_452 = arith.index_cast %parallel_loop3A_447 : i32 to index
          %parallel_loop3A_453 = arith.constant 0 : index
          %parallel_loop3A_454 = tpu.vector_load %arg12[%parallel_loop3A_452, %parallel_loop3A_453] {strides = array<i32>} : memref<40x64xi32, #tpu.memory_space<vmem>>, vector<1x16xi32>,
          %parallel_loop3A_455 = vector.shape_cast %parallel_loop3A_454 : vector<1x16xi32> to vector<16xi32>
          %parallel_loop3A_456 = arith.constant 16 : i32
          %parallel_loop3A_457 = vector.broadcast %parallel_loop3A_456 : i32 to vector<16xi32>
          %parallel_loop3A_458 = arith.shli %parallel_loop3A_451, %parallel_loop3A_457 : vector<16xi32>
          %parallel_loop3A_459 = tpu.bitcast %parallel_loop3A_458 : vector<16xi32> -> vector<16xf32>
          %parallel_loop3A_460 = arith.constant 16 : i32
          %parallel_loop3A_461 = vector.broadcast %parallel_loop3A_460 : i32 to vector<16xi32>
          %parallel_loop3A_462 = arith.shli %parallel_loop3A_455, %parallel_loop3A_461 : vector<16xi32>
          %parallel_loop3A_463 = tpu.bitcast %parallel_loop3A_462 : vector<16xi32> -> vector<16xf32>
          %parallel_loop3A_464 = arith.addf %parallel_loop3A_459, %parallel_loop3A_463 : vector<16xf32>
          %parallel_loop3A_465 = arith.constant -65536 : i32
          %parallel_loop3A_466 = vector.broadcast %parallel_loop3A_465 : i32 to vector<16xi32>
          %parallel_loop3A_467 = arith.andi %parallel_loop3A_451, %parallel_loop3A_466 : vector<16xi32>
          %parallel_loop3A_468 = tpu.bitcast %parallel_loop3A_467 : vector<16xi32> -> vector<16xf32>
          %parallel_loop3A_469 = arith.constant -65536 : i32
          %parallel_loop3A_470 = vector.broadcast %parallel_loop3A_469 : i32 to vector<16xi32>
          %parallel_loop3A_471 = arith.andi %parallel_loop3A_455, %parallel_loop3A_470 : vector<16xi32>
          %parallel_loop3A_472 = tpu.bitcast %parallel_loop3A_471 : vector<16xi32> -> vector<16xf32>
          %parallel_loop3A_473 = arith.addf %parallel_loop3A_468, %parallel_loop3A_472 : vector<16xf32>
          %parallel_loop3A_474 = tpu.bitcast %parallel_loop3A_464 : vector<16xf32> -> vector<16xi32>
          %parallel_loop3A_475 = arith.constant 32768 : i32
          %parallel_loop3A_476 = vector.broadcast %parallel_loop3A_475 : i32 to vector<16xi32>
          %parallel_loop3A_477 = arith.addi %parallel_loop3A_474, %parallel_loop3A_476 : vector<16xi32>
          %parallel_loop3A_478 = arith.constant 16 : i32
          %parallel_loop3A_479 = vector.broadcast %parallel_loop3A_478 : i32 to vector<16xi32>
          %parallel_loop3A_480 = arith.shrui %parallel_loop3A_477, %parallel_loop3A_479 : vector<16xi32>
          %parallel_loop3A_481 = tpu.bitcast %parallel_loop3A_473 : vector<16xf32> -> vector<16xi32>
          %parallel_loop3A_482 = arith.constant 32768 : i32
          %parallel_loop3A_483 = vector.broadcast %parallel_loop3A_482 : i32 to vector<16xi32>
          %parallel_loop3A_484 = arith.addi %parallel_loop3A_481, %parallel_loop3A_483 : vector<16xi32>
          %parallel_loop3A_485 = arith.constant -65536 : i32
          %parallel_loop3A_486 = vector.broadcast %parallel_loop3A_485 : i32 to vector<16xi32>
          %parallel_loop3A_487 = arith.andi %parallel_loop3A_484, %parallel_loop3A_486 : vector<16xi32>
          %parallel_loop3A_488 = arith.ori %parallel_loop3A_487, %parallel_loop3A_480 : vector<16xi32>
          %parallel_loop3A_489 = arith.index_cast %parallel_loop3A_447 : i32 to index
          %parallel_loop3A_490 = arith.constant 0 : index
          %parallel_loop3A_491 = tpu.vector_load %arg27[%parallel_loop3A_489, %parallel_loop3A_490] {strides = array<i32>} : memref<40x128xi32, #tpu.memory_space<vmem>>, vector<1x16xi32>,
          %parallel_loop3A_492 = vector.shape_cast %parallel_loop3A_491 : vector<1x16xi32> to vector<16xi32>
          %parallel_loop3A_493 = vector.shape_cast %parallel_loop3A_488 : vector<16xi32> to vector<1x16xi32>
          tpu.vector_store %arg27[%parallel_loop3A_489, %parallel_loop3A_490], %parallel_loop3A_493 {strides = array<i32>} : memref<40x128xi32, #tpu.memory_space<vmem>>, vector<1x16xi32>,
          %parallel_loop3A_494 = arith.index_cast %parallel_loop3A_447 : i32 to index
          %parallel_loop3A_495 = arith.constant 0 : index
          %parallel_loop3A_496 = tpu.vector_load %arg13[%parallel_loop3A_494, %parallel_loop3A_495] {strides = array<i32>} : memref<40x64xi32, #tpu.memory_space<vmem>>, vector<1x16xi32>,
          %parallel_loop3A_497 = vector.shape_cast %parallel_loop3A_496 : vector<1x16xi32> to vector<16xi32>
          %parallel_loop3A_498 = arith.index_cast %parallel_loop3A_447 : i32 to index
          %parallel_loop3A_499 = arith.constant 0 : index
          %parallel_loop3A_500 = tpu.vector_load %arg14[%parallel_loop3A_498, %parallel_loop3A_499] {strides = array<i32>} : memref<40x64xi32, #tpu.memory_space<vmem>>, vector<1x16xi32>,
          %parallel_loop3A_501 = vector.shape_cast %parallel_loop3A_500 : vector<1x16xi32> to vector<16xi32>
          %parallel_loop3A_502 = arith.constant 16 : i32
          %parallel_loop3A_503 = vector.broadcast %parallel_loop3A_502 : i32 to vector<16xi32>
          %parallel_loop3A_504 = arith.shli %parallel_loop3A_497, %parallel_loop3A_503 : vector<16xi32>
          %parallel_loop3A_505 = tpu.bitcast %parallel_loop3A_504 : vector<16xi32> -> vector<16xf32>
          %parallel_loop3A_506 = arith.constant 16 : i32
          %parallel_loop3A_507 = vector.broadcast %parallel_loop3A_506 : i32 to vector<16xi32>
          %parallel_loop3A_508 = arith.shli %parallel_loop3A_501, %parallel_loop3A_507 : vector<16xi32>
          %parallel_loop3A_509 = tpu.bitcast %parallel_loop3A_508 : vector<16xi32> -> vector<16xf32>
          %parallel_loop3A_510 = arith.addf %parallel_loop3A_505, %parallel_loop3A_509 : vector<16xf32>
          %parallel_loop3A_511 = arith.constant -65536 : i32
          %parallel_loop3A_512 = vector.broadcast %parallel_loop3A_511 : i32 to vector<16xi32>
          %parallel_loop3A_513 = arith.andi %parallel_loop3A_497, %parallel_loop3A_512 : vector<16xi32>
          %parallel_loop3A_514 = tpu.bitcast %parallel_loop3A_513 : vector<16xi32> -> vector<16xf32>
          %parallel_loop3A_515 = arith.constant -65536 : i32
          %parallel_loop3A_516 = vector.broadcast %parallel_loop3A_515 : i32 to vector<16xi32>
          %parallel_loop3A_517 = arith.andi %parallel_loop3A_501, %parallel_loop3A_516 : vector<16xi32>
          %parallel_loop3A_518 = tpu.bitcast %parallel_loop3A_517 : vector<16xi32> -> vector<16xf32>
          %parallel_loop3A_519 = arith.addf %parallel_loop3A_514, %parallel_loop3A_518 : vector<16xf32>
          %parallel_loop3A_520 = tpu.bitcast %parallel_loop3A_510 : vector<16xf32> -> vector<16xi32>
          %parallel_loop3A_521 = arith.constant 32768 : i32
          %parallel_loop3A_522 = vector.broadcast %parallel_loop3A_521 : i32 to vector<16xi32>
          %parallel_loop3A_523 = arith.addi %parallel_loop3A_520, %parallel_loop3A_522 : vector<16xi32>
          %parallel_loop3A_524 = arith.constant 16 : i32
          %parallel_loop3A_525 = vector.broadcast %parallel_loop3A_524 : i32 to vector<16xi32>
          %parallel_loop3A_526 = arith.shrui %parallel_loop3A_523, %parallel_loop3A_525 : vector<16xi32>
          %parallel_loop3A_527 = tpu.bitcast %parallel_loop3A_519 : vector<16xf32> -> vector<16xi32>
          %parallel_loop3A_528 = arith.constant 32768 : i32
          %parallel_loop3A_529 = vector.broadcast %parallel_loop3A_528 : i32 to vector<16xi32>
          %parallel_loop3A_530 = arith.addi %parallel_loop3A_527, %parallel_loop3A_529 : vector<16xi32>
          %parallel_loop3A_531 = arith.constant -65536 : i32
          %parallel_loop3A_532 = vector.broadcast %parallel_loop3A_531 : i32 to vector<16xi32>
          %parallel_loop3A_533 = arith.andi %parallel_loop3A_530, %parallel_loop3A_532 : vector<16xi32>
          %parallel_loop3A_534 = arith.ori %parallel_loop3A_533, %parallel_loop3A_526 : vector<16xi32>
          %parallel_loop3A_535 = arith.index_cast %parallel_loop3A_447 : i32 to index
          %parallel_loop3A_536 = arith.constant 64 : index
          %parallel_loop3A_537 = tpu.vector_load %arg27[%parallel_loop3A_535, %parallel_loop3A_536] {strides = array<i32>} : memref<40x128xi32, #tpu.memory_space<vmem>>, vector<1x16xi32>,
          %parallel_loop3A_538 = vector.shape_cast %parallel_loop3A_537 : vector<1x16xi32> to vector<16xi32>
          %parallel_loop3A_539 = vector.shape_cast %parallel_loop3A_534 : vector<16xi32> to vector<1x16xi32>
          tpu.vector_store %arg27[%parallel_loop3A_535, %parallel_loop3A_536], %parallel_loop3A_539 {strides = array<i32>} : memref<40x128xi32, #tpu.memory_space<vmem>>, vector<1x16xi32>,
          %parallel_loop3A_540 = arith.index_cast %parallel_loop3A_447 : i32 to index
          %parallel_loop3A_541 = arith.constant 16 : index
          %parallel_loop3A_542 = tpu.vector_load %arg11[%parallel_loop3A_540, %parallel_loop3A_541] {strides = array<i32>} : memref<40x64xi32, #tpu.memory_space<vmem>>, vector<1x16xi32>,
          %parallel_loop3A_543 = vector.shape_cast %parallel_loop3A_542 : vector<1x16xi32> to vector<16xi32>
          %parallel_loop3A_544 = arith.index_cast %parallel_loop3A_447 : i32 to index
          %parallel_loop3A_545 = arith.constant 16 : index
          %parallel_loop3A_546 = tpu.vector_load %arg12[%parallel_loop3A_544, %parallel_loop3A_545] {strides = array<i32>} : memref<40x64xi32, #tpu.memory_space<vmem>>, vector<1x16xi32>,
          %parallel_loop3A_547 = vector.shape_cast %parallel_loop3A_546 : vector<1x16xi32> to vector<16xi32>
          %parallel_loop3A_548 = arith.constant 16 : i32
          %parallel_loop3A_549 = vector.broadcast %parallel_loop3A_548 : i32 to vector<16xi32>
          %parallel_loop3A_550 = arith.shli %parallel_loop3A_543, %parallel_loop3A_549 : vector<16xi32>
          %parallel_loop3A_551 = tpu.bitcast %parallel_loop3A_550 : vector<16xi32> -> vector<16xf32>
          %parallel_loop3A_552 = arith.constant 16 : i32
          %parallel_loop3A_553 = vector.broadcast %parallel_loop3A_552 : i32 to vector<16xi32>
          %parallel_loop3A_554 = arith.shli %parallel_loop3A_547, %parallel_loop3A_553 : vector<16xi32>
          %parallel_loop3A_555 = tpu.bitcast %parallel_loop3A_554 : vector<16xi32> -> vector<16xf32>
          %parallel_loop3A_556 = arith.addf %parallel_loop3A_551, %parallel_loop3A_555 : vector<16xf32>
          %parallel_loop3A_557 = arith.constant -65536 : i32
          %parallel_loop3A_558 = vector.broadcast %parallel_loop3A_557 : i32 to vector<16xi32>
          %parallel_loop3A_559 = arith.andi %parallel_loop3A_543, %parallel_loop3A_558 : vector<16xi32>
          %parallel_loop3A_560 = tpu.bitcast %parallel_loop3A_559 : vector<16xi32> -> vector<16xf32>
          %parallel_loop3A_561 = arith.constant -65536 : i32
          %parallel_loop3A_562 = vector.broadcast %parallel_loop3A_561 : i32 to vector<16xi32>
          %parallel_loop3A_563 = arith.andi %parallel_loop3A_547, %parallel_loop3A_562 : vector<16xi32>
          %parallel_loop3A_564 = tpu.bitcast %parallel_loop3A_563 : vector<16xi32> -> vector<16xf32>
          %parallel_loop3A_565 = arith.addf %parallel_loop3A_560, %parallel_loop3A_564 : vector<16xf32>
          %parallel_loop3A_566 = tpu.bitcast %parallel_loop3A_556 : vector<16xf32> -> vector<16xi32>
          %parallel_loop3A_567 = arith.constant 32768 : i32
          %parallel_loop3A_568 = vector.broadcast %parallel_loop3A_567 : i32 to vector<16xi32>
          %parallel_loop3A_569 = arith.addi %parallel_loop3A_566, %parallel_loop3A_568 : vector<16xi32>
          %parallel_loop3A_570 = arith.constant 16 : i32
          %parallel_loop3A_571 = vector.broadcast %parallel_loop3A_570 : i32 to vector<16xi32>
          %parallel_loop3A_572 = arith.shrui %parallel_loop3A_569, %parallel_loop3A_571 : vector<16xi32>
          %parallel_loop3A_573 = tpu.bitcast %parallel_loop3A_565 : vector<16xf32> -> vector<16xi32>
          %parallel_loop3A_574 = arith.constant 32768 : i32
          %parallel_loop3A_575 = vector.broadcast %parallel_loop3A_574 : i32 to vector<16xi32>
          %parallel_loop3A_576 = arith.addi %parallel_loop3A_573, %parallel_loop3A_575 : vector<16xi32>
          %parallel_loop3A_577 = arith.constant -65536 : i32
          %parallel_loop3A_578 = vector.broadcast %parallel_loop3A_577 : i32 to vector<16xi32>
          %parallel_loop3A_579 = arith.andi %parallel_loop3A_576, %parallel_loop3A_578 : vector<16xi32>
          %parallel_loop3A_580 = arith.ori %parallel_loop3A_579, %parallel_loop3A_572 : vector<16xi32>
          %parallel_loop3A_581 = arith.index_cast %parallel_loop3A_447 : i32 to index
          %parallel_loop3A_582 = arith.constant 16 : index
          %parallel_loop3A_583 = tpu.vector_load %arg27[%parallel_loop3A_581, %parallel_loop3A_582] {strides = array<i32>} : memref<40x128xi32, #tpu.memory_space<vmem>>, vector<1x16xi32>,
          %parallel_loop3A_584 = vector.shape_cast %parallel_loop3A_583 : vector<1x16xi32> to vector<16xi32>
          %parallel_loop3A_585 = vector.shape_cast %parallel_loop3A_580 : vector<16xi32> to vector<1x16xi32>
          tpu.vector_store %arg27[%parallel_loop3A_581, %parallel_loop3A_582], %parallel_loop3A_585 {strides = array<i32>} : memref<40x128xi32, #tpu.memory_space<vmem>>, vector<1x16xi32>,
          %parallel_loop3A_586 = arith.index_cast %parallel_loop3A_447 : i32 to index
          %parallel_loop3A_587 = arith.constant 16 : index
          %parallel_loop3A_588 = tpu.vector_load %arg13[%parallel_loop3A_586, %parallel_loop3A_587] {strides = array<i32>} : memref<40x64xi32, #tpu.memory_space<vmem>>, vector<1x16xi32>,
          %parallel_loop3A_589 = vector.shape_cast %parallel_loop3A_588 : vector<1x16xi32> to vector<16xi32>
          %parallel_loop3A_590 = arith.index_cast %parallel_loop3A_447 : i32 to index
          %parallel_loop3A_591 = arith.constant 16 : index
          %parallel_loop3A_592 = tpu.vector_load %arg14[%parallel_loop3A_590, %parallel_loop3A_591] {strides = array<i32>} : memref<40x64xi32, #tpu.memory_space<vmem>>, vector<1x16xi32>,
          %parallel_loop3A_593 = vector.shape_cast %parallel_loop3A_592 : vector<1x16xi32> to vector<16xi32>
          %parallel_loop3A_594 = arith.constant 16 : i32
          %parallel_loop3A_595 = vector.broadcast %parallel_loop3A_594 : i32 to vector<16xi32>
          %parallel_loop3A_596 = arith.shli %parallel_loop3A_589, %parallel_loop3A_595 : vector<16xi32>
          %parallel_loop3A_597 = tpu.bitcast %parallel_loop3A_596 : vector<16xi32> -> vector<16xf32>
          %parallel_loop3A_598 = arith.constant 16 : i32
          %parallel_loop3A_599 = vector.broadcast %parallel_loop3A_598 : i32 to vector<16xi32>
          %parallel_loop3A_600 = arith.shli %parallel_loop3A_593, %parallel_loop3A_599 : vector<16xi32>
          %parallel_loop3A_601 = tpu.bitcast %parallel_loop3A_600 : vector<16xi32> -> vector<16xf32>
          %parallel_loop3A_602 = arith.addf %parallel_loop3A_597, %parallel_loop3A_601 : vector<16xf32>
          %parallel_loop3A_603 = arith.constant -65536 : i32
          %parallel_loop3A_604 = vector.broadcast %parallel_loop3A_603 : i32 to vector<16xi32>
          %parallel_loop3A_605 = arith.andi %parallel_loop3A_589, %parallel_loop3A_604 : vector<16xi32>
          %parallel_loop3A_606 = tpu.bitcast %parallel_loop3A_605 : vector<16xi32> -> vector<16xf32>
          %parallel_loop3A_607 = arith.constant -65536 : i32
          %parallel_loop3A_608 = vector.broadcast %parallel_loop3A_607 : i32 to vector<16xi32>
          %parallel_loop3A_609 = arith.andi %parallel_loop3A_593, %parallel_loop3A_608 : vector<16xi32>
          %parallel_loop3A_610 = tpu.bitcast %parallel_loop3A_609 : vector<16xi32> -> vector<16xf32>
          %parallel_loop3A_611 = arith.addf %parallel_loop3A_606, %parallel_loop3A_610 : vector<16xf32>
          %parallel_loop3A_612 = tpu.bitcast %parallel_loop3A_602 : vector<16xf32> -> vector<16xi32>
          %parallel_loop3A_613 = arith.constant 32768 : i32
          %parallel_loop3A_614 = vector.broadcast %parallel_loop3A_613 : i32 to vector<16xi32>
          %parallel_loop3A_615 = arith.addi %parallel_loop3A_612, %parallel_loop3A_614 : vector<16xi32>
          %parallel_loop3A_616 = arith.constant 16 : i32
          %parallel_loop3A_617 = vector.broadcast %parallel_loop3A_616 : i32 to vector<16xi32>
          %parallel_loop3A_618 = arith.shrui %parallel_loop3A_615, %parallel_loop3A_617 : vector<16xi32>
          %parallel_loop3A_619 = tpu.bitcast %parallel_loop3A_611 : vector<16xf32> -> vector<16xi32>
          %parallel_loop3A_620 = arith.constant 32768 : i32
          %parallel_loop3A_621 = vector.broadcast %parallel_loop3A_620 : i32 to vector<16xi32>
          %parallel_loop3A_622 = arith.addi %parallel_loop3A_619, %parallel_loop3A_621 : vector<16xi32>
          %parallel_loop3A_623 = arith.constant -65536 : i32
          %parallel_loop3A_624 = vector.broadcast %parallel_loop3A_623 : i32 to vector<16xi32>
          %parallel_loop3A_625 = arith.andi %parallel_loop3A_622, %parallel_loop3A_624 : vector<16xi32>
          %parallel_loop3A_626 = arith.ori %parallel_loop3A_625, %parallel_loop3A_618 : vector<16xi32>
          %parallel_loop3A_627 = arith.index_cast %parallel_loop3A_447 : i32 to index
          %parallel_loop3A_628 = arith.constant 80 : index
          %parallel_loop3A_629 = tpu.vector_load %arg27[%parallel_loop3A_627, %parallel_loop3A_628] {strides = array<i32>} : memref<40x128xi32, #tpu.memory_space<vmem>>, vector<1x16xi32>,
          %parallel_loop3A_630 = vector.shape_cast %parallel_loop3A_629 : vector<1x16xi32> to vector<16xi32>
          %parallel_loop3A_631 = vector.shape_cast %parallel_loop3A_626 : vector<16xi32> to vector<1x16xi32>
          tpu.vector_store %arg27[%parallel_loop3A_627, %parallel_loop3A_628], %parallel_loop3A_631 {strides = array<i32>} : memref<40x128xi32, #tpu.memory_space<vmem>>, vector<1x16xi32>,
          %parallel_loop3A_632 = arith.index_cast %parallel_loop3A_447 : i32 to index
          %parallel_loop3A_633 = arith.constant 32 : index
          %parallel_loop3A_634 = tpu.vector_load %arg11[%parallel_loop3A_632, %parallel_loop3A_633] {strides = array<i32>} : memref<40x64xi32, #tpu.memory_space<vmem>>, vector<1x16xi32>,
          %parallel_loop3A_635 = vector.shape_cast %parallel_loop3A_634 : vector<1x16xi32> to vector<16xi32>
          %parallel_loop3A_636 = arith.index_cast %parallel_loop3A_447 : i32 to index
          %parallel_loop3A_637 = arith.constant 32 : index
          %parallel_loop3A_638 = tpu.vector_load %arg12[%parallel_loop3A_636, %parallel_loop3A_637] {strides = array<i32>} : memref<40x64xi32, #tpu.memory_space<vmem>>, vector<1x16xi32>,
          %parallel_loop3A_639 = vector.shape_cast %parallel_loop3A_638 : vector<1x16xi32> to vector<16xi32>
          %parallel_loop3A_640 = arith.constant 16 : i32
          %parallel_loop3A_641 = vector.broadcast %parallel_loop3A_640 : i32 to vector<16xi32>
          %parallel_loop3A_642 = arith.shli %parallel_loop3A_635, %parallel_loop3A_641 : vector<16xi32>
          %parallel_loop3A_643 = tpu.bitcast %parallel_loop3A_642 : vector<16xi32> -> vector<16xf32>
          %parallel_loop3A_644 = arith.constant 16 : i32
          %parallel_loop3A_645 = vector.broadcast %parallel_loop3A_644 : i32 to vector<16xi32>
          %parallel_loop3A_646 = arith.shli %parallel_loop3A_639, %parallel_loop3A_645 : vector<16xi32>
          %parallel_loop3A_647 = tpu.bitcast %parallel_loop3A_646 : vector<16xi32> -> vector<16xf32>
          %parallel_loop3A_648 = arith.addf %parallel_loop3A_643, %parallel_loop3A_647 : vector<16xf32>
          %parallel_loop3A_649 = arith.constant -65536 : i32
          %parallel_loop3A_650 = vector.broadcast %parallel_loop3A_649 : i32 to vector<16xi32>
          %parallel_loop3A_651 = arith.andi %parallel_loop3A_635, %parallel_loop3A_650 : vector<16xi32>
          %parallel_loop3A_652 = tpu.bitcast %parallel_loop3A_651 : vector<16xi32> -> vector<16xf32>
          %parallel_loop3A_653 = arith.constant -65536 : i32
          %parallel_loop3A_654 = vector.broadcast %parallel_loop3A_653 : i32 to vector<16xi32>
          %parallel_loop3A_655 = arith.andi %parallel_loop3A_639, %parallel_loop3A_654 : vector<16xi32>
          %parallel_loop3A_656 = tpu.bitcast %parallel_loop3A_655 : vector<16xi32> -> vector<16xf32>
          %parallel_loop3A_657 = arith.addf %parallel_loop3A_652, %parallel_loop3A_656 : vector<16xf32>
          %parallel_loop3A_658 = tpu.bitcast %parallel_loop3A_648 : vector<16xf32> -> vector<16xi32>
          %parallel_loop3A_659 = arith.constant 32768 : i32
          %parallel_loop3A_660 = vector.broadcast %parallel_loop3A_659 : i32 to vector<16xi32>
          %parallel_loop3A_661 = arith.addi %parallel_loop3A_658, %parallel_loop3A_660 : vector<16xi32>
          %parallel_loop3A_662 = arith.constant 16 : i32
          %parallel_loop3A_663 = vector.broadcast %parallel_loop3A_662 : i32 to vector<16xi32>
          %parallel_loop3A_664 = arith.shrui %parallel_loop3A_661, %parallel_loop3A_663 : vector<16xi32>
          %parallel_loop3A_665 = tpu.bitcast %parallel_loop3A_657 : vector<16xf32> -> vector<16xi32>
          %parallel_loop3A_666 = arith.constant 32768 : i32
          %parallel_loop3A_667 = vector.broadcast %parallel_loop3A_666 : i32 to vector<16xi32>
          %parallel_loop3A_668 = arith.addi %parallel_loop3A_665, %parallel_loop3A_667 : vector<16xi32>
          %parallel_loop3A_669 = arith.constant -65536 : i32
          %parallel_loop3A_670 = vector.broadcast %parallel_loop3A_669 : i32 to vector<16xi32>
          %parallel_loop3A_671 = arith.andi %parallel_loop3A_668, %parallel_loop3A_670 : vector<16xi32>
          %parallel_loop3A_672 = arith.ori %parallel_loop3A_671, %parallel_loop3A_664 : vector<16xi32>
          %parallel_loop3A_673 = arith.index_cast %parallel_loop3A_447 : i32 to index
          %parallel_loop3A_674 = arith.constant 32 : index
          %parallel_loop3A_675 = tpu.vector_load %arg27[%parallel_loop3A_673, %parallel_loop3A_674] {strides = array<i32>} : memref<40x128xi32, #tpu.memory_space<vmem>>, vector<1x16xi32>,
          %parallel_loop3A_676 = vector.shape_cast %parallel_loop3A_675 : vector<1x16xi32> to vector<16xi32>
          %parallel_loop3A_677 = vector.shape_cast %parallel_loop3A_672 : vector<16xi32> to vector<1x16xi32>
          tpu.vector_store %arg27[%parallel_loop3A_673, %parallel_loop3A_674], %parallel_loop3A_677 {strides = array<i32>} : memref<40x128xi32, #tpu.memory_space<vmem>>, vector<1x16xi32>,
          %parallel_loop3A_678 = arith.index_cast %parallel_loop3A_447 : i32 to index
          %parallel_loop3A_679 = arith.constant 32 : index
          %parallel_loop3A_680 = tpu.vector_load %arg13[%parallel_loop3A_678, %parallel_loop3A_679] {strides = array<i32>} : memref<40x64xi32, #tpu.memory_space<vmem>>, vector<1x16xi32>,
          %parallel_loop3A_681 = vector.shape_cast %parallel_loop3A_680 : vector<1x16xi32> to vector<16xi32>
          %parallel_loop3A_682 = arith.index_cast %parallel_loop3A_447 : i32 to index
          %parallel_loop3A_683 = arith.constant 32 : index
          %parallel_loop3A_684 = tpu.vector_load %arg14[%parallel_loop3A_682, %parallel_loop3A_683] {strides = array<i32>} : memref<40x64xi32, #tpu.memory_space<vmem>>, vector<1x16xi32>,
          %parallel_loop3A_685 = vector.shape_cast %parallel_loop3A_684 : vector<1x16xi32> to vector<16xi32>
          %parallel_loop3A_686 = arith.constant 16 : i32
          %parallel_loop3A_687 = vector.broadcast %parallel_loop3A_686 : i32 to vector<16xi32>
          %parallel_loop3A_688 = arith.shli %parallel_loop3A_681, %parallel_loop3A_687 : vector<16xi32>
          %parallel_loop3A_689 = tpu.bitcast %parallel_loop3A_688 : vector<16xi32> -> vector<16xf32>
          %parallel_loop3A_690 = arith.constant 16 : i32
          %parallel_loop3A_691 = vector.broadcast %parallel_loop3A_690 : i32 to vector<16xi32>
          %parallel_loop3A_692 = arith.shli %parallel_loop3A_685, %parallel_loop3A_691 : vector<16xi32>
          %parallel_loop3A_693 = tpu.bitcast %parallel_loop3A_692 : vector<16xi32> -> vector<16xf32>
          %parallel_loop3A_694 = arith.addf %parallel_loop3A_689, %parallel_loop3A_693 : vector<16xf32>
          %parallel_loop3A_695 = arith.constant -65536 : i32
          %parallel_loop3A_696 = vector.broadcast %parallel_loop3A_695 : i32 to vector<16xi32>
          %parallel_loop3A_697 = arith.andi %parallel_loop3A_681, %parallel_loop3A_696 : vector<16xi32>
          %parallel_loop3A_698 = tpu.bitcast %parallel_loop3A_697 : vector<16xi32> -> vector<16xf32>
          %parallel_loop3A_699 = arith.constant -65536 : i32
          %parallel_loop3A_700 = vector.broadcast %parallel_loop3A_699 : i32 to vector<16xi32>
          %parallel_loop3A_701 = arith.andi %parallel_loop3A_685, %parallel_loop3A_700 : vector<16xi32>
          %parallel_loop3A_702 = tpu.bitcast %parallel_loop3A_701 : vector<16xi32> -> vector<16xf32>
          %parallel_loop3A_703 = arith.addf %parallel_loop3A_698, %parallel_loop3A_702 : vector<16xf32>
          %parallel_loop3A_704 = tpu.bitcast %parallel_loop3A_694 : vector<16xf32> -> vector<16xi32>
          %parallel_loop3A_705 = arith.constant 32768 : i32
          %parallel_loop3A_706 = vector.broadcast %parallel_loop3A_705 : i32 to vector<16xi32>
          %parallel_loop3A_707 = arith.addi %parallel_loop3A_704, %parallel_loop3A_706 : vector<16xi32>
          %parallel_loop3A_708 = arith.constant 16 : i32
          %parallel_loop3A_709 = vector.broadcast %parallel_loop3A_708 : i32 to vector<16xi32>
          %parallel_loop3A_710 = arith.shrui %parallel_loop3A_707, %parallel_loop3A_709 : vector<16xi32>
          %parallel_loop3A_711 = tpu.bitcast %parallel_loop3A_703 : vector<16xf32> -> vector<16xi32>
          %parallel_loop3A_712 = arith.constant 32768 : i32
          %parallel_loop3A_713 = vector.broadcast %parallel_loop3A_712 : i32 to vector<16xi32>
          %parallel_loop3A_714 = arith.addi %parallel_loop3A_711, %parallel_loop3A_713 : vector<16xi32>
          %parallel_loop3A_715 = arith.constant -65536 : i32
          %parallel_loop3A_716 = vector.broadcast %parallel_loop3A_715 : i32 to vector<16xi32>
          %parallel_loop3A_717 = arith.andi %parallel_loop3A_714, %parallel_loop3A_716 : vector<16xi32>
          %parallel_loop3A_718 = arith.ori %parallel_loop3A_717, %parallel_loop3A_710 : vector<16xi32>
          %parallel_loop3A_719 = arith.index_cast %parallel_loop3A_447 : i32 to index
          %parallel_loop3A_720 = arith.constant 96 : index
          %parallel_loop3A_721 = tpu.vector_load %arg27[%parallel_loop3A_719, %parallel_loop3A_720] {strides = array<i32>} : memref<40x128xi32, #tpu.memory_space<vmem>>, vector<1x16xi32>,
          %parallel_loop3A_722 = vector.shape_cast %parallel_loop3A_721 : vector<1x16xi32> to vector<16xi32>
          %parallel_loop3A_723 = vector.shape_cast %parallel_loop3A_718 : vector<16xi32> to vector<1x16xi32>
          tpu.vector_store %arg27[%parallel_loop3A_719, %parallel_loop3A_720], %parallel_loop3A_723 {strides = array<i32>} : memref<40x128xi32, #tpu.memory_space<vmem>>, vector<1x16xi32>,
          %parallel_loop3A_724 = arith.index_cast %parallel_loop3A_447 : i32 to index
          %parallel_loop3A_725 = arith.constant 48 : index
          %parallel_loop3A_726 = tpu.vector_load %arg11[%parallel_loop3A_724, %parallel_loop3A_725] {strides = array<i32>} : memref<40x64xi32, #tpu.memory_space<vmem>>, vector<1x16xi32>,
          %parallel_loop3A_727 = vector.shape_cast %parallel_loop3A_726 : vector<1x16xi32> to vector<16xi32>
          %parallel_loop3A_728 = arith.index_cast %parallel_loop3A_447 : i32 to index
          %parallel_loop3A_729 = arith.constant 48 : index
          %parallel_loop3A_730 = tpu.vector_load %arg12[%parallel_loop3A_728, %parallel_loop3A_729] {strides = array<i32>} : memref<40x64xi32, #tpu.memory_space<vmem>>, vector<1x16xi32>,
          %parallel_loop3A_731 = vector.shape_cast %parallel_loop3A_730 : vector<1x16xi32> to vector<16xi32>
          %parallel_loop3A_732 = arith.constant 16 : i32
          %parallel_loop3A_733 = vector.broadcast %parallel_loop3A_732 : i32 to vector<16xi32>
          %parallel_loop3A_734 = arith.shli %parallel_loop3A_727, %parallel_loop3A_733 : vector<16xi32>
          %parallel_loop3A_735 = tpu.bitcast %parallel_loop3A_734 : vector<16xi32> -> vector<16xf32>
          %parallel_loop3A_736 = arith.constant 16 : i32
          %parallel_loop3A_737 = vector.broadcast %parallel_loop3A_736 : i32 to vector<16xi32>
          %parallel_loop3A_738 = arith.shli %parallel_loop3A_731, %parallel_loop3A_737 : vector<16xi32>
          %parallel_loop3A_739 = tpu.bitcast %parallel_loop3A_738 : vector<16xi32> -> vector<16xf32>
          %parallel_loop3A_740 = arith.addf %parallel_loop3A_735, %parallel_loop3A_739 : vector<16xf32>
          %parallel_loop3A_741 = arith.constant -65536 : i32
          %parallel_loop3A_742 = vector.broadcast %parallel_loop3A_741 : i32 to vector<16xi32>
          %parallel_loop3A_743 = arith.andi %parallel_loop3A_727, %parallel_loop3A_742 : vector<16xi32>
          %parallel_loop3A_744 = tpu.bitcast %parallel_loop3A_743 : vector<16xi32> -> vector<16xf32>
          %parallel_loop3A_745 = arith.constant -65536 : i32
          %parallel_loop3A_746 = vector.broadcast %parallel_loop3A_745 : i32 to vector<16xi32>
          %parallel_loop3A_747 = arith.andi %parallel_loop3A_731, %parallel_loop3A_746 : vector<16xi32>
          %parallel_loop3A_748 = tpu.bitcast %parallel_loop3A_747 : vector<16xi32> -> vector<16xf32>
          %parallel_loop3A_749 = arith.addf %parallel_loop3A_744, %parallel_loop3A_748 : vector<16xf32>
          %parallel_loop3A_750 = tpu.bitcast %parallel_loop3A_740 : vector<16xf32> -> vector<16xi32>
          %parallel_loop3A_751 = arith.constant 32768 : i32
          %parallel_loop3A_752 = vector.broadcast %parallel_loop3A_751 : i32 to vector<16xi32>
          %parallel_loop3A_753 = arith.addi %parallel_loop3A_750, %parallel_loop3A_752 : vector<16xi32>
          %parallel_loop3A_754 = arith.constant 16 : i32
          %parallel_loop3A_755 = vector.broadcast %parallel_loop3A_754 : i32 to vector<16xi32>
          %parallel_loop3A_756 = arith.shrui %parallel_loop3A_753, %parallel_loop3A_755 : vector<16xi32>
          %parallel_loop3A_757 = tpu.bitcast %parallel_loop3A_749 : vector<16xf32> -> vector<16xi32>
          %parallel_loop3A_758 = arith.constant 32768 : i32
          %parallel_loop3A_759 = vector.broadcast %parallel_loop3A_758 : i32 to vector<16xi32>
          %parallel_loop3A_760 = arith.addi %parallel_loop3A_757, %parallel_loop3A_759 : vector<16xi32>
          %parallel_loop3A_761 = arith.constant -65536 : i32
          %parallel_loop3A_762 = vector.broadcast %parallel_loop3A_761 : i32 to vector<16xi32>
          %parallel_loop3A_763 = arith.andi %parallel_loop3A_760, %parallel_loop3A_762 : vector<16xi32>
          %parallel_loop3A_764 = arith.ori %parallel_loop3A_763, %parallel_loop3A_756 : vector<16xi32>
          %parallel_loop3A_765 = arith.index_cast %parallel_loop3A_447 : i32 to index
          %parallel_loop3A_766 = arith.constant 48 : index
          %parallel_loop3A_767 = tpu.vector_load %arg27[%parallel_loop3A_765, %parallel_loop3A_766] {strides = array<i32>} : memref<40x128xi32, #tpu.memory_space<vmem>>, vector<1x16xi32>,
          %parallel_loop3A_768 = vector.shape_cast %parallel_loop3A_767 : vector<1x16xi32> to vector<16xi32>
          %parallel_loop3A_769 = vector.shape_cast %parallel_loop3A_764 : vector<16xi32> to vector<1x16xi32>
          tpu.vector_store %arg27[%parallel_loop3A_765, %parallel_loop3A_766], %parallel_loop3A_769 {strides = array<i32>} : memref<40x128xi32, #tpu.memory_space<vmem>>, vector<1x16xi32>,
          %parallel_loop3A_770 = arith.index_cast %parallel_loop3A_447 : i32 to index
          %parallel_loop3A_771 = arith.constant 48 : index
          %parallel_loop3A_772 = tpu.vector_load %arg13[%parallel_loop3A_770, %parallel_loop3A_771] {strides = array<i32>} : memref<40x64xi32, #tpu.memory_space<vmem>>, vector<1x16xi32>,
          %parallel_loop3A_773 = vector.shape_cast %parallel_loop3A_772 : vector<1x16xi32> to vector<16xi32>
          %parallel_loop3A_774 = arith.index_cast %parallel_loop3A_447 : i32 to index
          %parallel_loop3A_775 = arith.constant 48 : index
          %parallel_loop3A_776 = tpu.vector_load %arg14[%parallel_loop3A_774, %parallel_loop3A_775] {strides = array<i32>} : memref<40x64xi32, #tpu.memory_space<vmem>>, vector<1x16xi32>,
          %parallel_loop3A_777 = vector.shape_cast %parallel_loop3A_776 : vector<1x16xi32> to vector<16xi32>
          %parallel_loop3A_778 = arith.constant 16 : i32
          %parallel_loop3A_779 = vector.broadcast %parallel_loop3A_778 : i32 to vector<16xi32>
          %parallel_loop3A_780 = arith.shli %parallel_loop3A_773, %parallel_loop3A_779 : vector<16xi32>
          %parallel_loop3A_781 = tpu.bitcast %parallel_loop3A_780 : vector<16xi32> -> vector<16xf32>
          %parallel_loop3A_782 = arith.constant 16 : i32
          %parallel_loop3A_783 = vector.broadcast %parallel_loop3A_782 : i32 to vector<16xi32>
          %parallel_loop3A_784 = arith.shli %parallel_loop3A_777, %parallel_loop3A_783 : vector<16xi32>
          %parallel_loop3A_785 = tpu.bitcast %parallel_loop3A_784 : vector<16xi32> -> vector<16xf32>
          %parallel_loop3A_786 = arith.addf %parallel_loop3A_781, %parallel_loop3A_785 : vector<16xf32>
          %parallel_loop3A_787 = arith.constant -65536 : i32
          %parallel_loop3A_788 = vector.broadcast %parallel_loop3A_787 : i32 to vector<16xi32>
          %parallel_loop3A_789 = arith.andi %parallel_loop3A_773, %parallel_loop3A_788 : vector<16xi32>
          %parallel_loop3A_790 = tpu.bitcast %parallel_loop3A_789 : vector<16xi32> -> vector<16xf32>
          %parallel_loop3A_791 = arith.constant -65536 : i32
          %parallel_loop3A_792 = vector.broadcast %parallel_loop3A_791 : i32 to vector<16xi32>
          %parallel_loop3A_793 = arith.andi %parallel_loop3A_777, %parallel_loop3A_792 : vector<16xi32>
          %parallel_loop3A_794 = tpu.bitcast %parallel_loop3A_793 : vector<16xi32> -> vector<16xf32>
          %parallel_loop3A_795 = arith.addf %parallel_loop3A_790, %parallel_loop3A_794 : vector<16xf32>
          %parallel_loop3A_796 = tpu.bitcast %parallel_loop3A_786 : vector<16xf32> -> vector<16xi32>
          %parallel_loop3A_797 = arith.constant 32768 : i32
          %parallel_loop3A_798 = vector.broadcast %parallel_loop3A_797 : i32 to vector<16xi32>
          %parallel_loop3A_799 = arith.addi %parallel_loop3A_796, %parallel_loop3A_798 : vector<16xi32>
          %parallel_loop3A_800 = arith.constant 16 : i32
          %parallel_loop3A_801 = vector.broadcast %parallel_loop3A_800 : i32 to vector<16xi32>
          %parallel_loop3A_802 = arith.shrui %parallel_loop3A_799, %parallel_loop3A_801 : vector<16xi32>
          %parallel_loop3A_803 = tpu.bitcast %parallel_loop3A_795 : vector<16xf32> -> vector<16xi32>
          %parallel_loop3A_804 = arith.constant 32768 : i32
          %parallel_loop3A_805 = vector.broadcast %parallel_loop3A_804 : i32 to vector<16xi32>
          %parallel_loop3A_806 = arith.addi %parallel_loop3A_803, %parallel_loop3A_805 : vector<16xi32>
          %parallel_loop3A_807 = arith.constant -65536 : i32
          %parallel_loop3A_808 = vector.broadcast %parallel_loop3A_807 : i32 to vector<16xi32>
          %parallel_loop3A_809 = arith.andi %parallel_loop3A_806, %parallel_loop3A_808 : vector<16xi32>
          %parallel_loop3A_810 = arith.ori %parallel_loop3A_809, %parallel_loop3A_802 : vector<16xi32>
          %parallel_loop3A_811 = arith.index_cast %parallel_loop3A_447 : i32 to index
          %parallel_loop3A_812 = arith.constant 112 : index
          %parallel_loop3A_813 = tpu.vector_load %arg27[%parallel_loop3A_811, %parallel_loop3A_812] {strides = array<i32>} : memref<40x128xi32, #tpu.memory_space<vmem>>, vector<1x16xi32>,
          %parallel_loop3A_814 = vector.shape_cast %parallel_loop3A_813 : vector<1x16xi32> to vector<16xi32>
          %parallel_loop3A_815 = vector.shape_cast %parallel_loop3A_810 : vector<16xi32> to vector<1x16xi32>
          tpu.vector_store %arg27[%parallel_loop3A_811, %parallel_loop3A_812], %parallel_loop3A_815 {strides = array<i32>} : memref<40x128xi32, #tpu.memory_space<vmem>>, vector<1x16xi32>,
        } {sc.loop_unroll_factor = 2 : i64, sc.parallel_access}
        %mul3A_439 = arith.constant 40 : i32
        %mul3A_440 = arith.muli %add3A_328, %mul3A_439 : i32
        %add3A_441 = arith.addi %multiple_of3A, %mul3A_440 : i32
        %multiple_of3A_442 = tpu.assume_multiple %add3A_441, 40 : i32
        %dma_start3A_443 = arith.constant 0 : i32
        %dma_start3A_444 = tpu.memref_slice %arg6[%multiple_of3A_442, %dma_start3A_443] : memref<160000x128xi32, #tpu.memory_space<hbm>> -> memref<40x128xi32, #tpu.memory_space<hbm>>
        %dma_start3A_445 = arith.constant 0 : i32
        %dma_start3A_446 = tpu.memref_slice %arg6[%multiple_of3A_442, %dma_start3A_445] : memref<160000x128xi32, #tpu.memory_space<hbm>> -> memref<40x128xi32, #tpu.memory_space<hbm>>
        tpu.enqueue_dma source(%arg27 : memref<40x128xi32, #tpu.memory_space<vmem>>) target(%dma_start3A_446 : memref<40x128xi32, #tpu.memory_space<hbm>>) target_semaphore(%arg35 : memref<!tpu.dma_semaphore, #tpu.memory_space<semaphore_mem>>)
      } else {
      }
      %mul3A_346 = arith.constant 4 : i32
      %mul3A_347 = arith.muli %scan3A_324, %mul3A_346 : i32
      %add3A_348 = arith.constant 1 : i32
      %add3A_349 = arith.addi %mul3A_347, %add3A_348 : i32
      %ge3A_350 = arith.constant 2 : i32
      %ge3A_351 = arith.cmpi sge, %add3A_349, %ge3A_350 : i32
      %lt3A_352 = arith.constant 125 : i32
      %lt3A_353 = arith.cmpi slt, %add3A_349, %lt3A_352 : i32
      %and3A_354 = arith.andi %ge3A_351, %lt3A_353 : i1
      %convert_element_type3A_355 = arith.extui %and3A_354 : i1 to i32
      %cond3A_356 = arith.constant 0 : i32
      %cond3A_357 = arith.cmpi ne, %convert_element_type3A_355, %cond3A_356 : i32
      scf.if %cond3A_357 {
        %dma_wait3A_418 = arith.constant 0 : i32
        %dma_wait3A_419 = arith.constant 0 : i32
        %dma_wait3A_420 = tpu.memref_slice %arg6[%dma_wait3A_418, %dma_wait3A_419] : memref<160000x128xi32, #tpu.memory_space<hbm>> -> memref<40x128xi32, #tpu.memory_space<hbm>>
        %dma_wait3A_421 = arith.constant 0 : i32
        %dma_wait3A_422 = arith.constant 0 : i32
        %dma_wait3A_423 = tpu.memref_slice %arg6[%dma_wait3A_421, %dma_wait3A_422] : memref<160000x128xi32, #tpu.memory_space<hbm>> -> memref<40x128xi32, #tpu.memory_space<hbm>>
        tpu.wait_dma2 semaphore(%arg38 : memref<!tpu.dma_semaphore, #tpu.memory_space<semaphore_mem>>) src(%arg30 : memref<40x128xi32, #tpu.memory_space<vmem>>) dst(%dma_wait3A_423 : memref<40x128xi32, #tpu.memory_space<hbm>>)
      } else {
      }
      %add3A_358 = arith.constant 2 : i32
      %add3A_359 = arith.addi %add3A_349, %add3A_358 : i32
      %lt3A_360 = arith.constant 125 : i32
      %lt3A_361 = arith.cmpi slt, %add3A_359, %lt3A_360 : i32
      %convert_element_type3A_362 = arith.extui %lt3A_361 : i1 to i32
      %cond3A_363 = arith.constant 0 : i32
      %cond3A_364 = arith.cmpi ne, %convert_element_type3A_362, %cond3A_363 : i32
      scf.if %cond3A_364 {
        %add3A_418 = arith.constant 2 : i32
        %add3A_419 = arith.addi %add3A_349, %add3A_418 : i32
        %mul3A_420 = arith.constant 40 : i32
        %mul3A_421 = arith.muli %add3A_419, %mul3A_420 : i32
        %multiple_of3A_422 = tpu.assume_multiple %mul3A_421, 40 : i32
        %dma_start3A_423 = tpu.memref_slice %arg7[%multiple_of3A_422] : memref<5000xi32, #tpu.memory_space<vmem>> -> memref<40xi32, #tpu.memory_space<vmem>>
        %dma_start3A_424 = arith.constant 0 : i32
        %dma_start3A_425 = arith.constant 0 : i32
        %dma_start3A_426 = tpu.memref_slice %arg2[%dma_start3A_424, %dma_start3A_425] : memref<10000x64xi32, #tpu.memory_space<hbm>> -> memref<10000x64xi32, #tpu.memory_space<hbm>>
        tpu.enqueue_indirect_dma source(%dma_start3A_426 : memref<10000x64xi32, #tpu.memory_space<hbm>>) target(%arg23 : memref<40x64xi32, #tpu.memory_space<vmem>>) offsets(%dma_start3A_423 : memref<40xi32, #tpu.memory_space<vmem>>) semaphore(%arg34 : memref<!tpu.dma_semaphore, #tpu.memory_space<semaphore_mem>>)
        %dma_start3A_427 = tpu.memref_slice %arg8[%multiple_of3A_422] : memref<5000xi32, #tpu.memory_space<vmem>> -> memref<40xi32, #tpu.memory_space<vmem>>
        %dma_start3A_428 = arith.constant 0 : i32
        %dma_start3A_429 = arith.constant 0 : i32
        %dma_start3A_430 = tpu.memref_slice %arg3[%dma_start3A_428, %dma_start3A_429] : memref<10000x64xi32, #tpu.memory_space<hbm>> -> memref<10000x64xi32, #tpu.memory_space<hbm>>
        tpu.enqueue_indirect_dma source(%dma_start3A_430 : memref<10000x64xi32, #tpu.memory_space<hbm>>) target(%arg24 : memref<40x64xi32, #tpu.memory_space<vmem>>) offsets(%dma_start3A_427 : memref<40xi32, #tpu.memory_space<vmem>>) semaphore(%arg34 : memref<!tpu.dma_semaphore, #tpu.memory_space<semaphore_mem>>)
        %dma_start3A_431 = tpu.memref_slice %arg9[%multiple_of3A_422] : memref<5000xi32, #tpu.memory_space<vmem>> -> memref<40xi32, #tpu.memory_space<vmem>>
        %dma_start3A_432 = arith.constant 0 : i32
        %dma_start3A_433 = arith.constant 0 : i32
        %dma_start3A_434 = tpu.memref_slice %arg2[%dma_start3A_432, %dma_start3A_433] : memref<10000x64xi32, #tpu.memory_space<hbm>> -> memref<10000x64xi32, #tpu.memory_space<hbm>>
        tpu.enqueue_indirect_dma source(%dma_start3A_434 : memref<10000x64xi32, #tpu.memory_space<hbm>>) target(%arg25 : memref<40x64xi32, #tpu.memory_space<vmem>>) offsets(%dma_start3A_431 : memref<40xi32, #tpu.memory_space<vmem>>) semaphore(%arg34 : memref<!tpu.dma_semaphore, #tpu.memory_space<semaphore_mem>>)
        %dma_start3A_435 = tpu.memref_slice %arg10[%multiple_of3A_422] : memref<5000xi32, #tpu.memory_space<vmem>> -> memref<40xi32, #tpu.memory_space<vmem>>
        %dma_start3A_436 = arith.constant 0 : i32
        %dma_start3A_437 = arith.constant 0 : i32
        %dma_start3A_438 = tpu.memref_slice %arg3[%dma_start3A_436, %dma_start3A_437] : memref<10000x64xi32, #tpu.memory_space<hbm>> -> memref<10000x64xi32, #tpu.memory_space<hbm>>
        tpu.enqueue_indirect_dma source(%dma_start3A_438 : memref<10000x64xi32, #tpu.memory_space<hbm>>) target(%arg26 : memref<40x64xi32, #tpu.memory_space<vmem>>) offsets(%dma_start3A_435 : memref<40xi32, #tpu.memory_space<vmem>>) semaphore(%arg34 : memref<!tpu.dma_semaphore, #tpu.memory_space<semaphore_mem>>)
      } else {
      }
      %lt3A_365 = arith.constant 125 : i32
      %lt3A_366 = arith.cmpi slt, %add3A_349, %lt3A_365 : i32
      %convert_element_type3A_367 = arith.extui %lt3A_366 : i1 to i32
      %cond3A_368 = arith.constant 0 : i32
      %cond3A_369 = arith.cmpi ne, %convert_element_type3A_367, %cond3A_368 : i32
      scf.if %cond3A_369 {
        %mul3A_418 = arith.constant 40 : i32
        %mul3A_419 = arith.muli %add3A_349, %mul3A_418 : i32
        %multiple_of3A_420 = tpu.assume_multiple %mul3A_419, 40 : i32
        %dma_wait3A_421 = tpu.memref_slice %arg7[%multiple_of3A_420] : memref<5000xi32, #tpu.memory_space<vmem>> -> memref<40xi32, #tpu.memory_space<vmem>>
        %dma_wait3A_422 = arith.constant 0 : i32
        %dma_wait3A_423 = arith.constant 0 : i32
        %dma_wait3A_424 = tpu.memref_slice %arg2[%dma_wait3A_422, %dma_wait3A_423] : memref<10000x64xi32, #tpu.memory_space<hbm>> -> memref<10000x64xi32, #tpu.memory_space<hbm>>
        tpu.wait_indirect_dma semaphore(%arg32 : memref<!tpu.dma_semaphore, #tpu.memory_space<semaphore_mem>>) src(%dma_wait3A_424 : memref<10000x64xi32, #tpu.memory_space<hbm>>) dst(%arg15 : memref<40x64xi32, #tpu.memory_space<vmem>>)
        %dma_wait3A_425 = tpu.memref_slice %arg8[%multiple_of3A_420] : memref<5000xi32, #tpu.memory_space<vmem>> -> memref<40xi32, #tpu.memory_space<vmem>>
        %dma_wait3A_426 = arith.constant 0 : i32
        %dma_wait3A_427 = arith.constant 0 : i32
        %dma_wait3A_428 = tpu.memref_slice %arg3[%dma_wait3A_426, %dma_wait3A_427] : memref<10000x64xi32, #tpu.memory_space<hbm>> -> memref<10000x64xi32, #tpu.memory_space<hbm>>
        tpu.wait_indirect_dma semaphore(%arg32 : memref<!tpu.dma_semaphore, #tpu.memory_space<semaphore_mem>>) src(%dma_wait3A_428 : memref<10000x64xi32, #tpu.memory_space<hbm>>) dst(%arg16 : memref<40x64xi32, #tpu.memory_space<vmem>>)
        %dma_wait3A_429 = tpu.memref_slice %arg9[%multiple_of3A_420] : memref<5000xi32, #tpu.memory_space<vmem>> -> memref<40xi32, #tpu.memory_space<vmem>>
        %dma_wait3A_430 = arith.constant 0 : i32
        %dma_wait3A_431 = arith.constant 0 : i32
        %dma_wait3A_432 = tpu.memref_slice %arg2[%dma_wait3A_430, %dma_wait3A_431] : memref<10000x64xi32, #tpu.memory_space<hbm>> -> memref<10000x64xi32, #tpu.memory_space<hbm>>
        tpu.wait_indirect_dma semaphore(%arg32 : memref<!tpu.dma_semaphore, #tpu.memory_space<semaphore_mem>>) src(%dma_wait3A_432 : memref<10000x64xi32, #tpu.memory_space<hbm>>) dst(%arg17 : memref<40x64xi32, #tpu.memory_space<vmem>>)
        %dma_wait3A_433 = tpu.memref_slice %arg10[%multiple_of3A_420] : memref<5000xi32, #tpu.memory_space<vmem>> -> memref<40xi32, #tpu.memory_space<vmem>>
        %dma_wait3A_434 = arith.constant 0 : i32
        %dma_wait3A_435 = arith.constant 0 : i32
        %dma_wait3A_436 = tpu.memref_slice %arg3[%dma_wait3A_434, %dma_wait3A_435] : memref<10000x64xi32, #tpu.memory_space<hbm>> -> memref<10000x64xi32, #tpu.memory_space<hbm>>
        tpu.wait_indirect_dma semaphore(%arg32 : memref<!tpu.dma_semaphore, #tpu.memory_space<semaphore_mem>>) src(%dma_wait3A_436 : memref<10000x64xi32, #tpu.memory_space<hbm>>) dst(%arg18 : memref<40x64xi32, #tpu.memory_space<vmem>>)
        %parallel_loop3A = arith.constant 0 : i32
        %parallel_loop3A_437 = arith.constant 40 : i32
        %parallel_loop3A_438 = arith.constant 1 : i32
        scf.for %parallel_loop3A_447 = %parallel_loop3A to %parallel_loop3A_437 step %parallel_loop3A_438  : i32 {
          %parallel_loop3A_448 = arith.index_cast %parallel_loop3A_447 : i32 to index
          %parallel_loop3A_449 = arith.constant 0 : index
          %parallel_loop3A_450 = tpu.vector_load %arg15[%parallel_loop3A_448, %parallel_loop3A_449] {strides = array<i32>} : memref<40x64xi32, #tpu.memory_space<vmem>>, vector<1x16xi32>,
          %parallel_loop3A_451 = vector.shape_cast %parallel_loop3A_450 : vector<1x16xi32> to vector<16xi32>
          %parallel_loop3A_452 = arith.index_cast %parallel_loop3A_447 : i32 to index
          %parallel_loop3A_453 = arith.constant 0 : index
          %parallel_loop3A_454 = tpu.vector_load %arg16[%parallel_loop3A_452, %parallel_loop3A_453] {strides = array<i32>} : memref<40x64xi32, #tpu.memory_space<vmem>>, vector<1x16xi32>,
          %parallel_loop3A_455 = vector.shape_cast %parallel_loop3A_454 : vector<1x16xi32> to vector<16xi32>
          %parallel_loop3A_456 = arith.constant 16 : i32
          %parallel_loop3A_457 = vector.broadcast %parallel_loop3A_456 : i32 to vector<16xi32>
          %parallel_loop3A_458 = arith.shli %parallel_loop3A_451, %parallel_loop3A_457 : vector<16xi32>
          %parallel_loop3A_459 = tpu.bitcast %parallel_loop3A_458 : vector<16xi32> -> vector<16xf32>
          %parallel_loop3A_460 = arith.constant 16 : i32
          %parallel_loop3A_461 = vector.broadcast %parallel_loop3A_460 : i32 to vector<16xi32>
          %parallel_loop3A_462 = arith.shli %parallel_loop3A_455, %parallel_loop3A_461 : vector<16xi32>
          %parallel_loop3A_463 = tpu.bitcast %parallel_loop3A_462 : vector<16xi32> -> vector<16xf32>
          %parallel_loop3A_464 = arith.addf %parallel_loop3A_459, %parallel_loop3A_463 : vector<16xf32>
          %parallel_loop3A_465 = arith.constant -65536 : i32
          %parallel_loop3A_466 = vector.broadcast %parallel_loop3A_465 : i32 to vector<16xi32>
          %parallel_loop3A_467 = arith.andi %parallel_loop3A_451, %parallel_loop3A_466 : vector<16xi32>
          %parallel_loop3A_468 = tpu.bitcast %parallel_loop3A_467 : vector<16xi32> -> vector<16xf32>
          %parallel_loop3A_469 = arith.constant -65536 : i32
          %parallel_loop3A_470 = vector.broadcast %parallel_loop3A_469 : i32 to vector<16xi32>
          %parallel_loop3A_471 = arith.andi %parallel_loop3A_455, %parallel_loop3A_470 : vector<16xi32>
          %parallel_loop3A_472 = tpu.bitcast %parallel_loop3A_471 : vector<16xi32> -> vector<16xf32>
          %parallel_loop3A_473 = arith.addf %parallel_loop3A_468, %parallel_loop3A_472 : vector<16xf32>
          %parallel_loop3A_474 = tpu.bitcast %parallel_loop3A_464 : vector<16xf32> -> vector<16xi32>
          %parallel_loop3A_475 = arith.constant 32768 : i32
          %parallel_loop3A_476 = vector.broadcast %parallel_loop3A_475 : i32 to vector<16xi32>
          %parallel_loop3A_477 = arith.addi %parallel_loop3A_474, %parallel_loop3A_476 : vector<16xi32>
          %parallel_loop3A_478 = arith.constant 16 : i32
          %parallel_loop3A_479 = vector.broadcast %parallel_loop3A_478 : i32 to vector<16xi32>
          %parallel_loop3A_480 = arith.shrui %parallel_loop3A_477, %parallel_loop3A_479 : vector<16xi32>
          %parallel_loop3A_481 = tpu.bitcast %parallel_loop3A_473 : vector<16xf32> -> vector<16xi32>
          %parallel_loop3A_482 = arith.constant 32768 : i32
          %parallel_loop3A_483 = vector.broadcast %parallel_loop3A_482 : i32 to vector<16xi32>
          %parallel_loop3A_484 = arith.addi %parallel_loop3A_481, %parallel_loop3A_483 : vector<16xi32>
          %parallel_loop3A_485 = arith.constant -65536 : i32
          %parallel_loop3A_486 = vector.broadcast %parallel_loop3A_485 : i32 to vector<16xi32>
          %parallel_loop3A_487 = arith.andi %parallel_loop3A_484, %parallel_loop3A_486 : vector<16xi32>
          %parallel_loop3A_488 = arith.ori %parallel_loop3A_487, %parallel_loop3A_480 : vector<16xi32>
          %parallel_loop3A_489 = arith.index_cast %parallel_loop3A_447 : i32 to index
          %parallel_loop3A_490 = arith.constant 0 : index
          %parallel_loop3A_491 = tpu.vector_load %arg28[%parallel_loop3A_489, %parallel_loop3A_490] {strides = array<i32>} : memref<40x128xi32, #tpu.memory_space<vmem>>, vector<1x16xi32>,
          %parallel_loop3A_492 = vector.shape_cast %parallel_loop3A_491 : vector<1x16xi32> to vector<16xi32>
          %parallel_loop3A_493 = vector.shape_cast %parallel_loop3A_488 : vector<16xi32> to vector<1x16xi32>
          tpu.vector_store %arg28[%parallel_loop3A_489, %parallel_loop3A_490], %parallel_loop3A_493 {strides = array<i32>} : memref<40x128xi32, #tpu.memory_space<vmem>>, vector<1x16xi32>,
          %parallel_loop3A_494 = arith.index_cast %parallel_loop3A_447 : i32 to index
          %parallel_loop3A_495 = arith.constant 0 : index
          %parallel_loop3A_496 = tpu.vector_load %arg17[%parallel_loop3A_494, %parallel_loop3A_495] {strides = array<i32>} : memref<40x64xi32, #tpu.memory_space<vmem>>, vector<1x16xi32>,
          %parallel_loop3A_497 = vector.shape_cast %parallel_loop3A_496 : vector<1x16xi32> to vector<16xi32>
          %parallel_loop3A_498 = arith.index_cast %parallel_loop3A_447 : i32 to index
          %parallel_loop3A_499 = arith.constant 0 : index
          %parallel_loop3A_500 = tpu.vector_load %arg18[%parallel_loop3A_498, %parallel_loop3A_499] {strides = array<i32>} : memref<40x64xi32, #tpu.memory_space<vmem>>, vector<1x16xi32>,
          %parallel_loop3A_501 = vector.shape_cast %parallel_loop3A_500 : vector<1x16xi32> to vector<16xi32>
          %parallel_loop3A_502 = arith.constant 16 : i32
          %parallel_loop3A_503 = vector.broadcast %parallel_loop3A_502 : i32 to vector<16xi32>
          %parallel_loop3A_504 = arith.shli %parallel_loop3A_497, %parallel_loop3A_503 : vector<16xi32>
          %parallel_loop3A_505 = tpu.bitcast %parallel_loop3A_504 : vector<16xi32> -> vector<16xf32>
          %parallel_loop3A_506 = arith.constant 16 : i32
          %parallel_loop3A_507 = vector.broadcast %parallel_loop3A_506 : i32 to vector<16xi32>
          %parallel_loop3A_508 = arith.shli %parallel_loop3A_501, %parallel_loop3A_507 : vector<16xi32>
          %parallel_loop3A_509 = tpu.bitcast %parallel_loop3A_508 : vector<16xi32> -> vector<16xf32>
          %parallel_loop3A_510 = arith.addf %parallel_loop3A_505, %parallel_loop3A_509 : vector<16xf32>
          %parallel_loop3A_511 = arith.constant -65536 : i32
          %parallel_loop3A_512 = vector.broadcast %parallel_loop3A_511 : i32 to vector<16xi32>
          %parallel_loop3A_513 = arith.andi %parallel_loop3A_497, %parallel_loop3A_512 : vector<16xi32>
          %parallel_loop3A_514 = tpu.bitcast %parallel_loop3A_513 : vector<16xi32> -> vector<16xf32>
          %parallel_loop3A_515 = arith.constant -65536 : i32
          %parallel_loop3A_516 = vector.broadcast %parallel_loop3A_515 : i32 to vector<16xi32>
          %parallel_loop3A_517 = arith.andi %parallel_loop3A_501, %parallel_loop3A_516 : vector<16xi32>
          %parallel_loop3A_518 = tpu.bitcast %parallel_loop3A_517 : vector<16xi32> -> vector<16xf32>
          %parallel_loop3A_519 = arith.addf %parallel_loop3A_514, %parallel_loop3A_518 : vector<16xf32>
          %parallel_loop3A_520 = tpu.bitcast %parallel_loop3A_510 : vector<16xf32> -> vector<16xi32>
          %parallel_loop3A_521 = arith.constant 32768 : i32
          %parallel_loop3A_522 = vector.broadcast %parallel_loop3A_521 : i32 to vector<16xi32>
          %parallel_loop3A_523 = arith.addi %parallel_loop3A_520, %parallel_loop3A_522 : vector<16xi32>
          %parallel_loop3A_524 = arith.constant 16 : i32
          %parallel_loop3A_525 = vector.broadcast %parallel_loop3A_524 : i32 to vector<16xi32>
          %parallel_loop3A_526 = arith.shrui %parallel_loop3A_523, %parallel_loop3A_525 : vector<16xi32>
          %parallel_loop3A_527 = tpu.bitcast %parallel_loop3A_519 : vector<16xf32> -> vector<16xi32>
          %parallel_loop3A_528 = arith.constant 32768 : i32
          %parallel_loop3A_529 = vector.broadcast %parallel_loop3A_528 : i32 to vector<16xi32>
          %parallel_loop3A_530 = arith.addi %parallel_loop3A_527, %parallel_loop3A_529 : vector<16xi32>
          %parallel_loop3A_531 = arith.constant -65536 : i32
          %parallel_loop3A_532 = vector.broadcast %parallel_loop3A_531 : i32 to vector<16xi32>
          %parallel_loop3A_533 = arith.andi %parallel_loop3A_530, %parallel_loop3A_532 : vector<16xi32>
          %parallel_loop3A_534 = arith.ori %parallel_loop3A_533, %parallel_loop3A_526 : vector<16xi32>
          %parallel_loop3A_535 = arith.index_cast %parallel_loop3A_447 : i32 to index
          %parallel_loop3A_536 = arith.constant 64 : index
          %parallel_loop3A_537 = tpu.vector_load %arg28[%parallel_loop3A_535, %parallel_loop3A_536] {strides = array<i32>} : memref<40x128xi32, #tpu.memory_space<vmem>>, vector<1x16xi32>,
          %parallel_loop3A_538 = vector.shape_cast %parallel_loop3A_537 : vector<1x16xi32> to vector<16xi32>
          %parallel_loop3A_539 = vector.shape_cast %parallel_loop3A_534 : vector<16xi32> to vector<1x16xi32>
          tpu.vector_store %arg28[%parallel_loop3A_535, %parallel_loop3A_536], %parallel_loop3A_539 {strides = array<i32>} : memref<40x128xi32, #tpu.memory_space<vmem>>, vector<1x16xi32>,
          %parallel_loop3A_540 = arith.index_cast %parallel_loop3A_447 : i32 to index
          %parallel_loop3A_541 = arith.constant 16 : index
          %parallel_loop3A_542 = tpu.vector_load %arg15[%parallel_loop3A_540, %parallel_loop3A_541] {strides = array<i32>} : memref<40x64xi32, #tpu.memory_space<vmem>>, vector<1x16xi32>,
          %parallel_loop3A_543 = vector.shape_cast %parallel_loop3A_542 : vector<1x16xi32> to vector<16xi32>
          %parallel_loop3A_544 = arith.index_cast %parallel_loop3A_447 : i32 to index
          %parallel_loop3A_545 = arith.constant 16 : index
          %parallel_loop3A_546 = tpu.vector_load %arg16[%parallel_loop3A_544, %parallel_loop3A_545] {strides = array<i32>} : memref<40x64xi32, #tpu.memory_space<vmem>>, vector<1x16xi32>,
          %parallel_loop3A_547 = vector.shape_cast %parallel_loop3A_546 : vector<1x16xi32> to vector<16xi32>
          %parallel_loop3A_548 = arith.constant 16 : i32
          %parallel_loop3A_549 = vector.broadcast %parallel_loop3A_548 : i32 to vector<16xi32>
          %parallel_loop3A_550 = arith.shli %parallel_loop3A_543, %parallel_loop3A_549 : vector<16xi32>
          %parallel_loop3A_551 = tpu.bitcast %parallel_loop3A_550 : vector<16xi32> -> vector<16xf32>
          %parallel_loop3A_552 = arith.constant 16 : i32
          %parallel_loop3A_553 = vector.broadcast %parallel_loop3A_552 : i32 to vector<16xi32>
          %parallel_loop3A_554 = arith.shli %parallel_loop3A_547, %parallel_loop3A_553 : vector<16xi32>
          %parallel_loop3A_555 = tpu.bitcast %parallel_loop3A_554 : vector<16xi32> -> vector<16xf32>
          %parallel_loop3A_556 = arith.addf %parallel_loop3A_551, %parallel_loop3A_555 : vector<16xf32>
          %parallel_loop3A_557 = arith.constant -65536 : i32
          %parallel_loop3A_558 = vector.broadcast %parallel_loop3A_557 : i32 to vector<16xi32>
          %parallel_loop3A_559 = arith.andi %parallel_loop3A_543, %parallel_loop3A_558 : vector<16xi32>
          %parallel_loop3A_560 = tpu.bitcast %parallel_loop3A_559 : vector<16xi32> -> vector<16xf32>
          %parallel_loop3A_561 = arith.constant -65536 : i32
          %parallel_loop3A_562 = vector.broadcast %parallel_loop3A_561 : i32 to vector<16xi32>
          %parallel_loop3A_563 = arith.andi %parallel_loop3A_547, %parallel_loop3A_562 : vector<16xi32>
          %parallel_loop3A_564 = tpu.bitcast %parallel_loop3A_563 : vector<16xi32> -> vector<16xf32>
          %parallel_loop3A_565 = arith.addf %parallel_loop3A_560, %parallel_loop3A_564 : vector<16xf32>
          %parallel_loop3A_566 = tpu.bitcast %parallel_loop3A_556 : vector<16xf32> -> vector<16xi32>
          %parallel_loop3A_567 = arith.constant 32768 : i32
          %parallel_loop3A_568 = vector.broadcast %parallel_loop3A_567 : i32 to vector<16xi32>
          %parallel_loop3A_569 = arith.addi %parallel_loop3A_566, %parallel_loop3A_568 : vector<16xi32>
          %parallel_loop3A_570 = arith.constant 16 : i32
          %parallel_loop3A_571 = vector.broadcast %parallel_loop3A_570 : i32 to vector<16xi32>
          %parallel_loop3A_572 = arith.shrui %parallel_loop3A_569, %parallel_loop3A_571 : vector<16xi32>
          %parallel_loop3A_573 = tpu.bitcast %parallel_loop3A_565 : vector<16xf32> -> vector<16xi32>
          %parallel_loop3A_574 = arith.constant 32768 : i32
          %parallel_loop3A_575 = vector.broadcast %parallel_loop3A_574 : i32 to vector<16xi32>
          %parallel_loop3A_576 = arith.addi %parallel_loop3A_573, %parallel_loop3A_575 : vector<16xi32>
          %parallel_loop3A_577 = arith.constant -65536 : i32
          %parallel_loop3A_578 = vector.broadcast %parallel_loop3A_577 : i32 to vector<16xi32>
          %parallel_loop3A_579 = arith.andi %parallel_loop3A_576, %parallel_loop3A_578 : vector<16xi32>
          %parallel_loop3A_580 = arith.ori %parallel_loop3A_579, %parallel_loop3A_572 : vector<16xi32>
          %parallel_loop3A_581 = arith.index_cast %parallel_loop3A_447 : i32 to index
          %parallel_loop3A_582 = arith.constant 16 : index
          %parallel_loop3A_583 = tpu.vector_load %arg28[%parallel_loop3A_581, %parallel_loop3A_582] {strides = array<i32>} : memref<40x128xi32, #tpu.memory_space<vmem>>, vector<1x16xi32>,
          %parallel_loop3A_584 = vector.shape_cast %parallel_loop3A_583 : vector<1x16xi32> to vector<16xi32>
          %parallel_loop3A_585 = vector.shape_cast %parallel_loop3A_580 : vector<16xi32> to vector<1x16xi32>
          tpu.vector_store %arg28[%parallel_loop3A_581, %parallel_loop3A_582], %parallel_loop3A_585 {strides = array<i32>} : memref<40x128xi32, #tpu.memory_space<vmem>>, vector<1x16xi32>,
          %parallel_loop3A_586 = arith.index_cast %parallel_loop3A_447 : i32 to index
          %parallel_loop3A_587 = arith.constant 16 : index
          %parallel_loop3A_588 = tpu.vector_load %arg17[%parallel_loop3A_586, %parallel_loop3A_587] {strides = array<i32>} : memref<40x64xi32, #tpu.memory_space<vmem>>, vector<1x16xi32>,
          %parallel_loop3A_589 = vector.shape_cast %parallel_loop3A_588 : vector<1x16xi32> to vector<16xi32>
          %parallel_loop3A_590 = arith.index_cast %parallel_loop3A_447 : i32 to index
          %parallel_loop3A_591 = arith.constant 16 : index
          %parallel_loop3A_592 = tpu.vector_load %arg18[%parallel_loop3A_590, %parallel_loop3A_591] {strides = array<i32>} : memref<40x64xi32, #tpu.memory_space<vmem>>, vector<1x16xi32>,
          %parallel_loop3A_593 = vector.shape_cast %parallel_loop3A_592 : vector<1x16xi32> to vector<16xi32>
          %parallel_loop3A_594 = arith.constant 16 : i32
          %parallel_loop3A_595 = vector.broadcast %parallel_loop3A_594 : i32 to vector<16xi32>
          %parallel_loop3A_596 = arith.shli %parallel_loop3A_589, %parallel_loop3A_595 : vector<16xi32>
          %parallel_loop3A_597 = tpu.bitcast %parallel_loop3A_596 : vector<16xi32> -> vector<16xf32>
          %parallel_loop3A_598 = arith.constant 16 : i32
          %parallel_loop3A_599 = vector.broadcast %parallel_loop3A_598 : i32 to vector<16xi32>
          %parallel_loop3A_600 = arith.shli %parallel_loop3A_593, %parallel_loop3A_599 : vector<16xi32>
          %parallel_loop3A_601 = tpu.bitcast %parallel_loop3A_600 : vector<16xi32> -> vector<16xf32>
          %parallel_loop3A_602 = arith.addf %parallel_loop3A_597, %parallel_loop3A_601 : vector<16xf32>
          %parallel_loop3A_603 = arith.constant -65536 : i32
          %parallel_loop3A_604 = vector.broadcast %parallel_loop3A_603 : i32 to vector<16xi32>
          %parallel_loop3A_605 = arith.andi %parallel_loop3A_589, %parallel_loop3A_604 : vector<16xi32>
          %parallel_loop3A_606 = tpu.bitcast %parallel_loop3A_605 : vector<16xi32> -> vector<16xf32>
          %parallel_loop3A_607 = arith.constant -65536 : i32
          %parallel_loop3A_608 = vector.broadcast %parallel_loop3A_607 : i32 to vector<16xi32>
          %parallel_loop3A_609 = arith.andi %parallel_loop3A_593, %parallel_loop3A_608 : vector<16xi32>
          %parallel_loop3A_610 = tpu.bitcast %parallel_loop3A_609 : vector<16xi32> -> vector<16xf32>
          %parallel_loop3A_611 = arith.addf %parallel_loop3A_606, %parallel_loop3A_610 : vector<16xf32>
          %parallel_loop3A_612 = tpu.bitcast %parallel_loop3A_602 : vector<16xf32> -> vector<16xi32>
          %parallel_loop3A_613 = arith.constant 32768 : i32
          %parallel_loop3A_614 = vector.broadcast %parallel_loop3A_613 : i32 to vector<16xi32>
          %parallel_loop3A_615 = arith.addi %parallel_loop3A_612, %parallel_loop3A_614 : vector<16xi32>
          %parallel_loop3A_616 = arith.constant 16 : i32
          %parallel_loop3A_617 = vector.broadcast %parallel_loop3A_616 : i32 to vector<16xi32>
          %parallel_loop3A_618 = arith.shrui %parallel_loop3A_615, %parallel_loop3A_617 : vector<16xi32>
          %parallel_loop3A_619 = tpu.bitcast %parallel_loop3A_611 : vector<16xf32> -> vector<16xi32>
          %parallel_loop3A_620 = arith.constant 32768 : i32
          %parallel_loop3A_621 = vector.broadcast %parallel_loop3A_620 : i32 to vector<16xi32>
          %parallel_loop3A_622 = arith.addi %parallel_loop3A_619, %parallel_loop3A_621 : vector<16xi32>
          %parallel_loop3A_623 = arith.constant -65536 : i32
          %parallel_loop3A_624 = vector.broadcast %parallel_loop3A_623 : i32 to vector<16xi32>
          %parallel_loop3A_625 = arith.andi %parallel_loop3A_622, %parallel_loop3A_624 : vector<16xi32>
          %parallel_loop3A_626 = arith.ori %parallel_loop3A_625, %parallel_loop3A_618 : vector<16xi32>
          %parallel_loop3A_627 = arith.index_cast %parallel_loop3A_447 : i32 to index
          %parallel_loop3A_628 = arith.constant 80 : index
          %parallel_loop3A_629 = tpu.vector_load %arg28[%parallel_loop3A_627, %parallel_loop3A_628] {strides = array<i32>} : memref<40x128xi32, #tpu.memory_space<vmem>>, vector<1x16xi32>,
          %parallel_loop3A_630 = vector.shape_cast %parallel_loop3A_629 : vector<1x16xi32> to vector<16xi32>
          %parallel_loop3A_631 = vector.shape_cast %parallel_loop3A_626 : vector<16xi32> to vector<1x16xi32>
          tpu.vector_store %arg28[%parallel_loop3A_627, %parallel_loop3A_628], %parallel_loop3A_631 {strides = array<i32>} : memref<40x128xi32, #tpu.memory_space<vmem>>, vector<1x16xi32>,
          %parallel_loop3A_632 = arith.index_cast %parallel_loop3A_447 : i32 to index
          %parallel_loop3A_633 = arith.constant 32 : index
          %parallel_loop3A_634 = tpu.vector_load %arg15[%parallel_loop3A_632, %parallel_loop3A_633] {strides = array<i32>} : memref<40x64xi32, #tpu.memory_space<vmem>>, vector<1x16xi32>,
          %parallel_loop3A_635 = vector.shape_cast %parallel_loop3A_634 : vector<1x16xi32> to vector<16xi32>
          %parallel_loop3A_636 = arith.index_cast %parallel_loop3A_447 : i32 to index
          %parallel_loop3A_637 = arith.constant 32 : index
          %parallel_loop3A_638 = tpu.vector_load %arg16[%parallel_loop3A_636, %parallel_loop3A_637] {strides = array<i32>} : memref<40x64xi32, #tpu.memory_space<vmem>>, vector<1x16xi32>,
          %parallel_loop3A_639 = vector.shape_cast %parallel_loop3A_638 : vector<1x16xi32> to vector<16xi32>
          %parallel_loop3A_640 = arith.constant 16 : i32
          %parallel_loop3A_641 = vector.broadcast %parallel_loop3A_640 : i32 to vector<16xi32>
          %parallel_loop3A_642 = arith.shli %parallel_loop3A_635, %parallel_loop3A_641 : vector<16xi32>
          %parallel_loop3A_643 = tpu.bitcast %parallel_loop3A_642 : vector<16xi32> -> vector<16xf32>
          %parallel_loop3A_644 = arith.constant 16 : i32
          %parallel_loop3A_645 = vector.broadcast %parallel_loop3A_644 : i32 to vector<16xi32>
          %parallel_loop3A_646 = arith.shli %parallel_loop3A_639, %parallel_loop3A_645 : vector<16xi32>
          %parallel_loop3A_647 = tpu.bitcast %parallel_loop3A_646 : vector<16xi32> -> vector<16xf32>
          %parallel_loop3A_648 = arith.addf %parallel_loop3A_643, %parallel_loop3A_647 : vector<16xf32>
          %parallel_loop3A_649 = arith.constant -65536 : i32
          %parallel_loop3A_650 = vector.broadcast %parallel_loop3A_649 : i32 to vector<16xi32>
          %parallel_loop3A_651 = arith.andi %parallel_loop3A_635, %parallel_loop3A_650 : vector<16xi32>
          %parallel_loop3A_652 = tpu.bitcast %parallel_loop3A_651 : vector<16xi32> -> vector<16xf32>
          %parallel_loop3A_653 = arith.constant -65536 : i32
          %parallel_loop3A_654 = vector.broadcast %parallel_loop3A_653 : i32 to vector<16xi32>
          %parallel_loop3A_655 = arith.andi %parallel_loop3A_639, %parallel_loop3A_654 : vector<16xi32>
          %parallel_loop3A_656 = tpu.bitcast %parallel_loop3A_655 : vector<16xi32> -> vector<16xf32>
          %parallel_loop3A_657 = arith.addf %parallel_loop3A_652, %parallel_loop3A_656 : vector<16xf32>
          %parallel_loop3A_658 = tpu.bitcast %parallel_loop3A_648 : vector<16xf32> -> vector<16xi32>
          %parallel_loop3A_659 = arith.constant 32768 : i32
          %parallel_loop3A_660 = vector.broadcast %parallel_loop3A_659 : i32 to vector<16xi32>
          %parallel_loop3A_661 = arith.addi %parallel_loop3A_658, %parallel_loop3A_660 : vector<16xi32>
          %parallel_loop3A_662 = arith.constant 16 : i32
          %parallel_loop3A_663 = vector.broadcast %parallel_loop3A_662 : i32 to vector<16xi32>
          %parallel_loop3A_664 = arith.shrui %parallel_loop3A_661, %parallel_loop3A_663 : vector<16xi32>
          %parallel_loop3A_665 = tpu.bitcast %parallel_loop3A_657 : vector<16xf32> -> vector<16xi32>
          %parallel_loop3A_666 = arith.constant 32768 : i32
          %parallel_loop3A_667 = vector.broadcast %parallel_loop3A_666 : i32 to vector<16xi32>
          %parallel_loop3A_668 = arith.addi %parallel_loop3A_665, %parallel_loop3A_667 : vector<16xi32>
          %parallel_loop3A_669 = arith.constant -65536 : i32
          %parallel_loop3A_670 = vector.broadcast %parallel_loop3A_669 : i32 to vector<16xi32>
          %parallel_loop3A_671 = arith.andi %parallel_loop3A_668, %parallel_loop3A_670 : vector<16xi32>
          %parallel_loop3A_672 = arith.ori %parallel_loop3A_671, %parallel_loop3A_664 : vector<16xi32>
          %parallel_loop3A_673 = arith.index_cast %parallel_loop3A_447 : i32 to index
          %parallel_loop3A_674 = arith.constant 32 : index
          %parallel_loop3A_675 = tpu.vector_load %arg28[%parallel_loop3A_673, %parallel_loop3A_674] {strides = array<i32>} : memref<40x128xi32, #tpu.memory_space<vmem>>, vector<1x16xi32>,
          %parallel_loop3A_676 = vector.shape_cast %parallel_loop3A_675 : vector<1x16xi32> to vector<16xi32>
          %parallel_loop3A_677 = vector.shape_cast %parallel_loop3A_672 : vector<16xi32> to vector<1x16xi32>
          tpu.vector_store %arg28[%parallel_loop3A_673, %parallel_loop3A_674], %parallel_loop3A_677 {strides = array<i32>} : memref<40x128xi32, #tpu.memory_space<vmem>>, vector<1x16xi32>,
          %parallel_loop3A_678 = arith.index_cast %parallel_loop3A_447 : i32 to index
          %parallel_loop3A_679 = arith.constant 32 : index
          %parallel_loop3A_680 = tpu.vector_load %arg17[%parallel_loop3A_678, %parallel_loop3A_679] {strides = array<i32>} : memref<40x64xi32, #tpu.memory_space<vmem>>, vector<1x16xi32>,
          %parallel_loop3A_681 = vector.shape_cast %parallel_loop3A_680 : vector<1x16xi32> to vector<16xi32>
          %parallel_loop3A_682 = arith.index_cast %parallel_loop3A_447 : i32 to index
          %parallel_loop3A_683 = arith.constant 32 : index
          %parallel_loop3A_684 = tpu.vector_load %arg18[%parallel_loop3A_682, %parallel_loop3A_683] {strides = array<i32>} : memref<40x64xi32, #tpu.memory_space<vmem>>, vector<1x16xi32>,
          %parallel_loop3A_685 = vector.shape_cast %parallel_loop3A_684 : vector<1x16xi32> to vector<16xi32>
          %parallel_loop3A_686 = arith.constant 16 : i32
          %parallel_loop3A_687 = vector.broadcast %parallel_loop3A_686 : i32 to vector<16xi32>
          %parallel_loop3A_688 = arith.shli %parallel_loop3A_681, %parallel_loop3A_687 : vector<16xi32>
          %parallel_loop3A_689 = tpu.bitcast %parallel_loop3A_688 : vector<16xi32> -> vector<16xf32>
          %parallel_loop3A_690 = arith.constant 16 : i32
          %parallel_loop3A_691 = vector.broadcast %parallel_loop3A_690 : i32 to vector<16xi32>
          %parallel_loop3A_692 = arith.shli %parallel_loop3A_685, %parallel_loop3A_691 : vector<16xi32>
          %parallel_loop3A_693 = tpu.bitcast %parallel_loop3A_692 : vector<16xi32> -> vector<16xf32>
          %parallel_loop3A_694 = arith.addf %parallel_loop3A_689, %parallel_loop3A_693 : vector<16xf32>
          %parallel_loop3A_695 = arith.constant -65536 : i32
          %parallel_loop3A_696 = vector.broadcast %parallel_loop3A_695 : i32 to vector<16xi32>
          %parallel_loop3A_697 = arith.andi %parallel_loop3A_681, %parallel_loop3A_696 : vector<16xi32>
          %parallel_loop3A_698 = tpu.bitcast %parallel_loop3A_697 : vector<16xi32> -> vector<16xf32>
          %parallel_loop3A_699 = arith.constant -65536 : i32
          %parallel_loop3A_700 = vector.broadcast %parallel_loop3A_699 : i32 to vector<16xi32>
          %parallel_loop3A_701 = arith.andi %parallel_loop3A_685, %parallel_loop3A_700 : vector<16xi32>
          %parallel_loop3A_702 = tpu.bitcast %parallel_loop3A_701 : vector<16xi32> -> vector<16xf32>
          %parallel_loop3A_703 = arith.addf %parallel_loop3A_698, %parallel_loop3A_702 : vector<16xf32>
          %parallel_loop3A_704 = tpu.bitcast %parallel_loop3A_694 : vector<16xf32> -> vector<16xi32>
          %parallel_loop3A_705 = arith.constant 32768 : i32
          %parallel_loop3A_706 = vector.broadcast %parallel_loop3A_705 : i32 to vector<16xi32>
          %parallel_loop3A_707 = arith.addi %parallel_loop3A_704, %parallel_loop3A_706 : vector<16xi32>
          %parallel_loop3A_708 = arith.constant 16 : i32
          %parallel_loop3A_709 = vector.broadcast %parallel_loop3A_708 : i32 to vector<16xi32>
          %parallel_loop3A_710 = arith.shrui %parallel_loop3A_707, %parallel_loop3A_709 : vector<16xi32>
          %parallel_loop3A_711 = tpu.bitcast %parallel_loop3A_703 : vector<16xf32> -> vector<16xi32>
          %parallel_loop3A_712 = arith.constant 32768 : i32
          %parallel_loop3A_713 = vector.broadcast %parallel_loop3A_712 : i32 to vector<16xi32>
          %parallel_loop3A_714 = arith.addi %parallel_loop3A_711, %parallel_loop3A_713 : vector<16xi32>
          %parallel_loop3A_715 = arith.constant -65536 : i32
          %parallel_loop3A_716 = vector.broadcast %parallel_loop3A_715 : i32 to vector<16xi32>
          %parallel_loop3A_717 = arith.andi %parallel_loop3A_714, %parallel_loop3A_716 : vector<16xi32>
          %parallel_loop3A_718 = arith.ori %parallel_loop3A_717, %parallel_loop3A_710 : vector<16xi32>
          %parallel_loop3A_719 = arith.index_cast %parallel_loop3A_447 : i32 to index
          %parallel_loop3A_720 = arith.constant 96 : index
          %parallel_loop3A_721 = tpu.vector_load %arg28[%parallel_loop3A_719, %parallel_loop3A_720] {strides = array<i32>} : memref<40x128xi32, #tpu.memory_space<vmem>>, vector<1x16xi32>,
          %parallel_loop3A_722 = vector.shape_cast %parallel_loop3A_721 : vector<1x16xi32> to vector<16xi32>
          %parallel_loop3A_723 = vector.shape_cast %parallel_loop3A_718 : vector<16xi32> to vector<1x16xi32>
          tpu.vector_store %arg28[%parallel_loop3A_719, %parallel_loop3A_720], %parallel_loop3A_723 {strides = array<i32>} : memref<40x128xi32, #tpu.memory_space<vmem>>, vector<1x16xi32>,
          %parallel_loop3A_724 = arith.index_cast %parallel_loop3A_447 : i32 to index
          %parallel_loop3A_725 = arith.constant 48 : index
          %parallel_loop3A_726 = tpu.vector_load %arg15[%parallel_loop3A_724, %parallel_loop3A_725] {strides = array<i32>} : memref<40x64xi32, #tpu.memory_space<vmem>>, vector<1x16xi32>,
          %parallel_loop3A_727 = vector.shape_cast %parallel_loop3A_726 : vector<1x16xi32> to vector<16xi32>
          %parallel_loop3A_728 = arith.index_cast %parallel_loop3A_447 : i32 to index
          %parallel_loop3A_729 = arith.constant 48 : index
          %parallel_loop3A_730 = tpu.vector_load %arg16[%parallel_loop3A_728, %parallel_loop3A_729] {strides = array<i32>} : memref<40x64xi32, #tpu.memory_space<vmem>>, vector<1x16xi32>,
          %parallel_loop3A_731 = vector.shape_cast %parallel_loop3A_730 : vector<1x16xi32> to vector<16xi32>
          %parallel_loop3A_732 = arith.constant 16 : i32
          %parallel_loop3A_733 = vector.broadcast %parallel_loop3A_732 : i32 to vector<16xi32>
          %parallel_loop3A_734 = arith.shli %parallel_loop3A_727, %parallel_loop3A_733 : vector<16xi32>
          %parallel_loop3A_735 = tpu.bitcast %parallel_loop3A_734 : vector<16xi32> -> vector<16xf32>
          %parallel_loop3A_736 = arith.constant 16 : i32
          %parallel_loop3A_737 = vector.broadcast %parallel_loop3A_736 : i32 to vector<16xi32>
          %parallel_loop3A_738 = arith.shli %parallel_loop3A_731, %parallel_loop3A_737 : vector<16xi32>
          %parallel_loop3A_739 = tpu.bitcast %parallel_loop3A_738 : vector<16xi32> -> vector<16xf32>
          %parallel_loop3A_740 = arith.addf %parallel_loop3A_735, %parallel_loop3A_739 : vector<16xf32>
          %parallel_loop3A_741 = arith.constant -65536 : i32
          %parallel_loop3A_742 = vector.broadcast %parallel_loop3A_741 : i32 to vector<16xi32>
          %parallel_loop3A_743 = arith.andi %parallel_loop3A_727, %parallel_loop3A_742 : vector<16xi32>
          %parallel_loop3A_744 = tpu.bitcast %parallel_loop3A_743 : vector<16xi32> -> vector<16xf32>
          %parallel_loop3A_745 = arith.constant -65536 : i32
          %parallel_loop3A_746 = vector.broadcast %parallel_loop3A_745 : i32 to vector<16xi32>
          %parallel_loop3A_747 = arith.andi %parallel_loop3A_731, %parallel_loop3A_746 : vector<16xi32>
          %parallel_loop3A_748 = tpu.bitcast %parallel_loop3A_747 : vector<16xi32> -> vector<16xf32>
          %parallel_loop3A_749 = arith.addf %parallel_loop3A_744, %parallel_loop3A_748 : vector<16xf32>
          %parallel_loop3A_750 = tpu.bitcast %parallel_loop3A_740 : vector<16xf32> -> vector<16xi32>
          %parallel_loop3A_751 = arith.constant 32768 : i32
          %parallel_loop3A_752 = vector.broadcast %parallel_loop3A_751 : i32 to vector<16xi32>
          %parallel_loop3A_753 = arith.addi %parallel_loop3A_750, %parallel_loop3A_752 : vector<16xi32>
          %parallel_loop3A_754 = arith.constant 16 : i32
          %parallel_loop3A_755 = vector.broadcast %parallel_loop3A_754 : i32 to vector<16xi32>
          %parallel_loop3A_756 = arith.shrui %parallel_loop3A_753, %parallel_loop3A_755 : vector<16xi32>
          %parallel_loop3A_757 = tpu.bitcast %parallel_loop3A_749 : vector<16xf32> -> vector<16xi32>
          %parallel_loop3A_758 = arith.constant 32768 : i32
          %parallel_loop3A_759 = vector.broadcast %parallel_loop3A_758 : i32 to vector<16xi32>
          %parallel_loop3A_760 = arith.addi %parallel_loop3A_757, %parallel_loop3A_759 : vector<16xi32>
          %parallel_loop3A_761 = arith.constant -65536 : i32
          %parallel_loop3A_762 = vector.broadcast %parallel_loop3A_761 : i32 to vector<16xi32>
          %parallel_loop3A_763 = arith.andi %parallel_loop3A_760, %parallel_loop3A_762 : vector<16xi32>
          %parallel_loop3A_764 = arith.ori %parallel_loop3A_763, %parallel_loop3A_756 : vector<16xi32>
          %parallel_loop3A_765 = arith.index_cast %parallel_loop3A_447 : i32 to index
          %parallel_loop3A_766 = arith.constant 48 : index
          %parallel_loop3A_767 = tpu.vector_load %arg28[%parallel_loop3A_765, %parallel_loop3A_766] {strides = array<i32>} : memref<40x128xi32, #tpu.memory_space<vmem>>, vector<1x16xi32>,
          %parallel_loop3A_768 = vector.shape_cast %parallel_loop3A_767 : vector<1x16xi32> to vector<16xi32>
          %parallel_loop3A_769 = vector.shape_cast %parallel_loop3A_764 : vector<16xi32> to vector<1x16xi32>
          tpu.vector_store %arg28[%parallel_loop3A_765, %parallel_loop3A_766], %parallel_loop3A_769 {strides = array<i32>} : memref<40x128xi32, #tpu.memory_space<vmem>>, vector<1x16xi32>,
          %parallel_loop3A_770 = arith.index_cast %parallel_loop3A_447 : i32 to index
          %parallel_loop3A_771 = arith.constant 48 : index
          %parallel_loop3A_772 = tpu.vector_load %arg17[%parallel_loop3A_770, %parallel_loop3A_771] {strides = array<i32>} : memref<40x64xi32, #tpu.memory_space<vmem>>, vector<1x16xi32>,
          %parallel_loop3A_773 = vector.shape_cast %parallel_loop3A_772 : vector<1x16xi32> to vector<16xi32>
          %parallel_loop3A_774 = arith.index_cast %parallel_loop3A_447 : i32 to index
          %parallel_loop3A_775 = arith.constant 48 : index
          %parallel_loop3A_776 = tpu.vector_load %arg18[%parallel_loop3A_774, %parallel_loop3A_775] {strides = array<i32>} : memref<40x64xi32, #tpu.memory_space<vmem>>, vector<1x16xi32>,
          %parallel_loop3A_777 = vector.shape_cast %parallel_loop3A_776 : vector<1x16xi32> to vector<16xi32>
          %parallel_loop3A_778 = arith.constant 16 : i32
          %parallel_loop3A_779 = vector.broadcast %parallel_loop3A_778 : i32 to vector<16xi32>
          %parallel_loop3A_780 = arith.shli %parallel_loop3A_773, %parallel_loop3A_779 : vector<16xi32>
          %parallel_loop3A_781 = tpu.bitcast %parallel_loop3A_780 : vector<16xi32> -> vector<16xf32>
          %parallel_loop3A_782 = arith.constant 16 : i32
          %parallel_loop3A_783 = vector.broadcast %parallel_loop3A_782 : i32 to vector<16xi32>
          %parallel_loop3A_784 = arith.shli %parallel_loop3A_777, %parallel_loop3A_783 : vector<16xi32>
          %parallel_loop3A_785 = tpu.bitcast %parallel_loop3A_784 : vector<16xi32> -> vector<16xf32>
          %parallel_loop3A_786 = arith.addf %parallel_loop3A_781, %parallel_loop3A_785 : vector<16xf32>
          %parallel_loop3A_787 = arith.constant -65536 : i32
          %parallel_loop3A_788 = vector.broadcast %parallel_loop3A_787 : i32 to vector<16xi32>
          %parallel_loop3A_789 = arith.andi %parallel_loop3A_773, %parallel_loop3A_788 : vector<16xi32>
          %parallel_loop3A_790 = tpu.bitcast %parallel_loop3A_789 : vector<16xi32> -> vector<16xf32>
          %parallel_loop3A_791 = arith.constant -65536 : i32
          %parallel_loop3A_792 = vector.broadcast %parallel_loop3A_791 : i32 to vector<16xi32>
          %parallel_loop3A_793 = arith.andi %parallel_loop3A_777, %parallel_loop3A_792 : vector<16xi32>
          %parallel_loop3A_794 = tpu.bitcast %parallel_loop3A_793 : vector<16xi32> -> vector<16xf32>
          %parallel_loop3A_795 = arith.addf %parallel_loop3A_790, %parallel_loop3A_794 : vector<16xf32>
          %parallel_loop3A_796 = tpu.bitcast %parallel_loop3A_786 : vector<16xf32> -> vector<16xi32>
          %parallel_loop3A_797 = arith.constant 32768 : i32
          %parallel_loop3A_798 = vector.broadcast %parallel_loop3A_797 : i32 to vector<16xi32>
          %parallel_loop3A_799 = arith.addi %parallel_loop3A_796, %parallel_loop3A_798 : vector<16xi32>
          %parallel_loop3A_800 = arith.constant 16 : i32
          %parallel_loop3A_801 = vector.broadcast %parallel_loop3A_800 : i32 to vector<16xi32>
          %parallel_loop3A_802 = arith.shrui %parallel_loop3A_799, %parallel_loop3A_801 : vector<16xi32>
          %parallel_loop3A_803 = tpu.bitcast %parallel_loop3A_795 : vector<16xf32> -> vector<16xi32>
          %parallel_loop3A_804 = arith.constant 32768 : i32
          %parallel_loop3A_805 = vector.broadcast %parallel_loop3A_804 : i32 to vector<16xi32>
          %parallel_loop3A_806 = arith.addi %parallel_loop3A_803, %parallel_loop3A_805 : vector<16xi32>
          %parallel_loop3A_807 = arith.constant -65536 : i32
          %parallel_loop3A_808 = vector.broadcast %parallel_loop3A_807 : i32 to vector<16xi32>
          %parallel_loop3A_809 = arith.andi %parallel_loop3A_806, %parallel_loop3A_808 : vector<16xi32>
          %parallel_loop3A_810 = arith.ori %parallel_loop3A_809, %parallel_loop3A_802 : vector<16xi32>
          %parallel_loop3A_811 = arith.index_cast %parallel_loop3A_447 : i32 to index
          %parallel_loop3A_812 = arith.constant 112 : index
          %parallel_loop3A_813 = tpu.vector_load %arg28[%parallel_loop3A_811, %parallel_loop3A_812] {strides = array<i32>} : memref<40x128xi32, #tpu.memory_space<vmem>>, vector<1x16xi32>,
          %parallel_loop3A_814 = vector.shape_cast %parallel_loop3A_813 : vector<1x16xi32> to vector<16xi32>
          %parallel_loop3A_815 = vector.shape_cast %parallel_loop3A_810 : vector<16xi32> to vector<1x16xi32>
          tpu.vector_store %arg28[%parallel_loop3A_811, %parallel_loop3A_812], %parallel_loop3A_815 {strides = array<i32>} : memref<40x128xi32, #tpu.memory_space<vmem>>, vector<1x16xi32>,
        } {sc.loop_unroll_factor = 2 : i64, sc.parallel_access}
        %mul3A_439 = arith.constant 40 : i32
        %mul3A_440 = arith.muli %add3A_349, %mul3A_439 : i32
        %add3A_441 = arith.addi %multiple_of3A, %mul3A_440 : i32
        %multiple_of3A_442 = tpu.assume_multiple %add3A_441, 40 : i32
        %dma_start3A_443 = arith.constant 0 : i32
        %dma_start3A_444 = tpu.memref_slice %arg6[%multiple_of3A_442, %dma_start3A_443] : memref<160000x128xi32, #tpu.memory_space<hbm>> -> memref<40x128xi32, #tpu.memory_space<hbm>>
        %dma_start3A_445 = arith.constant 0 : i32
        %dma_start3A_446 = tpu.memref_slice %arg6[%multiple_of3A_442, %dma_start3A_445] : memref<160000x128xi32, #tpu.memory_space<hbm>> -> memref<40x128xi32, #tpu.memory_space<hbm>>
        tpu.enqueue_dma source(%arg28 : memref<40x128xi32, #tpu.memory_space<vmem>>) target(%dma_start3A_446 : memref<40x128xi32, #tpu.memory_space<hbm>>) target_semaphore(%arg36 : memref<!tpu.dma_semaphore, #tpu.memory_space<semaphore_mem>>)
      } else {
      }
      %mul3A_370 = arith.constant 4 : i32
      %mul3A_371 = arith.muli %scan3A_324, %mul3A_370 : i32
      %add3A_372 = arith.constant 2 : i32
      %add3A_373 = arith.addi %mul3A_371, %add3A_372 : i32
      %ge3A_374 = arith.constant 2 : i32
      %ge3A_375 = arith.cmpi sge, %add3A_373, %ge3A_374 : i32
      %lt3A_376 = arith.constant 125 : i32
      %lt3A_377 = arith.cmpi slt, %add3A_373, %lt3A_376 : i32
      %and3A_378 = arith.andi %ge3A_375, %lt3A_377 : i1
      %convert_element_type3A_379 = arith.extui %and3A_378 : i1 to i32
      %cond3A_380 = arith.constant 0 : i32
      %cond3A_381 = arith.cmpi ne, %convert_element_type3A_379, %cond3A_380 : i32
      scf.if %cond3A_381 {
        %dma_wait3A_418 = arith.constant 0 : i32
        %dma_wait3A_419 = arith.constant 0 : i32
        %dma_wait3A_420 = tpu.memref_slice %arg6[%dma_wait3A_418, %dma_wait3A_419] : memref<160000x128xi32, #tpu.memory_space<hbm>> -> memref<40x128xi32, #tpu.memory_space<hbm>>
        %dma_wait3A_421 = arith.constant 0 : i32
        %dma_wait3A_422 = arith.constant 0 : i32
        %dma_wait3A_423 = tpu.memref_slice %arg6[%dma_wait3A_421, %dma_wait3A_422] : memref<160000x128xi32, #tpu.memory_space<hbm>> -> memref<40x128xi32, #tpu.memory_space<hbm>>
        tpu.wait_dma2 semaphore(%arg35 : memref<!tpu.dma_semaphore, #tpu.memory_space<semaphore_mem>>) src(%arg27 : memref<40x128xi32, #tpu.memory_space<vmem>>) dst(%dma_wait3A_423 : memref<40x128xi32, #tpu.memory_space<hbm>>)
      } else {
      }
      %add3A_382 = arith.constant 2 : i32
      %add3A_383 = arith.addi %add3A_373, %add3A_382 : i32
      %lt3A_384 = arith.constant 125 : i32
      %lt3A_385 = arith.cmpi slt, %add3A_383, %lt3A_384 : i32
      %convert_element_type3A_386 = arith.extui %lt3A_385 : i1 to i32
      %cond3A_387 = arith.constant 0 : i32
      %cond3A_388 = arith.cmpi ne, %convert_element_type3A_386, %cond3A_387 : i32
      scf.if %cond3A_388 {
        %add3A_418 = arith.constant 2 : i32
        %add3A_419 = arith.addi %add3A_373, %add3A_418 : i32
        %mul3A_420 = arith.constant 40 : i32
        %mul3A_421 = arith.muli %add3A_419, %mul3A_420 : i32
        %multiple_of3A_422 = tpu.assume_multiple %mul3A_421, 40 : i32
        %dma_start3A_423 = tpu.memref_slice %arg7[%multiple_of3A_422] : memref<5000xi32, #tpu.memory_space<vmem>> -> memref<40xi32, #tpu.memory_space<vmem>>
        %dma_start3A_424 = arith.constant 0 : i32
        %dma_start3A_425 = arith.constant 0 : i32
        %dma_start3A_426 = tpu.memref_slice %arg2[%dma_start3A_424, %dma_start3A_425] : memref<10000x64xi32, #tpu.memory_space<hbm>> -> memref<10000x64xi32, #tpu.memory_space<hbm>>
        tpu.enqueue_indirect_dma source(%dma_start3A_426 : memref<10000x64xi32, #tpu.memory_space<hbm>>) target(%arg11 : memref<40x64xi32, #tpu.memory_space<vmem>>) offsets(%dma_start3A_423 : memref<40xi32, #tpu.memory_space<vmem>>) semaphore(%arg31 : memref<!tpu.dma_semaphore, #tpu.memory_space<semaphore_mem>>)
        %dma_start3A_427 = tpu.memref_slice %arg8[%multiple_of3A_422] : memref<5000xi32, #tpu.memory_space<vmem>> -> memref<40xi32, #tpu.memory_space<vmem>>
        %dma_start3A_428 = arith.constant 0 : i32
        %dma_start3A_429 = arith.constant 0 : i32
        %dma_start3A_430 = tpu.memref_slice %arg3[%dma_start3A_428, %dma_start3A_429] : memref<10000x64xi32, #tpu.memory_space<hbm>> -> memref<10000x64xi32, #tpu.memory_space<hbm>>
        tpu.enqueue_indirect_dma source(%dma_start3A_430 : memref<10000x64xi32, #tpu.memory_space<hbm>>) target(%arg12 : memref<40x64xi32, #tpu.memory_space<vmem>>) offsets(%dma_start3A_427 : memref<40xi32, #tpu.memory_space<vmem>>) semaphore(%arg31 : memref<!tpu.dma_semaphore, #tpu.memory_space<semaphore_mem>>)
        %dma_start3A_431 = tpu.memref_slice %arg9[%multiple_of3A_422] : memref<5000xi32, #tpu.memory_space<vmem>> -> memref<40xi32, #tpu.memory_space<vmem>>
        %dma_start3A_432 = arith.constant 0 : i32
        %dma_start3A_433 = arith.constant 0 : i32
        %dma_start3A_434 = tpu.memref_slice %arg2[%dma_start3A_432, %dma_start3A_433] : memref<10000x64xi32, #tpu.memory_space<hbm>> -> memref<10000x64xi32, #tpu.memory_space<hbm>>
        tpu.enqueue_indirect_dma source(%dma_start3A_434 : memref<10000x64xi32, #tpu.memory_space<hbm>>) target(%arg13 : memref<40x64xi32, #tpu.memory_space<vmem>>) offsets(%dma_start3A_431 : memref<40xi32, #tpu.memory_space<vmem>>) semaphore(%arg31 : memref<!tpu.dma_semaphore, #tpu.memory_space<semaphore_mem>>)
        %dma_start3A_435 = tpu.memref_slice %arg10[%multiple_of3A_422] : memref<5000xi32, #tpu.memory_space<vmem>> -> memref<40xi32, #tpu.memory_space<vmem>>
        %dma_start3A_436 = arith.constant 0 : i32
        %dma_start3A_437 = arith.constant 0 : i32
        %dma_start3A_438 = tpu.memref_slice %arg3[%dma_start3A_436, %dma_start3A_437] : memref<10000x64xi32, #tpu.memory_space<hbm>> -> memref<10000x64xi32, #tpu.memory_space<hbm>>
        tpu.enqueue_indirect_dma source(%dma_start3A_438 : memref<10000x64xi32, #tpu.memory_space<hbm>>) target(%arg14 : memref<40x64xi32, #tpu.memory_space<vmem>>) offsets(%dma_start3A_435 : memref<40xi32, #tpu.memory_space<vmem>>) semaphore(%arg31 : memref<!tpu.dma_semaphore, #tpu.memory_space<semaphore_mem>>)
      } else {
      }
      %lt3A_389 = arith.constant 125 : i32
      %lt3A_390 = arith.cmpi slt, %add3A_373, %lt3A_389 : i32
      %convert_element_type3A_391 = arith.extui %lt3A_390 : i1 to i32
      %cond3A_392 = arith.constant 0 : i32
      %cond3A_393 = arith.cmpi ne, %convert_element_type3A_391, %cond3A_392 : i32
      scf.if %cond3A_393 {
        %mul3A_418 = arith.constant 40 : i32
        %mul3A_419 = arith.muli %add3A_373, %mul3A_418 : i32
        %multiple_of3A_420 = tpu.assume_multiple %mul3A_419, 40 : i32
        %dma_wait3A_421 = tpu.memref_slice %arg7[%multiple_of3A_420] : memref<5000xi32, #tpu.memory_space<vmem>> -> memref<40xi32, #tpu.memory_space<vmem>>
        %dma_wait3A_422 = arith.constant 0 : i32
        %dma_wait3A_423 = arith.constant 0 : i32
        %dma_wait3A_424 = tpu.memref_slice %arg2[%dma_wait3A_422, %dma_wait3A_423] : memref<10000x64xi32, #tpu.memory_space<hbm>> -> memref<10000x64xi32, #tpu.memory_space<hbm>>
        tpu.wait_indirect_dma semaphore(%arg33 : memref<!tpu.dma_semaphore, #tpu.memory_space<semaphore_mem>>) src(%dma_wait3A_424 : memref<10000x64xi32, #tpu.memory_space<hbm>>) dst(%arg19 : memref<40x64xi32, #tpu.memory_space<vmem>>)
        %dma_wait3A_425 = tpu.memref_slice %arg8[%multiple_of3A_420] : memref<5000xi32, #tpu.memory_space<vmem>> -> memref<40xi32, #tpu.memory_space<vmem>>
        %dma_wait3A_426 = arith.constant 0 : i32
        %dma_wait3A_427 = arith.constant 0 : i32
        %dma_wait3A_428 = tpu.memref_slice %arg3[%dma_wait3A_426, %dma_wait3A_427] : memref<10000x64xi32, #tpu.memory_space<hbm>> -> memref<10000x64xi32, #tpu.memory_space<hbm>>
        tpu.wait_indirect_dma semaphore(%arg33 : memref<!tpu.dma_semaphore, #tpu.memory_space<semaphore_mem>>) src(%dma_wait3A_428 : memref<10000x64xi32, #tpu.memory_space<hbm>>) dst(%arg20 : memref<40x64xi32, #tpu.memory_space<vmem>>)
        %dma_wait3A_429 = tpu.memref_slice %arg9[%multiple_of3A_420] : memref<5000xi32, #tpu.memory_space<vmem>> -> memref<40xi32, #tpu.memory_space<vmem>>
        %dma_wait3A_430 = arith.constant 0 : i32
        %dma_wait3A_431 = arith.constant 0 : i32
        %dma_wait3A_432 = tpu.memref_slice %arg2[%dma_wait3A_430, %dma_wait3A_431] : memref<10000x64xi32, #tpu.memory_space<hbm>> -> memref<10000x64xi32, #tpu.memory_space<hbm>>
        tpu.wait_indirect_dma semaphore(%arg33 : memref<!tpu.dma_semaphore, #tpu.memory_space<semaphore_mem>>) src(%dma_wait3A_432 : memref<10000x64xi32, #tpu.memory_space<hbm>>) dst(%arg21 : memref<40x64xi32, #tpu.memory_space<vmem>>)
        %dma_wait3A_433 = tpu.memref_slice %arg10[%multiple_of3A_420] : memref<5000xi32, #tpu.memory_space<vmem>> -> memref<40xi32, #tpu.memory_space<vmem>>
        %dma_wait3A_434 = arith.constant 0 : i32
        %dma_wait3A_435 = arith.constant 0 : i32
        %dma_wait3A_436 = tpu.memref_slice %arg3[%dma_wait3A_434, %dma_wait3A_435] : memref<10000x64xi32, #tpu.memory_space<hbm>> -> memref<10000x64xi32, #tpu.memory_space<hbm>>
        tpu.wait_indirect_dma semaphore(%arg33 : memref<!tpu.dma_semaphore, #tpu.memory_space<semaphore_mem>>) src(%dma_wait3A_436 : memref<10000x64xi32, #tpu.memory_space<hbm>>) dst(%arg22 : memref<40x64xi32, #tpu.memory_space<vmem>>)
        %parallel_loop3A = arith.constant 0 : i32
        %parallel_loop3A_437 = arith.constant 40 : i32
        %parallel_loop3A_438 = arith.constant 1 : i32
        scf.for %parallel_loop3A_447 = %parallel_loop3A to %parallel_loop3A_437 step %parallel_loop3A_438  : i32 {
          %parallel_loop3A_448 = arith.index_cast %parallel_loop3A_447 : i32 to index
          %parallel_loop3A_449 = arith.constant 0 : index
          %parallel_loop3A_450 = tpu.vector_load %arg19[%parallel_loop3A_448, %parallel_loop3A_449] {strides = array<i32>} : memref<40x64xi32, #tpu.memory_space<vmem>>, vector<1x16xi32>,
          %parallel_loop3A_451 = vector.shape_cast %parallel_loop3A_450 : vector<1x16xi32> to vector<16xi32>
          %parallel_loop3A_452 = arith.index_cast %parallel_loop3A_447 : i32 to index
          %parallel_loop3A_453 = arith.constant 0 : index
          %parallel_loop3A_454 = tpu.vector_load %arg20[%parallel_loop3A_452, %parallel_loop3A_453] {strides = array<i32>} : memref<40x64xi32, #tpu.memory_space<vmem>>, vector<1x16xi32>,
          %parallel_loop3A_455 = vector.shape_cast %parallel_loop3A_454 : vector<1x16xi32> to vector<16xi32>
          %parallel_loop3A_456 = arith.constant 16 : i32
          %parallel_loop3A_457 = vector.broadcast %parallel_loop3A_456 : i32 to vector<16xi32>
          %parallel_loop3A_458 = arith.shli %parallel_loop3A_451, %parallel_loop3A_457 : vector<16xi32>
          %parallel_loop3A_459 = tpu.bitcast %parallel_loop3A_458 : vector<16xi32> -> vector<16xf32>
          %parallel_loop3A_460 = arith.constant 16 : i32
          %parallel_loop3A_461 = vector.broadcast %parallel_loop3A_460 : i32 to vector<16xi32>
          %parallel_loop3A_462 = arith.shli %parallel_loop3A_455, %parallel_loop3A_461 : vector<16xi32>
          %parallel_loop3A_463 = tpu.bitcast %parallel_loop3A_462 : vector<16xi32> -> vector<16xf32>
          %parallel_loop3A_464 = arith.addf %parallel_loop3A_459, %parallel_loop3A_463 : vector<16xf32>
          %parallel_loop3A_465 = arith.constant -65536 : i32
          %parallel_loop3A_466 = vector.broadcast %parallel_loop3A_465 : i32 to vector<16xi32>
          %parallel_loop3A_467 = arith.andi %parallel_loop3A_451, %parallel_loop3A_466 : vector<16xi32>
          %parallel_loop3A_468 = tpu.bitcast %parallel_loop3A_467 : vector<16xi32> -> vector<16xf32>
          %parallel_loop3A_469 = arith.constant -65536 : i32
          %parallel_loop3A_470 = vector.broadcast %parallel_loop3A_469 : i32 to vector<16xi32>
          %parallel_loop3A_471 = arith.andi %parallel_loop3A_455, %parallel_loop3A_470 : vector<16xi32>
          %parallel_loop3A_472 = tpu.bitcast %parallel_loop3A_471 : vector<16xi32> -> vector<16xf32>
          %parallel_loop3A_473 = arith.addf %parallel_loop3A_468, %parallel_loop3A_472 : vector<16xf32>
          %parallel_loop3A_474 = tpu.bitcast %parallel_loop3A_464 : vector<16xf32> -> vector<16xi32>
          %parallel_loop3A_475 = arith.constant 32768 : i32
          %parallel_loop3A_476 = vector.broadcast %parallel_loop3A_475 : i32 to vector<16xi32>
          %parallel_loop3A_477 = arith.addi %parallel_loop3A_474, %parallel_loop3A_476 : vector<16xi32>
          %parallel_loop3A_478 = arith.constant 16 : i32
          %parallel_loop3A_479 = vector.broadcast %parallel_loop3A_478 : i32 to vector<16xi32>
          %parallel_loop3A_480 = arith.shrui %parallel_loop3A_477, %parallel_loop3A_479 : vector<16xi32>
          %parallel_loop3A_481 = tpu.bitcast %parallel_loop3A_473 : vector<16xf32> -> vector<16xi32>
          %parallel_loop3A_482 = arith.constant 32768 : i32
          %parallel_loop3A_483 = vector.broadcast %parallel_loop3A_482 : i32 to vector<16xi32>
          %parallel_loop3A_484 = arith.addi %parallel_loop3A_481, %parallel_loop3A_483 : vector<16xi32>
          %parallel_loop3A_485 = arith.constant -65536 : i32
          %parallel_loop3A_486 = vector.broadcast %parallel_loop3A_485 : i32 to vector<16xi32>
          %parallel_loop3A_487 = arith.andi %parallel_loop3A_484, %parallel_loop3A_486 : vector<16xi32>
          %parallel_loop3A_488 = arith.ori %parallel_loop3A_487, %parallel_loop3A_480 : vector<16xi32>
          %parallel_loop3A_489 = arith.index_cast %parallel_loop3A_447 : i32 to index
          %parallel_loop3A_490 = arith.constant 0 : index
          %parallel_loop3A_491 = tpu.vector_load %arg29[%parallel_loop3A_489, %parallel_loop3A_490] {strides = array<i32>} : memref<40x128xi32, #tpu.memory_space<vmem>>, vector<1x16xi32>,
          %parallel_loop3A_492 = vector.shape_cast %parallel_loop3A_491 : vector<1x16xi32> to vector<16xi32>
          %parallel_loop3A_493 = vector.shape_cast %parallel_loop3A_488 : vector<16xi32> to vector<1x16xi32>
          tpu.vector_store %arg29[%parallel_loop3A_489, %parallel_loop3A_490], %parallel_loop3A_493 {strides = array<i32>} : memref<40x128xi32, #tpu.memory_space<vmem>>, vector<1x16xi32>,
          %parallel_loop3A_494 = arith.index_cast %parallel_loop3A_447 : i32 to index
          %parallel_loop3A_495 = arith.constant 0 : index
          %parallel_loop3A_496 = tpu.vector_load %arg21[%parallel_loop3A_494, %parallel_loop3A_495] {strides = array<i32>} : memref<40x64xi32, #tpu.memory_space<vmem>>, vector<1x16xi32>,
          %parallel_loop3A_497 = vector.shape_cast %parallel_loop3A_496 : vector<1x16xi32> to vector<16xi32>
          %parallel_loop3A_498 = arith.index_cast %parallel_loop3A_447 : i32 to index
          %parallel_loop3A_499 = arith.constant 0 : index
          %parallel_loop3A_500 = tpu.vector_load %arg22[%parallel_loop3A_498, %parallel_loop3A_499] {strides = array<i32>} : memref<40x64xi32, #tpu.memory_space<vmem>>, vector<1x16xi32>,
          %parallel_loop3A_501 = vector.shape_cast %parallel_loop3A_500 : vector<1x16xi32> to vector<16xi32>
          %parallel_loop3A_502 = arith.constant 16 : i32
          %parallel_loop3A_503 = vector.broadcast %parallel_loop3A_502 : i32 to vector<16xi32>
          %parallel_loop3A_504 = arith.shli %parallel_loop3A_497, %parallel_loop3A_503 : vector<16xi32>
          %parallel_loop3A_505 = tpu.bitcast %parallel_loop3A_504 : vector<16xi32> -> vector<16xf32>
          %parallel_loop3A_506 = arith.constant 16 : i32
          %parallel_loop3A_507 = vector.broadcast %parallel_loop3A_506 : i32 to vector<16xi32>
          %parallel_loop3A_508 = arith.shli %parallel_loop3A_501, %parallel_loop3A_507 : vector<16xi32>
          %parallel_loop3A_509 = tpu.bitcast %parallel_loop3A_508 : vector<16xi32> -> vector<16xf32>
          %parallel_loop3A_510 = arith.addf %parallel_loop3A_505, %parallel_loop3A_509 : vector<16xf32>
          %parallel_loop3A_511 = arith.constant -65536 : i32
          %parallel_loop3A_512 = vector.broadcast %parallel_loop3A_511 : i32 to vector<16xi32>
          %parallel_loop3A_513 = arith.andi %parallel_loop3A_497, %parallel_loop3A_512 : vector<16xi32>
          %parallel_loop3A_514 = tpu.bitcast %parallel_loop3A_513 : vector<16xi32> -> vector<16xf32>
          %parallel_loop3A_515 = arith.constant -65536 : i32
          %parallel_loop3A_516 = vector.broadcast %parallel_loop3A_515 : i32 to vector<16xi32>
          %parallel_loop3A_517 = arith.andi %parallel_loop3A_501, %parallel_loop3A_516 : vector<16xi32>
          %parallel_loop3A_518 = tpu.bitcast %parallel_loop3A_517 : vector<16xi32> -> vector<16xf32>
          %parallel_loop3A_519 = arith.addf %parallel_loop3A_514, %parallel_loop3A_518 : vector<16xf32>
          %parallel_loop3A_520 = tpu.bitcast %parallel_loop3A_510 : vector<16xf32> -> vector<16xi32>
          %parallel_loop3A_521 = arith.constant 32768 : i32
          %parallel_loop3A_522 = vector.broadcast %parallel_loop3A_521 : i32 to vector<16xi32>
          %parallel_loop3A_523 = arith.addi %parallel_loop3A_520, %parallel_loop3A_522 : vector<16xi32>
          %parallel_loop3A_524 = arith.constant 16 : i32
          %parallel_loop3A_525 = vector.broadcast %parallel_loop3A_524 : i32 to vector<16xi32>
          %parallel_loop3A_526 = arith.shrui %parallel_loop3A_523, %parallel_loop3A_525 : vector<16xi32>
          %parallel_loop3A_527 = tpu.bitcast %parallel_loop3A_519 : vector<16xf32> -> vector<16xi32>
          %parallel_loop3A_528 = arith.constant 32768 : i32
          %parallel_loop3A_529 = vector.broadcast %parallel_loop3A_528 : i32 to vector<16xi32>
          %parallel_loop3A_530 = arith.addi %parallel_loop3A_527, %parallel_loop3A_529 : vector<16xi32>
          %parallel_loop3A_531 = arith.constant -65536 : i32
          %parallel_loop3A_532 = vector.broadcast %parallel_loop3A_531 : i32 to vector<16xi32>
          %parallel_loop3A_533 = arith.andi %parallel_loop3A_530, %parallel_loop3A_532 : vector<16xi32>
          %parallel_loop3A_534 = arith.ori %parallel_loop3A_533, %parallel_loop3A_526 : vector<16xi32>
          %parallel_loop3A_535 = arith.index_cast %parallel_loop3A_447 : i32 to index
          %parallel_loop3A_536 = arith.constant 64 : index
          %parallel_loop3A_537 = tpu.vector_load %arg29[%parallel_loop3A_535, %parallel_loop3A_536] {strides = array<i32>} : memref<40x128xi32, #tpu.memory_space<vmem>>, vector<1x16xi32>,
          %parallel_loop3A_538 = vector.shape_cast %parallel_loop3A_537 : vector<1x16xi32> to vector<16xi32>
          %parallel_loop3A_539 = vector.shape_cast %parallel_loop3A_534 : vector<16xi32> to vector<1x16xi32>
          tpu.vector_store %arg29[%parallel_loop3A_535, %parallel_loop3A_536], %parallel_loop3A_539 {strides = array<i32>} : memref<40x128xi32, #tpu.memory_space<vmem>>, vector<1x16xi32>,
          %parallel_loop3A_540 = arith.index_cast %parallel_loop3A_447 : i32 to index
          %parallel_loop3A_541 = arith.constant 16 : index
          %parallel_loop3A_542 = tpu.vector_load %arg19[%parallel_loop3A_540, %parallel_loop3A_541] {strides = array<i32>} : memref<40x64xi32, #tpu.memory_space<vmem>>, vector<1x16xi32>,
          %parallel_loop3A_543 = vector.shape_cast %parallel_loop3A_542 : vector<1x16xi32> to vector<16xi32>
          %parallel_loop3A_544 = arith.index_cast %parallel_loop3A_447 : i32 to index
          %parallel_loop3A_545 = arith.constant 16 : index
          %parallel_loop3A_546 = tpu.vector_load %arg20[%parallel_loop3A_544, %parallel_loop3A_545] {strides = array<i32>} : memref<40x64xi32, #tpu.memory_space<vmem>>, vector<1x16xi32>,
          %parallel_loop3A_547 = vector.shape_cast %parallel_loop3A_546 : vector<1x16xi32> to vector<16xi32>
          %parallel_loop3A_548 = arith.constant 16 : i32
          %parallel_loop3A_549 = vector.broadcast %parallel_loop3A_548 : i32 to vector<16xi32>
          %parallel_loop3A_550 = arith.shli %parallel_loop3A_543, %parallel_loop3A_549 : vector<16xi32>
          %parallel_loop3A_551 = tpu.bitcast %parallel_loop3A_550 : vector<16xi32> -> vector<16xf32>
          %parallel_loop3A_552 = arith.constant 16 : i32
          %parallel_loop3A_553 = vector.broadcast %parallel_loop3A_552 : i32 to vector<16xi32>
          %parallel_loop3A_554 = arith.shli %parallel_loop3A_547, %parallel_loop3A_553 : vector<16xi32>
          %parallel_loop3A_555 = tpu.bitcast %parallel_loop3A_554 : vector<16xi32> -> vector<16xf32>
          %parallel_loop3A_556 = arith.addf %parallel_loop3A_551, %parallel_loop3A_555 : vector<16xf32>
          %parallel_loop3A_557 = arith.constant -65536 : i32
          %parallel_loop3A_558 = vector.broadcast %parallel_loop3A_557 : i32 to vector<16xi32>
          %parallel_loop3A_559 = arith.andi %parallel_loop3A_543, %parallel_loop3A_558 : vector<16xi32>
          %parallel_loop3A_560 = tpu.bitcast %parallel_loop3A_559 : vector<16xi32> -> vector<16xf32>
          %parallel_loop3A_561 = arith.constant -65536 : i32
          %parallel_loop3A_562 = vector.broadcast %parallel_loop3A_561 : i32 to vector<16xi32>
          %parallel_loop3A_563 = arith.andi %parallel_loop3A_547, %parallel_loop3A_562 : vector<16xi32>
          %parallel_loop3A_564 = tpu.bitcast %parallel_loop3A_563 : vector<16xi32> -> vector<16xf32>
          %parallel_loop3A_565 = arith.addf %parallel_loop3A_560, %parallel_loop3A_564 : vector<16xf32>
          %parallel_loop3A_566 = tpu.bitcast %parallel_loop3A_556 : vector<16xf32> -> vector<16xi32>
          %parallel_loop3A_567 = arith.constant 32768 : i32
          %parallel_loop3A_568 = vector.broadcast %parallel_loop3A_567 : i32 to vector<16xi32>
          %parallel_loop3A_569 = arith.addi %parallel_loop3A_566, %parallel_loop3A_568 : vector<16xi32>
          %parallel_loop3A_570 = arith.constant 16 : i32
          %parallel_loop3A_571 = vector.broadcast %parallel_loop3A_570 : i32 to vector<16xi32>
          %parallel_loop3A_572 = arith.shrui %parallel_loop3A_569, %parallel_loop3A_571 : vector<16xi32>
          %parallel_loop3A_573 = tpu.bitcast %parallel_loop3A_565 : vector<16xf32> -> vector<16xi32>
          %parallel_loop3A_574 = arith.constant 32768 : i32
          %parallel_loop3A_575 = vector.broadcast %parallel_loop3A_574 : i32 to vector<16xi32>
          %parallel_loop3A_576 = arith.addi %parallel_loop3A_573, %parallel_loop3A_575 : vector<16xi32>
          %parallel_loop3A_577 = arith.constant -65536 : i32
          %parallel_loop3A_578 = vector.broadcast %parallel_loop3A_577 : i32 to vector<16xi32>
          %parallel_loop3A_579 = arith.andi %parallel_loop3A_576, %parallel_loop3A_578 : vector<16xi32>
          %parallel_loop3A_580 = arith.ori %parallel_loop3A_579, %parallel_loop3A_572 : vector<16xi32>
          %parallel_loop3A_581 = arith.index_cast %parallel_loop3A_447 : i32 to index
          %parallel_loop3A_582 = arith.constant 16 : index
          %parallel_loop3A_583 = tpu.vector_load %arg29[%parallel_loop3A_581, %parallel_loop3A_582] {strides = array<i32>} : memref<40x128xi32, #tpu.memory_space<vmem>>, vector<1x16xi32>,
          %parallel_loop3A_584 = vector.shape_cast %parallel_loop3A_583 : vector<1x16xi32> to vector<16xi32>
          %parallel_loop3A_585 = vector.shape_cast %parallel_loop3A_580 : vector<16xi32> to vector<1x16xi32>
          tpu.vector_store %arg29[%parallel_loop3A_581, %parallel_loop3A_582], %parallel_loop3A_585 {strides = array<i32>} : memref<40x128xi32, #tpu.memory_space<vmem>>, vector<1x16xi32>,
          %parallel_loop3A_586 = arith.index_cast %parallel_loop3A_447 : i32 to index
          %parallel_loop3A_587 = arith.constant 16 : index
          %parallel_loop3A_588 = tpu.vector_load %arg21[%parallel_loop3A_586, %parallel_loop3A_587] {strides = array<i32>} : memref<40x64xi32, #tpu.memory_space<vmem>>, vector<1x16xi32>,
          %parallel_loop3A_589 = vector.shape_cast %parallel_loop3A_588 : vector<1x16xi32> to vector<16xi32>
          %parallel_loop3A_590 = arith.index_cast %parallel_loop3A_447 : i32 to index
          %parallel_loop3A_591 = arith.constant 16 : index
          %parallel_loop3A_592 = tpu.vector_load %arg22[%parallel_loop3A_590, %parallel_loop3A_591] {strides = array<i32>} : memref<40x64xi32, #tpu.memory_space<vmem>>, vector<1x16xi32>,
          %parallel_loop3A_593 = vector.shape_cast %parallel_loop3A_592 : vector<1x16xi32> to vector<16xi32>
          %parallel_loop3A_594 = arith.constant 16 : i32
          %parallel_loop3A_595 = vector.broadcast %parallel_loop3A_594 : i32 to vector<16xi32>
          %parallel_loop3A_596 = arith.shli %parallel_loop3A_589, %parallel_loop3A_595 : vector<16xi32>
          %parallel_loop3A_597 = tpu.bitcast %parallel_loop3A_596 : vector<16xi32> -> vector<16xf32>
          %parallel_loop3A_598 = arith.constant 16 : i32
          %parallel_loop3A_599 = vector.broadcast %parallel_loop3A_598 : i32 to vector<16xi32>
          %parallel_loop3A_600 = arith.shli %parallel_loop3A_593, %parallel_loop3A_599 : vector<16xi32>
          %parallel_loop3A_601 = tpu.bitcast %parallel_loop3A_600 : vector<16xi32> -> vector<16xf32>
          %parallel_loop3A_602 = arith.addf %parallel_loop3A_597, %parallel_loop3A_601 : vector<16xf32>
          %parallel_loop3A_603 = arith.constant -65536 : i32
          %parallel_loop3A_604 = vector.broadcast %parallel_loop3A_603 : i32 to vector<16xi32>
          %parallel_loop3A_605 = arith.andi %parallel_loop3A_589, %parallel_loop3A_604 : vector<16xi32>
          %parallel_loop3A_606 = tpu.bitcast %parallel_loop3A_605 : vector<16xi32> -> vector<16xf32>
          %parallel_loop3A_607 = arith.constant -65536 : i32
          %parallel_loop3A_608 = vector.broadcast %parallel_loop3A_607 : i32 to vector<16xi32>
          %parallel_loop3A_609 = arith.andi %parallel_loop3A_593, %parallel_loop3A_608 : vector<16xi32>
          %parallel_loop3A_610 = tpu.bitcast %parallel_loop3A_609 : vector<16xi32> -> vector<16xf32>
          %parallel_loop3A_611 = arith.addf %parallel_loop3A_606, %parallel_loop3A_610 : vector<16xf32>
          %parallel_loop3A_612 = tpu.bitcast %parallel_loop3A_602 : vector<16xf32> -> vector<16xi32>
          %parallel_loop3A_613 = arith.constant 32768 : i32
          %parallel_loop3A_614 = vector.broadcast %parallel_loop3A_613 : i32 to vector<16xi32>
          %parallel_loop3A_615 = arith.addi %parallel_loop3A_612, %parallel_loop3A_614 : vector<16xi32>
          %parallel_loop3A_616 = arith.constant 16 : i32
          %parallel_loop3A_617 = vector.broadcast %parallel_loop3A_616 : i32 to vector<16xi32>
          %parallel_loop3A_618 = arith.shrui %parallel_loop3A_615, %parallel_loop3A_617 : vector<16xi32>
          %parallel_loop3A_619 = tpu.bitcast %parallel_loop3A_611 : vector<16xf32> -> vector<16xi32>
          %parallel_loop3A_620 = arith.constant 32768 : i32
          %parallel_loop3A_621 = vector.broadcast %parallel_loop3A_620 : i32 to vector<16xi32>
          %parallel_loop3A_622 = arith.addi %parallel_loop3A_619, %parallel_loop3A_621 : vector<16xi32>
          %parallel_loop3A_623 = arith.constant -65536 : i32
          %parallel_loop3A_624 = vector.broadcast %parallel_loop3A_623 : i32 to vector<16xi32>
          %parallel_loop3A_625 = arith.andi %parallel_loop3A_622, %parallel_loop3A_624 : vector<16xi32>
          %parallel_loop3A_626 = arith.ori %parallel_loop3A_625, %parallel_loop3A_618 : vector<16xi32>
          %parallel_loop3A_627 = arith.index_cast %parallel_loop3A_447 : i32 to index
          %parallel_loop3A_628 = arith.constant 80 : index
          %parallel_loop3A_629 = tpu.vector_load %arg29[%parallel_loop3A_627, %parallel_loop3A_628] {strides = array<i32>} : memref<40x128xi32, #tpu.memory_space<vmem>>, vector<1x16xi32>,
          %parallel_loop3A_630 = vector.shape_cast %parallel_loop3A_629 : vector<1x16xi32> to vector<16xi32>
          %parallel_loop3A_631 = vector.shape_cast %parallel_loop3A_626 : vector<16xi32> to vector<1x16xi32>
          tpu.vector_store %arg29[%parallel_loop3A_627, %parallel_loop3A_628], %parallel_loop3A_631 {strides = array<i32>} : memref<40x128xi32, #tpu.memory_space<vmem>>, vector<1x16xi32>,
          %parallel_loop3A_632 = arith.index_cast %parallel_loop3A_447 : i32 to index
          %parallel_loop3A_633 = arith.constant 32 : index
          %parallel_loop3A_634 = tpu.vector_load %arg19[%parallel_loop3A_632, %parallel_loop3A_633] {strides = array<i32>} : memref<40x64xi32, #tpu.memory_space<vmem>>, vector<1x16xi32>,
          %parallel_loop3A_635 = vector.shape_cast %parallel_loop3A_634 : vector<1x16xi32> to vector<16xi32>
          %parallel_loop3A_636 = arith.index_cast %parallel_loop3A_447 : i32 to index
          %parallel_loop3A_637 = arith.constant 32 : index
          %parallel_loop3A_638 = tpu.vector_load %arg20[%parallel_loop3A_636, %parallel_loop3A_637] {strides = array<i32>} : memref<40x64xi32, #tpu.memory_space<vmem>>, vector<1x16xi32>,
          %parallel_loop3A_639 = vector.shape_cast %parallel_loop3A_638 : vector<1x16xi32> to vector<16xi32>
          %parallel_loop3A_640 = arith.constant 16 : i32
          %parallel_loop3A_641 = vector.broadcast %parallel_loop3A_640 : i32 to vector<16xi32>
          %parallel_loop3A_642 = arith.shli %parallel_loop3A_635, %parallel_loop3A_641 : vector<16xi32>
          %parallel_loop3A_643 = tpu.bitcast %parallel_loop3A_642 : vector<16xi32> -> vector<16xf32>
          %parallel_loop3A_644 = arith.constant 16 : i32
          %parallel_loop3A_645 = vector.broadcast %parallel_loop3A_644 : i32 to vector<16xi32>
          %parallel_loop3A_646 = arith.shli %parallel_loop3A_639, %parallel_loop3A_645 : vector<16xi32>
          %parallel_loop3A_647 = tpu.bitcast %parallel_loop3A_646 : vector<16xi32> -> vector<16xf32>
          %parallel_loop3A_648 = arith.addf %parallel_loop3A_643, %parallel_loop3A_647 : vector<16xf32>
          %parallel_loop3A_649 = arith.constant -65536 : i32
          %parallel_loop3A_650 = vector.broadcast %parallel_loop3A_649 : i32 to vector<16xi32>
          %parallel_loop3A_651 = arith.andi %parallel_loop3A_635, %parallel_loop3A_650 : vector<16xi32>
          %parallel_loop3A_652 = tpu.bitcast %parallel_loop3A_651 : vector<16xi32> -> vector<16xf32>
          %parallel_loop3A_653 = arith.constant -65536 : i32
          %parallel_loop3A_654 = vector.broadcast %parallel_loop3A_653 : i32 to vector<16xi32>
          %parallel_loop3A_655 = arith.andi %parallel_loop3A_639, %parallel_loop3A_654 : vector<16xi32>
          %parallel_loop3A_656 = tpu.bitcast %parallel_loop3A_655 : vector<16xi32> -> vector<16xf32>
          %parallel_loop3A_657 = arith.addf %parallel_loop3A_652, %parallel_loop3A_656 : vector<16xf32>
          %parallel_loop3A_658 = tpu.bitcast %parallel_loop3A_648 : vector<16xf32> -> vector<16xi32>
          %parallel_loop3A_659 = arith.constant 32768 : i32
          %parallel_loop3A_660 = vector.broadcast %parallel_loop3A_659 : i32 to vector<16xi32>
          %parallel_loop3A_661 = arith.addi %parallel_loop3A_658, %parallel_loop3A_660 : vector<16xi32>
          %parallel_loop3A_662 = arith.constant 16 : i32
          %parallel_loop3A_663 = vector.broadcast %parallel_loop3A_662 : i32 to vector<16xi32>
          %parallel_loop3A_664 = arith.shrui %parallel_loop3A_661, %parallel_loop3A_663 : vector<16xi32>
          %parallel_loop3A_665 = tpu.bitcast %parallel_loop3A_657 : vector<16xf32> -> vector<16xi32>
          %parallel_loop3A_666 = arith.constant 32768 : i32
          %parallel_loop3A_667 = vector.broadcast %parallel_loop3A_666 : i32 to vector<16xi32>
          %parallel_loop3A_668 = arith.addi %parallel_loop3A_665, %parallel_loop3A_667 : vector<16xi32>
          %parallel_loop3A_669 = arith.constant -65536 : i32
          %parallel_loop3A_670 = vector.broadcast %parallel_loop3A_669 : i32 to vector<16xi32>
          %parallel_loop3A_671 = arith.andi %parallel_loop3A_668, %parallel_loop3A_670 : vector<16xi32>
          %parallel_loop3A_672 = arith.ori %parallel_loop3A_671, %parallel_loop3A_664 : vector<16xi32>
          %parallel_loop3A_673 = arith.index_cast %parallel_loop3A_447 : i32 to index
          %parallel_loop3A_674 = arith.constant 32 : index
          %parallel_loop3A_675 = tpu.vector_load %arg29[%parallel_loop3A_673, %parallel_loop3A_674] {strides = array<i32>} : memref<40x128xi32, #tpu.memory_space<vmem>>, vector<1x16xi32>,
          %parallel_loop3A_676 = vector.shape_cast %parallel_loop3A_675 : vector<1x16xi32> to vector<16xi32>
          %parallel_loop3A_677 = vector.shape_cast %parallel_loop3A_672 : vector<16xi32> to vector<1x16xi32>
          tpu.vector_store %arg29[%parallel_loop3A_673, %parallel_loop3A_674], %parallel_loop3A_677 {strides = array<i32>} : memref<40x128xi32, #tpu.memory_space<vmem>>, vector<1x16xi32>,
          %parallel_loop3A_678 = arith.index_cast %parallel_loop3A_447 : i32 to index
          %parallel_loop3A_679 = arith.constant 32 : index
          %parallel_loop3A_680 = tpu.vector_load %arg21[%parallel_loop3A_678, %parallel_loop3A_679] {strides = array<i32>} : memref<40x64xi32, #tpu.memory_space<vmem>>, vector<1x16xi32>,
          %parallel_loop3A_681 = vector.shape_cast %parallel_loop3A_680 : vector<1x16xi32> to vector<16xi32>
          %parallel_loop3A_682 = arith.index_cast %parallel_loop3A_447 : i32 to index
          %parallel_loop3A_683 = arith.constant 32 : index
          %parallel_loop3A_684 = tpu.vector_load %arg22[%parallel_loop3A_682, %parallel_loop3A_683] {strides = array<i32>} : memref<40x64xi32, #tpu.memory_space<vmem>>, vector<1x16xi32>,
          %parallel_loop3A_685 = vector.shape_cast %parallel_loop3A_684 : vector<1x16xi32> to vector<16xi32>
          %parallel_loop3A_686 = arith.constant 16 : i32
          %parallel_loop3A_687 = vector.broadcast %parallel_loop3A_686 : i32 to vector<16xi32>
          %parallel_loop3A_688 = arith.shli %parallel_loop3A_681, %parallel_loop3A_687 : vector<16xi32>
          %parallel_loop3A_689 = tpu.bitcast %parallel_loop3A_688 : vector<16xi32> -> vector<16xf32>
          %parallel_loop3A_690 = arith.constant 16 : i32
          %parallel_loop3A_691 = vector.broadcast %parallel_loop3A_690 : i32 to vector<16xi32>
          %parallel_loop3A_692 = arith.shli %parallel_loop3A_685, %parallel_loop3A_691 : vector<16xi32>
          %parallel_loop3A_693 = tpu.bitcast %parallel_loop3A_692 : vector<16xi32> -> vector<16xf32>
          %parallel_loop3A_694 = arith.addf %parallel_loop3A_689, %parallel_loop3A_693 : vector<16xf32>
          %parallel_loop3A_695 = arith.constant -65536 : i32
          %parallel_loop3A_696 = vector.broadcast %parallel_loop3A_695 : i32 to vector<16xi32>
          %parallel_loop3A_697 = arith.andi %parallel_loop3A_681, %parallel_loop3A_696 : vector<16xi32>
          %parallel_loop3A_698 = tpu.bitcast %parallel_loop3A_697 : vector<16xi32> -> vector<16xf32>
          %parallel_loop3A_699 = arith.constant -65536 : i32
          %parallel_loop3A_700 = vector.broadcast %parallel_loop3A_699 : i32 to vector<16xi32>
          %parallel_loop3A_701 = arith.andi %parallel_loop3A_685, %parallel_loop3A_700 : vector<16xi32>
          %parallel_loop3A_702 = tpu.bitcast %parallel_loop3A_701 : vector<16xi32> -> vector<16xf32>
          %parallel_loop3A_703 = arith.addf %parallel_loop3A_698, %parallel_loop3A_702 : vector<16xf32>
          %parallel_loop3A_704 = tpu.bitcast %parallel_loop3A_694 : vector<16xf32> -> vector<16xi32>
          %parallel_loop3A_705 = arith.constant 32768 : i32
          %parallel_loop3A_706 = vector.broadcast %parallel_loop3A_705 : i32 to vector<16xi32>
          %parallel_loop3A_707 = arith.addi %parallel_loop3A_704, %parallel_loop3A_706 : vector<16xi32>
          %parallel_loop3A_708 = arith.constant 16 : i32
          %parallel_loop3A_709 = vector.broadcast %parallel_loop3A_708 : i32 to vector<16xi32>
          %parallel_loop3A_710 = arith.shrui %parallel_loop3A_707, %parallel_loop3A_709 : vector<16xi32>
          %parallel_loop3A_711 = tpu.bitcast %parallel_loop3A_703 : vector<16xf32> -> vector<16xi32>
          %parallel_loop3A_712 = arith.constant 32768 : i32
          %parallel_loop3A_713 = vector.broadcast %parallel_loop3A_712 : i32 to vector<16xi32>
          %parallel_loop3A_714 = arith.addi %parallel_loop3A_711, %parallel_loop3A_713 : vector<16xi32>
          %parallel_loop3A_715 = arith.constant -65536 : i32
          %parallel_loop3A_716 = vector.broadcast %parallel_loop3A_715 : i32 to vector<16xi32>
          %parallel_loop3A_717 = arith.andi %parallel_loop3A_714, %parallel_loop3A_716 : vector<16xi32>
          %parallel_loop3A_718 = arith.ori %parallel_loop3A_717, %parallel_loop3A_710 : vector<16xi32>
          %parallel_loop3A_719 = arith.index_cast %parallel_loop3A_447 : i32 to index
          %parallel_loop3A_720 = arith.constant 96 : index
          %parallel_loop3A_721 = tpu.vector_load %arg29[%parallel_loop3A_719, %parallel_loop3A_720] {strides = array<i32>} : memref<40x128xi32, #tpu.memory_space<vmem>>, vector<1x16xi32>,
          %parallel_loop3A_722 = vector.shape_cast %parallel_loop3A_721 : vector<1x16xi32> to vector<16xi32>
          %parallel_loop3A_723 = vector.shape_cast %parallel_loop3A_718 : vector<16xi32> to vector<1x16xi32>
          tpu.vector_store %arg29[%parallel_loop3A_719, %parallel_loop3A_720], %parallel_loop3A_723 {strides = array<i32>} : memref<40x128xi32, #tpu.memory_space<vmem>>, vector<1x16xi32>,
          %parallel_loop3A_724 = arith.index_cast %parallel_loop3A_447 : i32 to index
          %parallel_loop3A_725 = arith.constant 48 : index
          %parallel_loop3A_726 = tpu.vector_load %arg19[%parallel_loop3A_724, %parallel_loop3A_725] {strides = array<i32>} : memref<40x64xi32, #tpu.memory_space<vmem>>, vector<1x16xi32>,
          %parallel_loop3A_727 = vector.shape_cast %parallel_loop3A_726 : vector<1x16xi32> to vector<16xi32>
          %parallel_loop3A_728 = arith.index_cast %parallel_loop3A_447 : i32 to index
          %parallel_loop3A_729 = arith.constant 48 : index
          %parallel_loop3A_730 = tpu.vector_load %arg20[%parallel_loop3A_728, %parallel_loop3A_729] {strides = array<i32>} : memref<40x64xi32, #tpu.memory_space<vmem>>, vector<1x16xi32>,
          %parallel_loop3A_731 = vector.shape_cast %parallel_loop3A_730 : vector<1x16xi32> to vector<16xi32>
          %parallel_loop3A_732 = arith.constant 16 : i32
          %parallel_loop3A_733 = vector.broadcast %parallel_loop3A_732 : i32 to vector<16xi32>
          %parallel_loop3A_734 = arith.shli %parallel_loop3A_727, %parallel_loop3A_733 : vector<16xi32>
          %parallel_loop3A_735 = tpu.bitcast %parallel_loop3A_734 : vector<16xi32> -> vector<16xf32>
          %parallel_loop3A_736 = arith.constant 16 : i32
          %parallel_loop3A_737 = vector.broadcast %parallel_loop3A_736 : i32 to vector<16xi32>
          %parallel_loop3A_738 = arith.shli %parallel_loop3A_731, %parallel_loop3A_737 : vector<16xi32>
          %parallel_loop3A_739 = tpu.bitcast %parallel_loop3A_738 : vector<16xi32> -> vector<16xf32>
          %parallel_loop3A_740 = arith.addf %parallel_loop3A_735, %parallel_loop3A_739 : vector<16xf32>
          %parallel_loop3A_741 = arith.constant -65536 : i32
          %parallel_loop3A_742 = vector.broadcast %parallel_loop3A_741 : i32 to vector<16xi32>
          %parallel_loop3A_743 = arith.andi %parallel_loop3A_727, %parallel_loop3A_742 : vector<16xi32>
          %parallel_loop3A_744 = tpu.bitcast %parallel_loop3A_743 : vector<16xi32> -> vector<16xf32>
          %parallel_loop3A_745 = arith.constant -65536 : i32
          %parallel_loop3A_746 = vector.broadcast %parallel_loop3A_745 : i32 to vector<16xi32>
          %parallel_loop3A_747 = arith.andi %parallel_loop3A_731, %parallel_loop3A_746 : vector<16xi32>
          %parallel_loop3A_748 = tpu.bitcast %parallel_loop3A_747 : vector<16xi32> -> vector<16xf32>
          %parallel_loop3A_749 = arith.addf %parallel_loop3A_744, %parallel_loop3A_748 : vector<16xf32>
          %parallel_loop3A_750 = tpu.bitcast %parallel_loop3A_740 : vector<16xf32> -> vector<16xi32>
          %parallel_loop3A_751 = arith.constant 32768 : i32
          %parallel_loop3A_752 = vector.broadcast %parallel_loop3A_751 : i32 to vector<16xi32>
          %parallel_loop3A_753 = arith.addi %parallel_loop3A_750, %parallel_loop3A_752 : vector<16xi32>
          %parallel_loop3A_754 = arith.constant 16 : i32
          %parallel_loop3A_755 = vector.broadcast %parallel_loop3A_754 : i32 to vector<16xi32>
          %parallel_loop3A_756 = arith.shrui %parallel_loop3A_753, %parallel_loop3A_755 : vector<16xi32>
          %parallel_loop3A_757 = tpu.bitcast %parallel_loop3A_749 : vector<16xf32> -> vector<16xi32>
          %parallel_loop3A_758 = arith.constant 32768 : i32
          %parallel_loop3A_759 = vector.broadcast %parallel_loop3A_758 : i32 to vector<16xi32>
          %parallel_loop3A_760 = arith.addi %parallel_loop3A_757, %parallel_loop3A_759 : vector<16xi32>
          %parallel_loop3A_761 = arith.constant -65536 : i32
          %parallel_loop3A_762 = vector.broadcast %parallel_loop3A_761 : i32 to vector<16xi32>
          %parallel_loop3A_763 = arith.andi %parallel_loop3A_760, %parallel_loop3A_762 : vector<16xi32>
          %parallel_loop3A_764 = arith.ori %parallel_loop3A_763, %parallel_loop3A_756 : vector<16xi32>
          %parallel_loop3A_765 = arith.index_cast %parallel_loop3A_447 : i32 to index
          %parallel_loop3A_766 = arith.constant 48 : index
          %parallel_loop3A_767 = tpu.vector_load %arg29[%parallel_loop3A_765, %parallel_loop3A_766] {strides = array<i32>} : memref<40x128xi32, #tpu.memory_space<vmem>>, vector<1x16xi32>,
          %parallel_loop3A_768 = vector.shape_cast %parallel_loop3A_767 : vector<1x16xi32> to vector<16xi32>
          %parallel_loop3A_769 = vector.shape_cast %parallel_loop3A_764 : vector<16xi32> to vector<1x16xi32>
          tpu.vector_store %arg29[%parallel_loop3A_765, %parallel_loop3A_766], %parallel_loop3A_769 {strides = array<i32>} : memref<40x128xi32, #tpu.memory_space<vmem>>, vector<1x16xi32>,
          %parallel_loop3A_770 = arith.index_cast %parallel_loop3A_447 : i32 to index
          %parallel_loop3A_771 = arith.constant 48 : index
          %parallel_loop3A_772 = tpu.vector_load %arg21[%parallel_loop3A_770, %parallel_loop3A_771] {strides = array<i32>} : memref<40x64xi32, #tpu.memory_space<vmem>>, vector<1x16xi32>,
          %parallel_loop3A_773 = vector.shape_cast %parallel_loop3A_772 : vector<1x16xi32> to vector<16xi32>
          %parallel_loop3A_774 = arith.index_cast %parallel_loop3A_447 : i32 to index
          %parallel_loop3A_775 = arith.constant 48 : index
          %parallel_loop3A_776 = tpu.vector_load %arg22[%parallel_loop3A_774, %parallel_loop3A_775] {strides = array<i32>} : memref<40x64xi32, #tpu.memory_space<vmem>>, vector<1x16xi32>,
          %parallel_loop3A_777 = vector.shape_cast %parallel_loop3A_776 : vector<1x16xi32> to vector<16xi32>
          %parallel_loop3A_778 = arith.constant 16 : i32
          %parallel_loop3A_779 = vector.broadcast %parallel_loop3A_778 : i32 to vector<16xi32>
          %parallel_loop3A_780 = arith.shli %parallel_loop3A_773, %parallel_loop3A_779 : vector<16xi32>
          %parallel_loop3A_781 = tpu.bitcast %parallel_loop3A_780 : vector<16xi32> -> vector<16xf32>
          %parallel_loop3A_782 = arith.constant 16 : i32
          %parallel_loop3A_783 = vector.broadcast %parallel_loop3A_782 : i32 to vector<16xi32>
          %parallel_loop3A_784 = arith.shli %parallel_loop3A_777, %parallel_loop3A_783 : vector<16xi32>
          %parallel_loop3A_785 = tpu.bitcast %parallel_loop3A_784 : vector<16xi32> -> vector<16xf32>
          %parallel_loop3A_786 = arith.addf %parallel_loop3A_781, %parallel_loop3A_785 : vector<16xf32>
          %parallel_loop3A_787 = arith.constant -65536 : i32
          %parallel_loop3A_788 = vector.broadcast %parallel_loop3A_787 : i32 to vector<16xi32>
          %parallel_loop3A_789 = arith.andi %parallel_loop3A_773, %parallel_loop3A_788 : vector<16xi32>
          %parallel_loop3A_790 = tpu.bitcast %parallel_loop3A_789 : vector<16xi32> -> vector<16xf32>
          %parallel_loop3A_791 = arith.constant -65536 : i32
          %parallel_loop3A_792 = vector.broadcast %parallel_loop3A_791 : i32 to vector<16xi32>
          %parallel_loop3A_793 = arith.andi %parallel_loop3A_777, %parallel_loop3A_792 : vector<16xi32>
          %parallel_loop3A_794 = tpu.bitcast %parallel_loop3A_793 : vector<16xi32> -> vector<16xf32>
          %parallel_loop3A_795 = arith.addf %parallel_loop3A_790, %parallel_loop3A_794 : vector<16xf32>
          %parallel_loop3A_796 = tpu.bitcast %parallel_loop3A_786 : vector<16xf32> -> vector<16xi32>
          %parallel_loop3A_797 = arith.constant 32768 : i32
          %parallel_loop3A_798 = vector.broadcast %parallel_loop3A_797 : i32 to vector<16xi32>
          %parallel_loop3A_799 = arith.addi %parallel_loop3A_796, %parallel_loop3A_798 : vector<16xi32>
          %parallel_loop3A_800 = arith.constant 16 : i32
          %parallel_loop3A_801 = vector.broadcast %parallel_loop3A_800 : i32 to vector<16xi32>
          %parallel_loop3A_802 = arith.shrui %parallel_loop3A_799, %parallel_loop3A_801 : vector<16xi32>
          %parallel_loop3A_803 = tpu.bitcast %parallel_loop3A_795 : vector<16xf32> -> vector<16xi32>
          %parallel_loop3A_804 = arith.constant 32768 : i32
          %parallel_loop3A_805 = vector.broadcast %parallel_loop3A_804 : i32 to vector<16xi32>
          %parallel_loop3A_806 = arith.addi %parallel_loop3A_803, %parallel_loop3A_805 : vector<16xi32>
          %parallel_loop3A_807 = arith.constant -65536 : i32
          %parallel_loop3A_808 = vector.broadcast %parallel_loop3A_807 : i32 to vector<16xi32>
          %parallel_loop3A_809 = arith.andi %parallel_loop3A_806, %parallel_loop3A_808 : vector<16xi32>
          %parallel_loop3A_810 = arith.ori %parallel_loop3A_809, %parallel_loop3A_802 : vector<16xi32>
          %parallel_loop3A_811 = arith.index_cast %parallel_loop3A_447 : i32 to index
          %parallel_loop3A_812 = arith.constant 112 : index
          %parallel_loop3A_813 = tpu.vector_load %arg29[%parallel_loop3A_811, %parallel_loop3A_812] {strides = array<i32>} : memref<40x128xi32, #tpu.memory_space<vmem>>, vector<1x16xi32>,
          %parallel_loop3A_814 = vector.shape_cast %parallel_loop3A_813 : vector<1x16xi32> to vector<16xi32>
          %parallel_loop3A_815 = vector.shape_cast %parallel_loop3A_810 : vector<16xi32> to vector<1x16xi32>
          tpu.vector_store %arg29[%parallel_loop3A_811, %parallel_loop3A_812], %parallel_loop3A_815 {strides = array<i32>} : memref<40x128xi32, #tpu.memory_space<vmem>>, vector<1x16xi32>,
        } {sc.loop_unroll_factor = 2 : i64, sc.parallel_access}
        %mul3A_439 = arith.constant 40 : i32
        %mul3A_440 = arith.muli %add3A_373, %mul3A_439 : i32
        %add3A_441 = arith.addi %multiple_of3A, %mul3A_440 : i32
        %multiple_of3A_442 = tpu.assume_multiple %add3A_441, 40 : i32
        %dma_start3A_443 = arith.constant 0 : i32
        %dma_start3A_444 = tpu.memref_slice %arg6[%multiple_of3A_442, %dma_start3A_443] : memref<160000x128xi32, #tpu.memory_space<hbm>> -> memref<40x128xi32, #tpu.memory_space<hbm>>
        %dma_start3A_445 = arith.constant 0 : i32
        %dma_start3A_446 = tpu.memref_slice %arg6[%multiple_of3A_442, %dma_start3A_445] : memref<160000x128xi32, #tpu.memory_space<hbm>> -> memref<40x128xi32, #tpu.memory_space<hbm>>
        tpu.enqueue_dma source(%arg29 : memref<40x128xi32, #tpu.memory_space<vmem>>) target(%dma_start3A_446 : memref<40x128xi32, #tpu.memory_space<hbm>>) target_semaphore(%arg37 : memref<!tpu.dma_semaphore, #tpu.memory_space<semaphore_mem>>)
      } else {
      }
      %mul3A_394 = arith.constant 4 : i32
      %mul3A_395 = arith.muli %scan3A_324, %mul3A_394 : i32
      %add3A_396 = arith.constant 3 : i32
      %add3A_397 = arith.addi %mul3A_395, %add3A_396 : i32
      %ge3A_398 = arith.constant 2 : i32
      %ge3A_399 = arith.cmpi sge, %add3A_397, %ge3A_398 : i32
      %lt3A_400 = arith.constant 125 : i32
      %lt3A_401 = arith.cmpi slt, %add3A_397, %lt3A_400 : i32
      %and3A_402 = arith.andi %ge3A_399, %lt3A_401 : i1
      %convert_element_type3A_403 = arith.extui %and3A_402 : i1 to i32
      %cond3A_404 = arith.constant 0 : i32
      %cond3A_405 = arith.cmpi ne, %convert_element_type3A_403, %cond3A_404 : i32
      scf.if %cond3A_405 {
        %dma_wait3A_418 = arith.constant 0 : i32
        %dma_wait3A_419 = arith.constant 0 : i32
        %dma_wait3A_420 = tpu.memref_slice %arg6[%dma_wait3A_418, %dma_wait3A_419] : memref<160000x128xi32, #tpu.memory_space<hbm>> -> memref<40x128xi32, #tpu.memory_space<hbm>>
        %dma_wait3A_421 = arith.constant 0 : i32
        %dma_wait3A_422 = arith.constant 0 : i32
        %dma_wait3A_423 = tpu.memref_slice %arg6[%dma_wait3A_421, %dma_wait3A_422] : memref<160000x128xi32, #tpu.memory_space<hbm>> -> memref<40x128xi32, #tpu.memory_space<hbm>>
        tpu.wait_dma2 semaphore(%arg36 : memref<!tpu.dma_semaphore, #tpu.memory_space<semaphore_mem>>) src(%arg28 : memref<40x128xi32, #tpu.memory_space<vmem>>) dst(%dma_wait3A_423 : memref<40x128xi32, #tpu.memory_space<hbm>>)
      } else {
      }
      %add3A_406 = arith.constant 2 : i32
      %add3A_407 = arith.addi %add3A_397, %add3A_406 : i32
      %lt3A_408 = arith.constant 125 : i32
      %lt3A_409 = arith.cmpi slt, %add3A_407, %lt3A_408 : i32
      %convert_element_type3A_410 = arith.extui %lt3A_409 : i1 to i32
      %cond3A_411 = arith.constant 0 : i32
      %cond3A_412 = arith.cmpi ne, %convert_element_type3A_410, %cond3A_411 : i32
      scf.if %cond3A_412 {
        %add3A_418 = arith.constant 2 : i32
        %add3A_419 = arith.addi %add3A_397, %add3A_418 : i32
        %mul3A_420 = arith.constant 40 : i32
        %mul3A_421 = arith.muli %add3A_419, %mul3A_420 : i32
        %multiple_of3A_422 = tpu.assume_multiple %mul3A_421, 40 : i32
        %dma_start3A_423 = tpu.memref_slice %arg7[%multiple_of3A_422] : memref<5000xi32, #tpu.memory_space<vmem>> -> memref<40xi32, #tpu.memory_space<vmem>>
        %dma_start3A_424 = arith.constant 0 : i32
        %dma_start3A_425 = arith.constant 0 : i32
        %dma_start3A_426 = tpu.memref_slice %arg2[%dma_start3A_424, %dma_start3A_425] : memref<10000x64xi32, #tpu.memory_space<hbm>> -> memref<10000x64xi32, #tpu.memory_space<hbm>>
        tpu.enqueue_indirect_dma source(%dma_start3A_426 : memref<10000x64xi32, #tpu.memory_space<hbm>>) target(%arg15 : memref<40x64xi32, #tpu.memory_space<vmem>>) offsets(%dma_start3A_423 : memref<40xi32, #tpu.memory_space<vmem>>) semaphore(%arg32 : memref<!tpu.dma_semaphore, #tpu.memory_space<semaphore_mem>>)
        %dma_start3A_427 = tpu.memref_slice %arg8[%multiple_of3A_422] : memref<5000xi32, #tpu.memory_space<vmem>> -> memref<40xi32, #tpu.memory_space<vmem>>
        %dma_start3A_428 = arith.constant 0 : i32
        %dma_start3A_429 = arith.constant 0 : i32
        %dma_start3A_430 = tpu.memref_slice %arg3[%dma_start3A_428, %dma_start3A_429] : memref<10000x64xi32, #tpu.memory_space<hbm>> -> memref<10000x64xi32, #tpu.memory_space<hbm>>
        tpu.enqueue_indirect_dma source(%dma_start3A_430 : memref<10000x64xi32, #tpu.memory_space<hbm>>) target(%arg16 : memref<40x64xi32, #tpu.memory_space<vmem>>) offsets(%dma_start3A_427 : memref<40xi32, #tpu.memory_space<vmem>>) semaphore(%arg32 : memref<!tpu.dma_semaphore, #tpu.memory_space<semaphore_mem>>)
        %dma_start3A_431 = tpu.memref_slice %arg9[%multiple_of3A_422] : memref<5000xi32, #tpu.memory_space<vmem>> -> memref<40xi32, #tpu.memory_space<vmem>>
        %dma_start3A_432 = arith.constant 0 : i32
        %dma_start3A_433 = arith.constant 0 : i32
        %dma_start3A_434 = tpu.memref_slice %arg2[%dma_start3A_432, %dma_start3A_433] : memref<10000x64xi32, #tpu.memory_space<hbm>> -> memref<10000x64xi32, #tpu.memory_space<hbm>>
        tpu.enqueue_indirect_dma source(%dma_start3A_434 : memref<10000x64xi32, #tpu.memory_space<hbm>>) target(%arg17 : memref<40x64xi32, #tpu.memory_space<vmem>>) offsets(%dma_start3A_431 : memref<40xi32, #tpu.memory_space<vmem>>) semaphore(%arg32 : memref<!tpu.dma_semaphore, #tpu.memory_space<semaphore_mem>>)
        %dma_start3A_435 = tpu.memref_slice %arg10[%multiple_of3A_422] : memref<5000xi32, #tpu.memory_space<vmem>> -> memref<40xi32, #tpu.memory_space<vmem>>
        %dma_start3A_436 = arith.constant 0 : i32
        %dma_start3A_437 = arith.constant 0 : i32
        %dma_start3A_438 = tpu.memref_slice %arg3[%dma_start3A_436, %dma_start3A_437] : memref<10000x64xi32, #tpu.memory_space<hbm>> -> memref<10000x64xi32, #tpu.memory_space<hbm>>
        tpu.enqueue_indirect_dma source(%dma_start3A_438 : memref<10000x64xi32, #tpu.memory_space<hbm>>) target(%arg18 : memref<40x64xi32, #tpu.memory_space<vmem>>) offsets(%dma_start3A_435 : memref<40xi32, #tpu.memory_space<vmem>>) semaphore(%arg32 : memref<!tpu.dma_semaphore, #tpu.memory_space<semaphore_mem>>)
      } else {
      }
      %lt3A_413 = arith.constant 125 : i32
      %lt3A_414 = arith.cmpi slt, %add3A_397, %lt3A_413 : i32
      %convert_element_type3A_415 = arith.extui %lt3A_414 : i1 to i32
      %cond3A_416 = arith.constant 0 : i32
      %cond3A_417 = arith.cmpi ne, %convert_element_type3A_415, %cond3A_416 : i32
      scf.if %cond3A_417 {
        %mul3A_418 = arith.constant 40 : i32
        %mul3A_419 = arith.muli %add3A_397, %mul3A_418 : i32
        %multiple_of3A_420 = tpu.assume_multiple %mul3A_419, 40 : i32
        %dma_wait3A_421 = tpu.memref_slice %arg7[%multiple_of3A_420] : memref<5000xi32, #tpu.memory_space<vmem>> -> memref<40xi32, #tpu.memory_space<vmem>>
        %dma_wait3A_422 = arith.constant 0 : i32
        %dma_wait3A_423 = arith.constant 0 : i32
        %dma_wait3A_424 = tpu.memref_slice %arg2[%dma_wait3A_422, %dma_wait3A_423] : memref<10000x64xi32, #tpu.memory_space<hbm>> -> memref<10000x64xi32, #tpu.memory_space<hbm>>
        tpu.wait_indirect_dma semaphore(%arg34 : memref<!tpu.dma_semaphore, #tpu.memory_space<semaphore_mem>>) src(%dma_wait3A_424 : memref<10000x64xi32, #tpu.memory_space<hbm>>) dst(%arg23 : memref<40x64xi32, #tpu.memory_space<vmem>>)
        %dma_wait3A_425 = tpu.memref_slice %arg8[%multiple_of3A_420] : memref<5000xi32, #tpu.memory_space<vmem>> -> memref<40xi32, #tpu.memory_space<vmem>>
        %dma_wait3A_426 = arith.constant 0 : i32
        %dma_wait3A_427 = arith.constant 0 : i32
        %dma_wait3A_428 = tpu.memref_slice %arg3[%dma_wait3A_426, %dma_wait3A_427] : memref<10000x64xi32, #tpu.memory_space<hbm>> -> memref<10000x64xi32, #tpu.memory_space<hbm>>
        tpu.wait_indirect_dma semaphore(%arg34 : memref<!tpu.dma_semaphore, #tpu.memory_space<semaphore_mem>>) src(%dma_wait3A_428 : memref<10000x64xi32, #tpu.memory_space<hbm>>) dst(%arg24 : memref<40x64xi32, #tpu.memory_space<vmem>>)
        %dma_wait3A_429 = tpu.memref_slice %arg9[%multiple_of3A_420] : memref<5000xi32, #tpu.memory_space<vmem>> -> memref<40xi32, #tpu.memory_space<vmem>>
        %dma_wait3A_430 = arith.constant 0 : i32
        %dma_wait3A_431 = arith.constant 0 : i32
        %dma_wait3A_432 = tpu.memref_slice %arg2[%dma_wait3A_430, %dma_wait3A_431] : memref<10000x64xi32, #tpu.memory_space<hbm>> -> memref<10000x64xi32, #tpu.memory_space<hbm>>
        tpu.wait_indirect_dma semaphore(%arg34 : memref<!tpu.dma_semaphore, #tpu.memory_space<semaphore_mem>>) src(%dma_wait3A_432 : memref<10000x64xi32, #tpu.memory_space<hbm>>) dst(%arg25 : memref<40x64xi32, #tpu.memory_space<vmem>>)
        %dma_wait3A_433 = tpu.memref_slice %arg10[%multiple_of3A_420] : memref<5000xi32, #tpu.memory_space<vmem>> -> memref<40xi32, #tpu.memory_space<vmem>>
        %dma_wait3A_434 = arith.constant 0 : i32
        %dma_wait3A_435 = arith.constant 0 : i32
        %dma_wait3A_436 = tpu.memref_slice %arg3[%dma_wait3A_434, %dma_wait3A_435] : memref<10000x64xi32, #tpu.memory_space<hbm>> -> memref<10000x64xi32, #tpu.memory_space<hbm>>
        tpu.wait_indirect_dma semaphore(%arg34 : memref<!tpu.dma_semaphore, #tpu.memory_space<semaphore_mem>>) src(%dma_wait3A_436 : memref<10000x64xi32, #tpu.memory_space<hbm>>) dst(%arg26 : memref<40x64xi32, #tpu.memory_space<vmem>>)
        %parallel_loop3A = arith.constant 0 : i32
        %parallel_loop3A_437 = arith.constant 40 : i32
        %parallel_loop3A_438 = arith.constant 1 : i32
        scf.for %parallel_loop3A_447 = %parallel_loop3A to %parallel_loop3A_437 step %parallel_loop3A_438  : i32 {
          %parallel_loop3A_448 = arith.index_cast %parallel_loop3A_447 : i32 to index
          %parallel_loop3A_449 = arith.constant 0 : index
          %parallel_loop3A_450 = tpu.vector_load %arg23[%parallel_loop3A_448, %parallel_loop3A_449] {strides = array<i32>} : memref<40x64xi32, #tpu.memory_space<vmem>>, vector<1x16xi32>,
          %parallel_loop3A_451 = vector.shape_cast %parallel_loop3A_450 : vector<1x16xi32> to vector<16xi32>
          %parallel_loop3A_452 = arith.index_cast %parallel_loop3A_447 : i32 to index
          %parallel_loop3A_453 = arith.constant 0 : index
          %parallel_loop3A_454 = tpu.vector_load %arg24[%parallel_loop3A_452, %parallel_loop3A_453] {strides = array<i32>} : memref<40x64xi32, #tpu.memory_space<vmem>>, vector<1x16xi32>,
          %parallel_loop3A_455 = vector.shape_cast %parallel_loop3A_454 : vector<1x16xi32> to vector<16xi32>
          %parallel_loop3A_456 = arith.constant 16 : i32
          %parallel_loop3A_457 = vector.broadcast %parallel_loop3A_456 : i32 to vector<16xi32>
          %parallel_loop3A_458 = arith.shli %parallel_loop3A_451, %parallel_loop3A_457 : vector<16xi32>
          %parallel_loop3A_459 = tpu.bitcast %parallel_loop3A_458 : vector<16xi32> -> vector<16xf32>
          %parallel_loop3A_460 = arith.constant 16 : i32
          %parallel_loop3A_461 = vector.broadcast %parallel_loop3A_460 : i32 to vector<16xi32>
          %parallel_loop3A_462 = arith.shli %parallel_loop3A_455, %parallel_loop3A_461 : vector<16xi32>
          %parallel_loop3A_463 = tpu.bitcast %parallel_loop3A_462 : vector<16xi32> -> vector<16xf32>
          %parallel_loop3A_464 = arith.addf %parallel_loop3A_459, %parallel_loop3A_463 : vector<16xf32>
          %parallel_loop3A_465 = arith.constant -65536 : i32
          %parallel_loop3A_466 = vector.broadcast %parallel_loop3A_465 : i32 to vector<16xi32>
          %parallel_loop3A_467 = arith.andi %parallel_loop3A_451, %parallel_loop3A_466 : vector<16xi32>
          %parallel_loop3A_468 = tpu.bitcast %parallel_loop3A_467 : vector<16xi32> -> vector<16xf32>
          %parallel_loop3A_469 = arith.constant -65536 : i32
          %parallel_loop3A_470 = vector.broadcast %parallel_loop3A_469 : i32 to vector<16xi32>
          %parallel_loop3A_471 = arith.andi %parallel_loop3A_455, %parallel_loop3A_470 : vector<16xi32>
          %parallel_loop3A_472 = tpu.bitcast %parallel_loop3A_471 : vector<16xi32> -> vector<16xf32>
          %parallel_loop3A_473 = arith.addf %parallel_loop3A_468, %parallel_loop3A_472 : vector<16xf32>
          %parallel_loop3A_474 = tpu.bitcast %parallel_loop3A_464 : vector<16xf32> -> vector<16xi32>
          %parallel_loop3A_475 = arith.constant 32768 : i32
          %parallel_loop3A_476 = vector.broadcast %parallel_loop3A_475 : i32 to vector<16xi32>
          %parallel_loop3A_477 = arith.addi %parallel_loop3A_474, %parallel_loop3A_476 : vector<16xi32>
          %parallel_loop3A_478 = arith.constant 16 : i32
          %parallel_loop3A_479 = vector.broadcast %parallel_loop3A_478 : i32 to vector<16xi32>
          %parallel_loop3A_480 = arith.shrui %parallel_loop3A_477, %parallel_loop3A_479 : vector<16xi32>
          %parallel_loop3A_481 = tpu.bitcast %parallel_loop3A_473 : vector<16xf32> -> vector<16xi32>
          %parallel_loop3A_482 = arith.constant 32768 : i32
          %parallel_loop3A_483 = vector.broadcast %parallel_loop3A_482 : i32 to vector<16xi32>
          %parallel_loop3A_484 = arith.addi %parallel_loop3A_481, %parallel_loop3A_483 : vector<16xi32>
          %parallel_loop3A_485 = arith.constant -65536 : i32
          %parallel_loop3A_486 = vector.broadcast %parallel_loop3A_485 : i32 to vector<16xi32>
          %parallel_loop3A_487 = arith.andi %parallel_loop3A_484, %parallel_loop3A_486 : vector<16xi32>
          %parallel_loop3A_488 = arith.ori %parallel_loop3A_487, %parallel_loop3A_480 : vector<16xi32>
          %parallel_loop3A_489 = arith.index_cast %parallel_loop3A_447 : i32 to index
          %parallel_loop3A_490 = arith.constant 0 : index
          %parallel_loop3A_491 = tpu.vector_load %arg30[%parallel_loop3A_489, %parallel_loop3A_490] {strides = array<i32>} : memref<40x128xi32, #tpu.memory_space<vmem>>, vector<1x16xi32>,
          %parallel_loop3A_492 = vector.shape_cast %parallel_loop3A_491 : vector<1x16xi32> to vector<16xi32>
          %parallel_loop3A_493 = vector.shape_cast %parallel_loop3A_488 : vector<16xi32> to vector<1x16xi32>
          tpu.vector_store %arg30[%parallel_loop3A_489, %parallel_loop3A_490], %parallel_loop3A_493 {strides = array<i32>} : memref<40x128xi32, #tpu.memory_space<vmem>>, vector<1x16xi32>,
          %parallel_loop3A_494 = arith.index_cast %parallel_loop3A_447 : i32 to index
          %parallel_loop3A_495 = arith.constant 0 : index
          %parallel_loop3A_496 = tpu.vector_load %arg25[%parallel_loop3A_494, %parallel_loop3A_495] {strides = array<i32>} : memref<40x64xi32, #tpu.memory_space<vmem>>, vector<1x16xi32>,
          %parallel_loop3A_497 = vector.shape_cast %parallel_loop3A_496 : vector<1x16xi32> to vector<16xi32>
          %parallel_loop3A_498 = arith.index_cast %parallel_loop3A_447 : i32 to index
          %parallel_loop3A_499 = arith.constant 0 : index
          %parallel_loop3A_500 = tpu.vector_load %arg26[%parallel_loop3A_498, %parallel_loop3A_499] {strides = array<i32>} : memref<40x64xi32, #tpu.memory_space<vmem>>, vector<1x16xi32>,
          %parallel_loop3A_501 = vector.shape_cast %parallel_loop3A_500 : vector<1x16xi32> to vector<16xi32>
          %parallel_loop3A_502 = arith.constant 16 : i32
          %parallel_loop3A_503 = vector.broadcast %parallel_loop3A_502 : i32 to vector<16xi32>
          %parallel_loop3A_504 = arith.shli %parallel_loop3A_497, %parallel_loop3A_503 : vector<16xi32>
          %parallel_loop3A_505 = tpu.bitcast %parallel_loop3A_504 : vector<16xi32> -> vector<16xf32>
          %parallel_loop3A_506 = arith.constant 16 : i32
          %parallel_loop3A_507 = vector.broadcast %parallel_loop3A_506 : i32 to vector<16xi32>
          %parallel_loop3A_508 = arith.shli %parallel_loop3A_501, %parallel_loop3A_507 : vector<16xi32>
          %parallel_loop3A_509 = tpu.bitcast %parallel_loop3A_508 : vector<16xi32> -> vector<16xf32>
          %parallel_loop3A_510 = arith.addf %parallel_loop3A_505, %parallel_loop3A_509 : vector<16xf32>
          %parallel_loop3A_511 = arith.constant -65536 : i32
          %parallel_loop3A_512 = vector.broadcast %parallel_loop3A_511 : i32 to vector<16xi32>
          %parallel_loop3A_513 = arith.andi %parallel_loop3A_497, %parallel_loop3A_512 : vector<16xi32>
          %parallel_loop3A_514 = tpu.bitcast %parallel_loop3A_513 : vector<16xi32> -> vector<16xf32>
          %parallel_loop3A_515 = arith.constant -65536 : i32
          %parallel_loop3A_516 = vector.broadcast %parallel_loop3A_515 : i32 to vector<16xi32>
          %parallel_loop3A_517 = arith.andi %parallel_loop3A_501, %parallel_loop3A_516 : vector<16xi32>
          %parallel_loop3A_518 = tpu.bitcast %parallel_loop3A_517 : vector<16xi32> -> vector<16xf32>
          %parallel_loop3A_519 = arith.addf %parallel_loop3A_514, %parallel_loop3A_518 : vector<16xf32>
          %parallel_loop3A_520 = tpu.bitcast %parallel_loop3A_510 : vector<16xf32> -> vector<16xi32>
          %parallel_loop3A_521 = arith.constant 32768 : i32
          %parallel_loop3A_522 = vector.broadcast %parallel_loop3A_521 : i32 to vector<16xi32>
          %parallel_loop3A_523 = arith.addi %parallel_loop3A_520, %parallel_loop3A_522 : vector<16xi32>
          %parallel_loop3A_524 = arith.constant 16 : i32
          %parallel_loop3A_525 = vector.broadcast %parallel_loop3A_524 : i32 to vector<16xi32>
          %parallel_loop3A_526 = arith.shrui %parallel_loop3A_523, %parallel_loop3A_525 : vector<16xi32>
          %parallel_loop3A_527 = tpu.bitcast %parallel_loop3A_519 : vector<16xf32> -> vector<16xi32>
          %parallel_loop3A_528 = arith.constant 32768 : i32
          %parallel_loop3A_529 = vector.broadcast %parallel_loop3A_528 : i32 to vector<16xi32>
          %parallel_loop3A_530 = arith.addi %parallel_loop3A_527, %parallel_loop3A_529 : vector<16xi32>
          %parallel_loop3A_531 = arith.constant -65536 : i32
          %parallel_loop3A_532 = vector.broadcast %parallel_loop3A_531 : i32 to vector<16xi32>
          %parallel_loop3A_533 = arith.andi %parallel_loop3A_530, %parallel_loop3A_532 : vector<16xi32>
          %parallel_loop3A_534 = arith.ori %parallel_loop3A_533, %parallel_loop3A_526 : vector<16xi32>
          %parallel_loop3A_535 = arith.index_cast %parallel_loop3A_447 : i32 to index
          %parallel_loop3A_536 = arith.constant 64 : index
          %parallel_loop3A_537 = tpu.vector_load %arg30[%parallel_loop3A_535, %parallel_loop3A_536] {strides = array<i32>} : memref<40x128xi32, #tpu.memory_space<vmem>>, vector<1x16xi32>,
          %parallel_loop3A_538 = vector.shape_cast %parallel_loop3A_537 : vector<1x16xi32> to vector<16xi32>
          %parallel_loop3A_539 = vector.shape_cast %parallel_loop3A_534 : vector<16xi32> to vector<1x16xi32>
          tpu.vector_store %arg30[%parallel_loop3A_535, %parallel_loop3A_536], %parallel_loop3A_539 {strides = array<i32>} : memref<40x128xi32, #tpu.memory_space<vmem>>, vector<1x16xi32>,
          %parallel_loop3A_540 = arith.index_cast %parallel_loop3A_447 : i32 to index
          %parallel_loop3A_541 = arith.constant 16 : index
          %parallel_loop3A_542 = tpu.vector_load %arg23[%parallel_loop3A_540, %parallel_loop3A_541] {strides = array<i32>} : memref<40x64xi32, #tpu.memory_space<vmem>>, vector<1x16xi32>,
          %parallel_loop3A_543 = vector.shape_cast %parallel_loop3A_542 : vector<1x16xi32> to vector<16xi32>
          %parallel_loop3A_544 = arith.index_cast %parallel_loop3A_447 : i32 to index
          %parallel_loop3A_545 = arith.constant 16 : index
          %parallel_loop3A_546 = tpu.vector_load %arg24[%parallel_loop3A_544, %parallel_loop3A_545] {strides = array<i32>} : memref<40x64xi32, #tpu.memory_space<vmem>>, vector<1x16xi32>,
          %parallel_loop3A_547 = vector.shape_cast %parallel_loop3A_546 : vector<1x16xi32> to vector<16xi32>
          %parallel_loop3A_548 = arith.constant 16 : i32
          %parallel_loop3A_549 = vector.broadcast %parallel_loop3A_548 : i32 to vector<16xi32>
          %parallel_loop3A_550 = arith.shli %parallel_loop3A_543, %parallel_loop3A_549 : vector<16xi32>
          %parallel_loop3A_551 = tpu.bitcast %parallel_loop3A_550 : vector<16xi32> -> vector<16xf32>
          %parallel_loop3A_552 = arith.constant 16 : i32
          %parallel_loop3A_553 = vector.broadcast %parallel_loop3A_552 : i32 to vector<16xi32>
          %parallel_loop3A_554 = arith.shli %parallel_loop3A_547, %parallel_loop3A_553 : vector<16xi32>
          %parallel_loop3A_555 = tpu.bitcast %parallel_loop3A_554 : vector<16xi32> -> vector<16xf32>
          %parallel_loop3A_556 = arith.addf %parallel_loop3A_551, %parallel_loop3A_555 : vector<16xf32>
          %parallel_loop3A_557 = arith.constant -65536 : i32
          %parallel_loop3A_558 = vector.broadcast %parallel_loop3A_557 : i32 to vector<16xi32>
          %parallel_loop3A_559 = arith.andi %parallel_loop3A_543, %parallel_loop3A_558 : vector<16xi32>
          %parallel_loop3A_560 = tpu.bitcast %parallel_loop3A_559 : vector<16xi32> -> vector<16xf32>
          %parallel_loop3A_561 = arith.constant -65536 : i32
          %parallel_loop3A_562 = vector.broadcast %parallel_loop3A_561 : i32 to vector<16xi32>
          %parallel_loop3A_563 = arith.andi %parallel_loop3A_547, %parallel_loop3A_562 : vector<16xi32>
          %parallel_loop3A_564 = tpu.bitcast %parallel_loop3A_563 : vector<16xi32> -> vector<16xf32>
          %parallel_loop3A_565 = arith.addf %parallel_loop3A_560, %parallel_loop3A_564 : vector<16xf32>
          %parallel_loop3A_566 = tpu.bitcast %parallel_loop3A_556 : vector<16xf32> -> vector<16xi32>
          %parallel_loop3A_567 = arith.constant 32768 : i32
          %parallel_loop3A_568 = vector.broadcast %parallel_loop3A_567 : i32 to vector<16xi32>
          %parallel_loop3A_569 = arith.addi %parallel_loop3A_566, %parallel_loop3A_568 : vector<16xi32>
          %parallel_loop3A_570 = arith.constant 16 : i32
          %parallel_loop3A_571 = vector.broadcast %parallel_loop3A_570 : i32 to vector<16xi32>
          %parallel_loop3A_572 = arith.shrui %parallel_loop3A_569, %parallel_loop3A_571 : vector<16xi32>
          %parallel_loop3A_573 = tpu.bitcast %parallel_loop3A_565 : vector<16xf32> -> vector<16xi32>
          %parallel_loop3A_574 = arith.constant 32768 : i32
          %parallel_loop3A_575 = vector.broadcast %parallel_loop3A_574 : i32 to vector<16xi32>
          %parallel_loop3A_576 = arith.addi %parallel_loop3A_573, %parallel_loop3A_575 : vector<16xi32>
          %parallel_loop3A_577 = arith.constant -65536 : i32
          %parallel_loop3A_578 = vector.broadcast %parallel_loop3A_577 : i32 to vector<16xi32>
          %parallel_loop3A_579 = arith.andi %parallel_loop3A_576, %parallel_loop3A_578 : vector<16xi32>
          %parallel_loop3A_580 = arith.ori %parallel_loop3A_579, %parallel_loop3A_572 : vector<16xi32>
          %parallel_loop3A_581 = arith.index_cast %parallel_loop3A_447 : i32 to index
          %parallel_loop3A_582 = arith.constant 16 : index
          %parallel_loop3A_583 = tpu.vector_load %arg30[%parallel_loop3A_581, %parallel_loop3A_582] {strides = array<i32>} : memref<40x128xi32, #tpu.memory_space<vmem>>, vector<1x16xi32>,
          %parallel_loop3A_584 = vector.shape_cast %parallel_loop3A_583 : vector<1x16xi32> to vector<16xi32>
          %parallel_loop3A_585 = vector.shape_cast %parallel_loop3A_580 : vector<16xi32> to vector<1x16xi32>
          tpu.vector_store %arg30[%parallel_loop3A_581, %parallel_loop3A_582], %parallel_loop3A_585 {strides = array<i32>} : memref<40x128xi32, #tpu.memory_space<vmem>>, vector<1x16xi32>,
          %parallel_loop3A_586 = arith.index_cast %parallel_loop3A_447 : i32 to index
          %parallel_loop3A_587 = arith.constant 16 : index
          %parallel_loop3A_588 = tpu.vector_load %arg25[%parallel_loop3A_586, %parallel_loop3A_587] {strides = array<i32>} : memref<40x64xi32, #tpu.memory_space<vmem>>, vector<1x16xi32>,
          %parallel_loop3A_589 = vector.shape_cast %parallel_loop3A_588 : vector<1x16xi32> to vector<16xi32>
          %parallel_loop3A_590 = arith.index_cast %parallel_loop3A_447 : i32 to index
          %parallel_loop3A_591 = arith.constant 16 : index
          %parallel_loop3A_592 = tpu.vector_load %arg26[%parallel_loop3A_590, %parallel_loop3A_591] {strides = array<i32>} : memref<40x64xi32, #tpu.memory_space<vmem>>, vector<1x16xi32>,
          %parallel_loop3A_593 = vector.shape_cast %parallel_loop3A_592 : vector<1x16xi32> to vector<16xi32>
          %parallel_loop3A_594 = arith.constant 16 : i32
          %parallel_loop3A_595 = vector.broadcast %parallel_loop3A_594 : i32 to vector<16xi32>
          %parallel_loop3A_596 = arith.shli %parallel_loop3A_589, %parallel_loop3A_595 : vector<16xi32>
          %parallel_loop3A_597 = tpu.bitcast %parallel_loop3A_596 : vector<16xi32> -> vector<16xf32>
          %parallel_loop3A_598 = arith.constant 16 : i32
          %parallel_loop3A_599 = vector.broadcast %parallel_loop3A_598 : i32 to vector<16xi32>
          %parallel_loop3A_600 = arith.shli %parallel_loop3A_593, %parallel_loop3A_599 : vector<16xi32>
          %parallel_loop3A_601 = tpu.bitcast %parallel_loop3A_600 : vector<16xi32> -> vector<16xf32>
          %parallel_loop3A_602 = arith.addf %parallel_loop3A_597, %parallel_loop3A_601 : vector<16xf32>
          %parallel_loop3A_603 = arith.constant -65536 : i32
          %parallel_loop3A_604 = vector.broadcast %parallel_loop3A_603 : i32 to vector<16xi32>
          %parallel_loop3A_605 = arith.andi %parallel_loop3A_589, %parallel_loop3A_604 : vector<16xi32>
          %parallel_loop3A_606 = tpu.bitcast %parallel_loop3A_605 : vector<16xi32> -> vector<16xf32>
          %parallel_loop3A_607 = arith.constant -65536 : i32
          %parallel_loop3A_608 = vector.broadcast %parallel_loop3A_607 : i32 to vector<16xi32>
          %parallel_loop3A_609 = arith.andi %parallel_loop3A_593, %parallel_loop3A_608 : vector<16xi32>
          %parallel_loop3A_610 = tpu.bitcast %parallel_loop3A_609 : vector<16xi32> -> vector<16xf32>
          %parallel_loop3A_611 = arith.addf %parallel_loop3A_606, %parallel_loop3A_610 : vector<16xf32>
          %parallel_loop3A_612 = tpu.bitcast %parallel_loop3A_602 : vector<16xf32> -> vector<16xi32>
          %parallel_loop3A_613 = arith.constant 32768 : i32
          %parallel_loop3A_614 = vector.broadcast %parallel_loop3A_613 : i32 to vector<16xi32>
          %parallel_loop3A_615 = arith.addi %parallel_loop3A_612, %parallel_loop3A_614 : vector<16xi32>
          %parallel_loop3A_616 = arith.constant 16 : i32
          %parallel_loop3A_617 = vector.broadcast %parallel_loop3A_616 : i32 to vector<16xi32>
          %parallel_loop3A_618 = arith.shrui %parallel_loop3A_615, %parallel_loop3A_617 : vector<16xi32>
          %parallel_loop3A_619 = tpu.bitcast %parallel_loop3A_611 : vector<16xf32> -> vector<16xi32>
          %parallel_loop3A_620 = arith.constant 32768 : i32
          %parallel_loop3A_621 = vector.broadcast %parallel_loop3A_620 : i32 to vector<16xi32>
          %parallel_loop3A_622 = arith.addi %parallel_loop3A_619, %parallel_loop3A_621 : vector<16xi32>
          %parallel_loop3A_623 = arith.constant -65536 : i32
          %parallel_loop3A_624 = vector.broadcast %parallel_loop3A_623 : i32 to vector<16xi32>
          %parallel_loop3A_625 = arith.andi %parallel_loop3A_622, %parallel_loop3A_624 : vector<16xi32>
          %parallel_loop3A_626 = arith.ori %parallel_loop3A_625, %parallel_loop3A_618 : vector<16xi32>
          %parallel_loop3A_627 = arith.index_cast %parallel_loop3A_447 : i32 to index
          %parallel_loop3A_628 = arith.constant 80 : index
          %parallel_loop3A_629 = tpu.vector_load %arg30[%parallel_loop3A_627, %parallel_loop3A_628] {strides = array<i32>} : memref<40x128xi32, #tpu.memory_space<vmem>>, vector<1x16xi32>,
          %parallel_loop3A_630 = vector.shape_cast %parallel_loop3A_629 : vector<1x16xi32> to vector<16xi32>
          %parallel_loop3A_631 = vector.shape_cast %parallel_loop3A_626 : vector<16xi32> to vector<1x16xi32>
          tpu.vector_store %arg30[%parallel_loop3A_627, %parallel_loop3A_628], %parallel_loop3A_631 {strides = array<i32>} : memref<40x128xi32, #tpu.memory_space<vmem>>, vector<1x16xi32>,
          %parallel_loop3A_632 = arith.index_cast %parallel_loop3A_447 : i32 to index
          %parallel_loop3A_633 = arith.constant 32 : index
          %parallel_loop3A_634 = tpu.vector_load %arg23[%parallel_loop3A_632, %parallel_loop3A_633] {strides = array<i32>} : memref<40x64xi32, #tpu.memory_space<vmem>>, vector<1x16xi32>,
          %parallel_loop3A_635 = vector.shape_cast %parallel_loop3A_634 : vector<1x16xi32> to vector<16xi32>
          %parallel_loop3A_636 = arith.index_cast %parallel_loop3A_447 : i32 to index
          %parallel_loop3A_637 = arith.constant 32 : index
          %parallel_loop3A_638 = tpu.vector_load %arg24[%parallel_loop3A_636, %parallel_loop3A_637] {strides = array<i32>} : memref<40x64xi32, #tpu.memory_space<vmem>>, vector<1x16xi32>,
          %parallel_loop3A_639 = vector.shape_cast %parallel_loop3A_638 : vector<1x16xi32> to vector<16xi32>
          %parallel_loop3A_640 = arith.constant 16 : i32
          %parallel_loop3A_641 = vector.broadcast %parallel_loop3A_640 : i32 to vector<16xi32>
          %parallel_loop3A_642 = arith.shli %parallel_loop3A_635, %parallel_loop3A_641 : vector<16xi32>
          %parallel_loop3A_643 = tpu.bitcast %parallel_loop3A_642 : vector<16xi32> -> vector<16xf32>
          %parallel_loop3A_644 = arith.constant 16 : i32
          %parallel_loop3A_645 = vector.broadcast %parallel_loop3A_644 : i32 to vector<16xi32>
          %parallel_loop3A_646 = arith.shli %parallel_loop3A_639, %parallel_loop3A_645 : vector<16xi32>
          %parallel_loop3A_647 = tpu.bitcast %parallel_loop3A_646 : vector<16xi32> -> vector<16xf32>
          %parallel_loop3A_648 = arith.addf %parallel_loop3A_643, %parallel_loop3A_647 : vector<16xf32>
          %parallel_loop3A_649 = arith.constant -65536 : i32
          %parallel_loop3A_650 = vector.broadcast %parallel_loop3A_649 : i32 to vector<16xi32>
          %parallel_loop3A_651 = arith.andi %parallel_loop3A_635, %parallel_loop3A_650 : vector<16xi32>
          %parallel_loop3A_652 = tpu.bitcast %parallel_loop3A_651 : vector<16xi32> -> vector<16xf32>
          %parallel_loop3A_653 = arith.constant -65536 : i32
          %parallel_loop3A_654 = vector.broadcast %parallel_loop3A_653 : i32 to vector<16xi32>
          %parallel_loop3A_655 = arith.andi %parallel_loop3A_639, %parallel_loop3A_654 : vector<16xi32>
          %parallel_loop3A_656 = tpu.bitcast %parallel_loop3A_655 : vector<16xi32> -> vector<16xf32>
          %parallel_loop3A_657 = arith.addf %parallel_loop3A_652, %parallel_loop3A_656 : vector<16xf32>
          %parallel_loop3A_658 = tpu.bitcast %parallel_loop3A_648 : vector<16xf32> -> vector<16xi32>
          %parallel_loop3A_659 = arith.constant 32768 : i32
          %parallel_loop3A_660 = vector.broadcast %parallel_loop3A_659 : i32 to vector<16xi32>
          %parallel_loop3A_661 = arith.addi %parallel_loop3A_658, %parallel_loop3A_660 : vector<16xi32>
          %parallel_loop3A_662 = arith.constant 16 : i32
          %parallel_loop3A_663 = vector.broadcast %parallel_loop3A_662 : i32 to vector<16xi32>
          %parallel_loop3A_664 = arith.shrui %parallel_loop3A_661, %parallel_loop3A_663 : vector<16xi32>
          %parallel_loop3A_665 = tpu.bitcast %parallel_loop3A_657 : vector<16xf32> -> vector<16xi32>
          %parallel_loop3A_666 = arith.constant 32768 : i32
          %parallel_loop3A_667 = vector.broadcast %parallel_loop3A_666 : i32 to vector<16xi32>
          %parallel_loop3A_668 = arith.addi %parallel_loop3A_665, %parallel_loop3A_667 : vector<16xi32>
          %parallel_loop3A_669 = arith.constant -65536 : i32
          %parallel_loop3A_670 = vector.broadcast %parallel_loop3A_669 : i32 to vector<16xi32>
          %parallel_loop3A_671 = arith.andi %parallel_loop3A_668, %parallel_loop3A_670 : vector<16xi32>
          %parallel_loop3A_672 = arith.ori %parallel_loop3A_671, %parallel_loop3A_664 : vector<16xi32>
          %parallel_loop3A_673 = arith.index_cast %parallel_loop3A_447 : i32 to index
          %parallel_loop3A_674 = arith.constant 32 : index
          %parallel_loop3A_675 = tpu.vector_load %arg30[%parallel_loop3A_673, %parallel_loop3A_674] {strides = array<i32>} : memref<40x128xi32, #tpu.memory_space<vmem>>, vector<1x16xi32>,
          %parallel_loop3A_676 = vector.shape_cast %parallel_loop3A_675 : vector<1x16xi32> to vector<16xi32>
          %parallel_loop3A_677 = vector.shape_cast %parallel_loop3A_672 : vector<16xi32> to vector<1x16xi32>
          tpu.vector_store %arg30[%parallel_loop3A_673, %parallel_loop3A_674], %parallel_loop3A_677 {strides = array<i32>} : memref<40x128xi32, #tpu.memory_space<vmem>>, vector<1x16xi32>,
          %parallel_loop3A_678 = arith.index_cast %parallel_loop3A_447 : i32 to index
          %parallel_loop3A_679 = arith.constant 32 : index
          %parallel_loop3A_680 = tpu.vector_load %arg25[%parallel_loop3A_678, %parallel_loop3A_679] {strides = array<i32>} : memref<40x64xi32, #tpu.memory_space<vmem>>, vector<1x16xi32>,
          %parallel_loop3A_681 = vector.shape_cast %parallel_loop3A_680 : vector<1x16xi32> to vector<16xi32>
          %parallel_loop3A_682 = arith.index_cast %parallel_loop3A_447 : i32 to index
          %parallel_loop3A_683 = arith.constant 32 : index
          %parallel_loop3A_684 = tpu.vector_load %arg26[%parallel_loop3A_682, %parallel_loop3A_683] {strides = array<i32>} : memref<40x64xi32, #tpu.memory_space<vmem>>, vector<1x16xi32>,
          %parallel_loop3A_685 = vector.shape_cast %parallel_loop3A_684 : vector<1x16xi32> to vector<16xi32>
          %parallel_loop3A_686 = arith.constant 16 : i32
          %parallel_loop3A_687 = vector.broadcast %parallel_loop3A_686 : i32 to vector<16xi32>
          %parallel_loop3A_688 = arith.shli %parallel_loop3A_681, %parallel_loop3A_687 : vector<16xi32>
          %parallel_loop3A_689 = tpu.bitcast %parallel_loop3A_688 : vector<16xi32> -> vector<16xf32>
          %parallel_loop3A_690 = arith.constant 16 : i32
          %parallel_loop3A_691 = vector.broadcast %parallel_loop3A_690 : i32 to vector<16xi32>
          %parallel_loop3A_692 = arith.shli %parallel_loop3A_685, %parallel_loop3A_691 : vector<16xi32>
          %parallel_loop3A_693 = tpu.bitcast %parallel_loop3A_692 : vector<16xi32> -> vector<16xf32>
          %parallel_loop3A_694 = arith.addf %parallel_loop3A_689, %parallel_loop3A_693 : vector<16xf32>
          %parallel_loop3A_695 = arith.constant -65536 : i32
          %parallel_loop3A_696 = vector.broadcast %parallel_loop3A_695 : i32 to vector<16xi32>
          %parallel_loop3A_697 = arith.andi %parallel_loop3A_681, %parallel_loop3A_696 : vector<16xi32>
          %parallel_loop3A_698 = tpu.bitcast %parallel_loop3A_697 : vector<16xi32> -> vector<16xf32>
          %parallel_loop3A_699 = arith.constant -65536 : i32
          %parallel_loop3A_700 = vector.broadcast %parallel_loop3A_699 : i32 to vector<16xi32>
          %parallel_loop3A_701 = arith.andi %parallel_loop3A_685, %parallel_loop3A_700 : vector<16xi32>
          %parallel_loop3A_702 = tpu.bitcast %parallel_loop3A_701 : vector<16xi32> -> vector<16xf32>
          %parallel_loop3A_703 = arith.addf %parallel_loop3A_698, %parallel_loop3A_702 : vector<16xf32>
          %parallel_loop3A_704 = tpu.bitcast %parallel_loop3A_694 : vector<16xf32> -> vector<16xi32>
          %parallel_loop3A_705 = arith.constant 32768 : i32
          %parallel_loop3A_706 = vector.broadcast %parallel_loop3A_705 : i32 to vector<16xi32>
          %parallel_loop3A_707 = arith.addi %parallel_loop3A_704, %parallel_loop3A_706 : vector<16xi32>
          %parallel_loop3A_708 = arith.constant 16 : i32
          %parallel_loop3A_709 = vector.broadcast %parallel_loop3A_708 : i32 to vector<16xi32>
          %parallel_loop3A_710 = arith.shrui %parallel_loop3A_707, %parallel_loop3A_709 : vector<16xi32>
          %parallel_loop3A_711 = tpu.bitcast %parallel_loop3A_703 : vector<16xf32> -> vector<16xi32>
          %parallel_loop3A_712 = arith.constant 32768 : i32
          %parallel_loop3A_713 = vector.broadcast %parallel_loop3A_712 : i32 to vector<16xi32>
          %parallel_loop3A_714 = arith.addi %parallel_loop3A_711, %parallel_loop3A_713 : vector<16xi32>
          %parallel_loop3A_715 = arith.constant -65536 : i32
          %parallel_loop3A_716 = vector.broadcast %parallel_loop3A_715 : i32 to vector<16xi32>
          %parallel_loop3A_717 = arith.andi %parallel_loop3A_714, %parallel_loop3A_716 : vector<16xi32>
          %parallel_loop3A_718 = arith.ori %parallel_loop3A_717, %parallel_loop3A_710 : vector<16xi32>
          %parallel_loop3A_719 = arith.index_cast %parallel_loop3A_447 : i32 to index
          %parallel_loop3A_720 = arith.constant 96 : index
          %parallel_loop3A_721 = tpu.vector_load %arg30[%parallel_loop3A_719, %parallel_loop3A_720] {strides = array<i32>} : memref<40x128xi32, #tpu.memory_space<vmem>>, vector<1x16xi32>,
          %parallel_loop3A_722 = vector.shape_cast %parallel_loop3A_721 : vector<1x16xi32> to vector<16xi32>
          %parallel_loop3A_723 = vector.shape_cast %parallel_loop3A_718 : vector<16xi32> to vector<1x16xi32>
          tpu.vector_store %arg30[%parallel_loop3A_719, %parallel_loop3A_720], %parallel_loop3A_723 {strides = array<i32>} : memref<40x128xi32, #tpu.memory_space<vmem>>, vector<1x16xi32>,
          %parallel_loop3A_724 = arith.index_cast %parallel_loop3A_447 : i32 to index
          %parallel_loop3A_725 = arith.constant 48 : index
          %parallel_loop3A_726 = tpu.vector_load %arg23[%parallel_loop3A_724, %parallel_loop3A_725] {strides = array<i32>} : memref<40x64xi32, #tpu.memory_space<vmem>>, vector<1x16xi32>,
          %parallel_loop3A_727 = vector.shape_cast %parallel_loop3A_726 : vector<1x16xi32> to vector<16xi32>
          %parallel_loop3A_728 = arith.index_cast %parallel_loop3A_447 : i32 to index
          %parallel_loop3A_729 = arith.constant 48 : index
          %parallel_loop3A_730 = tpu.vector_load %arg24[%parallel_loop3A_728, %parallel_loop3A_729] {strides = array<i32>} : memref<40x64xi32, #tpu.memory_space<vmem>>, vector<1x16xi32>,
          %parallel_loop3A_731 = vector.shape_cast %parallel_loop3A_730 : vector<1x16xi32> to vector<16xi32>
          %parallel_loop3A_732 = arith.constant 16 : i32
          %parallel_loop3A_733 = vector.broadcast %parallel_loop3A_732 : i32 to vector<16xi32>
          %parallel_loop3A_734 = arith.shli %parallel_loop3A_727, %parallel_loop3A_733 : vector<16xi32>
          %parallel_loop3A_735 = tpu.bitcast %parallel_loop3A_734 : vector<16xi32> -> vector<16xf32>
          %parallel_loop3A_736 = arith.constant 16 : i32
          %parallel_loop3A_737 = vector.broadcast %parallel_loop3A_736 : i32 to vector<16xi32>
          %parallel_loop3A_738 = arith.shli %parallel_loop3A_731, %parallel_loop3A_737 : vector<16xi32>
          %parallel_loop3A_739 = tpu.bitcast %parallel_loop3A_738 : vector<16xi32> -> vector<16xf32>
          %parallel_loop3A_740 = arith.addf %parallel_loop3A_735, %parallel_loop3A_739 : vector<16xf32>
          %parallel_loop3A_741 = arith.constant -65536 : i32
          %parallel_loop3A_742 = vector.broadcast %parallel_loop3A_741 : i32 to vector<16xi32>
          %parallel_loop3A_743 = arith.andi %parallel_loop3A_727, %parallel_loop3A_742 : vector<16xi32>
          %parallel_loop3A_744 = tpu.bitcast %parallel_loop3A_743 : vector<16xi32> -> vector<16xf32>
          %parallel_loop3A_745 = arith.constant -65536 : i32
          %parallel_loop3A_746 = vector.broadcast %parallel_loop3A_745 : i32 to vector<16xi32>
          %parallel_loop3A_747 = arith.andi %parallel_loop3A_731, %parallel_loop3A_746 : vector<16xi32>
          %parallel_loop3A_748 = tpu.bitcast %parallel_loop3A_747 : vector<16xi32> -> vector<16xf32>
          %parallel_loop3A_749 = arith.addf %parallel_loop3A_744, %parallel_loop3A_748 : vector<16xf32>
          %parallel_loop3A_750 = tpu.bitcast %parallel_loop3A_740 : vector<16xf32> -> vector<16xi32>
          %parallel_loop3A_751 = arith.constant 32768 : i32
          %parallel_loop3A_752 = vector.broadcast %parallel_loop3A_751 : i32 to vector<16xi32>
          %parallel_loop3A_753 = arith.addi %parallel_loop3A_750, %parallel_loop3A_752 : vector<16xi32>
          %parallel_loop3A_754 = arith.constant 16 : i32
          %parallel_loop3A_755 = vector.broadcast %parallel_loop3A_754 : i32 to vector<16xi32>
          %parallel_loop3A_756 = arith.shrui %parallel_loop3A_753, %parallel_loop3A_755 : vector<16xi32>
          %parallel_loop3A_757 = tpu.bitcast %parallel_loop3A_749 : vector<16xf32> -> vector<16xi32>
          %parallel_loop3A_758 = arith.constant 32768 : i32
          %parallel_loop3A_759 = vector.broadcast %parallel_loop3A_758 : i32 to vector<16xi32>
          %parallel_loop3A_760 = arith.addi %parallel_loop3A_757, %parallel_loop3A_759 : vector<16xi32>
          %parallel_loop3A_761 = arith.constant -65536 : i32
          %parallel_loop3A_762 = vector.broadcast %parallel_loop3A_761 : i32 to vector<16xi32>
          %parallel_loop3A_763 = arith.andi %parallel_loop3A_760, %parallel_loop3A_762 : vector<16xi32>
          %parallel_loop3A_764 = arith.ori %parallel_loop3A_763, %parallel_loop3A_756 : vector<16xi32>
          %parallel_loop3A_765 = arith.index_cast %parallel_loop3A_447 : i32 to index
          %parallel_loop3A_766 = arith.constant 48 : index
          %parallel_loop3A_767 = tpu.vector_load %arg30[%parallel_loop3A_765, %parallel_loop3A_766] {strides = array<i32>} : memref<40x128xi32, #tpu.memory_space<vmem>>, vector<1x16xi32>,
          %parallel_loop3A_768 = vector.shape_cast %parallel_loop3A_767 : vector<1x16xi32> to vector<16xi32>
          %parallel_loop3A_769 = vector.shape_cast %parallel_loop3A_764 : vector<16xi32> to vector<1x16xi32>
          tpu.vector_store %arg30[%parallel_loop3A_765, %parallel_loop3A_766], %parallel_loop3A_769 {strides = array<i32>} : memref<40x128xi32, #tpu.memory_space<vmem>>, vector<1x16xi32>,
          %parallel_loop3A_770 = arith.index_cast %parallel_loop3A_447 : i32 to index
          %parallel_loop3A_771 = arith.constant 48 : index
          %parallel_loop3A_772 = tpu.vector_load %arg25[%parallel_loop3A_770, %parallel_loop3A_771] {strides = array<i32>} : memref<40x64xi32, #tpu.memory_space<vmem>>, vector<1x16xi32>,
          %parallel_loop3A_773 = vector.shape_cast %parallel_loop3A_772 : vector<1x16xi32> to vector<16xi32>
          %parallel_loop3A_774 = arith.index_cast %parallel_loop3A_447 : i32 to index
          %parallel_loop3A_775 = arith.constant 48 : index
          %parallel_loop3A_776 = tpu.vector_load %arg26[%parallel_loop3A_774, %parallel_loop3A_775] {strides = array<i32>} : memref<40x64xi32, #tpu.memory_space<vmem>>, vector<1x16xi32>,
          %parallel_loop3A_777 = vector.shape_cast %parallel_loop3A_776 : vector<1x16xi32> to vector<16xi32>
          %parallel_loop3A_778 = arith.constant 16 : i32
          %parallel_loop3A_779 = vector.broadcast %parallel_loop3A_778 : i32 to vector<16xi32>
          %parallel_loop3A_780 = arith.shli %parallel_loop3A_773, %parallel_loop3A_779 : vector<16xi32>
          %parallel_loop3A_781 = tpu.bitcast %parallel_loop3A_780 : vector<16xi32> -> vector<16xf32>
          %parallel_loop3A_782 = arith.constant 16 : i32
          %parallel_loop3A_783 = vector.broadcast %parallel_loop3A_782 : i32 to vector<16xi32>
          %parallel_loop3A_784 = arith.shli %parallel_loop3A_777, %parallel_loop3A_783 : vector<16xi32>
          %parallel_loop3A_785 = tpu.bitcast %parallel_loop3A_784 : vector<16xi32> -> vector<16xf32>
          %parallel_loop3A_786 = arith.addf %parallel_loop3A_781, %parallel_loop3A_785 : vector<16xf32>
          %parallel_loop3A_787 = arith.constant -65536 : i32
          %parallel_loop3A_788 = vector.broadcast %parallel_loop3A_787 : i32 to vector<16xi32>
          %parallel_loop3A_789 = arith.andi %parallel_loop3A_773, %parallel_loop3A_788 : vector<16xi32>
          %parallel_loop3A_790 = tpu.bitcast %parallel_loop3A_789 : vector<16xi32> -> vector<16xf32>
          %parallel_loop3A_791 = arith.constant -65536 : i32
          %parallel_loop3A_792 = vector.broadcast %parallel_loop3A_791 : i32 to vector<16xi32>
          %parallel_loop3A_793 = arith.andi %parallel_loop3A_777, %parallel_loop3A_792 : vector<16xi32>
          %parallel_loop3A_794 = tpu.bitcast %parallel_loop3A_793 : vector<16xi32> -> vector<16xf32>
          %parallel_loop3A_795 = arith.addf %parallel_loop3A_790, %parallel_loop3A_794 : vector<16xf32>
          %parallel_loop3A_796 = tpu.bitcast %parallel_loop3A_786 : vector<16xf32> -> vector<16xi32>
          %parallel_loop3A_797 = arith.constant 32768 : i32
          %parallel_loop3A_798 = vector.broadcast %parallel_loop3A_797 : i32 to vector<16xi32>
          %parallel_loop3A_799 = arith.addi %parallel_loop3A_796, %parallel_loop3A_798 : vector<16xi32>
          %parallel_loop3A_800 = arith.constant 16 : i32
          %parallel_loop3A_801 = vector.broadcast %parallel_loop3A_800 : i32 to vector<16xi32>
          %parallel_loop3A_802 = arith.shrui %parallel_loop3A_799, %parallel_loop3A_801 : vector<16xi32>
          %parallel_loop3A_803 = tpu.bitcast %parallel_loop3A_795 : vector<16xf32> -> vector<16xi32>
          %parallel_loop3A_804 = arith.constant 32768 : i32
          %parallel_loop3A_805 = vector.broadcast %parallel_loop3A_804 : i32 to vector<16xi32>
          %parallel_loop3A_806 = arith.addi %parallel_loop3A_803, %parallel_loop3A_805 : vector<16xi32>
          %parallel_loop3A_807 = arith.constant -65536 : i32
          %parallel_loop3A_808 = vector.broadcast %parallel_loop3A_807 : i32 to vector<16xi32>
          %parallel_loop3A_809 = arith.andi %parallel_loop3A_806, %parallel_loop3A_808 : vector<16xi32>
          %parallel_loop3A_810 = arith.ori %parallel_loop3A_809, %parallel_loop3A_802 : vector<16xi32>
          %parallel_loop3A_811 = arith.index_cast %parallel_loop3A_447 : i32 to index
          %parallel_loop3A_812 = arith.constant 112 : index
          %parallel_loop3A_813 = tpu.vector_load %arg30[%parallel_loop3A_811, %parallel_loop3A_812] {strides = array<i32>} : memref<40x128xi32, #tpu.memory_space<vmem>>, vector<1x16xi32>,
          %parallel_loop3A_814 = vector.shape_cast %parallel_loop3A_813 : vector<1x16xi32> to vector<16xi32>
          %parallel_loop3A_815 = vector.shape_cast %parallel_loop3A_810 : vector<16xi32> to vector<1x16xi32>
          tpu.vector_store %arg30[%parallel_loop3A_811, %parallel_loop3A_812], %parallel_loop3A_815 {strides = array<i32>} : memref<40x128xi32, #tpu.memory_space<vmem>>, vector<1x16xi32>,
        } {sc.loop_unroll_factor = 2 : i64, sc.parallel_access}
        %mul3A_439 = arith.constant 40 : i32
        %mul3A_440 = arith.muli %add3A_397, %mul3A_439 : i32
        %add3A_441 = arith.addi %multiple_of3A, %mul3A_440 : i32
        %multiple_of3A_442 = tpu.assume_multiple %add3A_441, 40 : i32
        %dma_start3A_443 = arith.constant 0 : i32
        %dma_start3A_444 = tpu.memref_slice %arg6[%multiple_of3A_442, %dma_start3A_443] : memref<160000x128xi32, #tpu.memory_space<hbm>> -> memref<40x128xi32, #tpu.memory_space<hbm>>
        %dma_start3A_445 = arith.constant 0 : i32
        %dma_start3A_446 = tpu.memref_slice %arg6[%multiple_of3A_442, %dma_start3A_445] : memref<160000x128xi32, #tpu.memory_space<hbm>> -> memref<40x128xi32, #tpu.memory_space<hbm>>
        tpu.enqueue_dma source(%arg30 : memref<40x128xi32, #tpu.memory_space<vmem>>) target(%dma_start3A_446 : memref<40x128xi32, #tpu.memory_space<hbm>>) target_semaphore(%arg38 : memref<!tpu.dma_semaphore, #tpu.memory_space<semaphore_mem>>)
      } else {
      }
    }
    %scan3A_312 = arith.constant 32 : i32
    %dma_wait3A = arith.constant 0 : i32
    %dma_wait3A_313 = arith.constant 0 : i32
    %dma_wait3A_314 = tpu.memref_slice %arg6[%dma_wait3A, %dma_wait3A_313] : memref<160000x128xi32, #tpu.memory_space<hbm>> -> memref<40x128xi32, #tpu.memory_space<hbm>>
    %dma_wait3A_315 = arith.constant 0 : i32
    %dma_wait3A_316 = arith.constant 0 : i32
    %dma_wait3A_317 = tpu.memref_slice %arg6[%dma_wait3A_315, %dma_wait3A_316] : memref<160000x128xi32, #tpu.memory_space<hbm>> -> memref<40x128xi32, #tpu.memory_space<hbm>>
    tpu.wait_dma2 semaphore(%arg38 : memref<!tpu.dma_semaphore, #tpu.memory_space<semaphore_mem>>) src(%arg30 : memref<40x128xi32, #tpu.memory_space<vmem>>) dst(%dma_wait3A_317 : memref<40x128xi32, #tpu.memory_space<hbm>>)
    %dma_wait3A_318 = arith.constant 0 : i32
    %dma_wait3A_319 = arith.constant 0 : i32
    %dma_wait3A_320 = tpu.memref_slice %arg6[%dma_wait3A_318, %dma_wait3A_319] : memref<160000x128xi32, #tpu.memory_space<hbm>> -> memref<40x128xi32, #tpu.memory_space<hbm>>
    %dma_wait3A_321 = arith.constant 0 : i32
    %dma_wait3A_322 = arith.constant 0 : i32
    %dma_wait3A_323 = tpu.memref_slice %arg6[%dma_wait3A_321, %dma_wait3A_322] : memref<160000x128xi32, #tpu.memory_space<hbm>> -> memref<40x128xi32, #tpu.memory_space<hbm>>
    tpu.wait_dma2 semaphore(%arg35 : memref<!tpu.dma_semaphore, #tpu.memory_space<semaphore_mem>>) src(%arg27 : memref<40x128xi32, #tpu.memory_space<vmem>>) dst(%dma_wait3A_323 : memref<40x128xi32, #tpu.memory_space<hbm>>)
    return
  }
}

module attributes {stable_mosaic.version = 14 : i64} {
  func.func @_pre_body(%arg0: memref<10000x128xf32, #tpu.memory_space<vmem>>, %arg1: memref<128x64xf32, #tpu.memory_space<vmem>>, %arg2: memref<128x64xf32, #tpu.memory_space<vmem>>, %arg3: memref<128x64xf32, #tpu.memory_space<vmem>>, %arg4: memref<128x64xf32, #tpu.memory_space<vmem>>, %arg5: memref<10000x64xi32, #tpu.memory_space<vmem>>, %arg6: memref<10000x64xi32, #tpu.memory_space<vmem>>) attributes {dimension_semantics = [], scalar_prefetch = 0 : i64, scratch_operands = 0 : i64, tpu.core_type = #tpu.core_type<tc>} {
    %get3A = arith.constant 0 : index
    %get3A_0 = arith.constant 0 : index
    %get3A_1 = vector.load %arg0[%get3A, %get3A_0] : memref<10000x128xf32, #tpu.memory_space<vmem>>, vector<10000x128xf32>
    %get3A_2 = arith.constant 0 : index
    %get3A_3 = arith.constant 0 : index
    %get3A_4 = vector.load %arg1[%get3A_2, %get3A_3] : memref<128x64xf32, #tpu.memory_space<vmem>>, vector<128x64xf32>
    %get3A_5 = arith.constant 0 : index
    %get3A_6 = arith.constant 0 : index
    %get3A_7 = vector.load %arg2[%get3A_5, %get3A_6] : memref<128x64xf32, #tpu.memory_space<vmem>>, vector<128x64xf32>
    %dot_general3A = arith.constant dense<0.000000e+00> : vector<10000x64xf32>
    %dot_general3A_8 = tpu.matmul %get3A_1, %get3A_4, %dot_general3A {dimension_numbers = #tpu.dot_dimension_numbers<[1], [0], [0], [1], [0, 0, 1, 1], [], []>, transpose_lhs_hint = false} : vector<10000x128xf32>, vector<128x64xf32>, vector<10000x64xf32> -> vector<10000x64xf32>
    %dot_general3A_9 = arith.constant dense<0.000000e+00> : vector<10000x64xf32>
    %dot_general3A_10 = tpu.matmul %get3A_1, %get3A_7, %dot_general3A_9 {dimension_numbers = #tpu.dot_dimension_numbers<[1], [0], [0], [1], [0, 0, 1, 1], [], []>, transpose_lhs_hint = false} : vector<10000x128xf32>, vector<128x64xf32>, vector<10000x64xf32> -> vector<10000x64xf32>
    %bitcast_convert_type3A = tpu.bitcast %dot_general3A_8 : vector<10000x64xf32> -> vector<10000x64xi32>
    %bitcast_convert_type3A_11 = tpu.bitcast %dot_general3A_10 : vector<10000x64xf32> -> vector<10000x64xi32>
    %add3A = arith.constant 32768 : i32
    %add3A_12 = vector.broadcast %add3A : i32 to vector<10000x64xi32>
    %add3A_13 = arith.addi %bitcast_convert_type3A, %add3A_12 : vector<10000x64xi32>
    %shift_right_logical3A = arith.constant 16 : i32
    %shift_right_logical3A_14 = vector.broadcast %shift_right_logical3A : i32 to vector<10000x64xi32>
    %shift_right_logical3A_15 = arith.shrui %add3A_13, %shift_right_logical3A_14 : vector<10000x64xi32>
    %add3A_16 = arith.constant 32768 : i32
    %add3A_17 = vector.broadcast %add3A_16 : i32 to vector<10000x64xi32>
    %add3A_18 = arith.addi %bitcast_convert_type3A_11, %add3A_17 : vector<10000x64xi32>
    %and3A = arith.constant -65536 : i32
    %and3A_19 = vector.broadcast %and3A : i32 to vector<10000x64xi32>
    %and3A_20 = arith.andi %add3A_18, %and3A_19 : vector<10000x64xi32>
    %or3A = arith.ori %shift_right_logical3A_15, %and3A_20 : vector<10000x64xi32>
    %swap3A = arith.constant 0 : index
    %swap3A_21 = arith.constant 0 : index
    %swap3A_22 = vector.load %arg5[%swap3A, %swap3A_21] : memref<10000x64xi32, #tpu.memory_space<vmem>>, vector<10000x64xi32>
    tpu.vector_store %arg5[%swap3A, %swap3A_21], %or3A {strides = array<i32>} : memref<10000x64xi32, #tpu.memory_space<vmem>>, vector<10000x64xi32>,
    %get3A_23 = arith.constant 0 : index
    %get3A_24 = arith.constant 0 : index
    %get3A_25 = vector.load %arg3[%get3A_23, %get3A_24] : memref<128x64xf32, #tpu.memory_space<vmem>>, vector<128x64xf32>
    %get3A_26 = arith.constant 0 : index
    %get3A_27 = arith.constant 0 : index
    %get3A_28 = vector.load %arg4[%get3A_26, %get3A_27] : memref<128x64xf32, #tpu.memory_space<vmem>>, vector<128x64xf32>
    %dot_general3A_29 = arith.constant dense<0.000000e+00> : vector<10000x64xf32>
    %dot_general3A_30 = tpu.matmul %get3A_1, %get3A_25, %dot_general3A_29 {dimension_numbers = #tpu.dot_dimension_numbers<[1], [0], [0], [1], [0, 0, 1, 1], [], []>, transpose_lhs_hint = false} : vector<10000x128xf32>, vector<128x64xf32>, vector<10000x64xf32> -> vector<10000x64xf32>
    %dot_general3A_31 = arith.constant dense<0.000000e+00> : vector<10000x64xf32>
    %dot_general3A_32 = tpu.matmul %get3A_1, %get3A_28, %dot_general3A_31 {dimension_numbers = #tpu.dot_dimension_numbers<[1], [0], [0], [1], [0, 0, 1, 1], [], []>, transpose_lhs_hint = false} : vector<10000x128xf32>, vector<128x64xf32>, vector<10000x64xf32> -> vector<10000x64xf32>
    %bitcast_convert_type3A_33 = tpu.bitcast %dot_general3A_30 : vector<10000x64xf32> -> vector<10000x64xi32>
    %bitcast_convert_type3A_34 = tpu.bitcast %dot_general3A_32 : vector<10000x64xf32> -> vector<10000x64xi32>
    %add3A_35 = arith.constant 32768 : i32
    %add3A_36 = vector.broadcast %add3A_35 : i32 to vector<10000x64xi32>
    %add3A_37 = arith.addi %bitcast_convert_type3A_33, %add3A_36 : vector<10000x64xi32>
    %shift_right_logical3A_38 = arith.constant 16 : i32
    %shift_right_logical3A_39 = vector.broadcast %shift_right_logical3A_38 : i32 to vector<10000x64xi32>
    %shift_right_logical3A_40 = arith.shrui %add3A_37, %shift_right_logical3A_39 : vector<10000x64xi32>
    %add3A_41 = arith.constant 32768 : i32
    %add3A_42 = vector.broadcast %add3A_41 : i32 to vector<10000x64xi32>
    %add3A_43 = arith.addi %bitcast_convert_type3A_34, %add3A_42 : vector<10000x64xi32>
    %and3A_44 = arith.constant -65536 : i32
    %and3A_45 = vector.broadcast %and3A_44 : i32 to vector<10000x64xi32>
    %and3A_46 = arith.andi %add3A_43, %and3A_45 : vector<10000x64xi32>
    %or3A_47 = arith.ori %shift_right_logical3A_40, %and3A_46 : vector<10000x64xi32>
    %swap3A_48 = arith.constant 0 : index
    %swap3A_49 = arith.constant 0 : index
    %swap3A_50 = vector.load %arg6[%swap3A_48, %swap3A_49] : memref<10000x64xi32, #tpu.memory_space<vmem>>, vector<10000x64xi32>
    tpu.vector_store %arg6[%swap3A_48, %swap3A_49], %or3A_47 {strides = array<i32>} : memref<10000x64xi32, #tpu.memory_space<vmem>>, vector<10000x64xi32>,
    return
  }
}

module attributes {stable_mosaic.version = 14 : i64} {
  func.func @_mlp_body(%arg0: i32, %arg1: memref<4000x16xf32, #tpu.memory_space<vmem>>, %arg2: memref<2000x128xi32, #tpu.memory_space<vmem>>, %arg3: memref<16x64xf32, #tpu.memory_space<vmem>>, %arg4: memref<16x64xf32, #tpu.memory_space<vmem>>, %arg5: memref<1x64xf32, #tpu.memory_space<vmem>>, %arg6: memref<1x64xf32, #tpu.memory_space<vmem>>, %arg7: memref<64x128xf32, #tpu.memory_space<vmem>>, %arg8: memref<64x128xf32, #tpu.memory_space<vmem>>, %arg9: memref<1x128xf32, #tpu.memory_space<vmem>>, %arg10: memref<4000x128xf32, #tpu.memory_space<vmem>>) attributes {dimension_semantics = [#tpu.dimension_semantics<arbitrary>], iteration_bounds = array<i64: 80>, scalar_prefetch = 0 : i64, scratch_operands = 0 : i64, tpu.core_type = #tpu.core_type<tc>, window_params = [{transform_indices = @transform_0, window_bounds = array<i64: 4000, 16>}, {transform_indices = @transform_1, window_bounds = array<i64: 2000, 128>}, {pipeline_mode = #tpu.pipeline_mode<synchronous>, transform_indices = @transform_2, window_bounds = array<i64: 16, 64>}, {pipeline_mode = #tpu.pipeline_mode<synchronous>, transform_indices = @transform_3, window_bounds = array<i64: 16, 64>}, {pipeline_mode = #tpu.pipeline_mode<synchronous>, transform_indices = @transform_4, window_bounds = array<i64: 1, 64>}, {pipeline_mode = #tpu.pipeline_mode<synchronous>, transform_indices = @transform_5, window_bounds = array<i64: 1, 64>}, {pipeline_mode = #tpu.pipeline_mode<synchronous>, transform_indices = @transform_6, window_bounds = array<i64: 64, 128>}, {pipeline_mode = #tpu.pipeline_mode<synchronous>, transform_indices = @transform_7, window_bounds = array<i64: 64, 128>}, {pipeline_mode = #tpu.pipeline_mode<synchronous>, transform_indices = @transform_8, window_bounds = array<i64: 1, 128>}, {transform_indices = @transform_9, window_bounds = array<i64: 4000, 128>}]} {
    %get3A = arith.constant 0 : index
    %get3A_0 = arith.constant 0 : index
    %get3A_1 = vector.load %arg2[%get3A, %get3A_0] : memref<2000x128xi32, #tpu.memory_space<vmem>>, vector<2000x128xi32>
    %shift_left3A = arith.constant 16 : i32
    %shift_left3A_2 = vector.broadcast %shift_left3A : i32 to vector<2000x128xi32>
    %shift_left3A_3 = arith.shli %get3A_1, %shift_left3A_2 : vector<2000x128xi32>
    %bitcast_convert_type3A = tpu.bitcast %shift_left3A_3 : vector<2000x128xi32> -> vector<2000x128xf32>
    %and3A = arith.constant -65536 : i32
    %and3A_4 = vector.broadcast %and3A : i32 to vector<2000x128xi32>
    %and3A_5 = arith.andi %get3A_1, %and3A_4 : vector<2000x128xi32>
    %bitcast_convert_type3A_6 = tpu.bitcast %and3A_5 : vector<2000x128xi32> -> vector<2000x128xf32>
    %get3A_7 = arith.constant 0 : index
    %get3A_8 = arith.constant 0 : index
    %get3A_9 = vector.load %arg3[%get3A_7, %get3A_8] : memref<16x64xf32, #tpu.memory_space<vmem>>, vector<16x64xf32>
    %get3A_10 = arith.constant 0 : index
    %get3A_11 = arith.constant 0 : index
    %get3A_12 = vector.load %arg4[%get3A_10, %get3A_11] : memref<16x64xf32, #tpu.memory_space<vmem>>, vector<16x64xf32>
    %get3A_13 = arith.constant 0 : index
    %get3A_14 = arith.constant 0 : index
    %get3A_15 = vector.load %arg7[%get3A_13, %get3A_14] : memref<64x128xf32, #tpu.memory_space<vmem>>, vector<64x128xf32>
    %get3A_16 = arith.constant 0 : index
    %get3A_17 = arith.constant 0 : index
    %get3A_18 = vector.load %arg8[%get3A_16, %get3A_17] : memref<64x128xf32, #tpu.memory_space<vmem>>, vector<64x128xf32>
    %get3A_19 = arith.constant 0 : index
    %get3A_20 = arith.constant 0 : index
    %get3A_21 = vector.load %arg1[%get3A_19, %get3A_20] : memref<4000x16xf32, #tpu.memory_space<vmem>>, vector<2000x16xf32>
    %dot_general3A = arith.constant dense<0.000000e+00> : vector<2000x64xf32>
    %dot_general3A_22 = tpu.matmul %get3A_21, %get3A_9, %dot_general3A {dimension_numbers = #tpu.dot_dimension_numbers<[1], [0], [0], [1], [0, 0, 1, 1], [], []>, transpose_lhs_hint = false} : vector<2000x16xf32>, vector<16x64xf32>, vector<2000x64xf32> -> vector<2000x64xf32>
    %slice3A = vector.extract_strided_slice %bitcast_convert_type3A {offsets = [0, 0], sizes = [2000, 64], strides = [1, 1]} : vector<2000x128xf32> to vector<2000x64xf32>
    %add3A = arith.addf %dot_general3A_22, %slice3A : vector<2000x64xf32>
    %get3A_23 = arith.constant 0 : index
    %get3A_24 = arith.constant 0 : index
    %get3A_25 = vector.load %arg5[%get3A_23, %get3A_24] : memref<1x64xf32, #tpu.memory_space<vmem>>, vector<1x64xf32>
    %add3A_26 = vector.broadcast %get3A_25 : vector<1x64xf32> to vector<2000x64xf32>
    %add3A_27 = arith.addf %add3A, %add3A_26 : vector<2000x64xf32>
    %max3A = arith.constant 0.000000e+00 : f32
    %max3A_28 = vector.broadcast %max3A : f32 to vector<2000x64xf32>
    %max3A_29 = arith.maximumf %add3A_27, %max3A_28 : vector<2000x64xf32>
    %dot_general3A_30 = arith.constant dense<0.000000e+00> : vector<2000x64xf32>
    %dot_general3A_31 = tpu.matmul %get3A_21, %get3A_12, %dot_general3A_30 {dimension_numbers = #tpu.dot_dimension_numbers<[1], [0], [0], [1], [0, 0, 1, 1], [], []>, transpose_lhs_hint = false} : vector<2000x16xf32>, vector<16x64xf32>, vector<2000x64xf32> -> vector<2000x64xf32>
    %slice3A_32 = vector.extract_strided_slice %bitcast_convert_type3A_6 {offsets = [0, 0], sizes = [2000, 64], strides = [1, 1]} : vector<2000x128xf32> to vector<2000x64xf32>
    %add3A_33 = arith.addf %dot_general3A_31, %slice3A_32 : vector<2000x64xf32>
    %get3A_34 = arith.constant 0 : index
    %get3A_35 = arith.constant 0 : index
    %get3A_36 = vector.load %arg6[%get3A_34, %get3A_35] : memref<1x64xf32, #tpu.memory_space<vmem>>, vector<1x64xf32>
    %add3A_37 = vector.broadcast %get3A_36 : vector<1x64xf32> to vector<2000x64xf32>
    %add3A_38 = arith.addf %add3A_33, %add3A_37 : vector<2000x64xf32>
    %max3A_39 = arith.constant 0.000000e+00 : f32
    %max3A_40 = vector.broadcast %max3A_39 : f32 to vector<2000x64xf32>
    %max3A_41 = arith.maximumf %add3A_38, %max3A_40 : vector<2000x64xf32>
    %dot_general3A_42 = arith.constant dense<0.000000e+00> : vector<2000x128xf32>
    %dot_general3A_43 = tpu.matmul %max3A_29, %get3A_15, %dot_general3A_42 {dimension_numbers = #tpu.dot_dimension_numbers<[1], [0], [0], [1], [0, 0, 1, 1], [], []>, transpose_lhs_hint = false} : vector<2000x64xf32>, vector<64x128xf32>, vector<2000x128xf32> -> vector<2000x128xf32>
    %dot_general3A_44 = arith.constant dense<0.000000e+00> : vector<2000x128xf32>
    %dot_general3A_45 = tpu.matmul %max3A_41, %get3A_18, %dot_general3A_44 {dimension_numbers = #tpu.dot_dimension_numbers<[1], [0], [0], [1], [0, 0, 1, 1], [], []>, transpose_lhs_hint = false} : vector<2000x64xf32>, vector<64x128xf32>, vector<2000x128xf32> -> vector<2000x128xf32>
    %add3A_46 = arith.addf %dot_general3A_43, %dot_general3A_45 : vector<2000x128xf32>
    %get3A_47 = arith.constant 0 : index
    %get3A_48 = arith.constant 0 : index
    %get3A_49 = vector.load %arg9[%get3A_47, %get3A_48] : memref<1x128xf32, #tpu.memory_space<vmem>>, vector<1x128xf32>
    %add3A_50 = vector.broadcast %get3A_49 : vector<1x128xf32> to vector<2000x128xf32>
    %add3A_51 = arith.addf %add3A_46, %add3A_50 : vector<2000x128xf32>
    %swap3A = arith.constant 0 : index
    %swap3A_52 = arith.constant 0 : index
    %swap3A_53 = vector.load %arg10[%swap3A, %swap3A_52] : memref<4000x128xf32, #tpu.memory_space<vmem>>, vector<2000x128xf32>
    tpu.vector_store %arg10[%swap3A, %swap3A_52], %add3A_51 {strides = array<i32>} : memref<4000x128xf32, #tpu.memory_space<vmem>>, vector<2000x128xf32>,
    %get3A_54 = arith.constant 2000 : index
    %get3A_55 = arith.constant 0 : index
    %get3A_56 = vector.load %arg1[%get3A_54, %get3A_55] : memref<4000x16xf32, #tpu.memory_space<vmem>>, vector<2000x16xf32>
    %dot_general3A_57 = arith.constant dense<0.000000e+00> : vector<2000x64xf32>
    %dot_general3A_58 = tpu.matmul %get3A_56, %get3A_9, %dot_general3A_57 {dimension_numbers = #tpu.dot_dimension_numbers<[1], [0], [0], [1], [0, 0, 1, 1], [], []>, transpose_lhs_hint = false} : vector<2000x16xf32>, vector<16x64xf32>, vector<2000x64xf32> -> vector<2000x64xf32>
    %slice3A_59 = vector.extract_strided_slice %bitcast_convert_type3A {offsets = [0, 64], sizes = [2000, 64], strides = [1, 1]} : vector<2000x128xf32> to vector<2000x64xf32>
    %add3A_60 = arith.addf %dot_general3A_58, %slice3A_59 : vector<2000x64xf32>
    %get3A_61 = arith.constant 0 : index
    %get3A_62 = arith.constant 0 : index
    %get3A_63 = vector.load %arg5[%get3A_61, %get3A_62] : memref<1x64xf32, #tpu.memory_space<vmem>>, vector<1x64xf32>
    %add3A_64 = vector.broadcast %get3A_63 : vector<1x64xf32> to vector<2000x64xf32>
    %add3A_65 = arith.addf %add3A_60, %add3A_64 : vector<2000x64xf32>
    %max3A_66 = arith.constant 0.000000e+00 : f32
    %max3A_67 = vector.broadcast %max3A_66 : f32 to vector<2000x64xf32>
    %max3A_68 = arith.maximumf %add3A_65, %max3A_67 : vector<2000x64xf32>
    %dot_general3A_69 = arith.constant dense<0.000000e+00> : vector<2000x64xf32>
    %dot_general3A_70 = tpu.matmul %get3A_56, %get3A_12, %dot_general3A_69 {dimension_numbers = #tpu.dot_dimension_numbers<[1], [0], [0], [1], [0, 0, 1, 1], [], []>, transpose_lhs_hint = false} : vector<2000x16xf32>, vector<16x64xf32>, vector<2000x64xf32> -> vector<2000x64xf32>
    %slice3A_71 = vector.extract_strided_slice %bitcast_convert_type3A_6 {offsets = [0, 64], sizes = [2000, 64], strides = [1, 1]} : vector<2000x128xf32> to vector<2000x64xf32>
    %add3A_72 = arith.addf %dot_general3A_70, %slice3A_71 : vector<2000x64xf32>
    %get3A_73 = arith.constant 0 : index
    %get3A_74 = arith.constant 0 : index
    %get3A_75 = vector.load %arg6[%get3A_73, %get3A_74] : memref<1x64xf32, #tpu.memory_space<vmem>>, vector<1x64xf32>
    %add3A_76 = vector.broadcast %get3A_75 : vector<1x64xf32> to vector<2000x64xf32>
    %add3A_77 = arith.addf %add3A_72, %add3A_76 : vector<2000x64xf32>
    %max3A_78 = arith.constant 0.000000e+00 : f32
    %max3A_79 = vector.broadcast %max3A_78 : f32 to vector<2000x64xf32>
    %max3A_80 = arith.maximumf %add3A_77, %max3A_79 : vector<2000x64xf32>
    %dot_general3A_81 = arith.constant dense<0.000000e+00> : vector<2000x128xf32>
    %dot_general3A_82 = tpu.matmul %max3A_68, %get3A_15, %dot_general3A_81 {dimension_numbers = #tpu.dot_dimension_numbers<[1], [0], [0], [1], [0, 0, 1, 1], [], []>, transpose_lhs_hint = false} : vector<2000x64xf32>, vector<64x128xf32>, vector<2000x128xf32> -> vector<2000x128xf32>
    %dot_general3A_83 = arith.constant dense<0.000000e+00> : vector<2000x128xf32>
    %dot_general3A_84 = tpu.matmul %max3A_80, %get3A_18, %dot_general3A_83 {dimension_numbers = #tpu.dot_dimension_numbers<[1], [0], [0], [1], [0, 0, 1, 1], [], []>, transpose_lhs_hint = false} : vector<2000x64xf32>, vector<64x128xf32>, vector<2000x128xf32> -> vector<2000x128xf32>
    %add3A_85 = arith.addf %dot_general3A_82, %dot_general3A_84 : vector<2000x128xf32>
    %get3A_86 = arith.constant 0 : index
    %get3A_87 = arith.constant 0 : index
    %get3A_88 = vector.load %arg9[%get3A_86, %get3A_87] : memref<1x128xf32, #tpu.memory_space<vmem>>, vector<1x128xf32>
    %add3A_89 = vector.broadcast %get3A_88 : vector<1x128xf32> to vector<2000x128xf32>
    %add3A_90 = arith.addf %add3A_85, %add3A_89 : vector<2000x128xf32>
    %swap3A_91 = arith.constant 2000 : index
    %swap3A_92 = arith.constant 0 : index
    %swap3A_93 = vector.load %arg10[%swap3A_91, %swap3A_92] : memref<4000x128xf32, #tpu.memory_space<vmem>>, vector<2000x128xf32>
    tpu.vector_store %arg10[%swap3A_91, %swap3A_92], %add3A_90 {strides = array<i32>} : memref<4000x128xf32, #tpu.memory_space<vmem>>, vector<2000x128xf32>,
    return
  }
  func.func @transform_0(%arg0: i32) -> (i32, i32) {
    %c0_i32 = arith.constant 0 : i32
    %c0_i32_0 = arith.constant 0 : i32
    return %arg0, %c0_i32 : i32, i32
  }
  func.func @transform_1(%arg0: i32) -> (i32, i32) {
    %c0_i32 = arith.constant 0 : i32
    %c0_i32_0 = arith.constant 0 : i32
    return %arg0, %c0_i32 : i32, i32
  }
  func.func @transform_2(%arg0: i32) -> (i32, i32) {
    %c0_i32 = arith.constant 0 : i32
    %c0_i32_0 = arith.constant 0 : i32
    %c0_i32_1 = arith.constant 0 : i32
    return %c0_i32, %c0_i32_0 : i32, i32
  }
  func.func @transform_3(%arg0: i32) -> (i32, i32) {
    %c0_i32 = arith.constant 0 : i32
    %c0_i32_0 = arith.constant 0 : i32
    %c0_i32_1 = arith.constant 0 : i32
    return %c0_i32, %c0_i32_0 : i32, i32
  }
  func.func @transform_4(%arg0: i32) -> (i32, i32) {
    %c0_i32 = arith.constant 0 : i32
    %c0_i32_0 = arith.constant 0 : i32
    %c0_i32_1 = arith.constant 0 : i32
    return %c0_i32, %c0_i32_0 : i32, i32
  }
  func.func @transform_5(%arg0: i32) -> (i32, i32) {
    %c0_i32 = arith.constant 0 : i32
    %c0_i32_0 = arith.constant 0 : i32
    %c0_i32_1 = arith.constant 0 : i32
    return %c0_i32, %c0_i32_0 : i32, i32
  }
  func.func @transform_6(%arg0: i32) -> (i32, i32) {
    %c0_i32 = arith.constant 0 : i32
    %c0_i32_0 = arith.constant 0 : i32
    %c0_i32_1 = arith.constant 0 : i32
    return %c0_i32, %c0_i32_0 : i32, i32
  }
  func.func @transform_7(%arg0: i32) -> (i32, i32) {
    %c0_i32 = arith.constant 0 : i32
    %c0_i32_0 = arith.constant 0 : i32
    %c0_i32_1 = arith.constant 0 : i32
    return %c0_i32, %c0_i32_0 : i32, i32
  }
  func.func @transform_8(%arg0: i32) -> (i32, i32) {
    %c0_i32 = arith.constant 0 : i32
    %c0_i32_0 = arith.constant 0 : i32
    %c0_i32_1 = arith.constant 0 : i32
    return %c0_i32, %c0_i32_0 : i32, i32
  }
  func.func @transform_9(%arg0: i32) -> (i32, i32) {
    %c0_i32 = arith.constant 0 : i32
    %c0_i32_0 = arith.constant 0 : i32
    return %arg0, %c0_i32 : i32, i32
  }
}

</mosaic_0001>

<sc_bundles>
// kernel: kernel.5.cloned.1.call-start
scs
__scs_entry_jumppad:
0x0: {  	(pc) =	sbr.rel $0x88, $3  }
0x1: {  	(tag) =	ssettag $0x0;
	lr =	simm.s32 $0x1  }
0x2: {  	[smem:$0x3F9A] =	sst lr;
	_ =	strace $0xD0000000  }
0x3: {  	_ = 	snop  }
0x4: {  	_ = 	snop  }
0x5: {  	_ = 	snop  }
0x6: {  	_ = 	snop  }
0x7: {  	_ = 	snop  }
__scs_overlays_trampoline_lowered:
0x8: {  	[smem:$0x3FA9] =	sst s0  }
0x9: {  	[smem:$0x3FAA] =	sst s1  }
0xa: {  	[smem:$0x3FAB] =	sst s2  }
0xb: {  	[smem:$0x3FAC] =	sst s3  }
0xc: {  	[smem:$0x3FAD] =	sst s4  }
0xd: {  	[smem:$0x3FAE] =	sst s5  }
0xe: {  	[smem:$0x3FAF] =	sst s6  }
0xf: {  	[smem:$0x3FB0] =	sst s7  }
0x10: {  	[smem:$0x3FB1] =	sst s8  }
0x11: {  	[smem:$0x3FB2] =	sst s9;
	s0 =	simm.s32 @!p0 $0x0  }
0x12: {  	s1 =	sld [smem:$0x3F98];
	s0 =	simm.s32 @p0 $0x1  }
0x13: {  	[smem:$0x3FB3] =	sst s0;
	s0 =	simm.s32 @!p1 $0x0  }
0x14: {  	s2 =	sld [smem:$0x3F97];
	s0 =	simm.s32 @p1 $0x1  }
0x15: {  	[smem:$0x3FB4] =	sst s0;
	s0 =	simm.s32 @!p2 $0x0  }
0x16: {  	s3 =	sld [smem:$0x3FDB];
	s0 =	simm.s32 @p2 $0x1  }
0x17: {  	s4 =	simm.s32 $0x1BF5;
	[smem:$0x3FB6] =	sst s0  }
0x18: {  	s0 =	sld [smem:$0x3F99];
	_ =	swait.ge [sflag:s4], $0x0  }
0x19: {  	s7 =	sld [smem:$0x3F9A]  }
0x1a: {  	s8 =	sadd.s32 $0xFFFFE003, lr  }
0x1b: {  	s9 =	sadd.s32 $0xFFFFFEF7, lr;
	s5 =	simm.s32 $0xFFFFFFFF;
	p2 =	slt.u32 s8, $0xFFFFF086  }
0x1c: {  	p1 =	slt.u32 s9, $0xF7A;
	s5 =	simm.s32 @!p2 $0x0  }
0x1d: {  	s5 =	simm.s32 @p1 $0x1;
	p0 =	seq.s32 s7, s2  }
0x1e: {  	s7 =	smul.u32 @!p0 $0xF7A, s2;
	p2 =	seq.s32 @!p0 s5, $0x0  }
0x1f: {  	s9 =	smul.u32 $0xF7A, s1;
	s8 =	simm.s32 @!p0 $0x1BF5;
	p2 =	por !p2, p0  }
0x20: {  	[sflag:s8] =	ssyncset.s32 @!p0 $0xFFFFF086;
	s6 =	sadd.s32 @!p0 s3, s7;
	s7 =	simm.s32 @!p0 $0x108  }
0x21: {  	s3 =	sadd.s32 s3, s9;
	s6 =	sadd.s32 @!p0 $0x88, s6;
	s7 =	simm.s32 @p2 $0x1082  }
0x22: {  	[simem:s7], [sflag:s8] =	dma.local @!p0 [hbm:s6], $0xF7A  }
0x23: {  	s9 =	sor.u32 $0xD0000000, s2;
	s6 =	simm.s32 $0x108;
	_ =	swait.ge @!p0 [sflag:s8], $0x0  }
0x24: {  	s3 =	sadd.s32 $0x88, s3;
	s6 =	simm.s32 @!p1 $0x1082;
	[sflag:s4] =	ssyncset.s32 $0xFFFFF086  }
0x25: {  	[simem:s6], [sflag:s4] =	dma.local [hbm:s3], $0xF7A  }
0x26: {  	[smem:$0x3F9A] =	sst s1;
	(tag) =	ssettag s2;
	_ =	strace s9  }
0x27: {  	s1 =	sld [smem:$0x3FAA]  }
0x28: {  	s2 =	sld [smem:$0x3FAB]  }
0x29: {  	s4 =	sld [smem:$0x3FAD]  }
0x2a: {  	p0 =	seq.s32 s5, $0x0;
	s5 =	sld [smem:$0x3FAE]  }
0x2b: {  	s6 =	sld [smem:$0x3FAF]  }
0x2c: {  	s7 =	sld [smem:$0x3FB0]  }
0x2d: {  	s3 =	simm.s32 $0x108;
	s8 =	sld [smem:$0x3FB1]  }
0x2e: {  	s3 =	simm.s32 @!p0 $0x1082;
	s9 =	sld [smem:$0x3FB2]  }
0x2f: {  	lr =	sadd.s32 s0, s3;
	s0 =	sld [smem:$0x3FA9]  }
0x30: {  	s3 =	sld [smem:$0x3FAC]  }
0x31: {  	[smem:$0x3FB5] =	sst s10  }
0x32: {  	s10 =	sld [smem:$0x3FB3];
	_ =	sdelay $0x3  }
0x33: {  	p0 =	seq.s32 s10, $0x1;
	s10 =	sld [smem:$0x3FB5];
	_ =	sdelay $0x3  }
0x34: {  	[smem:$0x3FB5] =	sst s10  }
0x35: {  	s10 =	sld [smem:$0x3FB4];
	_ =	sdelay $0x3  }
0x36: {  	p1 =	seq.s32 s10, $0x1;
	s10 =	sld [smem:$0x3FB5];
	_ =	sdelay $0x3  }
0x37: {  	[smem:$0x3FB5] =	sst s10  }
0x38: {  	s10 =	sld [smem:$0x3FB6]  }
0x39: {  	_ = 	snop;
	(pc) =	sbr.ind lr, $3  }
0x3a: {  	_ = 	snop  }
0x3b: {  	_ = 	snop  }
0x3c: {  	p2 =	seq.s32 s10, $0x1;
	s10 =	sld [smem:$0x3FB5]  }
0x3d: {  	_ =	shalt  }
0x3e: {  	_ =	shalt  }
0x3f: {  	_ =	shalt  }
0x40: {  	_ =	shalt  }
0x41: {  	_ =	shalt  }
0x42: {  	_ =	shalt  }
0x43: {  	_ =	shalt  }
0x44: {  	_ =	shalt  }
0x45: {  	_ =	shalt  }
0x46: {  	_ =	shalt  }
0x47: {  	_ =	shalt  }
0x48: {  	_ =	shalt  }
0x49: {  	_ =	shalt  }
0x4a: {  	_ =	shalt  }
0x4b: {  	_ =	shalt  }
0x4c: {  	_ =	shalt  }
0x4d: {  	_ =	shalt  }
0x4e: {  	_ =	shalt  }
0x4f: {  	_ =	shalt  }
0x50: {  	_ =	shalt  }
0x51: {  	_ =	shalt  }
0x52: {  	_ =	shalt  }
0x53: {  	_ =	shalt  }
0x54: {  	_ =	shalt  }
0x55: {  	_ =	shalt  }
0x56: {  	_ =	shalt  }
0x57: {  	_ =	shalt  }
0x58: {  	_ =	shalt  }
0x59: {  	_ =	shalt  }
0x5a: {  	_ =	shalt  }
0x5b: {  	_ =	shalt  }
0x5c: {  	_ =	shalt  }
0x5d: {  	_ =	shalt  }
0x5e: {  	_ =	shalt  }
0x5f: {  	_ =	shalt  }
0x60: {  	_ =	shalt  }
0x61: {  	_ =	shalt  }
0x62: {  	_ =	shalt  }
0x63: {  	_ =	shalt  }
0x64: {  	_ =	shalt  }
0x65: {  	_ =	shalt  }
0x66: {  	_ =	shalt  }
0x67: {  	_ =	shalt  }
0x68: {  	_ =	shalt  }
0x69: {  	_ =	shalt  }
0x6a: {  	_ =	shalt  }
0x6b: {  	_ =	shalt  }
0x6c: {  	_ =	shalt  }
0x6d: {  	_ =	shalt  }
0x6e: {  	_ =	shalt  }
0x6f: {  	_ =	shalt  }
0x70: {  	_ =	shalt  }
0x71: {  	_ =	shalt  }
0x72: {  	_ =	shalt  }
0x73: {  	_ =	shalt  }
0x74: {  	_ =	shalt  }
0x75: {  	_ =	shalt  }
0x76: {  	_ =	shalt  }
0x77: {  	_ =	shalt  }
0x78: {  	_ =	shalt  }
0x79: {  	_ =	shalt  }
0x7a: {  	_ =	shalt  }
0x7b: {  	_ =	shalt  }
0x7c: {  	_ =	shalt  }
0x7d: {  	_ =	shalt  }
0x7e: {  	_ =	shalt  }
0x7f: {  	_ =	shalt  }
0x80: {  	_ =	shalt  }
0x81: {  	_ =	shalt  }
0x82: {  	_ =	shalt  }
0x83: {  	_ =	shalt  }
0x84: {  	_ =	shalt  }
0x85: {  	_ =	shalt  }
0x86: {  	_ =	shalt  }
0x87: {  	_ =	shalt  }
.Lfunc_end0:
.L_simem_size_0:
called_computation_lowered:
.L_overlay_start_0:
0x88: {  	s2 =	sld [smem:$0x3FD9]  }
0x89: {  	s3 =	sld [smem:$0x3FFE];
	_ =	sdelay $0x1  }
0x8a: {  	s1 =	srdreg.scid  }
0x8b: {  	s0 =	sand.u32 $0x1, s1  }
0x8c: {  	s17 =	sshll.u32 s0, $0xA;
	s2 =	sadd.s32 s3, s2  }
0x8d: {  	s2 =	sadd.s32 s2, s17  }
0x8e: {  	[smem:$0x3FC1] =	sst s2  }
0x8f: {  	_ = 	snop  }
0x90: {  	s2 =	sld [smem:$0x3FD0];
	(tm) =	ssettm $0x1  }
0x91: {  	s18 =	sld [smem:$0x3FFB];
	_ =	sdelay $0x3  }
0x92: {  	_ =	strace s18  }
0x93: {  	s3 =	sld [smem:$0x3FFC];
	_ =	sdelay $0x3  }
0x94: {  	_ =	strace s3  }
0x95: {  	s3 =	sld [smem:$0x3FFD];
	_ =	sdelay $0x3  }
0x96: {  	_ =	strace s3  }
0x97: {  	_ =	strace $0x8FFFFFFF  }
0x98: {  	s19 =	sld [smem:$0x3FDB];
	_ =	sdelay $0x1  }
0x99: {  	s4 =	simm.s32 $_scs_section_size  }
0x9a: {  	s5 =	simm.s32 $_size__tile_overlayer_lowered;
	s6 =	simm.s32 $_tile_overlayer_lowered  }
0x9b: {  	s22 =	simm.s32 $0x1BFF;
	s21 =	sshll.u32 s6, $0x1;
	s3 =	sadd.s32 s4, s19  }
0x9c: {  	s7 =	simm.s32 $0x0;
	s20 =	sshll.u32 s5, $0x1;
	s5 =	sadd.s32 s21, s3  }
0x9d: {  	[timem:s7], [sflag:s22] =	dma.local [hbm:s5], s20  }
0x9e: {  	_ =	swait.ge [sflag:s22], s20  }
0x9f: {  	s4 =	ssub.s32 $0x0, s20;
	[sflag:s22] =	ssyncset.done $0x0  }
0xa0: {  	[sflag:s22] =	ssyncadd.s32 s4;
	_ =	sdelay $0x1  }
0xa1: {  	s23 =	simm.s32 $0x1B8B  }
0xa2: {  	_ =	swait.ge [sflag:s23], $0x1  }
0xa3: {  	[sflag:s23] =	ssyncset.done $0x0  }
0xa4: {  	s25 =	simm.s32 $0x1B8E;
	s24 =	sld [smem:$0x3FFE];
	[sflag:s23] =	ssyncadd.s32 $0xFFFFFFFF  }
0xa5: {  	s26 =	simm.s32 $execute0_lowered;
	[smem:$0x3FD2] =	sst s25  }
0xa6: {  	s5 =	sshll.u32 s26, $0x1;
	_ =	strace $0x80000046;
	[dreg:$0x1] =	wrdreg $0xFFFFFFFF  }
0xa7: {  	s28 =	simm.s32 $_size_execute0_lowered;
	s3 =	sadd.s32 s3, s5;
	[dreg:$0x0] =	wrdreg $0x0  }
0xa8: {  	s5 =	sshll.u32 s28, $0x1;
	[dreg:$0x2] =	wrdreg s3  }
0xa9: {  	[dreg:$0x3] =	wrdreg s5  }
0xaa: {  	[dreg:$0x4] =	wrdreg $0xC0  }
0xab: {  	_ =	task [dreg:s7], $0x5FFFF  }
0xac: {  	[dreg:$0x1] =	wrdreg $0xFFFFFFFF  }
0xad: {  	[dreg:$0x0] =	wrdreg $0x60  }
0xae: {  	[dreg:$0x2] =	wrdreg s2  }
0xaf: {  	[dreg:$0x3] =	wrdreg s24  }
0xb0: {  	[dreg:$0x4] =	wrdreg $0x9  }
0xb1: {  	_ =	task.clear_ibuf [dreg:s7], $0x5FFFF;
	_ =	strace $0x90000046  }
0xb2: {  	s29 =	simm.s32 $0x9;
	_ =	strace $0x80000048  }
0xb3: {  	_ =	swait.ge [sflag:s29], $0x1  }
0xb4: {  	[sflag:s29] =	ssyncadd.s32 $0xFFFFFFFF  }
0xb5: {  	_ =	strace $0x90000048  }
0xb6: {  	_ =	sfence  }
0xb7: {  	s30 =	sld [smem:$0x0];
	_ =	sdelay $0x2  }
0xb8: {  	s31 =	sshll.u32 s1, $0xD;
	s1 =	sshrl.u32 s1, $0x2  }
0xb9: {  	s3 =	sand.u32 $0x4000, s31;
	s1 =	sadd.s32 s1, s30  }
0xba: {  	s0 =	sor.u32 s3, s0;
	s1 =	sshll.u32 s1, $0x11  }
0xbb: {  	s0 =	sor.u32 s1, s0  }
0xbc: {  	s0 =	sadd.s32 $0x8F2B, s0  }
0xbd: {  	[sflag:s0] =	ssyncadd.remote.s32 $0x1  }
0xbe: {  	_ =	sfence.sel $0xFFFF  }
0xbf: {  	[dreg:$0x0] =	wrdreg $0xFFFFFFFF;
	(pc) =	sbr.abs _section_cstart, $3  }
0xc0: {  	[dreg:$0x1] =	wrdreg $0xFFFFFFFF  }
0xc1: {  	_ =	task.clear_ibuf [dreg:s7], $0x2FFFF;
	_ =	strace $0x9FFFFFFF  }
0xc2: {  	(tm) =	ssettm $0x7FFFFFFF  }
0xc3: {  	_ =	shalt  }
tec
execute0_lowered:
.L_overlay_start_1:
0x0: {  	(tag) =	ssettag $0x1  }
0x1: {  	s0 =	srdreg.scid;
	s1 =	stileid.u32  }
0x2: {  	s2 =	rddreg [dreg:$0x1];
	s30 =	simm.s32 $0x9;
	s31 =	simm.s32 $0x1  }
0x3: {  	s29 =	simm.s32 $0xEE20;
	s3 =	sand.u32 $0x1, s0;
	s21 =	sshll.u32 s1, $0x1  }
0x4: {  	s1 =	simm.s32 $0x0;
	s0 =	sor.u32 s3, s21;
	s3 =	ssub.s32 $0x2, s3  }
0x5: {  	s7 =	sadd.s32 $0xBA00, s2;
	s4 =	smul.u32 $0x5, s0;
	s9 =	sshrl.u32 s3, $0x1  }
0x6: {  	s8 =	sadd.s32 $0x1C00, s2;
	[smem:$0x7FF] =	sst s1;
	s3 =	ssub.s32 s3, s9  }
0x7: {  	s5 =	sshrl.u32 s4, $0x1;
	s6 =	sand.u32 $0x1, s4;
	s10 =	sadd.s32 $0x1, s4  }
0x8: {  	s25 =	sadd.s32 $0x2, s4;
	s4 =	sadd.s32 $0x3, s4;
	s5 =	smul.u32 $0xFA0, s5  }
0x9: {  	p0 =	seq.s32 s6, $0x1;
	s6 =	simm.s32 $0x3E8;
	s23 =	sshrl.u32 s10, $0x1  }
0xa: {  	s10 =	sand.u32 $0x1, s10;
	s28 =	sshrl.u32 s25, $0x1;
	s15 =	sshrl.u32 s4, $0x1  }
0xb: {  	s6 =	simm.s32 @!p0 $0x0;
	p0 =	seq.s32 s10, $0x1;
	s10 =	simm.s32 $0x3E8  }
0xc: {  	s4 =	sand.u32 $0x1, s4;
	s5 =	sadd.s32 s6, s5;
	s10 =	simm.s32 @!p0 $0x0  }
0xd: {  	p0 =	seq.s32 s4, $0x1;
	s4 =	simm.s32 $0x3E8;
	s22 =	sshrl.u32 s5, $0x3  }
0xe: {  	s4 =	simm.s32 @!p0 $0x0;
	s5 =	sadd.s32 $0x1F40, s5;
	s11 =	sadd.s32 s7, s22  }
0xf: {  	s12 =	sadd.s32 s8, s22;
	s9 =	sadd.s32 $0xFA, s22;
	[dreg:$0x3] =	wrdreg s11  }
0x10: {  	s11 =	smul.u32 $0xFA0, s23;
	[dreg:$0x4] =	wrdreg s12;
	s24 =	sadd.s32 s7, s9  }
0x11: {  	s5 =	sshrl.u32 s5, $0x3;
	s9 =	sadd.s32 s8, s9;
	[dreg:$0x5] =	wrdreg s24  }
0x12: {  	s25 =	sadd.s32 s8, s5;
	[dreg:$0x6] =	wrdreg s9;
	s10 =	sadd.s32 s10, s11  }
0x13: {  	s24 =	sadd.s32 s7, s5;
	[dreg:$0x14] =	wrdreg s25;
	s26 =	sshrl.u32 s10, $0x3  }
0x14: {  	[dreg:$0x13] =	wrdreg s24;
	s10 =	smul.u32 $0xFA0, s28;
	s12 =	sadd.s32 s7, s26  }
0x15: {  	s13 =	sadd.s32 $0xFA, s26;
	s9 =	sadd.s32 s8, s26;
	[dreg:$0x7] =	wrdreg s12  }
0x16: {  	s26 =	sadd.s32 $0xFA, s5;
	[dreg:$0x8] =	wrdreg s9;
	s14 =	sadd.s32 s7, s13  }
0x17: {  	s6 =	sadd.s32 s6, s10;
	s16 =	sadd.s32 s8, s13;
	[dreg:$0x9] =	wrdreg s14  }
0x18: {  	s5 =	sadd.s32 s7, s26;
	[dreg:$0xa] =	wrdreg s16;
	s6 =	sshrl.u32 s6, $0x3  }
0x19: {  	s9 =	smul.u32 $0xFA0, s15;
	[dreg:$0x15] =	wrdreg s5;
	s17 =	sadd.s32 s7, s6  }
0x1a: {  	s18 =	sadd.s32 $0xFA, s6;
	s6 =	sadd.s32 s8, s6;
	[dreg:$0xb] =	wrdreg s17  }
0x1b: {  	s4 =	sadd.s32 s4, s9;
	[dreg:$0xc] =	wrdreg s6;
	s19 =	sadd.s32 s7, s18  }
0x1c: {  	s4 =	sshrl.u32 s4, $0x3;
	s20 =	sadd.s32 s8, s18;
	[dreg:$0xd] =	wrdreg s19  }
0x1d: {  	s25 =	sadd.s32 $0x29200, s2;
	[dreg:$0xe] =	wrdreg s20;
	s21 =	sadd.s32 s7, s4  }
0x1e: {  	s24 =	sadd.s32 $0x15800, s2;
	s22 =	sadd.s32 s8, s4;
	[dreg:$0xf] =	wrdreg s21  }
0x1f: {  	s28 =	smax.u32 s3, $0x1;
	s4 =	sadd.s32 $0xFA, s4;
	[dreg:$0x10] =	wrdreg s22  }
.Ltmp0:
0x20: {  	s23 =	sadd.s32 s7, s4;
	s21 =	rddreg [dreg:$0x0];
	(pc) =	sbr.rel .LBB2_1-.Ltmp0, $4  }
0x21: {  	s3 =	simm.s32 $0x3;
	s4 =	sadd.s32 s8, s4;
	[dreg:$0x11] =	wrdreg s23  }
0x22: {  	s5 =	simm.s32 $0x4;
	[dreg:$0x12] =	wrdreg s4;
	s4 =	sadd.s32 s8, s26  }
0x23: {  	s6 =	simm.s32 $0x0;
	s26 =	smul.u32 $0x1388, s0;
	[dreg:$0x16] =	wrdreg s4  }
0x24: {  	s0 =	simm.s32 $0x2;
	_ =	strace $0x80000047;
	[dreg:$0x17] =	wrdreg s28  }
.LBB2_17:
0x25: {  	s2 =	simm.s32 $0x8  }
0x26: {  	_ =	swait.ge [sflag:s2], $0x1400  }
0x27: {  	[sflag:s2] =	ssyncset.done $0x0  }
0x28: {  	s4 =	simm.s32 $0x5;
	[sflag:s2] =	ssyncadd.s32 $0xFFFFEC00  }
0x29: {  	_ =	swait.ge [sflag:s4], $0x1400  }
0x2a: {  	s6 =	rddreg [dreg:$0x18]  }
0x2b: {  	s28 =	rddreg [dreg:$0x17];
	s6 =	sadd.s32 $0x1, s6  }
0x2c: {  	p0 =	sne.s32 s6, s28  }
.Ltmp1:
0x2d: {  	_ = 	snop;
	(pc) =	sbr.rel @!p0 .LBB2_18-.Ltmp1, $3  }
0x2e: {  	_ =	sdelay $0x1  }
0x2f: {  	[sflag:s4] =	ssyncset.done $0x0  }
0x30: {  	[sflag:s4] =	ssyncadd.s32 $0xFFFFEC00  }
.LBB2_1:
0x31: {  	[dreg:$0x18] =	wrdreg s6  }
0x32: {  	s2 =	rddreg [dreg:$0x3]  }
0x33: {  	[tilespmem:s1], [sflag:$0x9] =	stream.linear.gather [hbm4b:s2+s1], $0x3E8, $0x38;
	[tilespmem:$0x13E20] =	vst v63  }
0x34: {  	_ =	swait.ge [sflag:s30], $0x3E8  }
0x35: {  	[sflag:s30] =	ssyncset.done $0x0  }
0x36: {  	s6 =	simm.s32 $0x1388;
	s10 =	rddreg [dreg:$0x4];
	[sflag:s30] =	ssyncadd.s32 $0xFFFFFC18  }
0x37: {  	[tilespmem:s6], [sflag:$0x9] =	stream.linear.gather [hbm4b:s10+s1], $0x3E8, $0x38;
	[tilespmem:$0x13E20] =	vst v63  }
0x38: {  	_ =	swait.ge [sflag:s30], $0x3E8  }
0x39: {  	[sflag:s30] =	ssyncset.done $0x0  }
0x3a: {  	s7 =	simm.s32 $0x2710;
	s11 =	rddreg [dreg:$0x5];
	[sflag:s30] =	ssyncadd.s32 $0xFFFFFC18  }
0x3b: {  	[tilespmem:s7], [sflag:$0x9] =	stream.linear.gather [hbm4b:s11+s1], $0x3E8, $0x38;
	[tilespmem:$0x13E20] =	vst v63  }
0x3c: {  	_ =	swait.ge [sflag:s30], $0x3E8  }
0x3d: {  	[sflag:s30] =	ssyncset.done $0x0  }
0x3e: {  	s8 =	simm.s32 $0x3A98;
	s12 =	rddreg [dreg:$0x6];
	[sflag:s30] =	ssyncadd.s32 $0xFFFFFC18  }
0x3f: {  	[tilespmem:s8], [sflag:$0x9] =	stream.linear.gather [hbm4b:s12+s1], $0x3E8, $0x38;
	[tilespmem:$0x13E20] =	vst v63  }
0x40: {  	_ =	swait.ge [sflag:s30], $0x3E8  }
0x41: {  	[sflag:s30] =	ssyncset.done $0x0  }
0x42: {  	s4 =	simm.s32 $0x3E8;
	s13 =	rddreg [dreg:$0x7];
	[sflag:s30] =	ssyncadd.s32 $0xFFFFFC18  }
0x43: {  	[tilespmem:s4], [sflag:$0x9] =	stream.linear.gather [hbm4b:s13+s1], $0x3E8, $0x38;
	[tilespmem:$0x13E20] =	vst v63  }
0x44: {  	_ =	swait.ge [sflag:s30], $0x3E8  }
0x45: {  	[sflag:s30] =	ssyncset.done $0x0  }
0x46: {  	s15 =	simm.s32 $0x1770;
	s14 =	rddreg [dreg:$0x8];
	[sflag:s30] =	ssyncadd.s32 $0xFFFFFC18  }
0x47: {  	[tilespmem:s15], [sflag:$0x9] =	stream.linear.gather [hbm4b:s14+s1], $0x3E8, $0x38;
	[tilespmem:$0x13E20] =	vst v63  }
0x48: {  	_ =	swait.ge [sflag:s30], $0x3E8  }
0x49: {  	[sflag:s30] =	ssyncset.done $0x0  }
0x4a: {  	s17 =	simm.s32 $0x2AF8;
	s16 =	rddreg [dreg:$0x9];
	[sflag:s30] =	ssyncadd.s32 $0xFFFFFC18  }
0x4b: {  	[tilespmem:s17], [sflag:$0x9] =	stream.linear.gather [hbm4b:s16+s1], $0x3E8, $0x38;
	[tilespmem:$0x13E20] =	vst v63  }
0x4c: {  	_ =	swait.ge [sflag:s30], $0x3E8  }
0x4d: {  	[sflag:s30] =	ssyncset.done $0x0  }
0x4e: {  	s19 =	simm.s32 $0x3E80;
	s18 =	rddreg [dreg:$0xa];
	[sflag:s30] =	ssyncadd.s32 $0xFFFFFC18  }
0x4f: {  	[tilespmem:s19], [sflag:$0x9] =	stream.linear.gather [hbm4b:s18+s1], $0x3E8, $0x38;
	[tilespmem:$0x13E20] =	vst v63  }
0x50: {  	_ =	swait.ge [sflag:s30], $0x3E8  }
0x51: {  	[sflag:s30] =	ssyncset.done $0x0  }
0x52: {  	s22 =	simm.s32 $0x7D0;
	s20 =	rddreg [dreg:$0xb];
	[sflag:s30] =	ssyncadd.s32 $0xFFFFFC18  }
0x53: {  	[tilespmem:s22], [sflag:$0x9] =	stream.linear.gather [hbm4b:s20+s1], $0x3E8, $0x38;
	[tilespmem:$0x13E20] =	vst v63  }
0x54: {  	_ =	swait.ge [sflag:s30], $0x3E8  }
0x55: {  	[sflag:s30] =	ssyncset.done $0x0  }
0x56: {  	s28 =	simm.s32 $0x1B58;
	s23 =	rddreg [dreg:$0xc];
	[sflag:s30] =	ssyncadd.s32 $0xFFFFFC18  }
0x57: {  	[tilespmem:s28], [sflag:$0x9] =	stream.linear.gather [hbm4b:s23+s1], $0x3E8, $0x38;
	[tilespmem:$0x13E20] =	vst v63  }
0x58: {  	_ =	swait.ge [sflag:s30], $0x3E8  }
0x59: {  	[sflag:s30] =	ssyncset.done $0x0  }
0x5a: {  	s9 =	simm.s32 $0x2EE0;
	s4 =	rddreg [dreg:$0xd];
	[sflag:s30] =	ssyncadd.s32 $0xFFFFFC18  }
0x5b: {  	[tilespmem:s9], [sflag:$0x9] =	stream.linear.gather [hbm4b:s4+s1], $0x3E8, $0x38;
	[tilespmem:$0x13E20] =	vst v63  }
0x5c: {  	_ =	swait.ge [sflag:s30], $0x3E8  }
0x5d: {  	[sflag:s30] =	ssyncset.done $0x0  }
0x5e: {  	s11 =	simm.s32 $0x4268;
	s10 =	rddreg [dreg:$0xe];
	[sflag:s30] =	ssyncadd.s32 $0xFFFFFC18  }
0x5f: {  	[tilespmem:s11], [sflag:$0x9] =	stream.linear.gather [hbm4b:s10+s1], $0x3E8, $0x38;
	[tilespmem:$0x13E20] =	vst v63  }
0x60: {  	_ =	swait.ge [sflag:s30], $0x3E8  }
0x61: {  	[sflag:s30] =	ssyncset.done $0x0  }
0x62: {  	s13 =	simm.s32 $0xBB8;
	s12 =	rddreg [dreg:$0xf];
	[sflag:s30] =	ssyncadd.s32 $0xFFFFFC18  }
0x63: {  	[tilespmem:s13], [sflag:$0x9] =	stream.linear.gather [hbm4b:s12+s1], $0x3E8, $0x38;
	[tilespmem:$0x13E20] =	vst v63  }
0x64: {  	_ =	swait.ge [sflag:s30], $0x3E8  }
0x65: {  	[sflag:s30] =	ssyncset.done $0x0  }
0x66: {  	s15 =	simm.s32 $0x1F40;
	s14 =	rddreg [dreg:$0x10];
	[sflag:s30] =	ssyncadd.s32 $0xFFFFFC18  }
0x67: {  	[tilespmem:s15], [sflag:$0x9] =	stream.linear.gather [hbm4b:s14+s1], $0x3E8, $0x38;
	[tilespmem:$0x13E20] =	vst v63  }
0x68: {  	_ =	swait.ge [sflag:s30], $0x3E8  }
0x69: {  	[sflag:s30] =	ssyncset.done $0x0  }
0x6a: {  	s17 =	simm.s32 $0x32C8;
	s16 =	rddreg [dreg:$0x11];
	[sflag:s30] =	ssyncadd.s32 $0xFFFFFC18  }
0x6b: {  	[tilespmem:s17], [sflag:$0x9] =	stream.linear.gather [hbm4b:s16+s1], $0x3E8, $0x38;
	[tilespmem:$0x13E20] =	vst v63  }
0x6c: {  	_ =	swait.ge [sflag:s30], $0x3E8  }
0x6d: {  	[sflag:s30] =	ssyncset.done $0x0  }
0x6e: {  	s19 =	simm.s32 $0x4650;
	s18 =	rddreg [dreg:$0x12];
	[sflag:s30] =	ssyncadd.s32 $0xFFFFFC18  }
0x6f: {  	[tilespmem:s19], [sflag:$0x9] =	stream.linear.gather [hbm4b:s18+s1], $0x3E8, $0x38;
	[tilespmem:$0x13E20] =	vst v63  }
0x70: {  	_ =	swait.ge [sflag:s30], $0x3E8  }
0x71: {  	[sflag:s30] =	ssyncset.done $0x0  }
0x72: {  	s22 =	simm.s32 $0xFA0;
	s20 =	rddreg [dreg:$0x13];
	[sflag:s30] =	ssyncadd.s32 $0xFFFFFC18  }
0x73: {  	[tilespmem:s22], [sflag:$0x9] =	stream.linear.gather [hbm4b:s20+s1], $0x3E8, $0x38;
	[tilespmem:$0x13E20] =	vst v63  }
0x74: {  	_ =	swait.ge [sflag:s30], $0x3E8  }
0x75: {  	[sflag:s30] =	ssyncset.done $0x0  }
0x76: {  	s28 =	simm.s32 $0x2328;
	s23 =	rddreg [dreg:$0x14];
	[sflag:s30] =	ssyncadd.s32 $0xFFFFFC18  }
0x77: {  	[tilespmem:s28], [sflag:$0x9] =	stream.linear.gather [hbm4b:s23+s1], $0x3E8, $0x38;
	[tilespmem:$0x13E20] =	vst v63  }
0x78: {  	_ =	swait.ge [sflag:s30], $0x3E8  }
0x79: {  	[sflag:s30] =	ssyncset.done $0x0  }
0x7a: {  	s9 =	simm.s32 $0x36B0;
	s4 =	rddreg [dreg:$0x15];
	[sflag:s30] =	ssyncadd.s32 $0xFFFFFC18  }
0x7b: {  	[tilespmem:s9], [sflag:$0x9] =	stream.linear.gather [hbm4b:s4+s1], $0x3E8, $0x38;
	[tilespmem:$0x13E20] =	vst v63  }
0x7c: {  	_ =	swait.ge [sflag:s30], $0x3E8  }
0x7d: {  	[sflag:s30] =	ssyncset.done $0x0  }
0x7e: {  	s11 =	simm.s32 $0x4A38;
	s10 =	rddreg [dreg:$0x16];
	[sflag:s30] =	ssyncadd.s32 $0xFFFFFC18  }
0x7f: {  	[tilespmem:s11], [sflag:$0x9] =	stream.linear.gather [hbm4b:s10+s1], $0x3E8, $0x38;
	[tilespmem:$0x13E20] =	vst v63  }
0x80: {  	_ =	swait.ge [sflag:s30], $0x3E8  }
0x81: {  	[sflag:s30] =	ssyncset.done $0x0  }
0x82: {  	s12 =	simm.s32 $0x28;
	s13 =	simm.s32 $0x4E20;
	[sflag:s30] =	ssyncadd.s32 $0xFFFFFC18  }
0x83: {  	[tilespmem:s13], [sflag:$0x1] =	stream.indirect.gather [hbm4b:s21+s12], $0x40, s1, s12, $0xb8;
	[tilespmem:$0x13E20] =	vst v63  }
0x84: {  	s14 =	simm.s32 $0x5820  }
0x85: {  	[tilespmem:s14], [sflag:$0x1] =	stream.indirect.gather [hbm4b:s24+s12], $0x40, s6, s12, $0xb8;
	[tilespmem:$0x13E20] =	vst v63  }
0x86: {  	s15 =	simm.s32 $0x6220  }
0x87: {  	[tilespmem:s15], [sflag:$0x1] =	stream.indirect.gather [hbm4b:s21+s12], $0x40, s7, s12, $0xb8;
	[tilespmem:$0x13E20] =	vst v63  }
0x88: {  	s16 =	simm.s32 $0x6C20  }
0x89: {  	[tilespmem:s16], [sflag:$0x1] =	stream.indirect.gather [hbm4b:s24+s12], $0x40, s8, s12, $0xb8;
	[tilespmem:$0x13E20] =	vst v63  }
0x8a: {  	s17 =	simm.s32 $0x7620  }
0x8b: {  	[tilespmem:s17], [sflag:$0x2] =	stream.indirect.gather [hbm4b:s21+s12], $0x40, s12, s12, $0xb8;
	[tilespmem:$0x13E20] =	vst v63  }
0x8c: {  	s18 =	simm.s32 $0x13B0;
	s19 =	simm.s32 $0x8020  }
0x8d: {  	[tilespmem:s19], [sflag:$0x2] =	stream.indirect.gather [hbm4b:s24+s12], $0x40, s18, s12, $0xb8;
	[tilespmem:$0x13E20] =	vst v63  }
.Ltmp2:
0x8e: {  	_ = 	snop;
	(pc) =	sbr.rel .LBB2_2-.Ltmp2, $4  }
0x8f: {  	s20 =	simm.s32 $0x2738;
	s22 =	simm.s32 $0x8A20  }
0x90: {  	[tilespmem:s22], [sflag:$0x2] =	stream.indirect.gather [hbm4b:s21+s12], $0x40, s20, s12, $0xb8;
	[tilespmem:$0x13E20] =	vst v63  }
0x91: {  	s23 =	simm.s32 $0x3AC0;
	s28 =	simm.s32 $0x9420;
	s10 =	simm.s32 $0x0  }
0x92: {  	[tilespmem:s28], [sflag:$0x2] =	stream.indirect.gather [hbm4b:s24+s12], $0x40, s23, s12, $0xb8;
	[tilespmem:$0x13E20] =	vst v63  }
.LBB2_16:
0x93: {  	s10 =	sadd.s32 $0x1, s10  }
0x94: {  	p0 =	sne.s32 s10, $0x20  }
.Ltmp3:
0x95: {  	_ = 	snop;
	(pc) =	sbr.rel @!p0 .LBB2_17-.Ltmp3, $1  }
0x96: {  	_ =	sdelay $0x3  }
.LBB2_2:
0x97: {  	s12 =	sshll.u32 s10, $0x2  }
0x98: {  	s2 =	sadd.s32 $0xFFFFFFFE, s12  }
0x99: {  	p1 =	sgt.u32 s2, $0x7A  }
0x9a: {  	s11 =	sor.u32 $0x2, s12;
	s2 =	simm.s32 @!p1 $0x7  }
0x9b: {  	p0 =	sgt.u32 s11, $0x7C;
	_ =	swait.ge @!p1 [sflag:s2], $0x1400  }
0x9c: {  	s4 =	smul.u32 @!p0 $0x28, s11;
	[sflag:s2] =	ssyncset.done @!p1 $0x0  }
0x9d: {  	s6 =	simm.s32 @!p0 $0x9E20;
	[sflag:s2] =	ssyncadd.s32 @!p1 $0xFFFFEC00;
	s2 =	simm.s32 @!p0 $0x28  }
0x9e: {  	[tilespmem:s6], [sflag:$0x3] =	stream.indirect.gather @!p0 [hbm4b:s21+s2], $0x40, s4, s2, $0xb8;
	[tilespmem:$0x13E20] =	vst v63  }
0x9f: {  	s7 =	simm.s32 @!p0 $0xA820;
	s6 =	sadd.s32 @!p0 $0x1388, s4  }
0xa0: {  	[tilespmem:s7], [sflag:$0x3] =	stream.indirect.gather @!p0 [hbm4b:s24+s2], $0x40, s6, s2, $0xb8;
	[tilespmem:$0x13E20] =	vst v63  }
0xa1: {  	s6 =	sadd.s32 @!p0 $0x2710, s4;
	s7 =	simm.s32 @!p0 $0xB220  }
0xa2: {  	[tilespmem:s7], [sflag:$0x3] =	stream.indirect.gather @!p0 [hbm4b:s21+s2], $0x40, s6, s2, $0xb8;
	[tilespmem:$0x13E20] =	vst v63  }
0xa3: {  	s4 =	sadd.s32 @!p0 $0x3A98, s4;
	s6 =	simm.s32 @!p0 $0xBC20  }
0xa4: {  	[tilespmem:s6], [sflag:$0x3] =	stream.indirect.gather @!p0 [hbm4b:s24+s2], $0x40, s4, s2, $0xb8;
	[tilespmem:$0x13E20] =	vst v63  }
0xa5: {  	_ =	swait.ge [sflag:s31], $0xA00  }
0xa6: {  	[sflag:s31] =	ssyncset.done $0x0  }
0xa7: {  	[sflag:s31] =	ssyncadd.s32 $0xFFFFF600  }
0xa8: {  	_ =	swait.ge [sflag:s31], $0xA00  }
0xa9: {  	[sflag:s31] =	ssyncset.done $0x0  }
0xaa: {  	[sflag:s31] =	ssyncadd.s32 $0xFFFFF600  }
0xab: {  	_ =	swait.ge [sflag:s31], $0xA00  }
0xac: {  	[sflag:s31] =	ssyncset.done $0x0  }
0xad: {  	[sflag:s31] =	ssyncadd.s32 $0xFFFFF600  }
0xae: {  	_ =	swait.ge [sflag:s31], $0xA00  }
0xaf: {  	[sflag:s31] =	ssyncset.done $0x0  }
0xb0: {  	s22 =	simm.s32 $0x4E60;
	[sflag:s31] =	ssyncadd.s32 $0xFFFFF600  }
0xb1: {  	s23 =	simm.s32 $0x5860;
	v0 =	vld [tilespmem:s22+$0x0]  }
0xb2: {  	v1 =	vld [tilespmem:s23+$0x0];
	_ =	sdelay $0x3  }
0xb3: {  	v2 =	vshll.u32 v0, $0x10  }
0xb4: {  	v3 =	vshll.u32 v1, $0x10;
	v0 =	vand.u32 $0xFFFF0000, v0;
	v1 =	vand.u32 $0xFFFF0000, v1  }
0xb5: {  	v2 =	vadd.f32 v3, v2;
	v0 =	vadd.f32 v1, v0;
	_ =	sdelay $0x1  }
0xb6: {  	v1 =	vadd.s32 $0x8000, v2;
	v0 =	vadd.s32 $0x8000, v0  }
0xb7: {  	v1 =	vshrl.u32 v1, $0x10;
	v0 =	vand.u32 $0xFFFF0000, v0  }
0xb8: {  	s14 =	simm.s32 $0xEEA0;
	v2 =	vld [tilespmem:s23+$0xFFFFFFC0];
	v0 =	vor.u32 v1, v0  }
0xb9: {  	s28 =	simm.s32 $0x6260;
	v1 =	vld [tilespmem:s22+$0xFFFFFFC0];
	[tilespmem:s14+$0x0] =	vst v0  }
0xba: {  	s8 =	simm.s32 $0x6C60;
	v0 =	vld [tilespmem:s28+$0x0]  }
0xbb: {  	v3 =	vld [tilespmem:s8+$0x0];
	_ =	sdelay $0x1  }
0xbc: {  	v4 =	vshll.u32 v2, $0x10  }
0xbd: {  	v2 =	vand.u32 $0xFFFF0000, v2;
	v5 =	vshll.u32 v1, $0x10;
	v1 =	vand.u32 $0xFFFF0000, v1  }
0xbe: {  	v4 =	vadd.f32 v4, v5;
	v1 =	vadd.f32 v2, v1;
	v2 =	vshll.u32 v0, $0x10  }
0xbf: {  	v5 =	vshll.u32 v3, $0x10;
	v0 =	vand.u32 $0xFFFF0000, v0;
	v3 =	vand.u32 $0xFFFF0000, v3  }
0xc0: {  	v4 =	vadd.s32 $0x8000, v4;
	v2 =	vadd.f32 v5, v2;
	v0 =	vadd.f32 v3, v0  }
0xc1: {  	v1 =	vadd.s32 $0x8000, v1;
	v3 =	vshrl.u32 v4, $0x10  }
0xc2: {  	v1 =	vand.u32 $0xFFFF0000, v1;
	v2 =	vadd.s32 $0x8000, v2;
	v0 =	vadd.s32 $0x8000, v0  }
0xc3: {  	v1 =	vor.u32 v3, v1;
	v2 =	vshrl.u32 v2, $0x10;
	v0 =	vand.u32 $0xFFFF0000, v0  }
0xc4: {  	[tilespmem:s14+$0xFFFFFF80] =	vst v1;
	v0 =	vor.u32 v2, v0  }
0xc5: {  	v1 =	vld [tilespmem:s28+$0xFFFFFFC0];
	[tilespmem:s14+$0x40] =	vst v0  }
0xc6: {  	v0 =	vld [tilespmem:s22+$0x10]  }
0xc7: {  	v2 =	vld [tilespmem:s23+$0x10]  }
0xc8: {  	v3 =	vld [tilespmem:s8+$0xFFFFFFC0];
	_ =	sdelay $0x2  }
0xc9: {  	v4 =	vshll.u32 v1, $0x10;
	v5 =	vshll.u32 v0, $0x10  }
0xca: {  	v6 =	vshll.u32 v2, $0x10;
	v0 =	vand.u32 $0xFFFF0000, v0;
	v2 =	vand.u32 $0xFFFF0000, v2  }
0xcb: {  	v7 =	vshll.u32 v3, $0x10;
	v5 =	vadd.f32 v6, v5;
	v0 =	vadd.f32 v2, v0  }
0xcc: {  	v1 =	vand.u32 $0xFFFF0000, v1;
	v2 =	vand.u32 $0xFFFF0000, v3;
	v3 =	vadd.f32 v7, v4  }
0xcd: {  	v1 =	vadd.f32 v2, v1;
	v2 =	vadd.s32 $0x8000, v5;
	v0 =	vadd.s32 $0x8000, v0  }
0xce: {  	v2 =	vshrl.u32 v2, $0x10;
	v0 =	vand.u32 $0xFFFF0000, v0  }
0xcf: {  	v3 =	vadd.s32 $0x8000, v3;
	v1 =	vadd.s32 $0x8000, v1;
	v0 =	vor.u32 v2, v0  }
0xd0: {  	v2 =	vshrl.u32 v3, $0x10;
	v1 =	vand.u32 $0xFFFF0000, v1;
	[tilespmem:s14+$0x10] =	vst v0  }
0xd1: {  	v0 =	vor.u32 v2, v1;
	v1 =	vld [tilespmem:s28+$0x10]  }
0xd2: {  	[tilespmem:s14+$0xFFFFFFC0] =	vst v0;
	v0 =	vld [tilespmem:s8+$0x10]  }
0xd3: {  	v2 =	vld [tilespmem:s22+$0xFFFFFFD0]  }
0xd4: {  	v3 =	vld [tilespmem:s23+$0xFFFFFFD0];
	_ =	sdelay $0x1  }
0xd5: {  	v4 =	vshll.u32 v1, $0x10  }
0xd6: {  	v5 =	vshll.u32 v0, $0x10;
	v1 =	vand.u32 $0xFFFF0000, v1;
	v0 =	vand.u32 $0xFFFF0000, v0  }
0xd7: {  	v6 =	vshll.u32 v2, $0x10;
	v4 =	vadd.f32 v5, v4;
	v0 =	vadd.f32 v0, v1  }
0xd8: {  	v1 =	vand.u32 $0xFFFF0000, v2;
	v2 =	vshll.u32 v3, $0x10;
	v3 =	vand.u32 $0xFFFF0000, v3  }
0xd9: {  	v2 =	vadd.f32 v2, v6;
	v4 =	vadd.s32 $0x8000, v4;
	v0 =	vadd.s32 $0x8000, v0  }
0xda: {  	v1 =	vadd.f32 v3, v1;
	v3 =	vshrl.u32 v4, $0x10;
	v0 =	vand.u32 $0xFFFF0000, v0  }
0xdb: {  	v0 =	vor.u32 v3, v0  }
0xdc: {  	v2 =	vadd.s32 $0x8000, v2;
	v1 =	vadd.s32 $0x8000, v1;
	[tilespmem:s14+$0x50] =	vst v0  }
0xdd: {  	v1 =	vand.u32 $0xFFFF0000, v1;
	v0 =	vshrl.u32 v2, $0x10;
	v2 =	vld [tilespmem:s22+$0x20]  }
0xde: {  	v0 =	vor.u32 v0, v1;
	v1 =	vld [tilespmem:s23+$0x20]  }
0xdf: {  	[tilespmem:s14+$0xFFFFFF90] =	vst v0  }
0xe0: {  	v0 =	vld [tilespmem:s28+$0xFFFFFFD0];
	_ =	sdelay $0x1  }
0xe1: {  	s9 =	simm.s32 $0x4EE0;
	v3 =	vld [tilespmem:s8+$0xFFFFFFD0];
	v4 =	vshll.u32 v2, $0x10  }
0xe2: {  	s13 =	simm.s32 $0x58E0;
	v6 =	vld [tilespmem:s9+$0x0];
	v5 =	vshll.u32 v1, $0x10;
	v2 =	vand.u32 $0xFFFF0000, v2;
	v1 =	vand.u32 $0xFFFF0000, v1  }
0xe3: {  	v4 =	vadd.f32 v5, v4;
	v1 =	vadd.f32 v1, v2;
	v2 =	vld [tilespmem:s13+$0x0]  }
0xe4: {  	v5 =	vshll.u32 v0, $0x10  }
0xe5: {  	v0 =	vand.u32 $0xFFFF0000, v0;
	v4 =	vadd.s32 $0x8000, v4;
	v1 =	vadd.s32 $0x8000, v1  }
0xe6: {  	v8 =	vld [tilespmem:s13+$0xFFFFFFC0];
	v7 =	vshll.u32 v3, $0x10;
	v4 =	vshrl.u32 v4, $0x10;
	v1 =	vand.u32 $0xFFFF0000, v1  }
0xe7: {  	v5 =	vadd.f32 v7, v5;
	v7 =	vld [tilespmem:s9+$0xFFFFFFC0];
	v1 =	vor.u32 v4, v1;
	v4 =	vshll.u32 v6, $0x10  }
0xe8: {  	v6 =	vand.u32 $0xFFFF0000, v6;
	v9 =	vshll.u32 v2, $0x10;
	v2 =	vand.u32 $0xFFFF0000, v2  }
0xe9: {  	v3 =	vand.u32 $0xFFFF0000, v3;
	[tilespmem:s14+$0x20] =	vst v1;
	v1 =	vadd.f32 v9, v4;
	v2 =	vadd.f32 v2, v6  }
0xea: {  	v0 =	vadd.f32 v3, v0;
	v3 =	vadd.s32 $0x8000, v5;
	v4 =	vld [tilespmem:s28+$0x20]  }
0xeb: {  	v5 =	vshll.u32 v8, $0x10;
	v6 =	vld [tilespmem:s8+$0x20];
	v1 =	vadd.s32 $0x8000, v1;
	v2 =	vadd.s32 $0x8000, v2  }
0xec: {  	v9 =	vshll.u32 v7, $0x10;
	v1 =	vshrl.u32 v1, $0x10;
	v2 =	vand.u32 $0xFFFF0000, v2  }
0xed: {  	s15 =	simm.s32 $0xEFA0;
	v0 =	vadd.s32 $0x8000, v0;
	v5 =	vadd.f32 v5, v9;
	v1 =	vor.u32 v1, v2  }
0xee: {  	s17 =	simm.s32 $0x62E0;
	v3 =	vshrl.u32 v3, $0x10;
	v2 =	vand.u32 $0xFFFF0000, v7;
	v7 =	vand.u32 $0xFFFF0000, v8;
	[tilespmem:s15+$0x0] =	vst v1  }
0xef: {  	s16 =	simm.s32 $0x6CE0;
	v1 =	vadd.f32 v7, v2;
	v2 =	vadd.s32 $0x8000, v5;
	v7 =	vshll.u32 v4, $0x10;
	v5 =	vld [tilespmem:s17+$0x0]  }
0xf0: {  	v8 =	vshll.u32 v6, $0x10;
	v4 =	vand.u32 $0xFFFF0000, v4;
	v6 =	vand.u32 $0xFFFF0000, v6;
	v9 =	vld [tilespmem:s16+$0x0]  }
0xf1: {  	v0 =	vand.u32 $0xFFFF0000, v0;
	v4 =	vadd.f32 v6, v4;
	v1 =	vadd.s32 $0x8000, v1  }
0xf2: {  	v7 =	vadd.f32 v8, v7;
	v2 =	vshrl.u32 v2, $0x10;
	v1 =	vand.u32 $0xFFFF0000, v1  }
0xf3: {  	v0 =	vor.u32 v3, v0;
	v3 =	vadd.s32 $0x8000, v4;
	v1 =	vor.u32 v2, v1  }
0xf4: {  	v2 =	vadd.s32 $0x8000, v7;
	v3 =	vand.u32 $0xFFFF0000, v3;
	v4 =	vshll.u32 v5, $0x10  }
0xf5: {  	[tilespmem:s14+$0xFFFFFFD0] =	vst v0;
	v0 =	vshll.u32 v9, $0x10;
	v5 =	vand.u32 $0xFFFF0000, v5;
	v6 =	vand.u32 $0xFFFF0000, v9  }
0xf6: {  	v2 =	vshrl.u32 v2, $0x10;
	v0 =	vadd.f32 v0, v4;
	v4 =	vadd.f32 v6, v5  }
0xf7: {  	[tilespmem:s15+$0xFFFFFF80] =	vst v1;
	v1 =	vld [tilespmem:s22+$0xFFFFFFE0];
	v2 =	vor.u32 v2, v3  }
0xf8: {  	v3 =	vld [tilespmem:s16+$0xFFFFFFC0];
	[tilespmem:s14+$0x60] =	vst v2;
	v0 =	vadd.s32 $0x8000, v0;
	v2 =	vadd.s32 $0x8000, v4  }
0xf9: {  	v5 =	vld [tilespmem:s17+$0xFFFFFFC0];
	v0 =	vshrl.u32 v0, $0x10;
	v2 =	vand.u32 $0xFFFF0000, v2  }
0xfa: {  	v6 =	vld [tilespmem:s23+$0x30];
	v0 =	vor.u32 v0, v2  }
0xfb: {  	v4 =	vld [tilespmem:s22+$0x30];
	[tilespmem:s15+$0x40] =	vst v0  }
0xfc: {  	v0 =	vld [tilespmem:s9+$0x10]  }
0xfd: {  	v2 =	vshll.u32 v1, $0x10;
	v1 =	vand.u32 $0xFFFF0000, v1;
	v7 =	vld [tilespmem:s13+$0x10]  }
0xfe: {  	v9 =	vshll.u32 v3, $0x10;
	v3 =	vand.u32 $0xFFFF0000, v3;
	v8 =	vshll.u32 v5, $0x10  }
0xff: {  	v5 =	vand.u32 $0xFFFF0000, v5;
	v11 =	vshll.u32 v6, $0x10;
	v8 =	vadd.f32 v9, v8  }
0x100: {  	v6 =	vand.u32 $0xFFFF0000, v6;
	v3 =	vadd.f32 v3, v5;
	v10 =	vshll.u32 v4, $0x10  }
0x101: {  	v9 =	vld [tilespmem:s23+$0xFFFFFFE0];
	v4 =	vand.u32 $0xFFFF0000, v4;
	v5 =	vadd.s32 $0x8000, v8;
	v8 =	vshll.u32 v0, $0x10  }
0x102: {  	v12 =	vshll.u32 v7, $0x10;
	v0 =	vand.u32 $0xFFFF0000, v0;
	v7 =	vand.u32 $0xFFFF0000, v7  }
0x103: {  	v3 =	vadd.s32 $0x8000, v3;
	v8 =	vadd.f32 v12, v8;
	v0 =	vadd.f32 v7, v0  }
0x104: {  	v4 =	vadd.f32 v6, v4;
	v5 =	vshrl.u32 v5, $0x10;
	v3 =	vand.u32 $0xFFFF0000, v3  }
0x105: {  	v3 =	vor.u32 v5, v3;
	v5 =	vadd.s32 $0x8000, v8;
	v0 =	vadd.s32 $0x8000, v0  }
0x106: {  	[tilespmem:s15+$0xFFFFFFC0] =	vst v3;
	v6 =	vand.u32 $0xFFFF0000, v9;
	v3 =	vshrl.u32 v5, $0x10;
	v0 =	vand.u32 $0xFFFF0000, v0  }
0x107: {  	v7 =	vadd.f32 v11, v10;
	v8 =	vld [tilespmem:s9+$0xFFFFFFD0];
	v5 =	vshll.u32 v9, $0x10;
	v0 =	vor.u32 v3, v0  }
0x108: {  	v4 =	vadd.s32 $0x8000, v4;
	v1 =	vadd.f32 v6, v1;
	v2 =	vadd.f32 v5, v2;
	v3 =	vld [tilespmem:s13+$0xFFFFFFD0];
	[tilespmem:s15+$0x10] =	vst v0  }
0x109: {  	v4 =	vand.u32 $0xFFFF0000, v4;
	v5 =	vld [tilespmem:s17+$0x10]  }
0x10a: {  	v1 =	vadd.s32 $0x8000, v1;
	v0 =	vadd.s32 $0x8000, v7;
	v2 =	vadd.s32 $0x8000, v2;
	v6 =	vld [tilespmem:s16+$0x10]  }
0x10b: {  	v1 =	vand.u32 $0xFFFF0000, v1;
	v0 =	vshrl.u32 v0, $0x10;
	v2 =	vshrl.u32 v2, $0x10  }
0x10c: {  	v0 =	vor.u32 v0, v4;
	v1 =	vor.u32 v2, v1;
	v2 =	vshll.u32 v8, $0x10  }
0x10d: {  	[tilespmem:s14+$0x30] =	vst v0;
	v0 =	vand.u32 $0xFFFF0000, v8;
	v4 =	vshll.u32 v3, $0x10;
	v3 =	vand.u32 $0xFFFF0000, v3  }
0x10e: {  	v7 =	vld [tilespmem:s28+$0x30];
	v2 =	vadd.f32 v4, v2;
	v0 =	vadd.f32 v3, v0;
	v3 =	vshll.u32 v5, $0x10  }
0x10f: {  	[tilespmem:s14+$0xFFFFFFA0] =	vst v1;
	v4 =	vld [tilespmem:s8+$0x30];
	v1 =	vshll.u32 v6, $0x10;
	v5 =	vand.u32 $0xFFFF0000, v5;
	v6 =	vand.u32 $0xFFFF0000, v6  }
0x110: {  	v8 =	vld [tilespmem:s28+$0xFFFFFFE0];
	v2 =	vadd.s32 $0x8000, v2;
	v1 =	vadd.f32 v1, v3;
	v3 =	vadd.f32 v6, v5  }
0x111: {  	v5 =	vld [tilespmem:s8+$0xFFFFFFE0];
	v0 =	vadd.s32 $0x8000, v0;
	v2 =	vshrl.u32 v2, $0x10  }
0x112: {  	v0 =	vand.u32 $0xFFFF0000, v0;
	v1 =	vadd.s32 $0x8000, v1;
	v3 =	vadd.s32 $0x8000, v3  }
0x113: {  	v0 =	vor.u32 v2, v0;
	v1 =	vshrl.u32 v1, $0x10;
	v2 =	vand.u32 $0xFFFF0000, v3  }
0x114: {  	v3 =	vshll.u32 v7, $0x10;
	v6 =	vshll.u32 v4, $0x10;
	[tilespmem:s15+$0xFFFFFF90] =	vst v0;
	v0 =	vor.u32 v1, v2  }
0x115: {  	v1 =	vand.u32 $0xFFFF0000, v7;
	v2 =	vand.u32 $0xFFFF0000, v4;
	v3 =	vadd.f32 v6, v3;
	v4 =	vld [tilespmem:s17+$0xFFFFFFD0];
	[tilespmem:s15+$0x50] =	vst v0  }
0x116: {  	v0 =	vadd.f32 v2, v1;
	v1 =	vshll.u32 v8, $0x10;
	v2 =	vshll.u32 v5, $0x10;
	v6 =	vld [tilespmem:s9+$0x20]  }
0x117: {  	v7 =	vand.u32 $0xFFFF0000, v8;
	v1 =	vadd.f32 v2, v1;
	v2 =	vand.u32 $0xFFFF0000, v5;
	v5 =	vld [tilespmem:s13+$0x20]  }
0x118: {  	v3 =	vadd.s32 $0x8000, v3;
	v2 =	vadd.f32 v2, v7  }
0x119: {  	v7 =	vld [tilespmem:s16+$0xFFFFFFD0];
	v0 =	vadd.s32 $0x8000, v0;
	v3 =	vshrl.u32 v3, $0x10;
	v1 =	vadd.s32 $0x8000, v1  }
0x11a: {  	s19 =	simm.s32 $0x4F60;
	v0 =	vand.u32 $0xFFFF0000, v0;
	v1 =	vshrl.u32 v1, $0x10;
	v2 =	vadd.s32 $0x8000, v2  }
0x11b: {  	v11 =	vld [tilespmem:s19+$0x0];
	v8 =	vshll.u32 v4, $0x10;
	v4 =	vand.u32 $0xFFFF0000, v4;
	v2 =	vand.u32 $0xFFFF0000, v2  }
0x11c: {  	v9 =	vshll.u32 v6, $0x10;
	v10 =	vshll.u32 v5, $0x10;
	v6 =	vand.u32 $0xFFFF0000, v6  }
0x11d: {  	s20 =	simm.s32 $0x5960;
	v5 =	vand.u32 $0xFFFF0000, v5;
	v1 =	vor.u32 v1, v2;
	v9 =	vadd.f32 v10, v9  }
0x11e: {  	v58 =	vshll.u32 v7, $0x10;
	v5 =	vadd.f32 v5, v6;
	v6 =	vld [tilespmem:s20+$0x0];
	v7 =	vand.u32 $0xFFFF0000, v7  }
0x11f: {  	v10 =	vld [tilespmem:s20+$0xFFFFFFC0];
	v8 =	vadd.f32 v58, v8;
	v4 =	vadd.f32 v7, v4;
	v7 =	vadd.s32 $0x8000, v9  }
0x120: {  	v2 =	vld [tilespmem:s19+$0xFFFFFFC0];
	v5 =	vadd.s32 $0x8000, v5;
	v9 =	vand.u32 $0xFFFF0000, v11;
	v7 =	vshrl.u32 v7, $0x10  }
0x121: {  	v5 =	vand.u32 $0xFFFF0000, v5;
	v8 =	vadd.s32 $0x8000, v8;
	v4 =	vadd.s32 $0x8000, v4  }
0x122: {  	v5 =	vor.u32 v7, v5;
	v7 =	vshrl.u32 v8, $0x10;
	v8 =	vshll.u32 v11, $0x10  }
0x123: {  	v4 =	vand.u32 $0xFFFF0000, v4;
	[tilespmem:s15+$0x20] =	vst v5;
	v5 =	vshll.u32 v6, $0x10;
	v6 =	vand.u32 $0xFFFF0000, v6  }
0x124: {  	v59 =	vshll.u32 v10, $0x10;
	v11 =	vld [tilespmem:s17+$0x20];
	v5 =	vadd.f32 v5, v8;
	v6 =	vadd.f32 v6, v9  }
0x125: {  	v10 =	vand.u32 $0xFFFF0000, v10;
	v8 =	vld [tilespmem:s16+$0x20];
	v9 =	vshll.u32 v2, $0x10;
	v2 =	vand.u32 $0xFFFF0000, v2  }
0x126: {  	[tilespmem:s14+$0xFFFFFFE0] =	vst v1;
	v1 =	vadd.f32 v10, v2;
	v5 =	vadd.s32 $0x8000, v5;
	v6 =	vadd.s32 $0x8000, v6  }
0x127: {  	v9 =	vadd.f32 v59, v9;
	v10 =	vld [tilespmem:s23+$0xFFFFFFF0];
	v2 =	vshrl.u32 v5, $0x10;
	v5 =	vand.u32 $0xFFFF0000, v6  }
0x128: {  	v4 =	vor.u32 v7, v4;
	v6 =	vld [tilespmem:s22+$0xFFFFFFF0];
	s22 =	simm.s32 $0xF0A0;
	v1 =	vadd.s32 $0x8000, v1;
	v2 =	vor.u32 v2, v5  }
0x129: {  	s23 =	simm.s32 $0x6360;
	v9 =	vadd.s32 $0x8000, v9;
	v1 =	vand.u32 $0xFFFF0000, v1;
	v5 =	vshll.u32 v11, $0x10;
	[tilespmem:s22+$0x0] =	vst v2  }
0x12a: {  	s7 =	simm.s32 $0x6D60;
	v2 =	vshll.u32 v8, $0x10;
	v11 =	vand.u32 $0xFFFF0000, v11;
	v8 =	vand.u32 $0xFFFF0000, v8;
	v60 =	vld [tilespmem:s23+$0x0]  }
0x12b: {  	v2 =	vadd.f32 v2, v5;
	v5 =	vadd.f32 v8, v11;
	v8 =	vshrl.u32 v9, $0x10;
	v9 =	vld [tilespmem:s7+$0x0]  }
0x12c: {  	v0 =	vor.u32 v3, v0;
	[tilespmem:s15+$0xFFFFFFD0] =	vst v4;
	v1 =	vor.u32 v8, v1  }
0x12d: {  	v2 =	vadd.s32 $0x8000, v2;
	v4 =	vadd.s32 $0x8000, v5;
	[tilespmem:s22+$0xFFFFFF80] =	vst v1;
	v1 =	vld [tilespmem:s9+$0xFFFFFFE0];
	v5 =	vshll.u32 v10, $0x10  }
0x12e: {  	v10 =	vand.u32 $0xFFFF0000, v10;
	v2 =	vshrl.u32 v2, $0x10;
	v3 =	vand.u32 $0xFFFF0000, v4  }
0x12f: {  	v4 =	vshll.u32 v6, $0x10;
	v7 =	vld [tilespmem:s23+$0xFFFFFFC0];
	v2 =	vor.u32 v2, v3;
	v3 =	vand.u32 $0xFFFF0000, v6  }
0x130: {  	v6 =	vld [tilespmem:s7+$0xFFFFFFC0];
	v8 =	vshll.u32 v60, $0x10;
	[tilespmem:s15+$0x60] =	vst v2;
	v2 =	vadd.f32 v5, v4;
	v4 =	vshll.u32 v9, $0x10  }
0x131: {  	v5 =	vand.u32 $0xFFFF0000, v60;
	v9 =	vand.u32 $0xFFFF0000, v9;
	v3 =	vadd.f32 v10, v3;
	v11 =	vld [tilespmem:s9+$0x30]  }
0x132: {  	v4 =	vadd.f32 v4, v8;
	v5 =	vadd.f32 v9, v5;
	v8 =	vld [tilespmem:s13+$0x30];
	v9 =	vshll.u32 v1, $0x10  }
0x133: {  	v1 =	vand.u32 $0xFFFF0000, v1;
	v2 =	vadd.s32 $0x8000, v2;
	v3 =	vadd.s32 $0x8000, v3  }
0x134: {  	v10 =	vld [tilespmem:s13+$0xFFFFFFE0];
	v61 =	vshll.u32 v7, $0x10;
	v4 =	vadd.s32 $0x8000, v4;
	v5 =	vadd.s32 $0x8000, v5  }
0x135: {  	v7 =	vand.u32 $0xFFFF0000, v7;
	v4 =	vshrl.u32 v4, $0x10;
	v5 =	vand.u32 $0xFFFF0000, v5  }
0x136: {  	v13 =	vshll.u32 v6, $0x10;
	v6 =	vand.u32 $0xFFFF0000, v6;
	v4 =	vor.u32 v4, v5  }
0x137: {  	v6 =	vadd.f32 v6, v7;
	v5 =	vshll.u32 v11, $0x10;
	[tilespmem:s22+$0x40] =	vst v4;
	v4 =	vshll.u32 v8, $0x10  }
0x138: {  	v11 =	vand.u32 $0xFFFF0000, v11;
	v8 =	vand.u32 $0xFFFF0000, v8;
	v4 =	vadd.f32 v4, v5;
	v5 =	vld [tilespmem:s19+$0x10]  }
0x139: {  	v62 =	vshll.u32 v10, $0x10;
	v10 =	vand.u32 $0xFFFF0000, v10;
	v8 =	vadd.f32 v8, v11;
	v7 =	vld [tilespmem:s20+$0x10]  }
0x13a: {  	v1 =	vadd.f32 v10, v1;
	v11 =	vadd.f32 v13, v61;
	v6 =	vadd.s32 $0x8000, v6  }
0x13b: {  	v6 =	vand.u32 $0xFFFF0000, v6;
	v4 =	vadd.s32 $0x8000, v4;
	v8 =	vadd.s32 $0x8000, v8  }
0x13c: {  	v11 =	vadd.s32 $0x8000, v11;
	v4 =	vshrl.u32 v4, $0x10;
	v8 =	vand.u32 $0xFFFF0000, v8  }
0x13d: {  	v11 =	vshrl.u32 v11, $0x10;
	v4 =	vor.u32 v4, v8;
	v8 =	vshll.u32 v5, $0x10  }
0x13e: {  	[tilespmem:s15+$0x30] =	vst v4;
	v4 =	vshll.u32 v7, $0x10;
	v5 =	vand.u32 $0xFFFF0000, v5;
	v7 =	vand.u32 $0xFFFF0000, v7  }
0x13f: {  	v6 =	vor.u32 v11, v6;
	v63 =	vld [tilespmem:s17+$0x30];
	v4 =	vadd.f32 v4, v8;
	v5 =	vadd.f32 v7, v5  }
0x140: {  	v2 =	vshrl.u32 v2, $0x10;
	v3 =	vand.u32 $0xFFFF0000, v3;
	v9 =	vadd.f32 v62, v9;
	[tilespmem:s22+$0xFFFFFFC0] =	vst v6;
	v7 =	vld [tilespmem:s16+$0x30]  }
0x141: {  	v1 =	vadd.s32 $0x8000, v1;
	v8 =	vld [tilespmem:s19+$0xFFFFFFD0];
	v4 =	vadd.s32 $0x8000, v4;
	v5 =	vadd.s32 $0x8000, v5  }
0x142: {  	v6 =	vadd.s32 $0x8000, v9;
	v9 =	vld [tilespmem:s20+$0xFFFFFFD0];
	v4 =	vshrl.u32 v4, $0x10;
	v5 =	vand.u32 $0xFFFF0000, v5  }
0x143: {  	v1 =	vand.u32 $0xFFFF0000, v1;
	v6 =	vshrl.u32 v6, $0x10;
	v4 =	vor.u32 v4, v5  }
0x144: {  	v2 =	vor.u32 v2, v3;
	v1 =	vor.u32 v6, v1;
	v5 =	vshll.u32 v63, $0x10;
	[tilespmem:s22+$0x10] =	vst v4  }
0x145: {  	v4 =	vshll.u32 v7, $0x10;
	v10 =	vand.u32 $0xFFFF0000, v63;
	v7 =	vand.u32 $0xFFFF0000, v7;
	v11 =	vld [tilespmem:s23+$0x10]  }
0x146: {  	v6 =	vshll.u32 v8, $0x10;
	v4 =	vadd.f32 v4, v5;
	v5 =	vadd.f32 v7, v10;
	v7 =	vld [tilespmem:s7+$0x10]  }
0x147: {  	v8 =	vand.u32 $0xFFFF0000, v8;
	v10 =	vshll.u32 v9, $0x10;
	v9 =	vand.u32 $0xFFFF0000, v9  }
0x148: {  	v8 =	vadd.f32 v9, v8;
	v4 =	vadd.s32 $0x8000, v4;
	v5 =	vadd.s32 $0x8000, v5  }
0x149: {  	[tilespmem:s15+$0xFFFFFFA0] =	vst v1;
	v1 =	vshrl.u32 v4, $0x10;
	v4 =	vand.u32 $0xFFFF0000, v5;
	v5 =	vadd.f32 v10, v6  }
0x14a: {  	v1 =	vor.u32 v1, v4;
	v4 =	vadd.s32 $0x8000, v8;
	v9 =	vshll.u32 v11, $0x10  }
0x14b: {  	v3 =	vld [tilespmem:s16+$0xFFFFFFE0];
	v10 =	vshll.u32 v7, $0x10;
	v11 =	vand.u32 $0xFFFF0000, v11;
	v7 =	vand.u32 $0xFFFF0000, v7  }
0x14c: {  	[tilespmem:s14+$0xFFFFFFB0] =	vst v2;
	v6 =	vld [tilespmem:s17+$0xFFFFFFE0];
	v2 =	vadd.s32 $0x8000, v5;
	v5 =	vadd.f32 v10, v9;
	v7 =	vadd.f32 v7, v11  }
0x14d: {  	v8 =	vld [tilespmem:s8+$0xFFFFFFF0];
	v4 =	vand.u32 $0xFFFF0000, v4  }
0x14e: {  	v9 =	vld [tilespmem:s28+$0xFFFFFFF0];
	v2 =	vshrl.u32 v2, $0x10;
	v5 =	vadd.s32 $0x8000, v5;
	v7 =	vadd.s32 $0x8000, v7  }
0x14f: {  	v2 =	vor.u32 v2, v4;
	v4 =	vshrl.u32 v5, $0x10;
	v5 =	vand.u32 $0xFFFF0000, v7  }
0x150: {  	[tilespmem:s22+$0xFFFFFF90] =	vst v2;
	v2 =	vor.u32 v4, v5  }
0x151: {  	v4 =	vshll.u32 v3, $0x10;
	v5 =	vand.u32 $0xFFFF0000, v6;
	v3 =	vand.u32 $0xFFFF0000, v3  }
0x152: {  	v7 =	vshll.u32 v6, $0x10;
	v6 =	vld [tilespmem:s23+$0xFFFFFFD0];
	[tilespmem:s22+$0x50] =	vst v2;
	v3 =	vadd.f32 v3, v5  }
0x153: {  	v2 =	vadd.f32 v4, v7;
	v4 =	vshll.u32 v9, $0x10;
	v5 =	vshll.u32 v8, $0x10;
	v10 =	vld [tilespmem:s19+$0x20]  }
0x154: {  	v7 =	vand.u32 $0xFFFF0000, v9;
	v9 =	vld [tilespmem:s20+$0x20];
	v4 =	vadd.f32 v5, v4;
	v3 =	vadd.s32 $0x8000, v3  }
0x155: {  	[tilespmem:s14+$0x70] =	vst v0;
	v5 =	vand.u32 $0xFFFF0000, v8;
	v2 =	vadd.s32 $0x8000, v2;
	v0 =	vand.u32 $0xFFFF0000, v3;
	v3 =	vld [tilespmem:s7+$0xFFFFFFD0]  }
0x156: {  	v7 =	vadd.f32 v5, v7;
	v2 =	vshrl.u32 v2, $0x10;
	v8 =	vadd.s32 $0x8000, v4  }
0x157: {  	[tilespmem:s15+$0x70] =	vst v1;
	v5 =	vshll.u32 v6, $0x10;
	v4 =	vand.u32 $0xFFFF0000, v6;
	v0 =	vor.u32 v2, v0  }
0x158: {  	s4 =	simm.s32 $0x4;
	s6 =	simm.s32 $0x4FE0;
	s2 =	simm.s32 $0x6360;
	v1 =	vadd.s32 $0x8000, v7;
	[tilespmem:s15+$0xFFFFFFE0] =	vst v0;
	v0 =	vshrl.u32 v8, $0x10;
	v6 =	vshll.u32 v10, $0x10  }
0x159: {  	s8 =	simm.s32 $0xF0A0;
	s28 =	simm.s32 $0x5960;
	v7 =	vshll.u32 v9, $0x10;
	v8 =	vand.u32 $0xFFFF0000, v10;
	v9 =	vand.u32 $0xFFFF0000, v9;
	v2 =	vld [tilespmem:s9+$0xFFFFFFF0];
	s9 =	simm.s32 $0x6D60  }
.LBB2_3:
0x15a: {  	v10 =	vld [tilespmem:s6+$0x0];
	v11 =	vshll.u32 v3, $0x10;
	v6 =	vadd.f32 v7, v6;
	v7 =	vadd.f32 v9, v8;
	s20 =	sadd.s32 $0x80, s20  }
0x15b: {  	v3 =	vand.u32 $0xFFFF0000, v3;
	v1 =	vand.u32 $0xFFFF0000, v1;
	v8 =	vld [tilespmem:s20+$0x0];
	v5 =	vadd.f32 v11, v5  }
0x15c: {  	v3 =	vadd.f32 v3, v4;
	v9 =	vld [tilespmem:s20+$0xFFFFFFC0];
	v4 =	vadd.s32 $0x8000, v6;
	v6 =	vadd.s32 $0x8000, v7  }
0x15d: {  	v7 =	vld [tilespmem:s6+$0xFFFFFFC0];
	v5 =	vadd.s32 $0x8000, v5;
	v4 =	vshrl.u32 v4, $0x10;
	v6 =	vand.u32 $0xFFFF0000, v6  }
0x15e: {  	v3 =	vadd.s32 $0x8000, v3;
	v5 =	vshrl.u32 v5, $0x10;
	v4 =	vor.u32 v4, v6;
	v6 =	vld [tilespmem:s13+$0xFFFFFFF0];
	s13 =	smov.u32 s28;
	s28 =	smov.u32 s20  }
0x15f: {  	v3 =	vand.u32 $0xFFFF0000, v3;
	v11 =	vshll.u32 v10, $0x10;
	[tilespmem:s22+$0x20] =	vst v4;
	v4 =	vshll.u32 v2, $0x10  }
0x160: {  	v10 =	vand.u32 $0xFFFF0000, v10;
	v12 =	vshll.u32 v8, $0x10;
	v8 =	vand.u32 $0xFFFF0000, v8;
	v13 =	vld [tilespmem:s23+$0x20]  }
0x161: {  	v14 =	vshll.u32 v9, $0x10;
	v11 =	vadd.f32 v12, v11;
	v8 =	vadd.f32 v8, v10;
	v10 =	vld [tilespmem:s7+$0x20]  }
0x162: {  	s4 =	sadd.s32 $0x2, s4;
	v9 =	vand.u32 $0xFFFF0000, v9;
	v12 =	vshll.u32 v7, $0x10;
	v7 =	vand.u32 $0xFFFF0000, v7  }
0x163: {  	p1 =	slt.u32 s4, $0x26;
	v12 =	vadd.f32 v14, v12;
	v11 =	vadd.s32 $0x8000, v11;
	v8 =	vadd.s32 $0x8000, v8  }
0x164: {  	v7 =	vadd.f32 v9, v7;
	v9 =	vshrl.u32 v11, $0x10;
	v8 =	vand.u32 $0xFFFF0000, v8  }
0x165: {  	s22 =	sadd.s32 $0x100, s22;
	v11 =	vadd.s32 $0x8000, v12;
	v8 =	vor.u32 v9, v8;
	v9 =	vshll.u32 v13, $0x10  }
0x166: {  	s23 =	sadd.s32 $0x80, s23;
	v12 =	vand.u32 $0xFFFF0000, v13;
	[tilespmem:s22+$0x0] =	vst v8;
	v8 =	vshll.u32 v10, $0x10;
	v10 =	vand.u32 $0xFFFF0000, v10  }
0x167: {  	s7 =	sadd.s32 $0x80, s7;
	v7 =	vadd.s32 $0x8000, v7;
	v13 =	vld [tilespmem:s23+$0x0];
	v8 =	vadd.f32 v8, v9;
	v9 =	vadd.f32 v10, v12  }
0x168: {  	v3 =	vor.u32 v5, v3;
	v7 =	vand.u32 $0xFFFF0000, v7;
	v10 =	vshrl.u32 v11, $0x10;
	v11 =	vld [tilespmem:s7+$0x0]  }
0x169: {  	v5 =	vor.u32 v10, v7;
	[tilespmem:s8+$0xFFFFFFD0] =	vst v3;
	v3 =	vadd.s32 $0x8000, v8;
	v7 =	vadd.s32 $0x8000, v9  }
0x16a: {  	v8 =	vshll.u32 v6, $0x10;
	[tilespmem:s22+$0xFFFFFF80] =	vst v5;
	v5 =	vld [tilespmem:s19+$0xFFFFFFE0];
	v3 =	vshrl.u32 v3, $0x10;
	v7 =	vand.u32 $0xFFFF0000, v7  }
0x16b: {  	v2 =	vand.u32 $0xFFFF0000, v2;
	v6 =	vand.u32 $0xFFFF0000, v6;
	v9 =	vld [tilespmem:s23+$0xFFFFFFC0];
	v3 =	vor.u32 v3, v7  }
0x16c: {  	v2 =	vadd.f32 v6, v2;
	v7 =	vld [tilespmem:s7+$0xFFFFFFC0];
	v10 =	vshll.u32 v13, $0x10;
	[tilespmem:s8+$0x60] =	vst v3;
	v3 =	vadd.f32 v8, v4  }
0x16d: {  	v6 =	vand.u32 $0xFFFF0000, v13;
	v4 =	vshll.u32 v11, $0x10;
	v8 =	vand.u32 $0xFFFF0000, v11;
	v11 =	vld [tilespmem:s19+$0x30]  }
0x16e: {  	v4 =	vadd.f32 v4, v10;
	v6 =	vadd.f32 v8, v6;
	v8 =	vld [tilespmem:s13+$0x30];
	v3 =	vadd.s32 $0x8000, v3  }
0x16f: {  	v2 =	vadd.s32 $0x8000, v2;
	v10 =	vld [tilespmem:s13+$0xFFFFFFE0];
	v12 =	vshll.u32 v5, $0x10;
	v5 =	vand.u32 $0xFFFF0000, v5  }
0x170: {  	v13 =	vshll.u32 v9, $0x10;
	v4 =	vadd.s32 $0x8000, v4;
	v6 =	vadd.s32 $0x8000, v6  }
0x171: {  	v14 =	vshll.u32 v7, $0x10;
	v4 =	vshrl.u32 v4, $0x10;
	v6 =	vand.u32 $0xFFFF0000, v6  }
0x172: {  	v9 =	vand.u32 $0xFFFF0000, v9;
	v4 =	vor.u32 v4, v6;
	v6 =	vshll.u32 v11, $0x10  }
0x173: {  	v11 =	vand.u32 $0xFFFF0000, v11;
	[tilespmem:s22+$0x40] =	vst v4;
	v4 =	vshll.u32 v8, $0x10;
	v8 =	vand.u32 $0xFFFF0000, v8  }
0x174: {  	v7 =	vand.u32 $0xFFFF0000, v7;
	v15 =	vld [tilespmem:s6+$0x10];
	v4 =	vadd.f32 v4, v6;
	v6 =	vadd.f32 v8, v11  }
0x175: {  	v7 =	vadd.f32 v7, v9;
	v8 =	vadd.f32 v14, v13;
	v11 =	vshll.u32 v10, $0x10;
	v9 =	vld [tilespmem:s20+$0x10]  }
0x176: {  	v10 =	vand.u32 $0xFFFF0000, v10;
	v4 =	vadd.s32 $0x8000, v4;
	v6 =	vadd.s32 $0x8000, v6  }
0x177: {  	v8 =	vadd.s32 $0x8000, v8;
	v4 =	vshrl.u32 v4, $0x10;
	v6 =	vand.u32 $0xFFFF0000, v6  }
0x178: {  	v7 =	vadd.s32 $0x8000, v7;
	v8 =	vshrl.u32 v8, $0x10;
	v4 =	vor.u32 v4, v6  }
0x179: {  	v11 =	vadd.f32 v11, v12;
	v6 =	vand.u32 $0xFFFF0000, v7;
	v7 =	vshll.u32 v15, $0x10;
	[tilespmem:s8+$0x30] =	vst v4  }
0x17a: {  	v12 =	vand.u32 $0xFFFF0000, v15;
	v4 =	vshll.u32 v9, $0x10;
	v9 =	vand.u32 $0xFFFF0000, v9;
	v13 =	vld [tilespmem:s2+$0x30]  }
0x17b: {  	v6 =	vor.u32 v8, v6;
	v4 =	vadd.f32 v4, v7;
	v7 =	vadd.f32 v9, v12;
	v8 =	vld [tilespmem:s9+$0x30]  }
0x17c: {  	v3 =	vshrl.u32 v3, $0x10;
	v5 =	vadd.f32 v10, v5;
	[tilespmem:s22+$0xFFFFFFC0] =	vst v6;
	v6 =	vadd.s32 $0x8000, v11  }
0x17d: {  	v9 =	vld [tilespmem:s6+$0xFFFFFFD0];
	v4 =	vadd.s32 $0x8000, v4;
	v7 =	vadd.s32 $0x8000, v7;
	v6 =	vshrl.u32 v6, $0x10  }
0x17e: {  	v5 =	vadd.s32 $0x8000, v5;
	v10 =	vld [tilespmem:s20+$0xFFFFFFD0];
	v4 =	vshrl.u32 v4, $0x10;
	v7 =	vand.u32 $0xFFFF0000, v7  }
0x17f: {  	v5 =	vand.u32 $0xFFFF0000, v5;
	v4 =	vor.u32 v4, v7;
	v7 =	vshll.u32 v13, $0x10  }
0x180: {  	v11 =	vand.u32 $0xFFFF0000, v13;
	[tilespmem:s22+$0x10] =	vst v4;
	v4 =	vshll.u32 v8, $0x10;
	v8 =	vand.u32 $0xFFFF0000, v8  }
0x181: {  	v5 =	vor.u32 v6, v5;
	v12 =	vld [tilespmem:s23+$0x10];
	v4 =	vadd.f32 v4, v7;
	v6 =	vadd.f32 v8, v11  }
0x182: {  	v2 =	vand.u32 $0xFFFF0000, v2;
	v7 =	vshll.u32 v9, $0x10;
	v8 =	vand.u32 $0xFFFF0000, v9;
	v9 =	vld [tilespmem:s7+$0x10];
	[tilespmem:s8+$0xFFFFFFA0] =	vst v5  }
0x183: {  	v5 =	vshll.u32 v10, $0x10;
	v11 =	vld [tilespmem:s2+$0xFFFFFFE0];
	v4 =	vadd.s32 $0x8000, v4;
	v6 =	vadd.s32 $0x8000, v6  }
0x184: {  	v10 =	vand.u32 $0xFFFF0000, v10;
	v13 =	vld [tilespmem:s9+$0xFFFFFFE0];
	v4 =	vshrl.u32 v4, $0x10;
	v6 =	vand.u32 $0xFFFF0000, v6  }
0x185: {  	v5 =	vadd.f32 v5, v7;
	v7 =	vadd.f32 v10, v8;
	v4 =	vor.u32 v4, v6  }
0x186: {  	v0 =	vor.u32 v0, v1;
	v2 =	vor.u32 v3, v2;
	v6 =	vshll.u32 v12, $0x10;
	[tilespmem:s8+$0x70] =	vst v4  }
0x187: {  	v3 =	vand.u32 $0xFFFF0000, v12;
	v1 =	vshll.u32 v9, $0x10;
	v4 =	vand.u32 $0xFFFF0000, v9;
	[tilespmem:s15+$0xFFFFFFB0] =	vst v2  }
0x188: {  	v2 =	vadd.s32 $0x8000, v5;
	v1 =	vadd.f32 v1, v6;
	v3 =	vadd.f32 v4, v3;
	v4 =	vld [tilespmem:s17+$0xFFFFFFF0];
	[tilespmem:s14+$0xFFFFFFF0] =	vst v0;
	s14 =	smov.u32 s15;
	s15 =	smov.u32 s8;
	s8 =	smov.u32 s22  }
0x189: {  	v0 =	vshrl.u32 v2, $0x10;
	v2 =	vadd.s32 $0x8000, v7;
	v5 =	vshll.u32 v11, $0x10;
	s17 =	smov.u32 s2;
	s2 =	smov.u32 s23;
	v6 =	vld [tilespmem:s16+$0xFFFFFFF0];
	s16 =	smov.u32 s9  }
0x18a: {  	v2 =	vand.u32 $0xFFFF0000, v2;
	s9 =	smov.u32 s7;
	v1 =	vadd.s32 $0x8000, v1;
	v3 =	vadd.s32 $0x8000, v3  }
0x18b: {  	v0 =	vor.u32 v0, v2;
	v1 =	vshrl.u32 v1, $0x10;
	v2 =	vand.u32 $0xFFFF0000, v3  }
0x18c: {  	[tilespmem:s22+$0xFFFFFF90] =	vst v0;
	v0 =	vor.u32 v1, v2;
	v1 =	vshll.u32 v13, $0x10;
	v2 =	vand.u32 $0xFFFF0000, v11  }
0x18d: {  	v7 =	vld [tilespmem:s23+$0xFFFFFFD0];
	[tilespmem:s22+$0x50] =	vst v0;
	v0 =	vadd.f32 v1, v5;
	v1 =	vand.u32 $0xFFFF0000, v13;
	v3 =	vshll.u32 v4, $0x10  }
0x18e: {  	v4 =	vand.u32 $0xFFFF0000, v4;
	v8 =	vld [tilespmem:s6+$0x20];
	v1 =	vadd.f32 v1, v2;
	v2 =	vshll.u32 v6, $0x10  }
0x18f: {  	v5 =	vand.u32 $0xFFFF0000, v6;
	v9 =	vld [tilespmem:s20+$0x20];
	v0 =	vadd.s32 $0x8000, v0;
	v2 =	vadd.f32 v2, v3  }
.Ltmp4:
0x190: {  	v10 =	vadd.f32 v5, v4;
	v3 =	vld [tilespmem:s7+$0xFFFFFFD0];
	v0 =	vshrl.u32 v0, $0x10;
	v1 =	vadd.s32 $0x8000, v1;
	(pc) =	sbr.rel @p1 .LBB2_3-.Ltmp4, $4  }
0x191: {  	v1 =	vand.u32 $0xFFFF0000, v1;
	v2 =	vadd.s32 $0x8000, v2  }
0x192: {  	v5 =	vshll.u32 v7, $0x10;
	v4 =	vand.u32 $0xFFFF0000, v7;
	v0 =	vor.u32 v0, v1  }
0x193: {  	v1 =	vadd.s32 $0x8000, v10;
	v6 =	vshll.u32 v8, $0x10;
	[tilespmem:s15+$0xFFFFFFE0] =	vst v0;
	v0 =	vshrl.u32 v2, $0x10  }
0x194: {  	v8 =	vand.u32 $0xFFFF0000, v8;
	v7 =	vshll.u32 v9, $0x10;
	v9 =	vand.u32 $0xFFFF0000, v9;
	v2 =	vld [tilespmem:s19+$0xFFFFFFF0];
	s19 =	smov.u32 s6;
	s6 =	sadd.s32 $0x80, s6  }
0x195: {  	v10 =	vshll.u32 v3, $0x10;
	v57 =	vand.u32 $0xFFFF0000, v3  }
0x196: {  	v5 =	vadd.f32 v10, v5;
	v3 =	vadd.f32 v57, v4  }
0x197: {  	v6 =	vadd.f32 v7, v6  }
0x198: {  	v56 =	vadd.f32 v9, v8;
	v5 =	vadd.s32 $0x8000, v5;
	v3 =	vadd.s32 $0x8000, v3  }
0x199: {  	v5 =	vshrl.u32 v5, $0x10;
	v3 =	vand.u32 $0xFFFF0000, v3  }
0x19a: {  	v58 =	vadd.s32 $0x8000, v6;
	v59 =	vadd.s32 $0x8000, v56;
	v3 =	vor.u32 v5, v3  }
0x19b: {  	v4 =	vshrl.u32 v58, $0x10;
	v6 =	vand.u32 $0xFFFF0000, v59;
	[tilespmem:s8+$0xFFFFFFD0] =	vst v3  }
0x19c: {  	v4 =	vor.u32 v4, v6;
	v3 =	vld [tilespmem:s19+$0xFFFFFFE0]  }
0x19d: {  	[tilespmem:s22+$0x20] =	vst v4;
	v60 =	vld [tilespmem:s28+$0xFFFFFFE0]  }
0x19e: {  	v4 =	vld [tilespmem:s23+$0x20]  }
0x19f: {  	v61 =	vld [tilespmem:s7+$0x20];
	_ =	sdelay $0x1  }
0x1a0: {  	v63 =	vshll.u32 v3, $0x10  }
0x1a1: {  	v3 =	vand.u32 $0xFFFF0000, v3;
	v12 =	vshll.u32 v60, $0x10;
	v5 =	vand.u32 $0xFFFF0000, v60  }
0x1a2: {  	v8 =	vadd.f32 v12, v63;
	v3 =	vadd.f32 v5, v3  }
0x1a3: {  	v62 =	vshll.u32 v4, $0x10;
	v13 =	vshll.u32 v61, $0x10  }
0x1a4: {  	v4 =	vand.u32 $0xFFFF0000, v4;
	v16 =	vadd.s32 $0x8000, v8;
	v3 =	vadd.s32 $0x8000, v3  }
0x1a5: {  	v14 =	vand.u32 $0xFFFF0000, v61;
	v5 =	vshrl.u32 v16, $0x10;
	v3 =	vand.u32 $0xFFFF0000, v3  }
0x1a6: {  	v15 =	vadd.f32 v13, v62;
	v4 =	vadd.f32 v14, v4;
	v3 =	vor.u32 v5, v3  }
0x1a7: {  	[tilespmem:s8+$0xFFFFFFA0] =	vst v3  }
0x1a8: {  	v6 =	vadd.s32 $0x8000, v15;
	v4 =	vadd.s32 $0x8000, v4;
	v19 =	vld [tilespmem:s2+$0xFFFFFFE0]  }
0x1a9: {  	v17 =	vshrl.u32 v6, $0x10;
	v4 =	vand.u32 $0xFFFF0000, v4;
	v20 =	vld [tilespmem:s9+$0xFFFFFFE0]  }
0x1aa: {  	v18 =	vor.u32 v17, v4  }
0x1ab: {  	[tilespmem:s8+$0x60] =	vst v18  }
0x1ac: {  	v21 =	vld [tilespmem:s19+$0x30]  }
0x1ad: {  	v22 =	vld [tilespmem:s28+$0x30];
	v23 =	vshll.u32 v19, $0x10  }
0x1ae: {  	v24 =	vshll.u32 v20, $0x10;
	v4 =	vand.u32 $0xFFFF0000, v19;
	v3 =	vand.u32 $0xFFFF0000, v20  }
0x1af: {  	v7 =	vadd.f32 v24, v23;
	v3 =	vadd.f32 v3, v4  }
0x1b0: {  	v27 =	vld [tilespmem:s13+$0xFFFFFFF0]  }
0x1b1: {  	v25 =	vshll.u32 v21, $0x10;
	v7 =	vadd.s32 $0x8000, v7;
	v3 =	vadd.s32 $0x8000, v3  }
0x1b2: {  	v26 =	vshll.u32 v22, $0x10;
	v28 =	vshrl.u32 v7, $0x10;
	v3 =	vand.u32 $0xFFFF0000, v3  }
0x1b3: {  	v5 =	vand.u32 $0xFFFF0000, v21;
	v6 =	vand.u32 $0xFFFF0000, v22;
	v3 =	vor.u32 v28, v3  }
0x1b4: {  	v33 =	vshll.u32 v2, $0x10;
	v5 =	vadd.f32 v6, v5;
	v4 =	vadd.f32 v26, v25;
	[tilespmem:s8+$0xFFFFFFE0] =	vst v3  }
0x1b5: {  	v37 =	vand.u32 $0xFFFF0000, v2;
	v34 =	vshll.u32 v27, $0x10;
	v38 =	vand.u32 $0xFFFF0000, v27;
	v31 =	vld [tilespmem:s19+$0xFFFFFFF0]  }
0x1b6: {  	v35 =	vadd.f32 v34, v33;
	v5 =	vadd.s32 $0x8000, v5;
	v4 =	vadd.s32 $0x8000, v4;
	v32 =	vld [tilespmem:s28+$0xFFFFFFF0]  }
0x1b7: {  	v2 =	vadd.f32 v38, v37;
	v30 =	vand.u32 $0xFFFF0000, v5;
	v29 =	vshrl.u32 v4, $0x10  }
0x1b8: {  	v3 =	vor.u32 v29, v30  }
0x1b9: {  	v2 =	vadd.s32 $0x8000, v2;
	[tilespmem:s8+$0x30] =	vst v3;
	v3 =	vadd.s32 $0x8000, v35  }
0x1ba: {  	v2 =	vand.u32 $0xFFFF0000, v2;
	v3 =	vshrl.u32 v3, $0x10;
	v40 =	vshll.u32 v31, $0x10  }
0x1bb: {  	v36 =	vld [tilespmem:s2+$0x30];
	v41 =	vshll.u32 v32, $0x10;
	v5 =	vand.u32 $0xFFFF0000, v31;
	v4 =	vand.u32 $0xFFFF0000, v32  }
0x1bc: {  	v39 =	vld [tilespmem:s9+$0x30];
	v2 =	vor.u32 v3, v2;
	v8 =	vadd.f32 v41, v40;
	v4 =	vadd.f32 v4, v5  }
0x1bd: {  	[tilespmem:s15+$0xFFFFFFB0] =	vst v2  }
0x1be: {  	v49 =	vld [tilespmem:s17+$0xFFFFFFF0];
	v43 =	vadd.s32 $0x8000, v8;
	v4 =	vadd.s32 $0x8000, v4  }
0x1bf: {  	v51 =	vld [tilespmem:s16+$0xFFFFFFF0];
	v45 =	vshrl.u32 v43, $0x10;
	v46 =	vand.u32 $0xFFFF0000, v4  }
0x1c0: {  	v2 =	vor.u32 v45, v46  }
0x1c1: {  	v42 =	vshll.u32 v36, $0x10;
	v44 =	vshll.u32 v39, $0x10;
	[tilespmem:s8+$0xFFFFFFB0] =	vst v2  }
0x1c2: {  	v47 =	vand.u32 $0xFFFF0000, v36;
	v48 =	vand.u32 $0xFFFF0000, v39;
	v50 =	vadd.f32 v44, v42;
	v2 =	vld [tilespmem:s2+$0xFFFFFFF0]  }
0x1c3: {  	v1 =	vand.u32 $0xFFFF0000, v1;
	v4 =	vadd.f32 v48, v47;
	v52 =	vld [tilespmem:s9+$0xFFFFFFF0]  }
0x1c4: {  	v3 =	vadd.s32 $0x8000, v50;
	v53 =	vshll.u32 v49, $0x10;
	v54 =	vshll.u32 v51, $0x10  }
0x1c5: {  	v7 =	vand.u32 $0xFFFF0000, v49;
	v5 =	vand.u32 $0xFFFF0000, v51;
	v4 =	vadd.s32 $0x8000, v4  }
0x1c6: {  	v3 =	vshrl.u32 v3, $0x10;
	v5 =	vadd.f32 v5, v7;
	v4 =	vand.u32 $0xFFFF0000, v4  }
0x1c7: {  	v3 =	vor.u32 v3, v4;
	v4 =	vadd.f32 v54, v53;
	v55 =	vshll.u32 v2, $0x10  }
0x1c8: {  	v56 =	vshll.u32 v52, $0x10;
	v2 =	vand.u32 $0xFFFF0000, v2;
	v6 =	vand.u32 $0xFFFF0000, v52  }
0x1c9: {  	v58 =	vadd.s32 $0x8000, v5;
	v7 =	vadd.f32 v56, v55;
	v2 =	vadd.f32 v6, v2  }
0x1ca: {  	s13 =	smul.u32 $0xA0, s10;
	v0 =	vor.u32 v0, v1;
	v59 =	vand.u32 $0xFFFF0000, v58;
	v4 =	vadd.s32 $0x8000, v4  }
0x1cb: {  	[tilespmem:s14+$0xFFFFFFF0] =	vst v0;
	v57 =	vshrl.u32 v4, $0x10;
	v60 =	vadd.s32 $0x8000, v7;
	v2 =	vadd.s32 $0x8000, v2  }
0x1cc: {  	p1 =	seq.s32 s10, $0x0;
	s14 =	sor.u32 $0x1, s12;
	s28 =	sadd.s32 s26, s13;
	[tilespmem:s8+$0x70] =	vst v3;
	v61 =	vor.u32 v57, v59;
	v62 =	vshrl.u32 v60, $0x10;
	v2 =	vand.u32 $0xFFFF0000, v2  }
0x1cd: {  	p2 =	sgt.u32 @!p1 s14, $0x7C;
	s2 =	sshll.u32 s28, $0x4;
	[tilespmem:s15+$0xFFFFFFF0] =	vst v61;
	v63 =	vor.u32 v62, v2  }
0x1ce: {  	p2 =	por p2, p1;
	s2 =	sadd.s32 s25, s2;
	[tilespmem:s8+$0xFFFFFFF0] =	vst v63  }
0x1cf: {  	[hbm4b:s2+s1] =	stream.linear.scatter [tilespmem:s29], [sflag:$0x5], $0x1400, $0x38;
	[tilespmem:$0x13E20] =	vst v63  }
0x1d0: {  	s12 =	sor.u32 $0x3, s12;
	s2 =	simm.s32 @!p2 $0x8  }
0x1d1: {  	p1 =	sgt.u32 s12, $0x7C;
	_ =	swait.ge @!p2 [sflag:s2], $0x1400  }
0x1d2: {  	s4 =	smul.u32 @!p1 $0x28, s12;
	[sflag:s2] =	ssyncset.done @!p2 $0x0  }
0x1d3: {  	s6 =	simm.s32 @!p1 $0xC620;
	[sflag:s2] =	ssyncadd.s32 @!p2 $0xFFFFEC00;
	s2 =	simm.s32 @!p1 $0x28  }
0x1d4: {  	[tilespmem:s6], [sflag:$0x4] =	stream.indirect.gather @!p1 [hbm4b:s21+s2], $0x40, s4, s2, $0xb8;
	[tilespmem:$0x13E20] =	vst v63  }
0x1d5: {  	s7 =	simm.s32 @!p1 $0xD020;
	p2 =	sgt.u32 s14, $0x7C;
	s6 =	sadd.s32 @!p1 $0x1388, s4  }
0x1d6: {  	[tilespmem:s7], [sflag:$0x4] =	stream.indirect.gather @!p1 [hbm4b:s24+s2], $0x40, s6, s2, $0xb8;
	[tilespmem:$0x13E20] =	vst v63  }
.Ltmp5:
0x1d7: {  	_ = 	snop;
	(pc) =	sbr.rel @p2 .LBB2_8-.Ltmp5, $4  }
0x1d8: {  	s6 =	sadd.s32 @!p1 $0x2710, s4;
	s7 =	simm.s32 @!p1 $0xDA20  }
0x1d9: {  	[tilespmem:s7], [sflag:$0x4] =	stream.indirect.gather @!p1 [hbm4b:s21+s2], $0x40, s6, s2, $0xb8;
	[tilespmem:$0x13E20] =	vst v63  }
0x1da: {  	s4 =	sadd.s32 @!p1 $0x3A98, s4;
	s6 =	simm.s32 @!p1 $0xE420  }
0x1db: {  	[tilespmem:s6], [sflag:$0x4] =	stream.indirect.gather @!p1 [hbm4b:s24+s2], $0x40, s4, s2, $0xb8;
	[tilespmem:$0x13E20] =	vst v63  }
0x1dc: {  	_ =	swait.ge [sflag:s0], $0xA00  }
0x1dd: {  	[sflag:s0] =	ssyncset.done $0x0  }
0x1de: {  	[sflag:s0] =	ssyncadd.s32 $0xFFFFF600  }
0x1df: {  	_ =	swait.ge [sflag:s0], $0xA00  }
0x1e0: {  	[sflag:s0] =	ssyncset.done $0x0  }
0x1e1: {  	[sflag:s0] =	ssyncadd.s32 $0xFFFFF600  }
0x1e2: {  	_ =	swait.ge [sflag:s0], $0xA00  }
0x1e3: {  	[sflag:s0] =	ssyncset.done $0x0  }
0x1e4: {  	[sflag:s0] =	ssyncadd.s32 $0xFFFFF600  }
0x1e5: {  	_ =	swait.ge [sflag:s0], $0xA00  }
0x1e6: {  	[sflag:s0] =	ssyncset.done $0x0  }
0x1e7: {  	s7 =	simm.s32 $0x7660;
	[sflag:s0] =	ssyncadd.s32 $0xFFFFF600  }
0x1e8: {  	s4 =	simm.s32 $0x8060;
	v0 =	vld [tilespmem:s7+$0x0]  }
0x1e9: {  	v1 =	vld [tilespmem:s4+$0x0];
	_ =	sdelay $0x3  }
0x1ea: {  	v2 =	vshll.u32 v0, $0x10  }
0x1eb: {  	v3 =	vshll.u32 v1, $0x10;
	v0 =	vand.u32 $0xFFFF0000, v0;
	v1 =	vand.u32 $0xFFFF0000, v1  }
0x1ec: {  	v2 =	vadd.f32 v3, v2;
	v0 =	vadd.f32 v1, v0;
	_ =	sdelay $0x1  }
0x1ed: {  	v1 =	vadd.s32 $0x8000, v2;
	v0 =	vadd.s32 $0x8000, v0  }
0x1ee: {  	v1 =	vshrl.u32 v1, $0x10;
	v0 =	vand.u32 $0xFFFF0000, v0  }
0x1ef: {  	s15 =	simm.s32 $0x102A0;
	v2 =	vld [tilespmem:s4+$0xFFFFFFC0];
	v0 =	vor.u32 v1, v0  }
0x1f0: {  	s9 =	simm.s32 $0x8A60;
	v1 =	vld [tilespmem:s7+$0xFFFFFFC0];
	[tilespmem:s15+$0x0] =	vst v0  }
0x1f1: {  	s29 =	simm.s32 $0x9460;
	v0 =	vld [tilespmem:s9+$0x0]  }
0x1f2: {  	v3 =	vld [tilespmem:s29+$0x0];
	_ =	sdelay $0x1  }
0x1f3: {  	v4 =	vshll.u32 v2, $0x10  }
0x1f4: {  	v2 =	vand.u32 $0xFFFF0000, v2;
	v5 =	vshll.u32 v1, $0x10;
	v1 =	vand.u32 $0xFFFF0000, v1  }
0x1f5: {  	v4 =	vadd.f32 v4, v5;
	v1 =	vadd.f32 v2, v1;
	v2 =	vshll.u32 v0, $0x10  }
0x1f6: {  	v5 =	vshll.u32 v3, $0x10;
	v0 =	vand.u32 $0xFFFF0000, v0;
	v3 =	vand.u32 $0xFFFF0000, v3  }
0x1f7: {  	v4 =	vadd.s32 $0x8000, v4;
	v2 =	vadd.f32 v5, v2;
	v0 =	vadd.f32 v3, v0  }
0x1f8: {  	v1 =	vadd.s32 $0x8000, v1;
	v3 =	vshrl.u32 v4, $0x10  }
0x1f9: {  	v1 =	vand.u32 $0xFFFF0000, v1;
	v2 =	vadd.s32 $0x8000, v2;
	v0 =	vadd.s32 $0x8000, v0  }
0x1fa: {  	v1 =	vor.u32 v3, v1;
	v2 =	vshrl.u32 v2, $0x10;
	v0 =	vand.u32 $0xFFFF0000, v0  }
0x1fb: {  	[tilespmem:s15+$0xFFFFFF80] =	vst v1;
	v0 =	vor.u32 v2, v0  }
0x1fc: {  	v1 =	vld [tilespmem:s9+$0xFFFFFFC0];
	[tilespmem:s15+$0x40] =	vst v0  }
0x1fd: {  	v0 =	vld [tilespmem:s7+$0x10]  }
0x1fe: {  	v2 =	vld [tilespmem:s4+$0x10]  }
0x1ff: {  	v3 =	vld [tilespmem:s29+$0xFFFFFFC0];
	_ =	sdelay $0x2  }
0x200: {  	v4 =	vshll.u32 v1, $0x10;
	v5 =	vshll.u32 v0, $0x10  }
0x201: {  	v6 =	vshll.u32 v2, $0x10;
	v0 =	vand.u32 $0xFFFF0000, v0;
	v2 =	vand.u32 $0xFFFF0000, v2  }
0x202: {  	v7 =	vshll.u32 v3, $0x10;
	v5 =	vadd.f32 v6, v5;
	v0 =	vadd.f32 v2, v0  }
0x203: {  	v1 =	vand.u32 $0xFFFF0000, v1;
	v2 =	vand.u32 $0xFFFF0000, v3;
	v3 =	vadd.f32 v7, v4  }
0x204: {  	v1 =	vadd.f32 v2, v1;
	v2 =	vadd.s32 $0x8000, v5;
	v0 =	vadd.s32 $0x8000, v0  }
0x205: {  	v2 =	vshrl.u32 v2, $0x10;
	v0 =	vand.u32 $0xFFFF0000, v0  }
0x206: {  	v3 =	vadd.s32 $0x8000, v3;
	v1 =	vadd.s32 $0x8000, v1;
	v0 =	vor.u32 v2, v0  }
0x207: {  	v2 =	vshrl.u32 v3, $0x10;
	v1 =	vand.u32 $0xFFFF0000, v1;
	[tilespmem:s15+$0x10] =	vst v0  }
0x208: {  	v0 =	vor.u32 v2, v1;
	v1 =	vld [tilespmem:s9+$0x10]  }
0x209: {  	[tilespmem:s15+$0xFFFFFFC0] =	vst v0;
	v0 =	vld [tilespmem:s29+$0x10]  }
0x20a: {  	v2 =	vld [tilespmem:s7+$0xFFFFFFD0]  }
0x20b: {  	v3 =	vld [tilespmem:s4+$0xFFFFFFD0];
	_ =	sdelay $0x1  }
0x20c: {  	v4 =	vshll.u32 v1, $0x10  }
0x20d: {  	v5 =	vshll.u32 v0, $0x10;
	v1 =	vand.u32 $0xFFFF0000, v1;
	v0 =	vand.u32 $0xFFFF0000, v0  }
0x20e: {  	v6 =	vshll.u32 v2, $0x10;
	v4 =	vadd.f32 v5, v4;
	v0 =	vadd.f32 v0, v1  }
0x20f: {  	v1 =	vand.u32 $0xFFFF0000, v2;
	v2 =	vshll.u32 v3, $0x10;
	v3 =	vand.u32 $0xFFFF0000, v3  }
0x210: {  	v2 =	vadd.f32 v2, v6;
	v4 =	vadd.s32 $0x8000, v4;
	v0 =	vadd.s32 $0x8000, v0  }
0x211: {  	v1 =	vadd.f32 v3, v1;
	v3 =	vshrl.u32 v4, $0x10;
	v0 =	vand.u32 $0xFFFF0000, v0  }
0x212: {  	v0 =	vor.u32 v3, v0  }
0x213: {  	v2 =	vadd.s32 $0x8000, v2;
	v1 =	vadd.s32 $0x8000, v1;
	[tilespmem:s15+$0x50] =	vst v0  }
0x214: {  	v1 =	vand.u32 $0xFFFF0000, v1;
	v0 =	vshrl.u32 v2, $0x10;
	v2 =	vld [tilespmem:s7+$0x20]  }
0x215: {  	v0 =	vor.u32 v0, v1;
	v1 =	vld [tilespmem:s4+$0x20]  }
0x216: {  	[tilespmem:s15+$0xFFFFFF90] =	vst v0  }
0x217: {  	v0 =	vld [tilespmem:s9+$0xFFFFFFD0];
	_ =	sdelay $0x1  }
0x218: {  	s2 =	simm.s32 $0x76E0;
	v3 =	vld [tilespmem:s29+$0xFFFFFFD0];
	v4 =	vshll.u32 v2, $0x10  }
0x219: {  	s17 =	simm.s32 $0x80E0;
	v6 =	vld [tilespmem:s2+$0x0];
	v5 =	vshll.u32 v1, $0x10;
	v2 =	vand.u32 $0xFFFF0000, v2;
	v1 =	vand.u32 $0xFFFF0000, v1  }
0x21a: {  	v4 =	vadd.f32 v5, v4;
	v1 =	vadd.f32 v1, v2;
	v2 =	vld [tilespmem:s17+$0x0]  }
0x21b: {  	v5 =	vshll.u32 v0, $0x10  }
0x21c: {  	v0 =	vand.u32 $0xFFFF0000, v0;
	v4 =	vadd.s32 $0x8000, v4;
	v1 =	vadd.s32 $0x8000, v1  }
0x21d: {  	v8 =	vld [tilespmem:s17+$0xFFFFFFC0];
	v7 =	vshll.u32 v3, $0x10;
	v4 =	vshrl.u32 v4, $0x10;
	v1 =	vand.u32 $0xFFFF0000, v1  }
0x21e: {  	v5 =	vadd.f32 v7, v5;
	v7 =	vld [tilespmem:s2+$0xFFFFFFC0];
	v1 =	vor.u32 v4, v1;
	v4 =	vshll.u32 v6, $0x10  }
0x21f: {  	v6 =	vand.u32 $0xFFFF0000, v6;
	v9 =	vshll.u32 v2, $0x10;
	v2 =	vand.u32 $0xFFFF0000, v2  }
0x220: {  	v3 =	vand.u32 $0xFFFF0000, v3;
	[tilespmem:s15+$0x20] =	vst v1;
	v1 =	vadd.f32 v9, v4;
	v2 =	vadd.f32 v2, v6  }
0x221: {  	v0 =	vadd.f32 v3, v0;
	v3 =	vadd.s32 $0x8000, v5;
	v4 =	vld [tilespmem:s9+$0x20]  }
0x222: {  	v5 =	vshll.u32 v8, $0x10;
	v6 =	vld [tilespmem:s29+$0x20];
	v1 =	vadd.s32 $0x8000, v1;
	v2 =	vadd.s32 $0x8000, v2  }
0x223: {  	v9 =	vshll.u32 v7, $0x10;
	v1 =	vshrl.u32 v1, $0x10;
	v2 =	vand.u32 $0xFFFF0000, v2  }
0x224: {  	s16 =	simm.s32 $0x103A0;
	v0 =	vadd.s32 $0x8000, v0;
	v5 =	vadd.f32 v5, v9;
	v1 =	vor.u32 v1, v2  }
0x225: {  	s20 =	simm.s32 $0x8AE0;
	v3 =	vshrl.u32 v3, $0x10;
	v2 =	vand.u32 $0xFFFF0000, v7;
	v7 =	vand.u32 $0xFFFF0000, v8;
	[tilespmem:s16+$0x0] =	vst v1  }
0x226: {  	s19 =	simm.s32 $0x94E0;
	v1 =	vadd.f32 v7, v2;
	v2 =	vadd.s32 $0x8000, v5;
	v7 =	vshll.u32 v4, $0x10;
	v5 =	vld [tilespmem:s20+$0x0]  }
0x227: {  	v8 =	vshll.u32 v6, $0x10;
	v4 =	vand.u32 $0xFFFF0000, v4;
	v6 =	vand.u32 $0xFFFF0000, v6;
	v9 =	vld [tilespmem:s19+$0x0]  }
0x228: {  	v0 =	vand.u32 $0xFFFF0000, v0;
	v4 =	vadd.f32 v6, v4;
	v1 =	vadd.s32 $0x8000, v1  }
0x229: {  	v7 =	vadd.f32 v8, v7;
	v2 =	vshrl.u32 v2, $0x10;
	v1 =	vand.u32 $0xFFFF0000, v1  }
0x22a: {  	v0 =	vor.u32 v3, v0;
	v3 =	vadd.s32 $0x8000, v4;
	v1 =	vor.u32 v2, v1  }
0x22b: {  	v2 =	vadd.s32 $0x8000, v7;
	v3 =	vand.u32 $0xFFFF0000, v3;
	v4 =	vshll.u32 v5, $0x10  }
0x22c: {  	[tilespmem:s15+$0xFFFFFFD0] =	vst v0;
	v0 =	vshll.u32 v9, $0x10;
	v5 =	vand.u32 $0xFFFF0000, v5;
	v6 =	vand.u32 $0xFFFF0000, v9  }
0x22d: {  	v2 =	vshrl.u32 v2, $0x10;
	v0 =	vadd.f32 v0, v4;
	v4 =	vadd.f32 v6, v5  }
0x22e: {  	[tilespmem:s16+$0xFFFFFF80] =	vst v1;
	v1 =	vld [tilespmem:s7+$0xFFFFFFE0];
	v2 =	vor.u32 v2, v3  }
0x22f: {  	v3 =	vld [tilespmem:s19+$0xFFFFFFC0];
	[tilespmem:s15+$0x60] =	vst v2;
	v0 =	vadd.s32 $0x8000, v0;
	v2 =	vadd.s32 $0x8000, v4  }
0x230: {  	v5 =	vld [tilespmem:s20+$0xFFFFFFC0];
	v0 =	vshrl.u32 v0, $0x10;
	v2 =	vand.u32 $0xFFFF0000, v2  }
0x231: {  	v6 =	vld [tilespmem:s4+$0x30];
	v0 =	vor.u32 v0, v2  }
0x232: {  	v4 =	vld [tilespmem:s7+$0x30];
	[tilespmem:s16+$0x40] =	vst v0  }
0x233: {  	v0 =	vld [tilespmem:s2+$0x10]  }
0x234: {  	v2 =	vshll.u32 v1, $0x10;
	v1 =	vand.u32 $0xFFFF0000, v1;
	v7 =	vld [tilespmem:s17+$0x10]  }
0x235: {  	v9 =	vshll.u32 v3, $0x10;
	v3 =	vand.u32 $0xFFFF0000, v3;
	v8 =	vshll.u32 v5, $0x10  }
0x236: {  	v5 =	vand.u32 $0xFFFF0000, v5;
	v11 =	vshll.u32 v6, $0x10;
	v8 =	vadd.f32 v9, v8  }
0x237: {  	v6 =	vand.u32 $0xFFFF0000, v6;
	v3 =	vadd.f32 v3, v5;
	v10 =	vshll.u32 v4, $0x10  }
0x238: {  	v9 =	vld [tilespmem:s4+$0xFFFFFFE0];
	v4 =	vand.u32 $0xFFFF0000, v4;
	v5 =	vadd.s32 $0x8000, v8;
	v8 =	vshll.u32 v0, $0x10  }
0x239: {  	v12 =	vshll.u32 v7, $0x10;
	v0 =	vand.u32 $0xFFFF0000, v0;
	v7 =	vand.u32 $0xFFFF0000, v7  }
0x23a: {  	v3 =	vadd.s32 $0x8000, v3;
	v8 =	vadd.f32 v12, v8;
	v0 =	vadd.f32 v7, v0  }
0x23b: {  	v4 =	vadd.f32 v6, v4;
	v5 =	vshrl.u32 v5, $0x10;
	v3 =	vand.u32 $0xFFFF0000, v3  }
0x23c: {  	v3 =	vor.u32 v5, v3;
	v5 =	vadd.s32 $0x8000, v8;
	v0 =	vadd.s32 $0x8000, v0  }
0x23d: {  	[tilespmem:s16+$0xFFFFFFC0] =	vst v3;
	v6 =	vand.u32 $0xFFFF0000, v9;
	v3 =	vshrl.u32 v5, $0x10;
	v0 =	vand.u32 $0xFFFF0000, v0  }
0x23e: {  	v7 =	vadd.f32 v11, v10;
	v8 =	vld [tilespmem:s2+$0xFFFFFFD0];
	v5 =	vshll.u32 v9, $0x10;
	v0 =	vor.u32 v3, v0  }
0x23f: {  	v4 =	vadd.s32 $0x8000, v4;
	v1 =	vadd.f32 v6, v1;
	v2 =	vadd.f32 v5, v2;
	v3 =	vld [tilespmem:s17+$0xFFFFFFD0];
	[tilespmem:s16+$0x10] =	vst v0  }
0x240: {  	v4 =	vand.u32 $0xFFFF0000, v4;
	v5 =	vld [tilespmem:s20+$0x10]  }
0x241: {  	v1 =	vadd.s32 $0x8000, v1;
	v0 =	vadd.s32 $0x8000, v7;
	v2 =	vadd.s32 $0x8000, v2;
	v6 =	vld [tilespmem:s19+$0x10]  }
0x242: {  	v1 =	vand.u32 $0xFFFF0000, v1;
	v0 =	vshrl.u32 v0, $0x10;
	v2 =	vshrl.u32 v2, $0x10  }
0x243: {  	v0 =	vor.u32 v0, v4;
	v1 =	vor.u32 v2, v1;
	v2 =	vshll.u32 v8, $0x10  }
0x244: {  	[tilespmem:s15+$0x30] =	vst v0;
	v0 =	vand.u32 $0xFFFF0000, v8;
	v4 =	vshll.u32 v3, $0x10;
	v3 =	vand.u32 $0xFFFF0000, v3  }
0x245: {  	v7 =	vld [tilespmem:s9+$0x30];
	v2 =	vadd.f32 v4, v2;
	v0 =	vadd.f32 v3, v0;
	v3 =	vshll.u32 v5, $0x10  }
0x246: {  	[tilespmem:s15+$0xFFFFFFA0] =	vst v1;
	v4 =	vld [tilespmem:s29+$0x30];
	v1 =	vshll.u32 v6, $0x10;
	v5 =	vand.u32 $0xFFFF0000, v5;
	v6 =	vand.u32 $0xFFFF0000, v6  }
0x247: {  	v8 =	vld [tilespmem:s9+$0xFFFFFFE0];
	v2 =	vadd.s32 $0x8000, v2;
	v1 =	vadd.f32 v1, v3;
	v3 =	vadd.f32 v6, v5  }
0x248: {  	v5 =	vld [tilespmem:s29+$0xFFFFFFE0];
	v0 =	vadd.s32 $0x8000, v0;
	v2 =	vshrl.u32 v2, $0x10  }
0x249: {  	v0 =	vand.u32 $0xFFFF0000, v0;
	v1 =	vadd.s32 $0x8000, v1;
	v3 =	vadd.s32 $0x8000, v3  }
0x24a: {  	v0 =	vor.u32 v2, v0;
	v1 =	vshrl.u32 v1, $0x10;
	v2 =	vand.u32 $0xFFFF0000, v3  }
0x24b: {  	v3 =	vshll.u32 v7, $0x10;
	v6 =	vshll.u32 v4, $0x10;
	[tilespmem:s16+$0xFFFFFF90] =	vst v0;
	v0 =	vor.u32 v1, v2  }
0x24c: {  	v1 =	vand.u32 $0xFFFF0000, v7;
	v2 =	vand.u32 $0xFFFF0000, v4;
	v3 =	vadd.f32 v6, v3;
	v4 =	vld [tilespmem:s20+$0xFFFFFFD0];
	[tilespmem:s16+$0x50] =	vst v0  }
0x24d: {  	v0 =	vadd.f32 v2, v1;
	v1 =	vshll.u32 v8, $0x10;
	v2 =	vshll.u32 v5, $0x10;
	v6 =	vld [tilespmem:s2+$0x20]  }
0x24e: {  	v7 =	vand.u32 $0xFFFF0000, v8;
	v1 =	vadd.f32 v2, v1;
	v2 =	vand.u32 $0xFFFF0000, v5;
	v5 =	vld [tilespmem:s17+$0x20]  }
0x24f: {  	v3 =	vadd.s32 $0x8000, v3;
	v2 =	vadd.f32 v2, v7  }
0x250: {  	v7 =	vld [tilespmem:s19+$0xFFFFFFD0];
	v0 =	vadd.s32 $0x8000, v0;
	v3 =	vshrl.u32 v3, $0x10;
	v1 =	vadd.s32 $0x8000, v1  }
0x251: {  	s22 =	simm.s32 $0x7760;
	v0 =	vand.u32 $0xFFFF0000, v0;
	v1 =	vshrl.u32 v1, $0x10;
	v2 =	vadd.s32 $0x8000, v2  }
0x252: {  	v11 =	vld [tilespmem:s22+$0x0];
	v8 =	vshll.u32 v4, $0x10;
	v4 =	vand.u32 $0xFFFF0000, v4;
	v2 =	vand.u32 $0xFFFF0000, v2  }
0x253: {  	v9 =	vshll.u32 v6, $0x10;
	v10 =	vshll.u32 v5, $0x10;
	v6 =	vand.u32 $0xFFFF0000, v6  }
0x254: {  	s23 =	simm.s32 $0x8160;
	v5 =	vand.u32 $0xFFFF0000, v5;
	v1 =	vor.u32 v1, v2;
	v9 =	vadd.f32 v10, v9  }
0x255: {  	v58 =	vshll.u32 v7, $0x10;
	v5 =	vadd.f32 v5, v6;
	v6 =	vld [tilespmem:s23+$0x0];
	v7 =	vand.u32 $0xFFFF0000, v7  }
0x256: {  	v10 =	vld [tilespmem:s23+$0xFFFFFFC0];
	v8 =	vadd.f32 v58, v8;
	v4 =	vadd.f32 v7, v4;
	v7 =	vadd.s32 $0x8000, v9  }
0x257: {  	v2 =	vld [tilespmem:s22+$0xFFFFFFC0];
	v5 =	vadd.s32 $0x8000, v5;
	v9 =	vand.u32 $0xFFFF0000, v11;
	v7 =	vshrl.u32 v7, $0x10  }
0x258: {  	v5 =	vand.u32 $0xFFFF0000, v5;
	v8 =	vadd.s32 $0x8000, v8;
	v4 =	vadd.s32 $0x8000, v4  }
0x259: {  	v5 =	vor.u32 v7, v5;
	v7 =	vshrl.u32 v8, $0x10;
	v8 =	vshll.u32 v11, $0x10  }
0x25a: {  	v4 =	vand.u32 $0xFFFF0000, v4;
	[tilespmem:s16+$0x20] =	vst v5;
	v5 =	vshll.u32 v6, $0x10;
	v6 =	vand.u32 $0xFFFF0000, v6  }
0x25b: {  	v59 =	vshll.u32 v10, $0x10;
	v11 =	vld [tilespmem:s20+$0x20];
	v5 =	vadd.f32 v5, v8;
	v6 =	vadd.f32 v6, v9  }
0x25c: {  	v10 =	vand.u32 $0xFFFF0000, v10;
	v8 =	vld [tilespmem:s19+$0x20];
	v9 =	vshll.u32 v2, $0x10;
	v2 =	vand.u32 $0xFFFF0000, v2  }
0x25d: {  	[tilespmem:s15+$0xFFFFFFE0] =	vst v1;
	v1 =	vadd.f32 v10, v2;
	v5 =	vadd.s32 $0x8000, v5;
	v6 =	vadd.s32 $0x8000, v6  }
0x25e: {  	v9 =	vadd.f32 v59, v9;
	v2 =	vshrl.u32 v5, $0x10;
	v5 =	vand.u32 $0xFFFF0000, v6  }
0x25f: {  	s28 =	simm.s32 $0x104A0;
	v4 =	vor.u32 v7, v4;
	v10 =	vld [tilespmem:s4+$0xFFFFFFF0];
	v1 =	vadd.s32 $0x8000, v1;
	v2 =	vor.u32 v2, v5  }
0x260: {  	v6 =	vld [tilespmem:s7+$0xFFFFFFF0];
	v9 =	vadd.s32 $0x8000, v9;
	s7 =	simm.s32 $0x8B60;
	v1 =	vand.u32 $0xFFFF0000, v1;
	v5 =	vshll.u32 v11, $0x10;
	[tilespmem:s28+$0x0] =	vst v2  }
0x261: {  	s8 =	simm.s32 $0x9560;
	v2 =	vshll.u32 v8, $0x10;
	v11 =	vand.u32 $0xFFFF0000, v11;
	v8 =	vand.u32 $0xFFFF0000, v8;
	v60 =	vld [tilespmem:s7+$0x0]  }
0x262: {  	v2 =	vadd.f32 v2, v5;
	v5 =	vadd.f32 v8, v11;
	v8 =	vshrl.u32 v9, $0x10;
	v9 =	vld [tilespmem:s8+$0x0]  }
0x263: {  	v0 =	vor.u32 v3, v0;
	[tilespmem:s16+$0xFFFFFFD0] =	vst v4;
	v1 =	vor.u32 v8, v1  }
0x264: {  	v2 =	vadd.s32 $0x8000, v2;
	v4 =	vadd.s32 $0x8000, v5;
	[tilespmem:s28+$0xFFFFFF80] =	vst v1;
	v1 =	vld [tilespmem:s2+$0xFFFFFFE0];
	v5 =	vshll.u32 v10, $0x10  }
0x265: {  	v10 =	vand.u32 $0xFFFF0000, v10;
	v2 =	vshrl.u32 v2, $0x10;
	v3 =	vand.u32 $0xFFFF0000, v4  }
0x266: {  	v4 =	vshll.u32 v6, $0x10;
	v7 =	vld [tilespmem:s7+$0xFFFFFFC0];
	v2 =	vor.u32 v2, v3;
	v3 =	vand.u32 $0xFFFF0000, v6  }
0x267: {  	v6 =	vld [tilespmem:s8+$0xFFFFFFC0];
	v8 =	vshll.u32 v60, $0x10;
	[tilespmem:s16+$0x60] =	vst v2;
	v2 =	vadd.f32 v5, v4;
	v4 =	vshll.u32 v9, $0x10  }
0x268: {  	v5 =	vand.u32 $0xFFFF0000, v60;
	v9 =	vand.u32 $0xFFFF0000, v9;
	v3 =	vadd.f32 v10, v3;
	v11 =	vld [tilespmem:s2+$0x30]  }
0x269: {  	v4 =	vadd.f32 v4, v8;
	v5 =	vadd.f32 v9, v5;
	v8 =	vld [tilespmem:s17+$0x30];
	v9 =	vshll.u32 v1, $0x10  }
0x26a: {  	v1 =	vand.u32 $0xFFFF0000, v1;
	v2 =	vadd.s32 $0x8000, v2;
	v3 =	vadd.s32 $0x8000, v3  }
0x26b: {  	v10 =	vld [tilespmem:s17+$0xFFFFFFE0];
	v61 =	vshll.u32 v7, $0x10;
	v4 =	vadd.s32 $0x8000, v4;
	v5 =	vadd.s32 $0x8000, v5  }
0x26c: {  	v7 =	vand.u32 $0xFFFF0000, v7;
	v4 =	vshrl.u32 v4, $0x10;
	v5 =	vand.u32 $0xFFFF0000, v5  }
0x26d: {  	v13 =	vshll.u32 v6, $0x10;
	v6 =	vand.u32 $0xFFFF0000, v6;
	v4 =	vor.u32 v4, v5  }
0x26e: {  	v6 =	vadd.f32 v6, v7;
	v5 =	vshll.u32 v11, $0x10;
	[tilespmem:s28+$0x40] =	vst v4;
	v4 =	vshll.u32 v8, $0x10  }
0x26f: {  	v11 =	vand.u32 $0xFFFF0000, v11;
	v8 =	vand.u32 $0xFFFF0000, v8;
	v4 =	vadd.f32 v4, v5;
	v5 =	vld [tilespmem:s22+$0x10]  }
0x270: {  	v62 =	vshll.u32 v10, $0x10;
	v10 =	vand.u32 $0xFFFF0000, v10;
	v8 =	vadd.f32 v8, v11;
	v7 =	vld [tilespmem:s23+$0x10]  }
0x271: {  	v1 =	vadd.f32 v10, v1;
	v11 =	vadd.f32 v13, v61;
	v6 =	vadd.s32 $0x8000, v6  }
0x272: {  	v6 =	vand.u32 $0xFFFF0000, v6;
	v4 =	vadd.s32 $0x8000, v4;
	v8 =	vadd.s32 $0x8000, v8  }
0x273: {  	v11 =	vadd.s32 $0x8000, v11;
	v4 =	vshrl.u32 v4, $0x10;
	v8 =	vand.u32 $0xFFFF0000, v8  }
0x274: {  	v11 =	vshrl.u32 v11, $0x10;
	v4 =	vor.u32 v4, v8;
	v8 =	vshll.u32 v5, $0x10  }
0x275: {  	[tilespmem:s16+$0x30] =	vst v4;
	v4 =	vshll.u32 v7, $0x10;
	v5 =	vand.u32 $0xFFFF0000, v5;
	v7 =	vand.u32 $0xFFFF0000, v7  }
0x276: {  	v6 =	vor.u32 v11, v6;
	v63 =	vld [tilespmem:s20+$0x30];
	v4 =	vadd.f32 v4, v8;
	v5 =	vadd.f32 v7, v5  }
0x277: {  	v2 =	vshrl.u32 v2, $0x10;
	v3 =	vand.u32 $0xFFFF0000, v3;
	v9 =	vadd.f32 v62, v9;
	[tilespmem:s28+$0xFFFFFFC0] =	vst v6;
	v7 =	vld [tilespmem:s19+$0x30]  }
0x278: {  	v1 =	vadd.s32 $0x8000, v1;
	v8 =	vld [tilespmem:s22+$0xFFFFFFD0];
	v4 =	vadd.s32 $0x8000, v4;
	v5 =	vadd.s32 $0x8000, v5  }
0x279: {  	v6 =	vadd.s32 $0x8000, v9;
	v9 =	vld [tilespmem:s23+$0xFFFFFFD0];
	v4 =	vshrl.u32 v4, $0x10;
	v5 =	vand.u32 $0xFFFF0000, v5  }
0x27a: {  	v1 =	vand.u32 $0xFFFF0000, v1;
	v6 =	vshrl.u32 v6, $0x10;
	v4 =	vor.u32 v4, v5  }
0x27b: {  	v2 =	vor.u32 v2, v3;
	v1 =	vor.u32 v6, v1;
	v5 =	vshll.u32 v63, $0x10;
	[tilespmem:s28+$0x10] =	vst v4  }
0x27c: {  	v4 =	vshll.u32 v7, $0x10;
	v10 =	vand.u32 $0xFFFF0000, v63;
	v7 =	vand.u32 $0xFFFF0000, v7;
	v11 =	vld [tilespmem:s7+$0x10]  }
0x27d: {  	v6 =	vshll.u32 v8, $0x10;
	v4 =	vadd.f32 v4, v5;
	v5 =	vadd.f32 v7, v10;
	v7 =	vld [tilespmem:s8+$0x10]  }
0x27e: {  	v8 =	vand.u32 $0xFFFF0000, v8;
	v10 =	vshll.u32 v9, $0x10;
	v9 =	vand.u32 $0xFFFF0000, v9  }
0x27f: {  	v8 =	vadd.f32 v9, v8;
	v4 =	vadd.s32 $0x8000, v4;
	v5 =	vadd.s32 $0x8000, v5  }
0x280: {  	[tilespmem:s16+$0xFFFFFFA0] =	vst v1;
	v1 =	vshrl.u32 v4, $0x10;
	v4 =	vand.u32 $0xFFFF0000, v5;
	v5 =	vadd.f32 v10, v6  }
0x281: {  	v1 =	vor.u32 v1, v4;
	v4 =	vadd.s32 $0x8000, v8;
	v9 =	vshll.u32 v11, $0x10  }
0x282: {  	v3 =	vld [tilespmem:s19+$0xFFFFFFE0];
	v10 =	vshll.u32 v7, $0x10;
	v11 =	vand.u32 $0xFFFF0000, v11;
	v7 =	vand.u32 $0xFFFF0000, v7  }
0x283: {  	[tilespmem:s15+$0xFFFFFFB0] =	vst v2;
	v6 =	vld [tilespmem:s20+$0xFFFFFFE0];
	v2 =	vadd.s32 $0x8000, v5;
	v5 =	vadd.f32 v10, v9;
	v7 =	vadd.f32 v7, v11  }
0x284: {  	v8 =	vld [tilespmem:s29+$0xFFFFFFF0];
	v4 =	vand.u32 $0xFFFF0000, v4  }
0x285: {  	v9 =	vld [tilespmem:s9+$0xFFFFFFF0];
	v2 =	vshrl.u32 v2, $0x10;
	v5 =	vadd.s32 $0x8000, v5;
	v7 =	vadd.s32 $0x8000, v7  }
0x286: {  	v2 =	vor.u32 v2, v4;
	v4 =	vshrl.u32 v5, $0x10;
	v5 =	vand.u32 $0xFFFF0000, v7  }
0x287: {  	[tilespmem:s28+$0xFFFFFF90] =	vst v2;
	v2 =	vor.u32 v4, v5  }
0x288: {  	v4 =	vshll.u32 v3, $0x10;
	v5 =	vand.u32 $0xFFFF0000, v6;
	v3 =	vand.u32 $0xFFFF0000, v3  }
0x289: {  	v7 =	vshll.u32 v6, $0x10;
	v6 =	vld [tilespmem:s7+$0xFFFFFFD0];
	[tilespmem:s28+$0x50] =	vst v2;
	v3 =	vadd.f32 v3, v5  }
0x28a: {  	v2 =	vadd.f32 v4, v7;
	v4 =	vshll.u32 v9, $0x10;
	v5 =	vshll.u32 v8, $0x10;
	v10 =	vld [tilespmem:s22+$0x20]  }
0x28b: {  	v7 =	vand.u32 $0xFFFF0000, v9;
	v9 =	vld [tilespmem:s23+$0x20];
	v4 =	vadd.f32 v5, v4;
	v3 =	vadd.s32 $0x8000, v3  }
0x28c: {  	[tilespmem:s15+$0x70] =	vst v0;
	v5 =	vand.u32 $0xFFFF0000, v8;
	v2 =	vadd.s32 $0x8000, v2;
	v0 =	vand.u32 $0xFFFF0000, v3;
	v3 =	vld [tilespmem:s8+$0xFFFFFFD0]  }
0x28d: {  	v7 =	vadd.f32 v5, v7;
	v2 =	vshrl.u32 v2, $0x10;
	v8 =	vadd.s32 $0x8000, v4  }
0x28e: {  	[tilespmem:s16+$0x70] =	vst v1;
	v5 =	vshll.u32 v6, $0x10;
	v4 =	vand.u32 $0xFFFF0000, v6;
	v0 =	vor.u32 v2, v0  }
0x28f: {  	s6 =	simm.s32 $0x4;
	s18 =	simm.s32 $0x77E0;
	s4 =	simm.s32 $0x8160;
	v1 =	vadd.s32 $0x8000, v7;
	[tilespmem:s16+$0xFFFFFFE0] =	vst v0;
	v0 =	vshrl.u32 v8, $0x10;
	v6 =	vshll.u32 v10, $0x10  }
0x290: {  	s29 =	simm.s32 $0x9560;
	s9 =	simm.s32 $0x104A0;
	v7 =	vshll.u32 v9, $0x10;
	v8 =	vand.u32 $0xFFFF0000, v10;
	v9 =	vand.u32 $0xFFFF0000, v9;
	v2 =	vld [tilespmem:s2+$0xFFFFFFF0];
	s2 =	simm.s32 $0x8B60  }
.LBB2_6:
0x291: {  	v10 =	vld [tilespmem:s18+$0x0];
	v11 =	vshll.u32 v3, $0x10;
	v6 =	vadd.f32 v7, v6;
	v7 =	vadd.f32 v9, v8;
	s23 =	sadd.s32 $0x80, s23  }
0x292: {  	v3 =	vand.u32 $0xFFFF0000, v3;
	v1 =	vand.u32 $0xFFFF0000, v1;
	v8 =	vld [tilespmem:s23+$0x0];
	v5 =	vadd.f32 v11, v5  }
0x293: {  	v3 =	vadd.f32 v3, v4;
	v9 =	vld [tilespmem:s23+$0xFFFFFFC0];
	v4 =	vadd.s32 $0x8000, v6;
	v6 =	vadd.s32 $0x8000, v7  }
0x294: {  	v7 =	vld [tilespmem:s18+$0xFFFFFFC0];
	v5 =	vadd.s32 $0x8000, v5;
	v4 =	vshrl.u32 v4, $0x10;
	v6 =	vand.u32 $0xFFFF0000, v6  }
0x295: {  	v3 =	vadd.s32 $0x8000, v3;
	v5 =	vshrl.u32 v5, $0x10;
	v4 =	vor.u32 v4, v6;
	v6 =	vld [tilespmem:s17+$0xFFFFFFF0];
	s17 =	smov.u32 s4;
	s4 =	smov.u32 s23  }
0x296: {  	v3 =	vand.u32 $0xFFFF0000, v3;
	v11 =	vshll.u32 v10, $0x10;
	[tilespmem:s28+$0x20] =	vst v4;
	v4 =	vshll.u32 v2, $0x10  }
0x297: {  	v10 =	vand.u32 $0xFFFF0000, v10;
	v12 =	vshll.u32 v8, $0x10;
	v8 =	vand.u32 $0xFFFF0000, v8;
	v13 =	vld [tilespmem:s7+$0x20]  }
0x298: {  	v14 =	vshll.u32 v9, $0x10;
	v11 =	vadd.f32 v12, v11;
	v8 =	vadd.f32 v8, v10;
	v10 =	vld [tilespmem:s8+$0x20]  }
0x299: {  	s6 =	sadd.s32 $0x2, s6;
	v9 =	vand.u32 $0xFFFF0000, v9;
	v12 =	vshll.u32 v7, $0x10;
	v7 =	vand.u32 $0xFFFF0000, v7  }
0x29a: {  	p2 =	slt.u32 s6, $0x26;
	v12 =	vadd.f32 v14, v12;
	v11 =	vadd.s32 $0x8000, v11;
	v8 =	vadd.s32 $0x8000, v8  }
0x29b: {  	v7 =	vadd.f32 v9, v7;
	v9 =	vshrl.u32 v11, $0x10;
	v8 =	vand.u32 $0xFFFF0000, v8  }
0x29c: {  	s28 =	sadd.s32 $0x100, s28;
	v11 =	vadd.s32 $0x8000, v12;
	v8 =	vor.u32 v9, v8;
	v9 =	vshll.u32 v13, $0x10  }
0x29d: {  	s7 =	sadd.s32 $0x80, s7;
	v12 =	vand.u32 $0xFFFF0000, v13;
	[tilespmem:s28+$0x0] =	vst v8;
	v8 =	vshll.u32 v10, $0x10;
	v10 =	vand.u32 $0xFFFF0000, v10  }
0x29e: {  	s8 =	sadd.s32 $0x80, s8;
	v7 =	vadd.s32 $0x8000, v7;
	v13 =	vld [tilespmem:s7+$0x0];
	v8 =	vadd.f32 v8, v9;
	v9 =	vadd.f32 v10, v12  }
0x29f: {  	v3 =	vor.u32 v5, v3;
	v7 =	vand.u32 $0xFFFF0000, v7;
	v10 =	vshrl.u32 v11, $0x10;
	v11 =	vld [tilespmem:s8+$0x0]  }
0x2a0: {  	v5 =	vor.u32 v10, v7;
	[tilespmem:s9+$0xFFFFFFD0] =	vst v3;
	v3 =	vadd.s32 $0x8000, v8;
	v7 =	vadd.s32 $0x8000, v9  }
0x2a1: {  	v8 =	vshll.u32 v6, $0x10;
	[tilespmem:s28+$0xFFFFFF80] =	vst v5;
	v5 =	vld [tilespmem:s22+$0xFFFFFFE0];
	v3 =	vshrl.u32 v3, $0x10;
	v7 =	vand.u32 $0xFFFF0000, v7  }
0x2a2: {  	v2 =	vand.u32 $0xFFFF0000, v2;
	v6 =	vand.u32 $0xFFFF0000, v6;
	v9 =	vld [tilespmem:s7+$0xFFFFFFC0];
	v3 =	vor.u32 v3, v7  }
0x2a3: {  	v2 =	vadd.f32 v6, v2;
	v7 =	vld [tilespmem:s8+$0xFFFFFFC0];
	v10 =	vshll.u32 v13, $0x10;
	[tilespmem:s9+$0x60] =	vst v3;
	v3 =	vadd.f32 v8, v4  }
0x2a4: {  	v6 =	vand.u32 $0xFFFF0000, v13;
	v4 =	vshll.u32 v11, $0x10;
	v8 =	vand.u32 $0xFFFF0000, v11;
	v11 =	vld [tilespmem:s22+$0x30]  }
0x2a5: {  	v4 =	vadd.f32 v4, v10;
	v6 =	vadd.f32 v8, v6;
	v8 =	vld [tilespmem:s17+$0x30];
	v3 =	vadd.s32 $0x8000, v3  }
0x2a6: {  	v2 =	vadd.s32 $0x8000, v2;
	v10 =	vld [tilespmem:s17+$0xFFFFFFE0];
	v12 =	vshll.u32 v5, $0x10;
	v5 =	vand.u32 $0xFFFF0000, v5  }
0x2a7: {  	v13 =	vshll.u32 v9, $0x10;
	v4 =	vadd.s32 $0x8000, v4;
	v6 =	vadd.s32 $0x8000, v6  }
0x2a8: {  	v14 =	vshll.u32 v7, $0x10;
	v4 =	vshrl.u32 v4, $0x10;
	v6 =	vand.u32 $0xFFFF0000, v6  }
0x2a9: {  	v9 =	vand.u32 $0xFFFF0000, v9;
	v4 =	vor.u32 v4, v6;
	v6 =	vshll.u32 v11, $0x10  }
0x2aa: {  	v11 =	vand.u32 $0xFFFF0000, v11;
	[tilespmem:s28+$0x40] =	vst v4;
	v4 =	vshll.u32 v8, $0x10;
	v8 =	vand.u32 $0xFFFF0000, v8  }
0x2ab: {  	v7 =	vand.u32 $0xFFFF0000, v7;
	v15 =	vld [tilespmem:s18+$0x10];
	v4 =	vadd.f32 v4, v6;
	v6 =	vadd.f32 v8, v11  }
0x2ac: {  	v7 =	vadd.f32 v7, v9;
	v8 =	vadd.f32 v14, v13;
	v11 =	vshll.u32 v10, $0x10;
	v9 =	vld [tilespmem:s23+$0x10]  }
0x2ad: {  	v10 =	vand.u32 $0xFFFF0000, v10;
	v4 =	vadd.s32 $0x8000, v4;
	v6 =	vadd.s32 $0x8000, v6  }
0x2ae: {  	v8 =	vadd.s32 $0x8000, v8;
	v4 =	vshrl.u32 v4, $0x10;
	v6 =	vand.u32 $0xFFFF0000, v6  }
0x2af: {  	v7 =	vadd.s32 $0x8000, v7;
	v8 =	vshrl.u32 v8, $0x10;
	v4 =	vor.u32 v4, v6  }
0x2b0: {  	v11 =	vadd.f32 v11, v12;
	v6 =	vand.u32 $0xFFFF0000, v7;
	v7 =	vshll.u32 v15, $0x10;
	[tilespmem:s9+$0x30] =	vst v4  }
0x2b1: {  	v12 =	vand.u32 $0xFFFF0000, v15;
	v4 =	vshll.u32 v9, $0x10;
	v9 =	vand.u32 $0xFFFF0000, v9;
	v13 =	vld [tilespmem:s2+$0x30]  }
0x2b2: {  	v6 =	vor.u32 v8, v6;
	v4 =	vadd.f32 v4, v7;
	v7 =	vadd.f32 v9, v12;
	v8 =	vld [tilespmem:s29+$0x30]  }
0x2b3: {  	v3 =	vshrl.u32 v3, $0x10;
	v5 =	vadd.f32 v10, v5;
	[tilespmem:s28+$0xFFFFFFC0] =	vst v6;
	v6 =	vadd.s32 $0x8000, v11  }
0x2b4: {  	v9 =	vld [tilespmem:s18+$0xFFFFFFD0];
	v4 =	vadd.s32 $0x8000, v4;
	v7 =	vadd.s32 $0x8000, v7;
	v6 =	vshrl.u32 v6, $0x10  }
0x2b5: {  	v5 =	vadd.s32 $0x8000, v5;
	v10 =	vld [tilespmem:s23+$0xFFFFFFD0];
	v4 =	vshrl.u32 v4, $0x10;
	v7 =	vand.u32 $0xFFFF0000, v7  }
0x2b6: {  	v5 =	vand.u32 $0xFFFF0000, v5;
	v4 =	vor.u32 v4, v7;
	v7 =	vshll.u32 v13, $0x10  }
0x2b7: {  	v11 =	vand.u32 $0xFFFF0000, v13;
	[tilespmem:s28+$0x10] =	vst v4;
	v4 =	vshll.u32 v8, $0x10;
	v8 =	vand.u32 $0xFFFF0000, v8  }
0x2b8: {  	v5 =	vor.u32 v6, v5;
	v12 =	vld [tilespmem:s7+$0x10];
	v4 =	vadd.f32 v4, v7;
	v6 =	vadd.f32 v8, v11  }
0x2b9: {  	v2 =	vand.u32 $0xFFFF0000, v2;
	v7 =	vshll.u32 v9, $0x10;
	v8 =	vand.u32 $0xFFFF0000, v9;
	v9 =	vld [tilespmem:s8+$0x10];
	[tilespmem:s9+$0xFFFFFFA0] =	vst v5  }
0x2ba: {  	v5 =	vshll.u32 v10, $0x10;
	v11 =	vld [tilespmem:s2+$0xFFFFFFE0];
	v4 =	vadd.s32 $0x8000, v4;
	v6 =	vadd.s32 $0x8000, v6  }
0x2bb: {  	v10 =	vand.u32 $0xFFFF0000, v10;
	v13 =	vld [tilespmem:s29+$0xFFFFFFE0];
	v4 =	vshrl.u32 v4, $0x10;
	v6 =	vand.u32 $0xFFFF0000, v6  }
0x2bc: {  	v5 =	vadd.f32 v5, v7;
	v7 =	vadd.f32 v10, v8;
	v4 =	vor.u32 v4, v6  }
0x2bd: {  	v0 =	vor.u32 v0, v1;
	v2 =	vor.u32 v3, v2;
	v6 =	vshll.u32 v12, $0x10;
	[tilespmem:s9+$0x70] =	vst v4  }
0x2be: {  	v3 =	vand.u32 $0xFFFF0000, v12;
	v1 =	vshll.u32 v9, $0x10;
	v4 =	vand.u32 $0xFFFF0000, v9;
	[tilespmem:s16+$0xFFFFFFB0] =	vst v2  }
0x2bf: {  	v2 =	vadd.s32 $0x8000, v5;
	v1 =	vadd.f32 v1, v6;
	v3 =	vadd.f32 v4, v3;
	v4 =	vld [tilespmem:s20+$0xFFFFFFF0];
	[tilespmem:s15+$0xFFFFFFF0] =	vst v0;
	s15 =	smov.u32 s16;
	s16 =	smov.u32 s9;
	s9 =	smov.u32 s28  }
0x2c0: {  	v0 =	vshrl.u32 v2, $0x10;
	v2 =	vadd.s32 $0x8000, v7;
	v5 =	vshll.u32 v11, $0x10;
	s20 =	smov.u32 s2;
	s2 =	smov.u32 s7;
	v6 =	vld [tilespmem:s19+$0xFFFFFFF0];
	s19 =	smov.u32 s29  }
0x2c1: {  	v2 =	vand.u32 $0xFFFF0000, v2;
	s29 =	smov.u32 s8;
	v1 =	vadd.s32 $0x8000, v1;
	v3 =	vadd.s32 $0x8000, v3  }
0x2c2: {  	v0 =	vor.u32 v0, v2;
	v1 =	vshrl.u32 v1, $0x10;
	v2 =	vand.u32 $0xFFFF0000, v3  }
0x2c3: {  	[tilespmem:s28+$0xFFFFFF90] =	vst v0;
	v0 =	vor.u32 v1, v2;
	v1 =	vshll.u32 v13, $0x10;
	v2 =	vand.u32 $0xFFFF0000, v11  }
0x2c4: {  	v7 =	vld [tilespmem:s7+$0xFFFFFFD0];
	[tilespmem:s28+$0x50] =	vst v0;
	v0 =	vadd.f32 v1, v5;
	v1 =	vand.u32 $0xFFFF0000, v13;
	v3 =	vshll.u32 v4, $0x10  }
0x2c5: {  	v4 =	vand.u32 $0xFFFF0000, v4;
	v8 =	vld [tilespmem:s18+$0x20];
	v1 =	vadd.f32 v1, v2;
	v2 =	vshll.u32 v6, $0x10  }
0x2c6: {  	v5 =	vand.u32 $0xFFFF0000, v6;
	v9 =	vld [tilespmem:s23+$0x20];
	v0 =	vadd.s32 $0x8000, v0;
	v2 =	vadd.f32 v2, v3  }
.Ltmp6:
0x2c7: {  	v10 =	vadd.f32 v5, v4;
	v3 =	vld [tilespmem:s8+$0xFFFFFFD0];
	v0 =	vshrl.u32 v0, $0x10;
	v1 =	vadd.s32 $0x8000, v1;
	(pc) =	sbr.rel @p2 .LBB2_6-.Ltmp6, $4  }
0x2c8: {  	v1 =	vand.u32 $0xFFFF0000, v1;
	v2 =	vadd.s32 $0x8000, v2  }
0x2c9: {  	v5 =	vshll.u32 v7, $0x10;
	v4 =	vand.u32 $0xFFFF0000, v7;
	v0 =	vor.u32 v0, v1  }
0x2ca: {  	v1 =	vadd.s32 $0x8000, v10;
	v6 =	vshll.u32 v8, $0x10;
	[tilespmem:s16+$0xFFFFFFE0] =	vst v0;
	v0 =	vshrl.u32 v2, $0x10  }
0x2cb: {  	v8 =	vand.u32 $0xFFFF0000, v8;
	v7 =	vshll.u32 v9, $0x10;
	v9 =	vand.u32 $0xFFFF0000, v9;
	v2 =	vld [tilespmem:s22+$0xFFFFFFF0];
	s22 =	smov.u32 s18;
	s18 =	sadd.s32 $0x80, s18  }
0x2cc: {  	v10 =	vshll.u32 v3, $0x10;
	v57 =	vand.u32 $0xFFFF0000, v3  }
0x2cd: {  	v5 =	vadd.f32 v10, v5;
	v3 =	vadd.f32 v57, v4  }
0x2ce: {  	v6 =	vadd.f32 v7, v6  }
0x2cf: {  	v56 =	vadd.f32 v9, v8;
	v5 =	vadd.s32 $0x8000, v5;
	v3 =	vadd.s32 $0x8000, v3  }
0x2d0: {  	v5 =	vshrl.u32 v5, $0x10;
	v3 =	vand.u32 $0xFFFF0000, v3  }
0x2d1: {  	v58 =	vadd.s32 $0x8000, v6;
	v59 =	vadd.s32 $0x8000, v56;
	v3 =	vor.u32 v5, v3  }
0x2d2: {  	v4 =	vshrl.u32 v58, $0x10;
	v6 =	vand.u32 $0xFFFF0000, v59;
	[tilespmem:s9+$0xFFFFFFD0] =	vst v3  }
0x2d3: {  	v4 =	vor.u32 v4, v6;
	v3 =	vld [tilespmem:s22+$0xFFFFFFE0]  }
0x2d4: {  	[tilespmem:s28+$0x20] =	vst v4;
	v60 =	vld [tilespmem:s4+$0xFFFFFFE0]  }
0x2d5: {  	v4 =	vld [tilespmem:s7+$0x20]  }
0x2d6: {  	v61 =	vld [tilespmem:s8+$0x20];
	_ =	sdelay $0x1  }
0x2d7: {  	v63 =	vshll.u32 v3, $0x10  }
0x2d8: {  	v3 =	vand.u32 $0xFFFF0000, v3;
	v12 =	vshll.u32 v60, $0x10;
	v5 =	vand.u32 $0xFFFF0000, v60  }
0x2d9: {  	v8 =	vadd.f32 v12, v63;
	v3 =	vadd.f32 v5, v3  }
0x2da: {  	v62 =	vshll.u32 v4, $0x10;
	v13 =	vshll.u32 v61, $0x10  }
0x2db: {  	v4 =	vand.u32 $0xFFFF0000, v4;
	v16 =	vadd.s32 $0x8000, v8;
	v3 =	vadd.s32 $0x8000, v3  }
0x2dc: {  	v14 =	vand.u32 $0xFFFF0000, v61;
	v5 =	vshrl.u32 v16, $0x10;
	v3 =	vand.u32 $0xFFFF0000, v3  }
0x2dd: {  	v15 =	vadd.f32 v13, v62;
	v4 =	vadd.f32 v14, v4;
	v3 =	vor.u32 v5, v3  }
0x2de: {  	[tilespmem:s9+$0xFFFFFFA0] =	vst v3  }
0x2df: {  	v6 =	vadd.s32 $0x8000, v15;
	v4 =	vadd.s32 $0x8000, v4;
	v19 =	vld [tilespmem:s2+$0xFFFFFFE0]  }
0x2e0: {  	v17 =	vshrl.u32 v6, $0x10;
	v4 =	vand.u32 $0xFFFF0000, v4;
	v20 =	vld [tilespmem:s29+$0xFFFFFFE0]  }
0x2e1: {  	v18 =	vor.u32 v17, v4  }
0x2e2: {  	[tilespmem:s9+$0x60] =	vst v18  }
0x2e3: {  	v21 =	vld [tilespmem:s22+$0x30]  }
0x2e4: {  	v22 =	vld [tilespmem:s4+$0x30];
	v23 =	vshll.u32 v19, $0x10  }
0x2e5: {  	v24 =	vshll.u32 v20, $0x10;
	v4 =	vand.u32 $0xFFFF0000, v19;
	v3 =	vand.u32 $0xFFFF0000, v20  }
0x2e6: {  	v7 =	vadd.f32 v24, v23;
	v3 =	vadd.f32 v3, v4  }
0x2e7: {  	v27 =	vld [tilespmem:s17+$0xFFFFFFF0]  }
0x2e8: {  	v25 =	vshll.u32 v21, $0x10;
	v7 =	vadd.s32 $0x8000, v7;
	v3 =	vadd.s32 $0x8000, v3  }
0x2e9: {  	v26 =	vshll.u32 v22, $0x10;
	v28 =	vshrl.u32 v7, $0x10;
	v3 =	vand.u32 $0xFFFF0000, v3  }
0x2ea: {  	v5 =	vand.u32 $0xFFFF0000, v21;
	v6 =	vand.u32 $0xFFFF0000, v22;
	v3 =	vor.u32 v28, v3  }
0x2eb: {  	v33 =	vshll.u32 v2, $0x10;
	v5 =	vadd.f32 v6, v5;
	v4 =	vadd.f32 v26, v25;
	[tilespmem:s9+$0xFFFFFFE0] =	vst v3  }
0x2ec: {  	v37 =	vand.u32 $0xFFFF0000, v2;
	v34 =	vshll.u32 v27, $0x10;
	v38 =	vand.u32 $0xFFFF0000, v27;
	v31 =	vld [tilespmem:s22+$0xFFFFFFF0]  }
0x2ed: {  	v35 =	vadd.f32 v34, v33;
	v5 =	vadd.s32 $0x8000, v5;
	v4 =	vadd.s32 $0x8000, v4;
	v32 =	vld [tilespmem:s4+$0xFFFFFFF0]  }
0x2ee: {  	v2 =	vadd.f32 v38, v37;
	v30 =	vand.u32 $0xFFFF0000, v5;
	v29 =	vshrl.u32 v4, $0x10  }
0x2ef: {  	v3 =	vor.u32 v29, v30  }
0x2f0: {  	v2 =	vadd.s32 $0x8000, v2;
	[tilespmem:s9+$0x30] =	vst v3;
	v3 =	vadd.s32 $0x8000, v35  }
0x2f1: {  	v2 =	vand.u32 $0xFFFF0000, v2;
	v3 =	vshrl.u32 v3, $0x10;
	v40 =	vshll.u32 v31, $0x10  }
0x2f2: {  	v36 =	vld [tilespmem:s2+$0x30];
	v41 =	vshll.u32 v32, $0x10;
	v5 =	vand.u32 $0xFFFF0000, v31;
	v4 =	vand.u32 $0xFFFF0000, v32  }
0x2f3: {  	v39 =	vld [tilespmem:s29+$0x30];
	v2 =	vor.u32 v3, v2;
	v8 =	vadd.f32 v41, v40;
	v4 =	vadd.f32 v4, v5  }
0x2f4: {  	[tilespmem:s16+$0xFFFFFFB0] =	vst v2  }
0x2f5: {  	v49 =	vld [tilespmem:s20+$0xFFFFFFF0];
	v43 =	vadd.s32 $0x8000, v8;
	v4 =	vadd.s32 $0x8000, v4  }
0x2f6: {  	v51 =	vld [tilespmem:s19+$0xFFFFFFF0];
	v45 =	vshrl.u32 v43, $0x10;
	v46 =	vand.u32 $0xFFFF0000, v4  }
0x2f7: {  	v2 =	vor.u32 v45, v46  }
0x2f8: {  	v42 =	vshll.u32 v36, $0x10;
	v44 =	vshll.u32 v39, $0x10;
	[tilespmem:s9+$0xFFFFFFB0] =	vst v2  }
0x2f9: {  	v47 =	vand.u32 $0xFFFF0000, v36;
	v48 =	vand.u32 $0xFFFF0000, v39;
	v50 =	vadd.f32 v44, v42;
	v2 =	vld [tilespmem:s2+$0xFFFFFFF0]  }
0x2fa: {  	v1 =	vand.u32 $0xFFFF0000, v1;
	v4 =	vadd.f32 v48, v47;
	v52 =	vld [tilespmem:s29+$0xFFFFFFF0]  }
0x2fb: {  	v3 =	vadd.s32 $0x8000, v50;
	v53 =	vshll.u32 v49, $0x10;
	v54 =	vshll.u32 v51, $0x10  }
0x2fc: {  	v7 =	vand.u32 $0xFFFF0000, v49;
	v5 =	vand.u32 $0xFFFF0000, v51;
	v4 =	vadd.s32 $0x8000, v4  }
0x2fd: {  	v3 =	vshrl.u32 v3, $0x10;
	v5 =	vadd.f32 v5, v7;
	v4 =	vand.u32 $0xFFFF0000, v4  }
0x2fe: {  	v3 =	vor.u32 v3, v4;
	v4 =	vadd.f32 v54, v53;
	v55 =	vshll.u32 v2, $0x10  }
0x2ff: {  	v56 =	vshll.u32 v52, $0x10;
	v2 =	vand.u32 $0xFFFF0000, v2;
	v6 =	vand.u32 $0xFFFF0000, v52  }
0x300: {  	s23 =	smul.u32 $0x28, s14;
	v58 =	vadd.s32 $0x8000, v5;
	v7 =	vadd.f32 v56, v55;
	v2 =	vadd.f32 v6, v2  }
0x301: {  	v0 =	vor.u32 v0, v1;
	v59 =	vand.u32 $0xFFFF0000, v58;
	v4 =	vadd.s32 $0x8000, v4  }
0x302: {  	[tilespmem:s15+$0xFFFFFFF0] =	vst v0;
	s2 =	sadd.s32 s26, s23;
	v57 =	vshrl.u32 v4, $0x10;
	v60 =	vadd.s32 $0x8000, v7;
	v2 =	vadd.s32 $0x8000, v2  }
0x303: {  	s2 =	sshll.u32 s2, $0x4;
	[tilespmem:s9+$0x70] =	vst v3;
	v61 =	vor.u32 v57, v59;
	v62 =	vshrl.u32 v60, $0x10;
	v2 =	vand.u32 $0xFFFF0000, v2  }
0x304: {  	s2 =	sand.u32 $0x1FFFFF80, s2;
	[tilespmem:s16+$0xFFFFFFF0] =	vst v61;
	v63 =	vor.u32 v62, v2  }
0x305: {  	s28 =	simm.s32 $0x10220;
	s29 =	simm.s32 $0xEE20;
	s2 =	sadd.s32 s25, s2;
	[tilespmem:s9+$0xFFFFFFF0] =	vst v63  }
0x306: {  	[hbm4b:s2+s1] =	stream.linear.scatter [tilespmem:s28], [sflag:$0x6], $0x1400, $0x38;
	[tilespmem:$0x13E20] =	vst v63  }
.LBB2_8:
0x307: {  	s2 =	simm.s32 @!p0 $0x5  }
0x308: {  	p2 =	seq.s32 s10, $0x1F;
	_ =	swait.ge @!p0 [sflag:s2], $0x1400  }
0x309: {  	s4 =	simm.s32 @!p2 $0x28;
	[sflag:s2] =	ssyncset.done @!p0 $0x0  }
0x30a: {  	s6 =	simm.s32 @!p2 $0x4E20;
	[sflag:s2] =	ssyncadd.s32 @!p0 $0xFFFFEC00;
	s2 =	sadd.s32 @!p2 $0xA0, s13  }
0x30b: {  	[tilespmem:s6], [sflag:$0x1] =	stream.indirect.gather @!p2 [hbm4b:s21+s4], $0x40, s2, s4, $0xb8;
	[tilespmem:$0x13E20] =	vst v63  }
0x30c: {  	s2 =	sadd.s32 @!p2 $0x1428, s13;
	s6 =	simm.s32 @!p2 $0x5820  }
0x30d: {  	[tilespmem:s6], [sflag:$0x1] =	stream.indirect.gather @!p2 [hbm4b:s24+s4], $0x40, s2, s4, $0xb8;
	[tilespmem:$0x13E20] =	vst v63  }
.Ltmp7:
0x30e: {  	_ = 	snop;
	(pc) =	sbr.rel @p0 .LBB2_12-.Ltmp7, $4  }
0x30f: {  	s2 =	sadd.s32 @!p2 $0x27B0, s13;
	s6 =	simm.s32 @!p2 $0x6220  }
0x310: {  	[tilespmem:s6], [sflag:$0x1] =	stream.indirect.gather @!p2 [hbm4b:s21+s4], $0x40, s2, s4, $0xb8;
	[tilespmem:$0x13E20] =	vst v63  }
0x311: {  	s2 =	sadd.s32 @!p2 $0x3B38, s13;
	s6 =	simm.s32 @!p2 $0x6C20  }
0x312: {  	[tilespmem:s6], [sflag:$0x1] =	stream.indirect.gather @!p2 [hbm4b:s24+s4], $0x40, s2, s4, $0xb8;
	[tilespmem:$0x13E20] =	vst v63  }
0x313: {  	_ =	swait.ge [sflag:s3], $0xA00  }
0x314: {  	[sflag:s3] =	ssyncset.done $0x0  }
0x315: {  	[sflag:s3] =	ssyncadd.s32 $0xFFFFF600  }
0x316: {  	_ =	swait.ge [sflag:s3], $0xA00  }
0x317: {  	[sflag:s3] =	ssyncset.done $0x0  }
0x318: {  	[sflag:s3] =	ssyncadd.s32 $0xFFFFF600  }
0x319: {  	_ =	swait.ge [sflag:s3], $0xA00  }
0x31a: {  	[sflag:s3] =	ssyncset.done $0x0  }
0x31b: {  	[sflag:s3] =	ssyncadd.s32 $0xFFFFF600  }
0x31c: {  	_ =	swait.ge [sflag:s3], $0xA00  }
0x31d: {  	[sflag:s3] =	ssyncset.done $0x0  }
0x31e: {  	s7 =	simm.s32 $0x9E60;
	[sflag:s3] =	ssyncadd.s32 $0xFFFFF600  }
0x31f: {  	s4 =	simm.s32 $0xA860;
	v0 =	vld [tilespmem:s7+$0x0]  }
0x320: {  	v1 =	vld [tilespmem:s4+$0x0];
	_ =	sdelay $0x3  }
0x321: {  	v2 =	vshll.u32 v0, $0x10  }
0x322: {  	v3 =	vshll.u32 v1, $0x10;
	v0 =	vand.u32 $0xFFFF0000, v0;
	v1 =	vand.u32 $0xFFFF0000, v1  }
0x323: {  	v2 =	vadd.f32 v3, v2;
	v0 =	vadd.f32 v1, v0;
	_ =	sdelay $0x1  }
0x324: {  	v1 =	vadd.s32 $0x8000, v2;
	v0 =	vadd.s32 $0x8000, v0  }
0x325: {  	v1 =	vshrl.u32 v1, $0x10;
	v0 =	vand.u32 $0xFFFF0000, v0  }
0x326: {  	s14 =	simm.s32 $0x116A0;
	v2 =	vld [tilespmem:s4+$0xFFFFFFC0];
	v0 =	vor.u32 v1, v0  }
0x327: {  	s9 =	simm.s32 $0xB260;
	v1 =	vld [tilespmem:s7+$0xFFFFFFC0];
	[tilespmem:s14+$0x0] =	vst v0  }
0x328: {  	s28 =	simm.s32 $0xBC60;
	v0 =	vld [tilespmem:s9+$0x0]  }
0x329: {  	v3 =	vld [tilespmem:s28+$0x0];
	_ =	sdelay $0x1  }
0x32a: {  	v4 =	vshll.u32 v2, $0x10  }
0x32b: {  	v2 =	vand.u32 $0xFFFF0000, v2;
	v5 =	vshll.u32 v1, $0x10;
	v1 =	vand.u32 $0xFFFF0000, v1  }
0x32c: {  	v4 =	vadd.f32 v4, v5;
	v1 =	vadd.f32 v2, v1;
	v2 =	vshll.u32 v0, $0x10  }
0x32d: {  	v5 =	vshll.u32 v3, $0x10;
	v0 =	vand.u32 $0xFFFF0000, v0;
	v3 =	vand.u32 $0xFFFF0000, v3  }
0x32e: {  	v4 =	vadd.s32 $0x8000, v4;
	v2 =	vadd.f32 v5, v2;
	v0 =	vadd.f32 v3, v0  }
0x32f: {  	v1 =	vadd.s32 $0x8000, v1;
	v3 =	vshrl.u32 v4, $0x10  }
0x330: {  	v1 =	vand.u32 $0xFFFF0000, v1;
	v2 =	vadd.s32 $0x8000, v2;
	v0 =	vadd.s32 $0x8000, v0  }
0x331: {  	v1 =	vor.u32 v3, v1;
	v2 =	vshrl.u32 v2, $0x10;
	v0 =	vand.u32 $0xFFFF0000, v0  }
0x332: {  	[tilespmem:s14+$0xFFFFFF80] =	vst v1;
	v0 =	vor.u32 v2, v0  }
0x333: {  	v1 =	vld [tilespmem:s9+$0xFFFFFFC0];
	[tilespmem:s14+$0x40] =	vst v0  }
0x334: {  	v0 =	vld [tilespmem:s7+$0x10]  }
0x335: {  	v2 =	vld [tilespmem:s4+$0x10]  }
0x336: {  	v3 =	vld [tilespmem:s28+$0xFFFFFFC0];
	_ =	sdelay $0x2  }
0x337: {  	v4 =	vshll.u32 v1, $0x10;
	v5 =	vshll.u32 v0, $0x10  }
0x338: {  	v6 =	vshll.u32 v2, $0x10;
	v0 =	vand.u32 $0xFFFF0000, v0;
	v2 =	vand.u32 $0xFFFF0000, v2  }
0x339: {  	v7 =	vshll.u32 v3, $0x10;
	v5 =	vadd.f32 v6, v5;
	v0 =	vadd.f32 v2, v0  }
0x33a: {  	v1 =	vand.u32 $0xFFFF0000, v1;
	v2 =	vand.u32 $0xFFFF0000, v3;
	v3 =	vadd.f32 v7, v4  }
0x33b: {  	v1 =	vadd.f32 v2, v1;
	v2 =	vadd.s32 $0x8000, v5;
	v0 =	vadd.s32 $0x8000, v0  }
0x33c: {  	v2 =	vshrl.u32 v2, $0x10;
	v0 =	vand.u32 $0xFFFF0000, v0  }
0x33d: {  	v3 =	vadd.s32 $0x8000, v3;
	v1 =	vadd.s32 $0x8000, v1;
	v0 =	vor.u32 v2, v0  }
0x33e: {  	v2 =	vshrl.u32 v3, $0x10;
	v1 =	vand.u32 $0xFFFF0000, v1;
	[tilespmem:s14+$0x10] =	vst v0  }
0x33f: {  	v0 =	vor.u32 v2, v1;
	v1 =	vld [tilespmem:s9+$0x10]  }
0x340: {  	[tilespmem:s14+$0xFFFFFFC0] =	vst v0;
	v0 =	vld [tilespmem:s28+$0x10]  }
0x341: {  	v2 =	vld [tilespmem:s7+$0xFFFFFFD0]  }
0x342: {  	v3 =	vld [tilespmem:s4+$0xFFFFFFD0];
	_ =	sdelay $0x1  }
0x343: {  	v4 =	vshll.u32 v1, $0x10  }
0x344: {  	v5 =	vshll.u32 v0, $0x10;
	v1 =	vand.u32 $0xFFFF0000, v1;
	v0 =	vand.u32 $0xFFFF0000, v0  }
0x345: {  	v6 =	vshll.u32 v2, $0x10;
	v4 =	vadd.f32 v5, v4;
	v0 =	vadd.f32 v0, v1  }
0x346: {  	v1 =	vand.u32 $0xFFFF0000, v2;
	v2 =	vshll.u32 v3, $0x10;
	v3 =	vand.u32 $0xFFFF0000, v3  }
0x347: {  	v2 =	vadd.f32 v2, v6;
	v4 =	vadd.s32 $0x8000, v4;
	v0 =	vadd.s32 $0x8000, v0  }
0x348: {  	v1 =	vadd.f32 v3, v1;
	v3 =	vshrl.u32 v4, $0x10;
	v0 =	vand.u32 $0xFFFF0000, v0  }
0x349: {  	v0 =	vor.u32 v3, v0  }
0x34a: {  	v2 =	vadd.s32 $0x8000, v2;
	v1 =	vadd.s32 $0x8000, v1;
	[tilespmem:s14+$0x50] =	vst v0  }
0x34b: {  	v1 =	vand.u32 $0xFFFF0000, v1;
	v0 =	vshrl.u32 v2, $0x10;
	v2 =	vld [tilespmem:s7+$0x20]  }
0x34c: {  	v0 =	vor.u32 v0, v1;
	v1 =	vld [tilespmem:s4+$0x20]  }
0x34d: {  	[tilespmem:s14+$0xFFFFFF90] =	vst v0  }
0x34e: {  	v0 =	vld [tilespmem:s9+$0xFFFFFFD0];
	_ =	sdelay $0x1  }
0x34f: {  	s2 =	simm.s32 $0x9EE0;
	v3 =	vld [tilespmem:s28+$0xFFFFFFD0];
	v4 =	vshll.u32 v2, $0x10  }
0x350: {  	s16 =	simm.s32 $0xA8E0;
	v6 =	vld [tilespmem:s2+$0x0];
	v5 =	vshll.u32 v1, $0x10;
	v2 =	vand.u32 $0xFFFF0000, v2;
	v1 =	vand.u32 $0xFFFF0000, v1  }
0x351: {  	v4 =	vadd.f32 v5, v4;
	v1 =	vadd.f32 v1, v2;
	v2 =	vld [tilespmem:s16+$0x0]  }
0x352: {  	v5 =	vshll.u32 v0, $0x10  }
0x353: {  	v0 =	vand.u32 $0xFFFF0000, v0;
	v4 =	vadd.s32 $0x8000, v4;
	v1 =	vadd.s32 $0x8000, v1  }
0x354: {  	v8 =	vld [tilespmem:s16+$0xFFFFFFC0];
	v7 =	vshll.u32 v3, $0x10;
	v4 =	vshrl.u32 v4, $0x10;
	v1 =	vand.u32 $0xFFFF0000, v1  }
0x355: {  	v5 =	vadd.f32 v7, v5;
	v7 =	vld [tilespmem:s2+$0xFFFFFFC0];
	v1 =	vor.u32 v4, v1;
	v4 =	vshll.u32 v6, $0x10  }
0x356: {  	v6 =	vand.u32 $0xFFFF0000, v6;
	v9 =	vshll.u32 v2, $0x10;
	v2 =	vand.u32 $0xFFFF0000, v2  }
0x357: {  	v3 =	vand.u32 $0xFFFF0000, v3;
	[tilespmem:s14+$0x20] =	vst v1;
	v1 =	vadd.f32 v9, v4;
	v2 =	vadd.f32 v2, v6  }
0x358: {  	v0 =	vadd.f32 v3, v0;
	v3 =	vadd.s32 $0x8000, v5;
	v4 =	vld [tilespmem:s9+$0x20]  }
0x359: {  	v5 =	vshll.u32 v8, $0x10;
	v6 =	vld [tilespmem:s28+$0x20];
	v1 =	vadd.s32 $0x8000, v1;
	v2 =	vadd.s32 $0x8000, v2  }
0x35a: {  	v9 =	vshll.u32 v7, $0x10;
	v1 =	vshrl.u32 v1, $0x10;
	v2 =	vand.u32 $0xFFFF0000, v2  }
0x35b: {  	s15 =	simm.s32 $0x117A0;
	v0 =	vadd.s32 $0x8000, v0;
	v5 =	vadd.f32 v5, v9;
	v1 =	vor.u32 v1, v2  }
0x35c: {  	s19 =	simm.s32 $0xB2E0;
	v3 =	vshrl.u32 v3, $0x10;
	v2 =	vand.u32 $0xFFFF0000, v7;
	v7 =	vand.u32 $0xFFFF0000, v8;
	[tilespmem:s15+$0x0] =	vst v1  }
0x35d: {  	s17 =	simm.s32 $0xBCE0;
	v1 =	vadd.f32 v7, v2;
	v2 =	vadd.s32 $0x8000, v5;
	v7 =	vshll.u32 v4, $0x10;
	v5 =	vld [tilespmem:s19+$0x0]  }
0x35e: {  	v8 =	vshll.u32 v6, $0x10;
	v4 =	vand.u32 $0xFFFF0000, v4;
	v6 =	vand.u32 $0xFFFF0000, v6;
	v9 =	vld [tilespmem:s17+$0x0]  }
0x35f: {  	v0 =	vand.u32 $0xFFFF0000, v0;
	v4 =	vadd.f32 v6, v4;
	v1 =	vadd.s32 $0x8000, v1  }
0x360: {  	v7 =	vadd.f32 v8, v7;
	v2 =	vshrl.u32 v2, $0x10;
	v1 =	vand.u32 $0xFFFF0000, v1  }
0x361: {  	v0 =	vor.u32 v3, v0;
	v3 =	vadd.s32 $0x8000, v4;
	v1 =	vor.u32 v2, v1  }
0x362: {  	v2 =	vadd.s32 $0x8000, v7;
	v3 =	vand.u32 $0xFFFF0000, v3;
	v4 =	vshll.u32 v5, $0x10  }
0x363: {  	[tilespmem:s14+$0xFFFFFFD0] =	vst v0;
	v0 =	vshll.u32 v9, $0x10;
	v5 =	vand.u32 $0xFFFF0000, v5;
	v6 =	vand.u32 $0xFFFF0000, v9  }
0x364: {  	v2 =	vshrl.u32 v2, $0x10;
	v0 =	vadd.f32 v0, v4;
	v4 =	vadd.f32 v6, v5  }
0x365: {  	[tilespmem:s15+$0xFFFFFF80] =	vst v1;
	v1 =	vld [tilespmem:s7+$0xFFFFFFE0];
	v2 =	vor.u32 v2, v3  }
0x366: {  	v3 =	vld [tilespmem:s17+$0xFFFFFFC0];
	[tilespmem:s14+$0x60] =	vst v2;
	v0 =	vadd.s32 $0x8000, v0;
	v2 =	vadd.s32 $0x8000, v4  }
0x367: {  	v5 =	vld [tilespmem:s19+$0xFFFFFFC0];
	v0 =	vshrl.u32 v0, $0x10;
	v2 =	vand.u32 $0xFFFF0000, v2  }
0x368: {  	v6 =	vld [tilespmem:s4+$0x30];
	v0 =	vor.u32 v0, v2  }
0x369: {  	v4 =	vld [tilespmem:s7+$0x30];
	[tilespmem:s15+$0x40] =	vst v0  }
0x36a: {  	v0 =	vld [tilespmem:s2+$0x10]  }
0x36b: {  	v2 =	vshll.u32 v1, $0x10;
	v1 =	vand.u32 $0xFFFF0000, v1;
	v7 =	vld [tilespmem:s16+$0x10]  }
0x36c: {  	v9 =	vshll.u32 v3, $0x10;
	v3 =	vand.u32 $0xFFFF0000, v3;
	v8 =	vshll.u32 v5, $0x10  }
0x36d: {  	v5 =	vand.u32 $0xFFFF0000, v5;
	v11 =	vshll.u32 v6, $0x10;
	v8 =	vadd.f32 v9, v8  }
0x36e: {  	v6 =	vand.u32 $0xFFFF0000, v6;
	v3 =	vadd.f32 v3, v5;
	v10 =	vshll.u32 v4, $0x10  }
0x36f: {  	v9 =	vld [tilespmem:s4+$0xFFFFFFE0];
	v4 =	vand.u32 $0xFFFF0000, v4;
	v5 =	vadd.s32 $0x8000, v8;
	v8 =	vshll.u32 v0, $0x10  }
0x370: {  	v12 =	vshll.u32 v7, $0x10;
	v0 =	vand.u32 $0xFFFF0000, v0;
	v7 =	vand.u32 $0xFFFF0000, v7  }
0x371: {  	v3 =	vadd.s32 $0x8000, v3;
	v8 =	vadd.f32 v12, v8;
	v0 =	vadd.f32 v7, v0  }
0x372: {  	v4 =	vadd.f32 v6, v4;
	v5 =	vshrl.u32 v5, $0x10;
	v3 =	vand.u32 $0xFFFF0000, v3  }
0x373: {  	v3 =	vor.u32 v5, v3;
	v5 =	vadd.s32 $0x8000, v8;
	v0 =	vadd.s32 $0x8000, v0  }
0x374: {  	[tilespmem:s15+$0xFFFFFFC0] =	vst v3;
	v6 =	vand.u32 $0xFFFF0000, v9;
	v3 =	vshrl.u32 v5, $0x10;
	v0 =	vand.u32 $0xFFFF0000, v0  }
0x375: {  	v7 =	vadd.f32 v11, v10;
	v8 =	vld [tilespmem:s2+$0xFFFFFFD0];
	v5 =	vshll.u32 v9, $0x10;
	v0 =	vor.u32 v3, v0  }
0x376: {  	v4 =	vadd.s32 $0x8000, v4;
	v1 =	vadd.f32 v6, v1;
	v2 =	vadd.f32 v5, v2;
	v3 =	vld [tilespmem:s16+$0xFFFFFFD0];
	[tilespmem:s15+$0x10] =	vst v0  }
0x377: {  	v4 =	vand.u32 $0xFFFF0000, v4;
	v5 =	vld [tilespmem:s19+$0x10]  }
0x378: {  	v1 =	vadd.s32 $0x8000, v1;
	v0 =	vadd.s32 $0x8000, v7;
	v2 =	vadd.s32 $0x8000, v2;
	v6 =	vld [tilespmem:s17+$0x10]  }
0x379: {  	v1 =	vand.u32 $0xFFFF0000, v1;
	v0 =	vshrl.u32 v0, $0x10;
	v2 =	vshrl.u32 v2, $0x10  }
0x37a: {  	v0 =	vor.u32 v0, v4;
	v1 =	vor.u32 v2, v1;
	v2 =	vshll.u32 v8, $0x10  }
0x37b: {  	[tilespmem:s14+$0x30] =	vst v0;
	v0 =	vand.u32 $0xFFFF0000, v8;
	v4 =	vshll.u32 v3, $0x10;
	v3 =	vand.u32 $0xFFFF0000, v3  }
0x37c: {  	v7 =	vld [tilespmem:s9+$0x30];
	v2 =	vadd.f32 v4, v2;
	v0 =	vadd.f32 v3, v0;
	v3 =	vshll.u32 v5, $0x10  }
0x37d: {  	[tilespmem:s14+$0xFFFFFFA0] =	vst v1;
	v4 =	vld [tilespmem:s28+$0x30];
	v1 =	vshll.u32 v6, $0x10;
	v5 =	vand.u32 $0xFFFF0000, v5;
	v6 =	vand.u32 $0xFFFF0000, v6  }
0x37e: {  	v8 =	vld [tilespmem:s9+$0xFFFFFFE0];
	v2 =	vadd.s32 $0x8000, v2;
	v1 =	vadd.f32 v1, v3;
	v3 =	vadd.f32 v6, v5  }
0x37f: {  	v5 =	vld [tilespmem:s28+$0xFFFFFFE0];
	v0 =	vadd.s32 $0x8000, v0;
	v2 =	vshrl.u32 v2, $0x10  }
0x380: {  	v0 =	vand.u32 $0xFFFF0000, v0;
	v1 =	vadd.s32 $0x8000, v1;
	v3 =	vadd.s32 $0x8000, v3  }
0x381: {  	v0 =	vor.u32 v2, v0;
	v1 =	vshrl.u32 v1, $0x10;
	v2 =	vand.u32 $0xFFFF0000, v3  }
0x382: {  	v3 =	vshll.u32 v7, $0x10;
	v6 =	vshll.u32 v4, $0x10;
	[tilespmem:s15+$0xFFFFFF90] =	vst v0;
	v0 =	vor.u32 v1, v2  }
0x383: {  	v1 =	vand.u32 $0xFFFF0000, v7;
	v2 =	vand.u32 $0xFFFF0000, v4;
	v3 =	vadd.f32 v6, v3;
	v4 =	vld [tilespmem:s19+$0xFFFFFFD0];
	[tilespmem:s15+$0x50] =	vst v0  }
0x384: {  	v0 =	vadd.f32 v2, v1;
	v1 =	vshll.u32 v8, $0x10;
	v2 =	vshll.u32 v5, $0x10;
	v6 =	vld [tilespmem:s2+$0x20]  }
0x385: {  	v7 =	vand.u32 $0xFFFF0000, v8;
	v1 =	vadd.f32 v2, v1;
	v2 =	vand.u32 $0xFFFF0000, v5;
	v5 =	vld [tilespmem:s16+$0x20]  }
0x386: {  	v3 =	vadd.s32 $0x8000, v3;
	v2 =	vadd.f32 v2, v7  }
0x387: {  	v7 =	vld [tilespmem:s17+$0xFFFFFFD0];
	v0 =	vadd.s32 $0x8000, v0;
	v3 =	vshrl.u32 v3, $0x10;
	v1 =	vadd.s32 $0x8000, v1  }
0x388: {  	s20 =	simm.s32 $0x9F60;
	v0 =	vand.u32 $0xFFFF0000, v0;
	v1 =	vshrl.u32 v1, $0x10;
	v2 =	vadd.s32 $0x8000, v2  }
0x389: {  	v11 =	vld [tilespmem:s20+$0x0];
	v8 =	vshll.u32 v4, $0x10;
	v4 =	vand.u32 $0xFFFF0000, v4;
	v2 =	vand.u32 $0xFFFF0000, v2  }
0x38a: {  	v9 =	vshll.u32 v6, $0x10;
	v10 =	vshll.u32 v5, $0x10;
	v6 =	vand.u32 $0xFFFF0000, v6  }
0x38b: {  	s22 =	simm.s32 $0xA960;
	v5 =	vand.u32 $0xFFFF0000, v5;
	v1 =	vor.u32 v1, v2;
	v9 =	vadd.f32 v10, v9  }
0x38c: {  	v58 =	vshll.u32 v7, $0x10;
	v5 =	vadd.f32 v5, v6;
	v6 =	vld [tilespmem:s22+$0x0];
	v7 =	vand.u32 $0xFFFF0000, v7  }
0x38d: {  	v10 =	vld [tilespmem:s22+$0xFFFFFFC0];
	v8 =	vadd.f32 v58, v8;
	v4 =	vadd.f32 v7, v4;
	v7 =	vadd.s32 $0x8000, v9  }
0x38e: {  	v2 =	vld [tilespmem:s20+$0xFFFFFFC0];
	v5 =	vadd.s32 $0x8000, v5;
	v9 =	vand.u32 $0xFFFF0000, v11;
	v7 =	vshrl.u32 v7, $0x10  }
0x38f: {  	v5 =	vand.u32 $0xFFFF0000, v5;
	v8 =	vadd.s32 $0x8000, v8;
	v4 =	vadd.s32 $0x8000, v4  }
0x390: {  	v5 =	vor.u32 v7, v5;
	v7 =	vshrl.u32 v8, $0x10;
	v8 =	vshll.u32 v11, $0x10  }
0x391: {  	v4 =	vand.u32 $0xFFFF0000, v4;
	[tilespmem:s15+$0x20] =	vst v5;
	v5 =	vshll.u32 v6, $0x10;
	v6 =	vand.u32 $0xFFFF0000, v6  }
0x392: {  	v59 =	vshll.u32 v10, $0x10;
	v11 =	vld [tilespmem:s19+$0x20];
	v5 =	vadd.f32 v5, v8;
	v6 =	vadd.f32 v6, v9  }
0x393: {  	v10 =	vand.u32 $0xFFFF0000, v10;
	v8 =	vld [tilespmem:s17+$0x20];
	v9 =	vshll.u32 v2, $0x10;
	v2 =	vand.u32 $0xFFFF0000, v2  }
0x394: {  	[tilespmem:s14+$0xFFFFFFE0] =	vst v1;
	v1 =	vadd.f32 v10, v2;
	v5 =	vadd.s32 $0x8000, v5;
	v6 =	vadd.s32 $0x8000, v6  }
0x395: {  	v9 =	vadd.f32 v59, v9;
	v2 =	vshrl.u32 v5, $0x10;
	v5 =	vand.u32 $0xFFFF0000, v6  }
0x396: {  	s23 =	simm.s32 $0x118A0;
	v4 =	vor.u32 v7, v4;
	v10 =	vld [tilespmem:s4+$0xFFFFFFF0];
	v1 =	vadd.s32 $0x8000, v1;
	v2 =	vor.u32 v2, v5  }
0x397: {  	v6 =	vld [tilespmem:s7+$0xFFFFFFF0];
	v9 =	vadd.s32 $0x8000, v9;
	s7 =	simm.s32 $0xB360;
	v1 =	vand.u32 $0xFFFF0000, v1;
	v5 =	vshll.u32 v11, $0x10;
	[tilespmem:s23+$0x0] =	vst v2  }
0x398: {  	s8 =	simm.s32 $0xBD60;
	v2 =	vshll.u32 v8, $0x10;
	v11 =	vand.u32 $0xFFFF0000, v11;
	v8 =	vand.u32 $0xFFFF0000, v8;
	v60 =	vld [tilespmem:s7+$0x0]  }
0x399: {  	v2 =	vadd.f32 v2, v5;
	v5 =	vadd.f32 v8, v11;
	v8 =	vshrl.u32 v9, $0x10;
	v9 =	vld [tilespmem:s8+$0x0]  }
0x39a: {  	v0 =	vor.u32 v3, v0;
	[tilespmem:s15+$0xFFFFFFD0] =	vst v4;
	v1 =	vor.u32 v8, v1  }
0x39b: {  	v2 =	vadd.s32 $0x8000, v2;
	v4 =	vadd.s32 $0x8000, v5;
	[tilespmem:s23+$0xFFFFFF80] =	vst v1;
	v1 =	vld [tilespmem:s2+$0xFFFFFFE0];
	v5 =	vshll.u32 v10, $0x10  }
0x39c: {  	v10 =	vand.u32 $0xFFFF0000, v10;
	v2 =	vshrl.u32 v2, $0x10;
	v3 =	vand.u32 $0xFFFF0000, v4  }
0x39d: {  	v4 =	vshll.u32 v6, $0x10;
	v7 =	vld [tilespmem:s7+$0xFFFFFFC0];
	v2 =	vor.u32 v2, v3;
	v3 =	vand.u32 $0xFFFF0000, v6  }
0x39e: {  	v6 =	vld [tilespmem:s8+$0xFFFFFFC0];
	v8 =	vshll.u32 v60, $0x10;
	[tilespmem:s15+$0x60] =	vst v2;
	v2 =	vadd.f32 v5, v4;
	v4 =	vshll.u32 v9, $0x10  }
0x39f: {  	v5 =	vand.u32 $0xFFFF0000, v60;
	v9 =	vand.u32 $0xFFFF0000, v9;
	v3 =	vadd.f32 v10, v3;
	v11 =	vld [tilespmem:s2+$0x30]  }
0x3a0: {  	v4 =	vadd.f32 v4, v8;
	v5 =	vadd.f32 v9, v5;
	v8 =	vld [tilespmem:s16+$0x30];
	v9 =	vshll.u32 v1, $0x10  }
0x3a1: {  	v1 =	vand.u32 $0xFFFF0000, v1;
	v2 =	vadd.s32 $0x8000, v2;
	v3 =	vadd.s32 $0x8000, v3  }
0x3a2: {  	v10 =	vld [tilespmem:s16+$0xFFFFFFE0];
	v61 =	vshll.u32 v7, $0x10;
	v4 =	vadd.s32 $0x8000, v4;
	v5 =	vadd.s32 $0x8000, v5  }
0x3a3: {  	v7 =	vand.u32 $0xFFFF0000, v7;
	v4 =	vshrl.u32 v4, $0x10;
	v5 =	vand.u32 $0xFFFF0000, v5  }
0x3a4: {  	v13 =	vshll.u32 v6, $0x10;
	v6 =	vand.u32 $0xFFFF0000, v6;
	v4 =	vor.u32 v4, v5  }
0x3a5: {  	v6 =	vadd.f32 v6, v7;
	v5 =	vshll.u32 v11, $0x10;
	[tilespmem:s23+$0x40] =	vst v4;
	v4 =	vshll.u32 v8, $0x10  }
0x3a6: {  	v11 =	vand.u32 $0xFFFF0000, v11;
	v8 =	vand.u32 $0xFFFF0000, v8;
	v4 =	vadd.f32 v4, v5;
	v5 =	vld [tilespmem:s20+$0x10]  }
0x3a7: {  	v62 =	vshll.u32 v10, $0x10;
	v10 =	vand.u32 $0xFFFF0000, v10;
	v8 =	vadd.f32 v8, v11;
	v7 =	vld [tilespmem:s22+$0x10]  }
0x3a8: {  	v1 =	vadd.f32 v10, v1;
	v11 =	vadd.f32 v13, v61;
	v6 =	vadd.s32 $0x8000, v6  }
0x3a9: {  	v6 =	vand.u32 $0xFFFF0000, v6;
	v4 =	vadd.s32 $0x8000, v4;
	v8 =	vadd.s32 $0x8000, v8  }
0x3aa: {  	v11 =	vadd.s32 $0x8000, v11;
	v4 =	vshrl.u32 v4, $0x10;
	v8 =	vand.u32 $0xFFFF0000, v8  }
0x3ab: {  	v11 =	vshrl.u32 v11, $0x10;
	v4 =	vor.u32 v4, v8;
	v8 =	vshll.u32 v5, $0x10  }
0x3ac: {  	[tilespmem:s15+$0x30] =	vst v4;
	v4 =	vshll.u32 v7, $0x10;
	v5 =	vand.u32 $0xFFFF0000, v5;
	v7 =	vand.u32 $0xFFFF0000, v7  }
0x3ad: {  	v6 =	vor.u32 v11, v6;
	v63 =	vld [tilespmem:s19+$0x30];
	v4 =	vadd.f32 v4, v8;
	v5 =	vadd.f32 v7, v5  }
0x3ae: {  	v2 =	vshrl.u32 v2, $0x10;
	v3 =	vand.u32 $0xFFFF0000, v3;
	v9 =	vadd.f32 v62, v9;
	[tilespmem:s23+$0xFFFFFFC0] =	vst v6;
	v7 =	vld [tilespmem:s17+$0x30]  }
0x3af: {  	v1 =	vadd.s32 $0x8000, v1;
	v8 =	vld [tilespmem:s20+$0xFFFFFFD0];
	v4 =	vadd.s32 $0x8000, v4;
	v5 =	vadd.s32 $0x8000, v5  }
0x3b0: {  	v6 =	vadd.s32 $0x8000, v9;
	v9 =	vld [tilespmem:s22+$0xFFFFFFD0];
	v4 =	vshrl.u32 v4, $0x10;
	v5 =	vand.u32 $0xFFFF0000, v5  }
0x3b1: {  	v1 =	vand.u32 $0xFFFF0000, v1;
	v6 =	vshrl.u32 v6, $0x10;
	v4 =	vor.u32 v4, v5  }
0x3b2: {  	v2 =	vor.u32 v2, v3;
	v1 =	vor.u32 v6, v1;
	v5 =	vshll.u32 v63, $0x10;
	[tilespmem:s23+$0x10] =	vst v4  }
0x3b3: {  	v4 =	vshll.u32 v7, $0x10;
	v10 =	vand.u32 $0xFFFF0000, v63;
	v7 =	vand.u32 $0xFFFF0000, v7;
	v11 =	vld [tilespmem:s7+$0x10]  }
0x3b4: {  	v6 =	vshll.u32 v8, $0x10;
	v4 =	vadd.f32 v4, v5;
	v5 =	vadd.f32 v7, v10;
	v7 =	vld [tilespmem:s8+$0x10]  }
0x3b5: {  	v8 =	vand.u32 $0xFFFF0000, v8;
	v10 =	vshll.u32 v9, $0x10;
	v9 =	vand.u32 $0xFFFF0000, v9  }
0x3b6: {  	v8 =	vadd.f32 v9, v8;
	v4 =	vadd.s32 $0x8000, v4;
	v5 =	vadd.s32 $0x8000, v5  }
0x3b7: {  	[tilespmem:s15+$0xFFFFFFA0] =	vst v1;
	v1 =	vshrl.u32 v4, $0x10;
	v4 =	vand.u32 $0xFFFF0000, v5;
	v5 =	vadd.f32 v10, v6  }
0x3b8: {  	v1 =	vor.u32 v1, v4;
	v4 =	vadd.s32 $0x8000, v8;
	v9 =	vshll.u32 v11, $0x10  }
0x3b9: {  	v3 =	vld [tilespmem:s17+$0xFFFFFFE0];
	v10 =	vshll.u32 v7, $0x10;
	v11 =	vand.u32 $0xFFFF0000, v11;
	v7 =	vand.u32 $0xFFFF0000, v7  }
0x3ba: {  	[tilespmem:s14+$0xFFFFFFB0] =	vst v2;
	v6 =	vld [tilespmem:s19+$0xFFFFFFE0];
	v2 =	vadd.s32 $0x8000, v5;
	v5 =	vadd.f32 v10, v9;
	v7 =	vadd.f32 v7, v11  }
0x3bb: {  	v8 =	vld [tilespmem:s28+$0xFFFFFFF0];
	v4 =	vand.u32 $0xFFFF0000, v4  }
0x3bc: {  	v9 =	vld [tilespmem:s9+$0xFFFFFFF0];
	v2 =	vshrl.u32 v2, $0x10;
	v5 =	vadd.s32 $0x8000, v5;
	v7 =	vadd.s32 $0x8000, v7  }
0x3bd: {  	v2 =	vor.u32 v2, v4;
	v4 =	vshrl.u32 v5, $0x10;
	v5 =	vand.u32 $0xFFFF0000, v7  }
0x3be: {  	[tilespmem:s23+$0xFFFFFF90] =	vst v2;
	v2 =	vor.u32 v4, v5  }
0x3bf: {  	v4 =	vshll.u32 v3, $0x10;
	v5 =	vand.u32 $0xFFFF0000, v6;
	v3 =	vand.u32 $0xFFFF0000, v3  }
0x3c0: {  	v7 =	vshll.u32 v6, $0x10;
	v6 =	vld [tilespmem:s7+$0xFFFFFFD0];
	[tilespmem:s23+$0x50] =	vst v2;
	v3 =	vadd.f32 v3, v5  }
0x3c1: {  	v2 =	vadd.f32 v4, v7;
	v4 =	vshll.u32 v9, $0x10;
	v5 =	vshll.u32 v8, $0x10;
	v10 =	vld [tilespmem:s20+$0x20]  }
0x3c2: {  	v7 =	vand.u32 $0xFFFF0000, v9;
	v9 =	vld [tilespmem:s22+$0x20];
	v4 =	vadd.f32 v5, v4;
	v3 =	vadd.s32 $0x8000, v3  }
0x3c3: {  	[tilespmem:s14+$0x70] =	vst v0;
	v5 =	vand.u32 $0xFFFF0000, v8;
	v2 =	vadd.s32 $0x8000, v2;
	v0 =	vand.u32 $0xFFFF0000, v3;
	v3 =	vld [tilespmem:s8+$0xFFFFFFD0]  }
0x3c4: {  	v7 =	vadd.f32 v5, v7;
	v2 =	vshrl.u32 v2, $0x10;
	v8 =	vadd.s32 $0x8000, v4  }
0x3c5: {  	[tilespmem:s15+$0x70] =	vst v1;
	v5 =	vshll.u32 v6, $0x10;
	v4 =	vand.u32 $0xFFFF0000, v6;
	v0 =	vor.u32 v2, v0  }
0x3c6: {  	s6 =	simm.s32 $0x4;
	s18 =	simm.s32 $0x9FE0;
	s4 =	simm.s32 $0xA960;
	v1 =	vadd.s32 $0x8000, v7;
	[tilespmem:s15+$0xFFFFFFE0] =	vst v0;
	v0 =	vshrl.u32 v8, $0x10;
	v6 =	vshll.u32 v10, $0x10  }
0x3c7: {  	s28 =	simm.s32 $0xBD60;
	s9 =	simm.s32 $0x118A0;
	v7 =	vshll.u32 v9, $0x10;
	v8 =	vand.u32 $0xFFFF0000, v10;
	v9 =	vand.u32 $0xFFFF0000, v9;
	v2 =	vld [tilespmem:s2+$0xFFFFFFF0];
	s2 =	simm.s32 $0xB360  }
.LBB2_10:
0x3c8: {  	v10 =	vld [tilespmem:s18+$0x0];
	v11 =	vshll.u32 v3, $0x10;
	v6 =	vadd.f32 v7, v6;
	v7 =	vadd.f32 v9, v8;
	s22 =	sadd.s32 $0x80, s22  }
0x3c9: {  	v3 =	vand.u32 $0xFFFF0000, v3;
	v1 =	vand.u32 $0xFFFF0000, v1;
	v8 =	vld [tilespmem:s22+$0x0];
	v5 =	vadd.f32 v11, v5  }
0x3ca: {  	v3 =	vadd.f32 v3, v4;
	v9 =	vld [tilespmem:s22+$0xFFFFFFC0];
	v4 =	vadd.s32 $0x8000, v6;
	v6 =	vadd.s32 $0x8000, v7  }
0x3cb: {  	v7 =	vld [tilespmem:s18+$0xFFFFFFC0];
	v5 =	vadd.s32 $0x8000, v5;
	v4 =	vshrl.u32 v4, $0x10;
	v6 =	vand.u32 $0xFFFF0000, v6  }
0x3cc: {  	v3 =	vadd.s32 $0x8000, v3;
	v5 =	vshrl.u32 v5, $0x10;
	v4 =	vor.u32 v4, v6;
	v6 =	vld [tilespmem:s16+$0xFFFFFFF0];
	s16 =	smov.u32 s4;
	s4 =	smov.u32 s22  }
0x3cd: {  	v3 =	vand.u32 $0xFFFF0000, v3;
	v11 =	vshll.u32 v10, $0x10;
	[tilespmem:s23+$0x20] =	vst v4;
	v4 =	vshll.u32 v2, $0x10  }
0x3ce: {  	v10 =	vand.u32 $0xFFFF0000, v10;
	v12 =	vshll.u32 v8, $0x10;
	v8 =	vand.u32 $0xFFFF0000, v8;
	v13 =	vld [tilespmem:s7+$0x20]  }
0x3cf: {  	v14 =	vshll.u32 v9, $0x10;
	v11 =	vadd.f32 v12, v11;
	v8 =	vadd.f32 v8, v10;
	v10 =	vld [tilespmem:s8+$0x20]  }
0x3d0: {  	s6 =	sadd.s32 $0x2, s6;
	v9 =	vand.u32 $0xFFFF0000, v9;
	v12 =	vshll.u32 v7, $0x10;
	v7 =	vand.u32 $0xFFFF0000, v7  }
0x3d1: {  	p0 =	slt.u32 s6, $0x26;
	v12 =	vadd.f32 v14, v12;
	v11 =	vadd.s32 $0x8000, v11;
	v8 =	vadd.s32 $0x8000, v8  }
0x3d2: {  	v7 =	vadd.f32 v9, v7;
	v9 =	vshrl.u32 v11, $0x10;
	v8 =	vand.u32 $0xFFFF0000, v8  }
0x3d3: {  	s23 =	sadd.s32 $0x100, s23;
	v11 =	vadd.s32 $0x8000, v12;
	v8 =	vor.u32 v9, v8;
	v9 =	vshll.u32 v13, $0x10  }
0x3d4: {  	s7 =	sadd.s32 $0x80, s7;
	v12 =	vand.u32 $0xFFFF0000, v13;
	[tilespmem:s23+$0x0] =	vst v8;
	v8 =	vshll.u32 v10, $0x10;
	v10 =	vand.u32 $0xFFFF0000, v10  }
0x3d5: {  	s8 =	sadd.s32 $0x80, s8;
	v7 =	vadd.s32 $0x8000, v7;
	v13 =	vld [tilespmem:s7+$0x0];
	v8 =	vadd.f32 v8, v9;
	v9 =	vadd.f32 v10, v12  }
0x3d6: {  	v3 =	vor.u32 v5, v3;
	v7 =	vand.u32 $0xFFFF0000, v7;
	v10 =	vshrl.u32 v11, $0x10;
	v11 =	vld [tilespmem:s8+$0x0]  }
0x3d7: {  	v5 =	vor.u32 v10, v7;
	[tilespmem:s9+$0xFFFFFFD0] =	vst v3;
	v3 =	vadd.s32 $0x8000, v8;
	v7 =	vadd.s32 $0x8000, v9  }
0x3d8: {  	v8 =	vshll.u32 v6, $0x10;
	[tilespmem:s23+$0xFFFFFF80] =	vst v5;
	v5 =	vld [tilespmem:s20+$0xFFFFFFE0];
	v3 =	vshrl.u32 v3, $0x10;
	v7 =	vand.u32 $0xFFFF0000, v7  }
0x3d9: {  	v2 =	vand.u32 $0xFFFF0000, v2;
	v6 =	vand.u32 $0xFFFF0000, v6;
	v9 =	vld [tilespmem:s7+$0xFFFFFFC0];
	v3 =	vor.u32 v3, v7  }
0x3da: {  	v2 =	vadd.f32 v6, v2;
	v7 =	vld [tilespmem:s8+$0xFFFFFFC0];
	v10 =	vshll.u32 v13, $0x10;
	[tilespmem:s9+$0x60] =	vst v3;
	v3 =	vadd.f32 v8, v4  }
0x3db: {  	v6 =	vand.u32 $0xFFFF0000, v13;
	v4 =	vshll.u32 v11, $0x10;
	v8 =	vand.u32 $0xFFFF0000, v11;
	v11 =	vld [tilespmem:s20+$0x30]  }
0x3dc: {  	v4 =	vadd.f32 v4, v10;
	v6 =	vadd.f32 v8, v6;
	v8 =	vld [tilespmem:s16+$0x30];
	v3 =	vadd.s32 $0x8000, v3  }
0x3dd: {  	v2 =	vadd.s32 $0x8000, v2;
	v10 =	vld [tilespmem:s16+$0xFFFFFFE0];
	v12 =	vshll.u32 v5, $0x10;
	v5 =	vand.u32 $0xFFFF0000, v5  }
0x3de: {  	v13 =	vshll.u32 v9, $0x10;
	v4 =	vadd.s32 $0x8000, v4;
	v6 =	vadd.s32 $0x8000, v6  }
0x3df: {  	v14 =	vshll.u32 v7, $0x10;
	v4 =	vshrl.u32 v4, $0x10;
	v6 =	vand.u32 $0xFFFF0000, v6  }
0x3e0: {  	v9 =	vand.u32 $0xFFFF0000, v9;
	v4 =	vor.u32 v4, v6;
	v6 =	vshll.u32 v11, $0x10  }
0x3e1: {  	v11 =	vand.u32 $0xFFFF0000, v11;
	[tilespmem:s23+$0x40] =	vst v4;
	v4 =	vshll.u32 v8, $0x10;
	v8 =	vand.u32 $0xFFFF0000, v8  }
0x3e2: {  	v7 =	vand.u32 $0xFFFF0000, v7;
	v15 =	vld [tilespmem:s18+$0x10];
	v4 =	vadd.f32 v4, v6;
	v6 =	vadd.f32 v8, v11  }
0x3e3: {  	v7 =	vadd.f32 v7, v9;
	v8 =	vadd.f32 v14, v13;
	v11 =	vshll.u32 v10, $0x10;
	v9 =	vld [tilespmem:s22+$0x10]  }
0x3e4: {  	v10 =	vand.u32 $0xFFFF0000, v10;
	v4 =	vadd.s32 $0x8000, v4;
	v6 =	vadd.s32 $0x8000, v6  }
0x3e5: {  	v8 =	vadd.s32 $0x8000, v8;
	v4 =	vshrl.u32 v4, $0x10;
	v6 =	vand.u32 $0xFFFF0000, v6  }
0x3e6: {  	v7 =	vadd.s32 $0x8000, v7;
	v8 =	vshrl.u32 v8, $0x10;
	v4 =	vor.u32 v4, v6  }
0x3e7: {  	v11 =	vadd.f32 v11, v12;
	v6 =	vand.u32 $0xFFFF0000, v7;
	v7 =	vshll.u32 v15, $0x10;
	[tilespmem:s9+$0x30] =	vst v4  }
0x3e8: {  	v12 =	vand.u32 $0xFFFF0000, v15;
	v4 =	vshll.u32 v9, $0x10;
	v9 =	vand.u32 $0xFFFF0000, v9;
	v13 =	vld [tilespmem:s2+$0x30]  }
0x3e9: {  	v6 =	vor.u32 v8, v6;
	v4 =	vadd.f32 v4, v7;
	v7 =	vadd.f32 v9, v12;
	v8 =	vld [tilespmem:s28+$0x30]  }
0x3ea: {  	v3 =	vshrl.u32 v3, $0x10;
	v5 =	vadd.f32 v10, v5;
	[tilespmem:s23+$0xFFFFFFC0] =	vst v6;
	v6 =	vadd.s32 $0x8000, v11  }
0x3eb: {  	v9 =	vld [tilespmem:s18+$0xFFFFFFD0];
	v4 =	vadd.s32 $0x8000, v4;
	v7 =	vadd.s32 $0x8000, v7;
	v6 =	vshrl.u32 v6, $0x10  }
0x3ec: {  	v5 =	vadd.s32 $0x8000, v5;
	v10 =	vld [tilespmem:s22+$0xFFFFFFD0];
	v4 =	vshrl.u32 v4, $0x10;
	v7 =	vand.u32 $0xFFFF0000, v7  }
0x3ed: {  	v5 =	vand.u32 $0xFFFF0000, v5;
	v4 =	vor.u32 v4, v7;
	v7 =	vshll.u32 v13, $0x10  }
0x3ee: {  	v11 =	vand.u32 $0xFFFF0000, v13;
	[tilespmem:s23+$0x10] =	vst v4;
	v4 =	vshll.u32 v8, $0x10;
	v8 =	vand.u32 $0xFFFF0000, v8  }
0x3ef: {  	v5 =	vor.u32 v6, v5;
	v12 =	vld [tilespmem:s7+$0x10];
	v4 =	vadd.f32 v4, v7;
	v6 =	vadd.f32 v8, v11  }
0x3f0: {  	v2 =	vand.u32 $0xFFFF0000, v2;
	v7 =	vshll.u32 v9, $0x10;
	v8 =	vand.u32 $0xFFFF0000, v9;
	v9 =	vld [tilespmem:s8+$0x10];
	[tilespmem:s9+$0xFFFFFFA0] =	vst v5  }
0x3f1: {  	v5 =	vshll.u32 v10, $0x10;
	v11 =	vld [tilespmem:s2+$0xFFFFFFE0];
	v4 =	vadd.s32 $0x8000, v4;
	v6 =	vadd.s32 $0x8000, v6  }
0x3f2: {  	v10 =	vand.u32 $0xFFFF0000, v10;
	v13 =	vld [tilespmem:s28+$0xFFFFFFE0];
	v4 =	vshrl.u32 v4, $0x10;
	v6 =	vand.u32 $0xFFFF0000, v6  }
0x3f3: {  	v5 =	vadd.f32 v5, v7;
	v7 =	vadd.f32 v10, v8;
	v4 =	vor.u32 v4, v6  }
0x3f4: {  	v0 =	vor.u32 v0, v1;
	v2 =	vor.u32 v3, v2;
	v6 =	vshll.u32 v12, $0x10;
	[tilespmem:s9+$0x70] =	vst v4  }
0x3f5: {  	v3 =	vand.u32 $0xFFFF0000, v12;
	v1 =	vshll.u32 v9, $0x10;
	v4 =	vand.u32 $0xFFFF0000, v9;
	[tilespmem:s15+$0xFFFFFFB0] =	vst v2  }
0x3f6: {  	v2 =	vadd.s32 $0x8000, v5;
	v1 =	vadd.f32 v1, v6;
	v3 =	vadd.f32 v4, v3;
	v4 =	vld [tilespmem:s19+$0xFFFFFFF0];
	[tilespmem:s14+$0xFFFFFFF0] =	vst v0;
	s14 =	smov.u32 s15;
	s15 =	smov.u32 s9;
	s9 =	smov.u32 s23  }
0x3f7: {  	v0 =	vshrl.u32 v2, $0x10;
	v2 =	vadd.s32 $0x8000, v7;
	v5 =	vshll.u32 v11, $0x10;
	s19 =	smov.u32 s2;
	s2 =	smov.u32 s7;
	v6 =	vld [tilespmem:s17+$0xFFFFFFF0];
	s17 =	smov.u32 s28  }
0x3f8: {  	v2 =	vand.u32 $0xFFFF0000, v2;
	s28 =	smov.u32 s8;
	v1 =	vadd.s32 $0x8000, v1;
	v3 =	vadd.s32 $0x8000, v3  }
0x3f9: {  	v0 =	vor.u32 v0, v2;
	v1 =	vshrl.u32 v1, $0x10;
	v2 =	vand.u32 $0xFFFF0000, v3  }
0x3fa: {  	[tilespmem:s23+$0xFFFFFF90] =	vst v0;
	v0 =	vor.u32 v1, v2;
	v1 =	vshll.u32 v13, $0x10;
	v2 =	vand.u32 $0xFFFF0000, v11  }
0x3fb: {  	v7 =	vld [tilespmem:s7+$0xFFFFFFD0];
	[tilespmem:s23+$0x50] =	vst v0;
	v0 =	vadd.f32 v1, v5;
	v1 =	vand.u32 $0xFFFF0000, v13;
	v3 =	vshll.u32 v4, $0x10  }
0x3fc: {  	v4 =	vand.u32 $0xFFFF0000, v4;
	v8 =	vld [tilespmem:s18+$0x20];
	v1 =	vadd.f32 v1, v2;
	v2 =	vshll.u32 v6, $0x10  }
0x3fd: {  	v5 =	vand.u32 $0xFFFF0000, v6;
	v9 =	vld [tilespmem:s22+$0x20];
	v0 =	vadd.s32 $0x8000, v0;
	v2 =	vadd.f32 v2, v3  }
.Ltmp8:
0x3fe: {  	v10 =	vadd.f32 v5, v4;
	v3 =	vld [tilespmem:s8+$0xFFFFFFD0];
	v0 =	vshrl.u32 v0, $0x10;
	v1 =	vadd.s32 $0x8000, v1;
	(pc) =	sbr.rel @p0 .LBB2_10-.Ltmp8, $4  }
0x3ff: {  	v1 =	vand.u32 $0xFFFF0000, v1;
	v2 =	vadd.s32 $0x8000, v2  }
0x400: {  	v5 =	vshll.u32 v7, $0x10;
	v4 =	vand.u32 $0xFFFF0000, v7;
	v0 =	vor.u32 v0, v1  }
0x401: {  	v1 =	vadd.s32 $0x8000, v10;
	v6 =	vshll.u32 v8, $0x10;
	[tilespmem:s15+$0xFFFFFFE0] =	vst v0;
	v0 =	vshrl.u32 v2, $0x10  }
0x402: {  	v8 =	vand.u32 $0xFFFF0000, v8;
	v7 =	vshll.u32 v9, $0x10;
	v9 =	vand.u32 $0xFFFF0000, v9;
	v2 =	vld [tilespmem:s20+$0xFFFFFFF0];
	s20 =	smov.u32 s18;
	s18 =	sadd.s32 $0x80, s18  }
0x403: {  	v10 =	vshll.u32 v3, $0x10;
	v57 =	vand.u32 $0xFFFF0000, v3  }
0x404: {  	v5 =	vadd.f32 v10, v5;
	v3 =	vadd.f32 v57, v4  }
0x405: {  	v6 =	vadd.f32 v7, v6  }
0x406: {  	v56 =	vadd.f32 v9, v8;
	v5 =	vadd.s32 $0x8000, v5;
	v3 =	vadd.s32 $0x8000, v3  }
0x407: {  	v5 =	vshrl.u32 v5, $0x10;
	v3 =	vand.u32 $0xFFFF0000, v3  }
0x408: {  	v58 =	vadd.s32 $0x8000, v6;
	v59 =	vadd.s32 $0x8000, v56;
	v3 =	vor.u32 v5, v3  }
0x409: {  	v4 =	vshrl.u32 v58, $0x10;
	v6 =	vand.u32 $0xFFFF0000, v59;
	[tilespmem:s9+$0xFFFFFFD0] =	vst v3  }
0x40a: {  	v4 =	vor.u32 v4, v6;
	v3 =	vld [tilespmem:s20+$0xFFFFFFE0]  }
0x40b: {  	[tilespmem:s23+$0x20] =	vst v4;
	v60 =	vld [tilespmem:s4+$0xFFFFFFE0]  }
0x40c: {  	v4 =	vld [tilespmem:s7+$0x20]  }
0x40d: {  	v61 =	vld [tilespmem:s8+$0x20];
	_ =	sdelay $0x1  }
0x40e: {  	v63 =	vshll.u32 v3, $0x10  }
0x40f: {  	v3 =	vand.u32 $0xFFFF0000, v3;
	v12 =	vshll.u32 v60, $0x10;
	v5 =	vand.u32 $0xFFFF0000, v60  }
0x410: {  	v8 =	vadd.f32 v12, v63;
	v3 =	vadd.f32 v5, v3  }
0x411: {  	v62 =	vshll.u32 v4, $0x10;
	v13 =	vshll.u32 v61, $0x10  }
0x412: {  	v4 =	vand.u32 $0xFFFF0000, v4;
	v16 =	vadd.s32 $0x8000, v8;
	v3 =	vadd.s32 $0x8000, v3  }
0x413: {  	v14 =	vand.u32 $0xFFFF0000, v61;
	v5 =	vshrl.u32 v16, $0x10;
	v3 =	vand.u32 $0xFFFF0000, v3  }
0x414: {  	v15 =	vadd.f32 v13, v62;
	v4 =	vadd.f32 v14, v4;
	v3 =	vor.u32 v5, v3  }
0x415: {  	[tilespmem:s9+$0xFFFFFFA0] =	vst v3  }
0x416: {  	v6 =	vadd.s32 $0x8000, v15;
	v4 =	vadd.s32 $0x8000, v4;
	v19 =	vld [tilespmem:s2+$0xFFFFFFE0]  }
0x417: {  	v17 =	vshrl.u32 v6, $0x10;
	v4 =	vand.u32 $0xFFFF0000, v4;
	v20 =	vld [tilespmem:s28+$0xFFFFFFE0]  }
0x418: {  	v18 =	vor.u32 v17, v4  }
0x419: {  	[tilespmem:s9+$0x60] =	vst v18  }
0x41a: {  	v21 =	vld [tilespmem:s20+$0x30]  }
0x41b: {  	v22 =	vld [tilespmem:s4+$0x30];
	v23 =	vshll.u32 v19, $0x10  }
0x41c: {  	v24 =	vshll.u32 v20, $0x10;
	v4 =	vand.u32 $0xFFFF0000, v19;
	v3 =	vand.u32 $0xFFFF0000, v20  }
0x41d: {  	v7 =	vadd.f32 v24, v23;
	v3 =	vadd.f32 v3, v4  }
0x41e: {  	v27 =	vld [tilespmem:s16+$0xFFFFFFF0]  }
0x41f: {  	v25 =	vshll.u32 v21, $0x10;
	v7 =	vadd.s32 $0x8000, v7;
	v3 =	vadd.s32 $0x8000, v3  }
0x420: {  	v26 =	vshll.u32 v22, $0x10;
	v28 =	vshrl.u32 v7, $0x10;
	v3 =	vand.u32 $0xFFFF0000, v3  }
0x421: {  	v5 =	vand.u32 $0xFFFF0000, v21;
	v6 =	vand.u32 $0xFFFF0000, v22;
	v3 =	vor.u32 v28, v3  }
0x422: {  	v33 =	vshll.u32 v2, $0x10;
	v5 =	vadd.f32 v6, v5;
	v4 =	vadd.f32 v26, v25;
	[tilespmem:s9+$0xFFFFFFE0] =	vst v3  }
0x423: {  	v37 =	vand.u32 $0xFFFF0000, v2;
	v34 =	vshll.u32 v27, $0x10;
	v38 =	vand.u32 $0xFFFF0000, v27;
	v31 =	vld [tilespmem:s20+$0xFFFFFFF0]  }
0x424: {  	v35 =	vadd.f32 v34, v33;
	v5 =	vadd.s32 $0x8000, v5;
	v4 =	vadd.s32 $0x8000, v4;
	v32 =	vld [tilespmem:s4+$0xFFFFFFF0]  }
0x425: {  	v2 =	vadd.f32 v38, v37;
	v30 =	vand.u32 $0xFFFF0000, v5;
	v29 =	vshrl.u32 v4, $0x10  }
0x426: {  	v3 =	vor.u32 v29, v30  }
0x427: {  	v2 =	vadd.s32 $0x8000, v2;
	[tilespmem:s9+$0x30] =	vst v3;
	v3 =	vadd.s32 $0x8000, v35  }
0x428: {  	v2 =	vand.u32 $0xFFFF0000, v2;
	v3 =	vshrl.u32 v3, $0x10;
	v40 =	vshll.u32 v31, $0x10  }
0x429: {  	v36 =	vld [tilespmem:s2+$0x30];
	v41 =	vshll.u32 v32, $0x10;
	v5 =	vand.u32 $0xFFFF0000, v31;
	v4 =	vand.u32 $0xFFFF0000, v32  }
0x42a: {  	v39 =	vld [tilespmem:s28+$0x30];
	v2 =	vor.u32 v3, v2;
	v8 =	vadd.f32 v41, v40;
	v4 =	vadd.f32 v4, v5  }
0x42b: {  	[tilespmem:s15+$0xFFFFFFB0] =	vst v2  }
0x42c: {  	v49 =	vld [tilespmem:s19+$0xFFFFFFF0];
	v43 =	vadd.s32 $0x8000, v8;
	v4 =	vadd.s32 $0x8000, v4  }
0x42d: {  	v51 =	vld [tilespmem:s17+$0xFFFFFFF0];
	v45 =	vshrl.u32 v43, $0x10;
	v46 =	vand.u32 $0xFFFF0000, v4  }
0x42e: {  	v2 =	vor.u32 v45, v46  }
0x42f: {  	v42 =	vshll.u32 v36, $0x10;
	v44 =	vshll.u32 v39, $0x10;
	[tilespmem:s9+$0xFFFFFFB0] =	vst v2  }
0x430: {  	v47 =	vand.u32 $0xFFFF0000, v36;
	v48 =	vand.u32 $0xFFFF0000, v39;
	v50 =	vadd.f32 v44, v42;
	v2 =	vld [tilespmem:s2+$0xFFFFFFF0]  }
0x431: {  	v1 =	vand.u32 $0xFFFF0000, v1;
	v4 =	vadd.f32 v48, v47;
	v52 =	vld [tilespmem:s28+$0xFFFFFFF0]  }
0x432: {  	v3 =	vadd.s32 $0x8000, v50;
	v53 =	vshll.u32 v49, $0x10;
	v54 =	vshll.u32 v51, $0x10  }
0x433: {  	v7 =	vand.u32 $0xFFFF0000, v49;
	v5 =	vand.u32 $0xFFFF0000, v51;
	v4 =	vadd.s32 $0x8000, v4  }
0x434: {  	v3 =	vshrl.u32 v3, $0x10;
	v5 =	vadd.f32 v5, v7;
	v4 =	vand.u32 $0xFFFF0000, v4  }
0x435: {  	v3 =	vor.u32 v3, v4;
	v4 =	vadd.f32 v54, v53;
	v55 =	vshll.u32 v2, $0x10  }
0x436: {  	v56 =	vshll.u32 v52, $0x10;
	v2 =	vand.u32 $0xFFFF0000, v2;
	v6 =	vand.u32 $0xFFFF0000, v52  }
0x437: {  	s23 =	smul.u32 $0x28, s11;
	v58 =	vadd.s32 $0x8000, v5;
	v7 =	vadd.f32 v56, v55;
	v2 =	vadd.f32 v6, v2  }
0x438: {  	v0 =	vor.u32 v0, v1;
	v59 =	vand.u32 $0xFFFF0000, v58;
	v4 =	vadd.s32 $0x8000, v4  }
0x439: {  	[tilespmem:s14+$0xFFFFFFF0] =	vst v0;
	s2 =	sadd.s32 s26, s23;
	v57 =	vshrl.u32 v4, $0x10;
	v60 =	vadd.s32 $0x8000, v7;
	v2 =	vadd.s32 $0x8000, v2  }
0x43a: {  	s2 =	sshll.u32 s2, $0x4;
	[tilespmem:s9+$0x70] =	vst v3;
	v61 =	vor.u32 v57, v59;
	v62 =	vshrl.u32 v60, $0x10;
	v2 =	vand.u32 $0xFFFF0000, v2  }
0x43b: {  	s2 =	sand.u32 $0x1FFFFF80, s2;
	[tilespmem:s15+$0xFFFFFFF0] =	vst v61;
	v63 =	vor.u32 v62, v2  }
0x43c: {  	s28 =	simm.s32 $0x11620;
	s2 =	sadd.s32 s25, s2;
	[tilespmem:s9+$0xFFFFFFF0] =	vst v63  }
0x43d: {  	[hbm4b:s2+s1] =	stream.linear.scatter [tilespmem:s28], [sflag:$0x7], $0x1400, $0x38;
	[tilespmem:$0x13E20] =	vst v63  }
.LBB2_12:
0x43e: {  	s2 =	simm.s32 @!p1 $0x6  }
0x43f: {  	p0 =	sgt.u32 s10, $0x1D;
	_ =	swait.ge @!p1 [sflag:s2], $0x1400  }
0x440: {  	s4 =	simm.s32 @!p0 $0x28;
	[sflag:s2] =	ssyncset.done @!p1 $0x0  }
0x441: {  	s6 =	simm.s32 @!p0 $0x7620;
	[sflag:s2] =	ssyncadd.s32 @!p1 $0xFFFFEC00;
	s2 =	sadd.s32 @!p0 $0xC8, s13  }
0x442: {  	[tilespmem:s6], [sflag:$0x2] =	stream.indirect.gather @!p0 [hbm4b:s21+s4], $0x40, s2, s4, $0xb8;
	[tilespmem:$0x13E20] =	vst v63  }
0x443: {  	s2 =	sadd.s32 @!p0 $0x1450, s13;
	s6 =	simm.s32 @!p0 $0x8020  }
0x444: {  	[tilespmem:s6], [sflag:$0x2] =	stream.indirect.gather @!p0 [hbm4b:s24+s4], $0x40, s2, s4, $0xb8;
	[tilespmem:$0x13E20] =	vst v63  }
.Ltmp9:
0x445: {  	_ = 	snop;
	(pc) =	sbr.rel @p1 .LBB2_16-.Ltmp9, $4  }
0x446: {  	s2 =	sadd.s32 @!p0 $0x27D8, s13;
	s6 =	simm.s32 @!p0 $0x8A20  }
0x447: {  	[tilespmem:s6], [sflag:$0x2] =	stream.indirect.gather @!p0 [hbm4b:s21+s4], $0x40, s2, s4, $0xb8;
	[tilespmem:$0x13E20] =	vst v63  }
0x448: {  	s2 =	sadd.s32 @!p0 $0x3B60, s13;
	s6 =	simm.s32 @!p0 $0x9420  }
0x449: {  	[tilespmem:s6], [sflag:$0x2] =	stream.indirect.gather @!p0 [hbm4b:s24+s4], $0x40, s2, s4, $0xb8;
	[tilespmem:$0x13E20] =	vst v63  }
0x44a: {  	_ =	swait.ge [sflag:s5], $0xA00  }
0x44b: {  	[sflag:s5] =	ssyncset.done $0x0  }
0x44c: {  	[sflag:s5] =	ssyncadd.s32 $0xFFFFF600  }
0x44d: {  	_ =	swait.ge [sflag:s5], $0xA00  }
0x44e: {  	[sflag:s5] =	ssyncset.done $0x0  }
0x44f: {  	[sflag:s5] =	ssyncadd.s32 $0xFFFFF600  }
0x450: {  	_ =	swait.ge [sflag:s5], $0xA00  }
0x451: {  	[sflag:s5] =	ssyncset.done $0x0  }
0x452: {  	[sflag:s5] =	ssyncadd.s32 $0xFFFFF600  }
0x453: {  	_ =	swait.ge [sflag:s5], $0xA00  }
0x454: {  	[sflag:s5] =	ssyncset.done $0x0  }
0x455: {  	s7 =	simm.s32 $0xC660;
	[sflag:s5] =	ssyncadd.s32 $0xFFFFF600  }
0x456: {  	s4 =	simm.s32 $0xD060;
	v0 =	vld [tilespmem:s7+$0x0]  }
0x457: {  	v1 =	vld [tilespmem:s4+$0x0];
	_ =	sdelay $0x3  }
0x458: {  	v2 =	vshll.u32 v0, $0x10  }
0x459: {  	v3 =	vshll.u32 v1, $0x10;
	v0 =	vand.u32 $0xFFFF0000, v0;
	v1 =	vand.u32 $0xFFFF0000, v1  }
0x45a: {  	v2 =	vadd.f32 v3, v2;
	v0 =	vadd.f32 v1, v0;
	_ =	sdelay $0x1  }
0x45b: {  	v1 =	vadd.s32 $0x8000, v2;
	v0 =	vadd.s32 $0x8000, v0  }
0x45c: {  	v1 =	vshrl.u32 v1, $0x10;
	v0 =	vand.u32 $0xFFFF0000, v0  }
0x45d: {  	s11 =	simm.s32 $0x12AA0;
	v2 =	vld [tilespmem:s4+$0xFFFFFFC0];
	v0 =	vor.u32 v1, v0  }
0x45e: {  	s9 =	simm.s32 $0xDA60;
	v1 =	vld [tilespmem:s7+$0xFFFFFFC0];
	[tilespmem:s11+$0x0] =	vst v0  }
0x45f: {  	s22 =	simm.s32 $0xE460;
	v0 =	vld [tilespmem:s9+$0x0]  }
0x460: {  	v3 =	vld [tilespmem:s22+$0x0];
	_ =	sdelay $0x1  }
0x461: {  	v4 =	vshll.u32 v2, $0x10  }
0x462: {  	v2 =	vand.u32 $0xFFFF0000, v2;
	v5 =	vshll.u32 v1, $0x10;
	v1 =	vand.u32 $0xFFFF0000, v1  }
0x463: {  	v4 =	vadd.f32 v4, v5;
	v1 =	vadd.f32 v2, v1;
	v2 =	vshll.u32 v0, $0x10  }
0x464: {  	v5 =	vshll.u32 v3, $0x10;
	v0 =	vand.u32 $0xFFFF0000, v0;
	v3 =	vand.u32 $0xFFFF0000, v3  }
0x465: {  	v4 =	vadd.s32 $0x8000, v4;
	v2 =	vadd.f32 v5, v2;
	v0 =	vadd.f32 v3, v0  }
0x466: {  	v1 =	vadd.s32 $0x8000, v1;
	v3 =	vshrl.u32 v4, $0x10  }
0x467: {  	v1 =	vand.u32 $0xFFFF0000, v1;
	v2 =	vadd.s32 $0x8000, v2;
	v0 =	vadd.s32 $0x8000, v0  }
0x468: {  	v1 =	vor.u32 v3, v1;
	v2 =	vshrl.u32 v2, $0x10;
	v0 =	vand.u32 $0xFFFF0000, v0  }
0x469: {  	[tilespmem:s11+$0xFFFFFF80] =	vst v1;
	v0 =	vor.u32 v2, v0  }
0x46a: {  	v1 =	vld [tilespmem:s9+$0xFFFFFFC0];
	[tilespmem:s11+$0x40] =	vst v0  }
0x46b: {  	v0 =	vld [tilespmem:s7+$0x10]  }
0x46c: {  	v2 =	vld [tilespmem:s4+$0x10]  }
0x46d: {  	v3 =	vld [tilespmem:s22+$0xFFFFFFC0];
	_ =	sdelay $0x2  }
0x46e: {  	v4 =	vshll.u32 v1, $0x10;
	v5 =	vshll.u32 v0, $0x10  }
0x46f: {  	v6 =	vshll.u32 v2, $0x10;
	v0 =	vand.u32 $0xFFFF0000, v0;
	v2 =	vand.u32 $0xFFFF0000, v2  }
0x470: {  	v7 =	vshll.u32 v3, $0x10;
	v5 =	vadd.f32 v6, v5;
	v0 =	vadd.f32 v2, v0  }
0x471: {  	v1 =	vand.u32 $0xFFFF0000, v1;
	v2 =	vand.u32 $0xFFFF0000, v3;
	v3 =	vadd.f32 v7, v4  }
0x472: {  	v1 =	vadd.f32 v2, v1;
	v2 =	vadd.s32 $0x8000, v5;
	v0 =	vadd.s32 $0x8000, v0  }
0x473: {  	v2 =	vshrl.u32 v2, $0x10;
	v0 =	vand.u32 $0xFFFF0000, v0  }
0x474: {  	v3 =	vadd.s32 $0x8000, v3;
	v1 =	vadd.s32 $0x8000, v1;
	v0 =	vor.u32 v2, v0  }
0x475: {  	v2 =	vshrl.u32 v3, $0x10;
	v1 =	vand.u32 $0xFFFF0000, v1;
	[tilespmem:s11+$0x10] =	vst v0  }
0x476: {  	v0 =	vor.u32 v2, v1;
	v1 =	vld [tilespmem:s9+$0x10]  }
0x477: {  	[tilespmem:s11+$0xFFFFFFC0] =	vst v0;
	v0 =	vld [tilespmem:s22+$0x10]  }
0x478: {  	v2 =	vld [tilespmem:s7+$0xFFFFFFD0]  }
0x479: {  	v3 =	vld [tilespmem:s4+$0xFFFFFFD0];
	_ =	sdelay $0x1  }
0x47a: {  	v4 =	vshll.u32 v1, $0x10  }
0x47b: {  	v5 =	vshll.u32 v0, $0x10;
	v1 =	vand.u32 $0xFFFF0000, v1;
	v0 =	vand.u32 $0xFFFF0000, v0  }
0x47c: {  	v6 =	vshll.u32 v2, $0x10;
	v4 =	vadd.f32 v5, v4;
	v0 =	vadd.f32 v0, v1  }
0x47d: {  	v1 =	vand.u32 $0xFFFF0000, v2;
	v2 =	vshll.u32 v3, $0x10;
	v3 =	vand.u32 $0xFFFF0000, v3  }
0x47e: {  	v2 =	vadd.f32 v2, v6;
	v4 =	vadd.s32 $0x8000, v4;
	v0 =	vadd.s32 $0x8000, v0  }
0x47f: {  	v1 =	vadd.f32 v3, v1;
	v3 =	vshrl.u32 v4, $0x10;
	v0 =	vand.u32 $0xFFFF0000, v0  }
0x480: {  	v0 =	vor.u32 v3, v0  }
0x481: {  	v2 =	vadd.s32 $0x8000, v2;
	v1 =	vadd.s32 $0x8000, v1;
	[tilespmem:s11+$0x50] =	vst v0  }
0x482: {  	v1 =	vand.u32 $0xFFFF0000, v1;
	v0 =	vshrl.u32 v2, $0x10;
	v2 =	vld [tilespmem:s7+$0x20]  }
0x483: {  	v0 =	vor.u32 v0, v1;
	v1 =	vld [tilespmem:s4+$0x20]  }
0x484: {  	[tilespmem:s11+$0xFFFFFF90] =	vst v0  }
0x485: {  	v0 =	vld [tilespmem:s9+$0xFFFFFFD0];
	_ =	sdelay $0x1  }
0x486: {  	s2 =	simm.s32 $0xC6E0;
	v3 =	vld [tilespmem:s22+$0xFFFFFFD0];
	v4 =	vshll.u32 v2, $0x10  }
0x487: {  	s14 =	simm.s32 $0xD0E0;
	v6 =	vld [tilespmem:s2+$0x0];
	v5 =	vshll.u32 v1, $0x10;
	v2 =	vand.u32 $0xFFFF0000, v2;
	v1 =	vand.u32 $0xFFFF0000, v1  }
0x488: {  	v4 =	vadd.f32 v5, v4;
	v1 =	vadd.f32 v1, v2;
	v2 =	vld [tilespmem:s14+$0x0]  }
0x489: {  	v5 =	vshll.u32 v0, $0x10  }
0x48a: {  	v0 =	vand.u32 $0xFFFF0000, v0;
	v4 =	vadd.s32 $0x8000, v4;
	v1 =	vadd.s32 $0x8000, v1  }
0x48b: {  	v8 =	vld [tilespmem:s14+$0xFFFFFFC0];
	v7 =	vshll.u32 v3, $0x10;
	v4 =	vshrl.u32 v4, $0x10;
	v1 =	vand.u32 $0xFFFF0000, v1  }
0x48c: {  	v5 =	vadd.f32 v7, v5;
	v7 =	vld [tilespmem:s2+$0xFFFFFFC0];
	v1 =	vor.u32 v4, v1;
	v4 =	vshll.u32 v6, $0x10  }
0x48d: {  	v6 =	vand.u32 $0xFFFF0000, v6;
	v9 =	vshll.u32 v2, $0x10;
	v2 =	vand.u32 $0xFFFF0000, v2  }
0x48e: {  	v3 =	vand.u32 $0xFFFF0000, v3;
	[tilespmem:s11+$0x20] =	vst v1;
	v1 =	vadd.f32 v9, v4;
	v2 =	vadd.f32 v2, v6  }
0x48f: {  	v0 =	vadd.f32 v3, v0;
	v3 =	vadd.s32 $0x8000, v5;
	v4 =	vld [tilespmem:s9+$0x20]  }
0x490: {  	v5 =	vshll.u32 v8, $0x10;
	v6 =	vld [tilespmem:s22+$0x20];
	v1 =	vadd.s32 $0x8000, v1;
	v2 =	vadd.s32 $0x8000, v2  }
0x491: {  	v9 =	vshll.u32 v7, $0x10;
	v1 =	vshrl.u32 v1, $0x10;
	v2 =	vand.u32 $0xFFFF0000, v2  }
0x492: {  	s13 =	simm.s32 $0x12BA0;
	v0 =	vadd.s32 $0x8000, v0;
	v5 =	vadd.f32 v5, v9;
	v1 =	vor.u32 v1, v2  }
0x493: {  	s16 =	simm.s32 $0xDAE0;
	v3 =	vshrl.u32 v3, $0x10;
	v2 =	vand.u32 $0xFFFF0000, v7;
	v7 =	vand.u32 $0xFFFF0000, v8;
	[tilespmem:s13+$0x0] =	vst v1  }
0x494: {  	s15 =	simm.s32 $0xE4E0;
	v1 =	vadd.f32 v7, v2;
	v2 =	vadd.s32 $0x8000, v5;
	v7 =	vshll.u32 v4, $0x10;
	v5 =	vld [tilespmem:s16+$0x0]  }
0x495: {  	v8 =	vshll.u32 v6, $0x10;
	v4 =	vand.u32 $0xFFFF0000, v4;
	v6 =	vand.u32 $0xFFFF0000, v6;
	v9 =	vld [tilespmem:s15+$0x0]  }
0x496: {  	v0 =	vand.u32 $0xFFFF0000, v0;
	v4 =	vadd.f32 v6, v4;
	v1 =	vadd.s32 $0x8000, v1  }
0x497: {  	v7 =	vadd.f32 v8, v7;
	v2 =	vshrl.u32 v2, $0x10;
	v1 =	vand.u32 $0xFFFF0000, v1  }
0x498: {  	v0 =	vor.u32 v3, v0;
	v3 =	vadd.s32 $0x8000, v4;
	v1 =	vor.u32 v2, v1  }
0x499: {  	v2 =	vadd.s32 $0x8000, v7;
	v3 =	vand.u32 $0xFFFF0000, v3;
	v4 =	vshll.u32 v5, $0x10  }
0x49a: {  	[tilespmem:s11+$0xFFFFFFD0] =	vst v0;
	v0 =	vshll.u32 v9, $0x10;
	v5 =	vand.u32 $0xFFFF0000, v5;
	v6 =	vand.u32 $0xFFFF0000, v9  }
0x49b: {  	v2 =	vshrl.u32 v2, $0x10;
	v0 =	vadd.f32 v0, v4;
	v4 =	vadd.f32 v6, v5  }
0x49c: {  	[tilespmem:s13+$0xFFFFFF80] =	vst v1;
	v1 =	vld [tilespmem:s7+$0xFFFFFFE0];
	v2 =	vor.u32 v2, v3  }
0x49d: {  	v3 =	vld [tilespmem:s15+$0xFFFFFFC0];
	[tilespmem:s11+$0x60] =	vst v2;
	v0 =	vadd.s32 $0x8000, v0;
	v2 =	vadd.s32 $0x8000, v4  }
0x49e: {  	v5 =	vld [tilespmem:s16+$0xFFFFFFC0];
	v0 =	vshrl.u32 v0, $0x10;
	v2 =	vand.u32 $0xFFFF0000, v2  }
0x49f: {  	v6 =	vld [tilespmem:s4+$0x30];
	v0 =	vor.u32 v0, v2  }
0x4a0: {  	v4 =	vld [tilespmem:s7+$0x30];
	[tilespmem:s13+$0x40] =	vst v0  }
0x4a1: {  	v0 =	vld [tilespmem:s2+$0x10]  }
0x4a2: {  	v2 =	vshll.u32 v1, $0x10;
	v1 =	vand.u32 $0xFFFF0000, v1;
	v7 =	vld [tilespmem:s14+$0x10]  }
0x4a3: {  	v9 =	vshll.u32 v3, $0x10;
	v3 =	vand.u32 $0xFFFF0000, v3;
	v8 =	vshll.u32 v5, $0x10  }
0x4a4: {  	v5 =	vand.u32 $0xFFFF0000, v5;
	v11 =	vshll.u32 v6, $0x10;
	v8 =	vadd.f32 v9, v8  }
0x4a5: {  	v6 =	vand.u32 $0xFFFF0000, v6;
	v3 =	vadd.f32 v3, v5;
	v10 =	vshll.u32 v4, $0x10  }
0x4a6: {  	v9 =	vld [tilespmem:s4+$0xFFFFFFE0];
	v4 =	vand.u32 $0xFFFF0000, v4;
	v5 =	vadd.s32 $0x8000, v8;
	v8 =	vshll.u32 v0, $0x10  }
0x4a7: {  	v12 =	vshll.u32 v7, $0x10;
	v0 =	vand.u32 $0xFFFF0000, v0;
	v7 =	vand.u32 $0xFFFF0000, v7  }
0x4a8: {  	v3 =	vadd.s32 $0x8000, v3;
	v8 =	vadd.f32 v12, v8;
	v0 =	vadd.f32 v7, v0  }
0x4a9: {  	v4 =	vadd.f32 v6, v4;
	v5 =	vshrl.u32 v5, $0x10;
	v3 =	vand.u32 $0xFFFF0000, v3  }
0x4aa: {  	v3 =	vor.u32 v5, v3;
	v5 =	vadd.s32 $0x8000, v8;
	v0 =	vadd.s32 $0x8000, v0  }
0x4ab: {  	[tilespmem:s13+$0xFFFFFFC0] =	vst v3;
	v6 =	vand.u32 $0xFFFF0000, v9;
	v3 =	vshrl.u32 v5, $0x10;
	v0 =	vand.u32 $0xFFFF0000, v0  }
0x4ac: {  	v7 =	vadd.f32 v11, v10;
	v8 =	vld [tilespmem:s2+$0xFFFFFFD0];
	v5 =	vshll.u32 v9, $0x10;
	v0 =	vor.u32 v3, v0  }
0x4ad: {  	v4 =	vadd.s32 $0x8000, v4;
	v1 =	vadd.f32 v6, v1;
	v2 =	vadd.f32 v5, v2;
	v3 =	vld [tilespmem:s14+$0xFFFFFFD0];
	[tilespmem:s13+$0x10] =	vst v0  }
0x4ae: {  	v4 =	vand.u32 $0xFFFF0000, v4;
	v5 =	vld [tilespmem:s16+$0x10]  }
0x4af: {  	v1 =	vadd.s32 $0x8000, v1;
	v0 =	vadd.s32 $0x8000, v7;
	v2 =	vadd.s32 $0x8000, v2;
	v6 =	vld [tilespmem:s15+$0x10]  }
0x4b0: {  	v1 =	vand.u32 $0xFFFF0000, v1;
	v0 =	vshrl.u32 v0, $0x10;
	v2 =	vshrl.u32 v2, $0x10  }
0x4b1: {  	v0 =	vor.u32 v0, v4;
	v1 =	vor.u32 v2, v1;
	v2 =	vshll.u32 v8, $0x10  }
0x4b2: {  	[tilespmem:s11+$0x30] =	vst v0;
	v0 =	vand.u32 $0xFFFF0000, v8;
	v4 =	vshll.u32 v3, $0x10;
	v3 =	vand.u32 $0xFFFF0000, v3  }
0x4b3: {  	v7 =	vld [tilespmem:s9+$0x30];
	v2 =	vadd.f32 v4, v2;
	v0 =	vadd.f32 v3, v0;
	v3 =	vshll.u32 v5, $0x10  }
0x4b4: {  	[tilespmem:s11+$0xFFFFFFA0] =	vst v1;
	v4 =	vld [tilespmem:s22+$0x30];
	v1 =	vshll.u32 v6, $0x10;
	v5 =	vand.u32 $0xFFFF0000, v5;
	v6 =	vand.u32 $0xFFFF0000, v6  }
0x4b5: {  	v8 =	vld [tilespmem:s9+$0xFFFFFFE0];
	v2 =	vadd.s32 $0x8000, v2;
	v1 =	vadd.f32 v1, v3;
	v3 =	vadd.f32 v6, v5  }
0x4b6: {  	v5 =	vld [tilespmem:s22+$0xFFFFFFE0];
	v0 =	vadd.s32 $0x8000, v0;
	v2 =	vshrl.u32 v2, $0x10  }
0x4b7: {  	v0 =	vand.u32 $0xFFFF0000, v0;
	v1 =	vadd.s32 $0x8000, v1;
	v3 =	vadd.s32 $0x8000, v3  }
0x4b8: {  	v0 =	vor.u32 v2, v0;
	v1 =	vshrl.u32 v1, $0x10;
	v2 =	vand.u32 $0xFFFF0000, v3  }
0x4b9: {  	v3 =	vshll.u32 v7, $0x10;
	v6 =	vshll.u32 v4, $0x10;
	[tilespmem:s13+$0xFFFFFF90] =	vst v0;
	v0 =	vor.u32 v1, v2  }
0x4ba: {  	v1 =	vand.u32 $0xFFFF0000, v7;
	v2 =	vand.u32 $0xFFFF0000, v4;
	v3 =	vadd.f32 v6, v3;
	v4 =	vld [tilespmem:s16+$0xFFFFFFD0];
	[tilespmem:s13+$0x50] =	vst v0  }
0x4bb: {  	v0 =	vadd.f32 v2, v1;
	v1 =	vshll.u32 v8, $0x10;
	v2 =	vshll.u32 v5, $0x10;
	v6 =	vld [tilespmem:s2+$0x20]  }
0x4bc: {  	v7 =	vand.u32 $0xFFFF0000, v8;
	v1 =	vadd.f32 v2, v1;
	v2 =	vand.u32 $0xFFFF0000, v5;
	v5 =	vld [tilespmem:s14+$0x20]  }
0x4bd: {  	v3 =	vadd.s32 $0x8000, v3;
	v2 =	vadd.f32 v2, v7  }
0x4be: {  	v7 =	vld [tilespmem:s15+$0xFFFFFFD0];
	v0 =	vadd.s32 $0x8000, v0;
	v3 =	vshrl.u32 v3, $0x10;
	v1 =	vadd.s32 $0x8000, v1  }
0x4bf: {  	s17 =	simm.s32 $0xC760;
	v0 =	vand.u32 $0xFFFF0000, v0;
	v1 =	vshrl.u32 v1, $0x10;
	v2 =	vadd.s32 $0x8000, v2  }
0x4c0: {  	v11 =	vld [tilespmem:s17+$0x0];
	v8 =	vshll.u32 v4, $0x10;
	v4 =	vand.u32 $0xFFFF0000, v4;
	v2 =	vand.u32 $0xFFFF0000, v2  }
0x4c1: {  	v9 =	vshll.u32 v6, $0x10;
	v10 =	vshll.u32 v5, $0x10;
	v6 =	vand.u32 $0xFFFF0000, v6  }
0x4c2: {  	s19 =	simm.s32 $0xD160;
	v5 =	vand.u32 $0xFFFF0000, v5;
	v1 =	vor.u32 v1, v2;
	v9 =	vadd.f32 v10, v9  }
0x4c3: {  	v58 =	vshll.u32 v7, $0x10;
	v5 =	vadd.f32 v5, v6;
	v6 =	vld [tilespmem:s19+$0x0];
	v7 =	vand.u32 $0xFFFF0000, v7  }
0x4c4: {  	v10 =	vld [tilespmem:s19+$0xFFFFFFC0];
	v8 =	vadd.f32 v58, v8;
	v4 =	vadd.f32 v7, v4;
	v7 =	vadd.s32 $0x8000, v9  }
0x4c5: {  	v2 =	vld [tilespmem:s17+$0xFFFFFFC0];
	v5 =	vadd.s32 $0x8000, v5;
	v9 =	vand.u32 $0xFFFF0000, v11;
	v7 =	vshrl.u32 v7, $0x10  }
0x4c6: {  	v5 =	vand.u32 $0xFFFF0000, v5;
	v8 =	vadd.s32 $0x8000, v8;
	v4 =	vadd.s32 $0x8000, v4  }
0x4c7: {  	v5 =	vor.u32 v7, v5;
	v7 =	vshrl.u32 v8, $0x10;
	v8 =	vshll.u32 v11, $0x10  }
0x4c8: {  	v4 =	vand.u32 $0xFFFF0000, v4;
	[tilespmem:s13+$0x20] =	vst v5;
	v5 =	vshll.u32 v6, $0x10;
	v6 =	vand.u32 $0xFFFF0000, v6  }
0x4c9: {  	v59 =	vshll.u32 v10, $0x10;
	v11 =	vld [tilespmem:s16+$0x20];
	v5 =	vadd.f32 v5, v8;
	v6 =	vadd.f32 v6, v9  }
0x4ca: {  	v10 =	vand.u32 $0xFFFF0000, v10;
	v8 =	vld [tilespmem:s15+$0x20];
	v9 =	vshll.u32 v2, $0x10;
	v2 =	vand.u32 $0xFFFF0000, v2  }
0x4cb: {  	[tilespmem:s11+$0xFFFFFFE0] =	vst v1;
	v1 =	vadd.f32 v10, v2;
	v5 =	vadd.s32 $0x8000, v5;
	v6 =	vadd.s32 $0x8000, v6  }
0x4cc: {  	v9 =	vadd.f32 v59, v9;
	v2 =	vshrl.u32 v5, $0x10;
	v5 =	vand.u32 $0xFFFF0000, v6  }
0x4cd: {  	s20 =	simm.s32 $0x12CA0;
	v4 =	vor.u32 v7, v4;
	v10 =	vld [tilespmem:s4+$0xFFFFFFF0];
	v1 =	vadd.s32 $0x8000, v1;
	v2 =	vor.u32 v2, v5  }
0x4ce: {  	v6 =	vld [tilespmem:s7+$0xFFFFFFF0];
	v9 =	vadd.s32 $0x8000, v9;
	s7 =	simm.s32 $0xDB60;
	v1 =	vand.u32 $0xFFFF0000, v1;
	v5 =	vshll.u32 v11, $0x10;
	[tilespmem:s20+$0x0] =	vst v2  }
0x4cf: {  	s8 =	simm.s32 $0xE560;
	v2 =	vshll.u32 v8, $0x10;
	v11 =	vand.u32 $0xFFFF0000, v11;
	v8 =	vand.u32 $0xFFFF0000, v8;
	v60 =	vld [tilespmem:s7+$0x0]  }
0x4d0: {  	v2 =	vadd.f32 v2, v5;
	v5 =	vadd.f32 v8, v11;
	v8 =	vshrl.u32 v9, $0x10;
	v9 =	vld [tilespmem:s8+$0x0]  }
0x4d1: {  	v0 =	vor.u32 v3, v0;
	[tilespmem:s13+$0xFFFFFFD0] =	vst v4;
	v1 =	vor.u32 v8, v1  }
0x4d2: {  	v2 =	vadd.s32 $0x8000, v2;
	v4 =	vadd.s32 $0x8000, v5;
	[tilespmem:s20+$0xFFFFFF80] =	vst v1;
	v1 =	vld [tilespmem:s2+$0xFFFFFFE0];
	v5 =	vshll.u32 v10, $0x10  }
0x4d3: {  	v10 =	vand.u32 $0xFFFF0000, v10;
	v2 =	vshrl.u32 v2, $0x10;
	v3 =	vand.u32 $0xFFFF0000, v4  }
0x4d4: {  	v4 =	vshll.u32 v6, $0x10;
	v7 =	vld [tilespmem:s7+$0xFFFFFFC0];
	v2 =	vor.u32 v2, v3;
	v3 =	vand.u32 $0xFFFF0000, v6  }
0x4d5: {  	v6 =	vld [tilespmem:s8+$0xFFFFFFC0];
	v8 =	vshll.u32 v60, $0x10;
	[tilespmem:s13+$0x60] =	vst v2;
	v2 =	vadd.f32 v5, v4;
	v4 =	vshll.u32 v9, $0x10  }
0x4d6: {  	v5 =	vand.u32 $0xFFFF0000, v60;
	v9 =	vand.u32 $0xFFFF0000, v9;
	v3 =	vadd.f32 v10, v3;
	v11 =	vld [tilespmem:s2+$0x30]  }
0x4d7: {  	v4 =	vadd.f32 v4, v8;
	v5 =	vadd.f32 v9, v5;
	v8 =	vld [tilespmem:s14+$0x30];
	v9 =	vshll.u32 v1, $0x10  }
0x4d8: {  	v1 =	vand.u32 $0xFFFF0000, v1;
	v2 =	vadd.s32 $0x8000, v2;
	v3 =	vadd.s32 $0x8000, v3  }
0x4d9: {  	v10 =	vld [tilespmem:s14+$0xFFFFFFE0];
	v61 =	vshll.u32 v7, $0x10;
	v4 =	vadd.s32 $0x8000, v4;
	v5 =	vadd.s32 $0x8000, v5  }
0x4da: {  	v7 =	vand.u32 $0xFFFF0000, v7;
	v4 =	vshrl.u32 v4, $0x10;
	v5 =	vand.u32 $0xFFFF0000, v5  }
0x4db: {  	v13 =	vshll.u32 v6, $0x10;
	v6 =	vand.u32 $0xFFFF0000, v6;
	v4 =	vor.u32 v4, v5  }
0x4dc: {  	v6 =	vadd.f32 v6, v7;
	v5 =	vshll.u32 v11, $0x10;
	[tilespmem:s20+$0x40] =	vst v4;
	v4 =	vshll.u32 v8, $0x10  }
0x4dd: {  	v11 =	vand.u32 $0xFFFF0000, v11;
	v8 =	vand.u32 $0xFFFF0000, v8;
	v4 =	vadd.f32 v4, v5;
	v5 =	vld [tilespmem:s17+$0x10]  }
0x4de: {  	v62 =	vshll.u32 v10, $0x10;
	v10 =	vand.u32 $0xFFFF0000, v10;
	v8 =	vadd.f32 v8, v11;
	v7 =	vld [tilespmem:s19+$0x10]  }
0x4df: {  	v1 =	vadd.f32 v10, v1;
	v11 =	vadd.f32 v13, v61;
	v6 =	vadd.s32 $0x8000, v6  }
0x4e0: {  	v6 =	vand.u32 $0xFFFF0000, v6;
	v4 =	vadd.s32 $0x8000, v4;
	v8 =	vadd.s32 $0x8000, v8  }
0x4e1: {  	v11 =	vadd.s32 $0x8000, v11;
	v4 =	vshrl.u32 v4, $0x10;
	v8 =	vand.u32 $0xFFFF0000, v8  }
0x4e2: {  	v11 =	vshrl.u32 v11, $0x10;
	v4 =	vor.u32 v4, v8;
	v8 =	vshll.u32 v5, $0x10  }
0x4e3: {  	[tilespmem:s13+$0x30] =	vst v4;
	v4 =	vshll.u32 v7, $0x10;
	v5 =	vand.u32 $0xFFFF0000, v5;
	v7 =	vand.u32 $0xFFFF0000, v7  }
0x4e4: {  	v6 =	vor.u32 v11, v6;
	v63 =	vld [tilespmem:s16+$0x30];
	v4 =	vadd.f32 v4, v8;
	v5 =	vadd.f32 v7, v5  }
0x4e5: {  	v2 =	vshrl.u32 v2, $0x10;
	v3 =	vand.u32 $0xFFFF0000, v3;
	v9 =	vadd.f32 v62, v9;
	[tilespmem:s20+$0xFFFFFFC0] =	vst v6;
	v7 =	vld [tilespmem:s15+$0x30]  }
0x4e6: {  	v1 =	vadd.s32 $0x8000, v1;
	v8 =	vld [tilespmem:s17+$0xFFFFFFD0];
	v4 =	vadd.s32 $0x8000, v4;
	v5 =	vadd.s32 $0x8000, v5  }
0x4e7: {  	v6 =	vadd.s32 $0x8000, v9;
	v9 =	vld [tilespmem:s19+$0xFFFFFFD0];
	v4 =	vshrl.u32 v4, $0x10;
	v5 =	vand.u32 $0xFFFF0000, v5  }
0x4e8: {  	v1 =	vand.u32 $0xFFFF0000, v1;
	v6 =	vshrl.u32 v6, $0x10;
	v4 =	vor.u32 v4, v5  }
0x4e9: {  	v2 =	vor.u32 v2, v3;
	v1 =	vor.u32 v6, v1;
	v5 =	vshll.u32 v63, $0x10;
	[tilespmem:s20+$0x10] =	vst v4  }
0x4ea: {  	v4 =	vshll.u32 v7, $0x10;
	v10 =	vand.u32 $0xFFFF0000, v63;
	v7 =	vand.u32 $0xFFFF0000, v7;
	v11 =	vld [tilespmem:s7+$0x10]  }
0x4eb: {  	v6 =	vshll.u32 v8, $0x10;
	v4 =	vadd.f32 v4, v5;
	v5 =	vadd.f32 v7, v10;
	v7 =	vld [tilespmem:s8+$0x10]  }
0x4ec: {  	v8 =	vand.u32 $0xFFFF0000, v8;
	v10 =	vshll.u32 v9, $0x10;
	v9 =	vand.u32 $0xFFFF0000, v9  }
0x4ed: {  	v8 =	vadd.f32 v9, v8;
	v4 =	vadd.s32 $0x8000, v4;
	v5 =	vadd.s32 $0x8000, v5  }
0x4ee: {  	[tilespmem:s13+$0xFFFFFFA0] =	vst v1;
	v1 =	vshrl.u32 v4, $0x10;
	v4 =	vand.u32 $0xFFFF0000, v5;
	v5 =	vadd.f32 v10, v6  }
0x4ef: {  	v1 =	vor.u32 v1, v4;
	v4 =	vadd.s32 $0x8000, v8;
	v9 =	vshll.u32 v11, $0x10  }
0x4f0: {  	v3 =	vld [tilespmem:s15+$0xFFFFFFE0];
	v10 =	vshll.u32 v7, $0x10;
	v11 =	vand.u32 $0xFFFF0000, v11;
	v7 =	vand.u32 $0xFFFF0000, v7  }
0x4f1: {  	[tilespmem:s11+$0xFFFFFFB0] =	vst v2;
	v6 =	vld [tilespmem:s16+$0xFFFFFFE0];
	v2 =	vadd.s32 $0x8000, v5;
	v5 =	vadd.f32 v10, v9;
	v7 =	vadd.f32 v7, v11  }
0x4f2: {  	v8 =	vld [tilespmem:s22+$0xFFFFFFF0];
	v4 =	vand.u32 $0xFFFF0000, v4  }
0x4f3: {  	v9 =	vld [tilespmem:s9+$0xFFFFFFF0];
	v2 =	vshrl.u32 v2, $0x10;
	v5 =	vadd.s32 $0x8000, v5;
	v7 =	vadd.s32 $0x8000, v7  }
0x4f4: {  	v2 =	vor.u32 v2, v4;
	v4 =	vshrl.u32 v5, $0x10;
	v5 =	vand.u32 $0xFFFF0000, v7  }
0x4f5: {  	[tilespmem:s20+$0xFFFFFF90] =	vst v2;
	v2 =	vor.u32 v4, v5  }
0x4f6: {  	v4 =	vshll.u32 v3, $0x10;
	v5 =	vand.u32 $0xFFFF0000, v6;
	v3 =	vand.u32 $0xFFFF0000, v3  }
0x4f7: {  	v7 =	vshll.u32 v6, $0x10;
	v6 =	vld [tilespmem:s7+$0xFFFFFFD0];
	[tilespmem:s20+$0x50] =	vst v2;
	v3 =	vadd.f32 v3, v5  }
0x4f8: {  	v2 =	vadd.f32 v4, v7;
	v4 =	vshll.u32 v9, $0x10;
	v5 =	vshll.u32 v8, $0x10;
	v10 =	vld [tilespmem:s17+$0x20]  }
0x4f9: {  	v7 =	vand.u32 $0xFFFF0000, v9;
	v9 =	vld [tilespmem:s19+$0x20];
	v4 =	vadd.f32 v5, v4;
	v3 =	vadd.s32 $0x8000, v3  }
0x4fa: {  	[tilespmem:s11+$0x70] =	vst v0;
	v5 =	vand.u32 $0xFFFF0000, v8;
	v2 =	vadd.s32 $0x8000, v2;
	v0 =	vand.u32 $0xFFFF0000, v3;
	v3 =	vld [tilespmem:s8+$0xFFFFFFD0]  }
0x4fb: {  	v7 =	vadd.f32 v5, v7;
	v2 =	vshrl.u32 v2, $0x10;
	v8 =	vadd.s32 $0x8000, v4  }
0x4fc: {  	[tilespmem:s13+$0x70] =	vst v1;
	v5 =	vshll.u32 v6, $0x10;
	v4 =	vand.u32 $0xFFFF0000, v6;
	v0 =	vor.u32 v2, v0  }
0x4fd: {  	s6 =	simm.s32 $0x4;
	s18 =	simm.s32 $0xC7E0;
	s4 =	simm.s32 $0xD160;
	v1 =	vadd.s32 $0x8000, v7;
	[tilespmem:s13+$0xFFFFFFE0] =	vst v0;
	v0 =	vshrl.u32 v8, $0x10;
	v6 =	vshll.u32 v10, $0x10  }
0x4fe: {  	s22 =	simm.s32 $0xE560;
	s9 =	simm.s32 $0x12CA0;
	v7 =	vshll.u32 v9, $0x10;
	v8 =	vand.u32 $0xFFFF0000, v10;
	v9 =	vand.u32 $0xFFFF0000, v9;
	v2 =	vld [tilespmem:s2+$0xFFFFFFF0];
	s2 =	simm.s32 $0xDB60  }
.LBB2_14:
0x4ff: {  	v10 =	vld [tilespmem:s18+$0x0];
	v11 =	vshll.u32 v3, $0x10;
	v6 =	vadd.f32 v7, v6;
	v7 =	vadd.f32 v9, v8;
	s19 =	sadd.s32 $0x80, s19  }
0x500: {  	v3 =	vand.u32 $0xFFFF0000, v3;
	v1 =	vand.u32 $0xFFFF0000, v1;
	v8 =	vld [tilespmem:s19+$0x0];
	v5 =	vadd.f32 v11, v5  }
0x501: {  	v3 =	vadd.f32 v3, v4;
	v9 =	vld [tilespmem:s19+$0xFFFFFFC0];
	v4 =	vadd.s32 $0x8000, v6;
	v6 =	vadd.s32 $0x8000, v7  }
0x502: {  	v7 =	vld [tilespmem:s18+$0xFFFFFFC0];
	v5 =	vadd.s32 $0x8000, v5;
	v4 =	vshrl.u32 v4, $0x10;
	v6 =	vand.u32 $0xFFFF0000, v6  }
0x503: {  	v3 =	vadd.s32 $0x8000, v3;
	v5 =	vshrl.u32 v5, $0x10;
	v4 =	vor.u32 v4, v6;
	v6 =	vld [tilespmem:s14+$0xFFFFFFF0];
	s14 =	smov.u32 s4;
	s4 =	smov.u32 s19  }
0x504: {  	v3 =	vand.u32 $0xFFFF0000, v3;
	v11 =	vshll.u32 v10, $0x10;
	[tilespmem:s20+$0x20] =	vst v4;
	v4 =	vshll.u32 v2, $0x10  }
0x505: {  	v10 =	vand.u32 $0xFFFF0000, v10;
	v12 =	vshll.u32 v8, $0x10;
	v8 =	vand.u32 $0xFFFF0000, v8;
	v13 =	vld [tilespmem:s7+$0x20]  }
0x506: {  	v14 =	vshll.u32 v9, $0x10;
	v11 =	vadd.f32 v12, v11;
	v8 =	vadd.f32 v8, v10;
	v10 =	vld [tilespmem:s8+$0x20]  }
0x507: {  	s6 =	sadd.s32 $0x2, s6;
	v9 =	vand.u32 $0xFFFF0000, v9;
	v12 =	vshll.u32 v7, $0x10;
	v7 =	vand.u32 $0xFFFF0000, v7  }
0x508: {  	p0 =	slt.u32 s6, $0x26;
	v12 =	vadd.f32 v14, v12;
	v11 =	vadd.s32 $0x8000, v11;
	v8 =	vadd.s32 $0x8000, v8  }
0x509: {  	v7 =	vadd.f32 v9, v7;
	v9 =	vshrl.u32 v11, $0x10;
	v8 =	vand.u32 $0xFFFF0000, v8  }
0x50a: {  	s20 =	sadd.s32 $0x100, s20;
	v11 =	vadd.s32 $0x8000, v12;
	v8 =	vor.u32 v9, v8;
	v9 =	vshll.u32 v13, $0x10  }
0x50b: {  	s7 =	sadd.s32 $0x80, s7;
	v12 =	vand.u32 $0xFFFF0000, v13;
	[tilespmem:s20+$0x0] =	vst v8;
	v8 =	vshll.u32 v10, $0x10;
	v10 =	vand.u32 $0xFFFF0000, v10  }
0x50c: {  	s8 =	sadd.s32 $0x80, s8;
	v7 =	vadd.s32 $0x8000, v7;
	v13 =	vld [tilespmem:s7+$0x0];
	v8 =	vadd.f32 v8, v9;
	v9 =	vadd.f32 v10, v12  }
0x50d: {  	v3 =	vor.u32 v5, v3;
	v7 =	vand.u32 $0xFFFF0000, v7;
	v10 =	vshrl.u32 v11, $0x10;
	v11 =	vld [tilespmem:s8+$0x0]  }
0x50e: {  	v5 =	vor.u32 v10, v7;
	[tilespmem:s9+$0xFFFFFFD0] =	vst v3;
	v3 =	vadd.s32 $0x8000, v8;
	v7 =	vadd.s32 $0x8000, v9  }
0x50f: {  	v8 =	vshll.u32 v6, $0x10;
	[tilespmem:s20+$0xFFFFFF80] =	vst v5;
	v5 =	vld [tilespmem:s17+$0xFFFFFFE0];
	v3 =	vshrl.u32 v3, $0x10;
	v7 =	vand.u32 $0xFFFF0000, v7  }
0x510: {  	v2 =	vand.u32 $0xFFFF0000, v2;
	v6 =	vand.u32 $0xFFFF0000, v6;
	v9 =	vld [tilespmem:s7+$0xFFFFFFC0];
	v3 =	vor.u32 v3, v7  }
0x511: {  	v2 =	vadd.f32 v6, v2;
	v7 =	vld [tilespmem:s8+$0xFFFFFFC0];
	v10 =	vshll.u32 v13, $0x10;
	[tilespmem:s9+$0x60] =	vst v3;
	v3 =	vadd.f32 v8, v4  }
0x512: {  	v6 =	vand.u32 $0xFFFF0000, v13;
	v4 =	vshll.u32 v11, $0x10;
	v8 =	vand.u32 $0xFFFF0000, v11;
	v11 =	vld [tilespmem:s17+$0x30]  }
0x513: {  	v4 =	vadd.f32 v4, v10;
	v6 =	vadd.f32 v8, v6;
	v8 =	vld [tilespmem:s14+$0x30];
	v3 =	vadd.s32 $0x8000, v3  }
0x514: {  	v2 =	vadd.s32 $0x8000, v2;
	v10 =	vld [tilespmem:s14+$0xFFFFFFE0];
	v12 =	vshll.u32 v5, $0x10;
	v5 =	vand.u32 $0xFFFF0000, v5  }
0x515: {  	v13 =	vshll.u32 v9, $0x10;
	v4 =	vadd.s32 $0x8000, v4;
	v6 =	vadd.s32 $0x8000, v6  }
0x516: {  	v14 =	vshll.u32 v7, $0x10;
	v4 =	vshrl.u32 v4, $0x10;
	v6 =	vand.u32 $0xFFFF0000, v6  }
0x517: {  	v9 =	vand.u32 $0xFFFF0000, v9;
	v4 =	vor.u32 v4, v6;
	v6 =	vshll.u32 v11, $0x10  }
0x518: {  	v11 =	vand.u32 $0xFFFF0000, v11;
	[tilespmem:s20+$0x40] =	vst v4;
	v4 =	vshll.u32 v8, $0x10;
	v8 =	vand.u32 $0xFFFF0000, v8  }
0x519: {  	v7 =	vand.u32 $0xFFFF0000, v7;
	v15 =	vld [tilespmem:s18+$0x10];
	v4 =	vadd.f32 v4, v6;
	v6 =	vadd.f32 v8, v11  }
0x51a: {  	v7 =	vadd.f32 v7, v9;
	v8 =	vadd.f32 v14, v13;
	v11 =	vshll.u32 v10, $0x10;
	v9 =	vld [tilespmem:s19+$0x10]  }
0x51b: {  	v10 =	vand.u32 $0xFFFF0000, v10;
	v4 =	vadd.s32 $0x8000, v4;
	v6 =	vadd.s32 $0x8000, v6  }
0x51c: {  	v8 =	vadd.s32 $0x8000, v8;
	v4 =	vshrl.u32 v4, $0x10;
	v6 =	vand.u32 $0xFFFF0000, v6  }
0x51d: {  	v7 =	vadd.s32 $0x8000, v7;
	v8 =	vshrl.u32 v8, $0x10;
	v4 =	vor.u32 v4, v6  }
0x51e: {  	v11 =	vadd.f32 v11, v12;
	v6 =	vand.u32 $0xFFFF0000, v7;
	v7 =	vshll.u32 v15, $0x10;
	[tilespmem:s9+$0x30] =	vst v4  }
0x51f: {  	v12 =	vand.u32 $0xFFFF0000, v15;
	v4 =	vshll.u32 v9, $0x10;
	v9 =	vand.u32 $0xFFFF0000, v9;
	v13 =	vld [tilespmem:s2+$0x30]  }
0x520: {  	v6 =	vor.u32 v8, v6;
	v4 =	vadd.f32 v4, v7;
	v7 =	vadd.f32 v9, v12;
	v8 =	vld [tilespmem:s22+$0x30]  }
0x521: {  	v3 =	vshrl.u32 v3, $0x10;
	v5 =	vadd.f32 v10, v5;
	[tilespmem:s20+$0xFFFFFFC0] =	vst v6;
	v6 =	vadd.s32 $0x8000, v11  }
0x522: {  	v9 =	vld [tilespmem:s18+$0xFFFFFFD0];
	v4 =	vadd.s32 $0x8000, v4;
	v7 =	vadd.s32 $0x8000, v7;
	v6 =	vshrl.u32 v6, $0x10  }
0x523: {  	v5 =	vadd.s32 $0x8000, v5;
	v10 =	vld [tilespmem:s19+$0xFFFFFFD0];
	v4 =	vshrl.u32 v4, $0x10;
	v7 =	vand.u32 $0xFFFF0000, v7  }
0x524: {  	v5 =	vand.u32 $0xFFFF0000, v5;
	v4 =	vor.u32 v4, v7;
	v7 =	vshll.u32 v13, $0x10  }
0x525: {  	v11 =	vand.u32 $0xFFFF0000, v13;
	[tilespmem:s20+$0x10] =	vst v4;
	v4 =	vshll.u32 v8, $0x10;
	v8 =	vand.u32 $0xFFFF0000, v8  }
0x526: {  	v5 =	vor.u32 v6, v5;
	v12 =	vld [tilespmem:s7+$0x10];
	v4 =	vadd.f32 v4, v7;
	v6 =	vadd.f32 v8, v11  }
0x527: {  	v2 =	vand.u32 $0xFFFF0000, v2;
	v7 =	vshll.u32 v9, $0x10;
	v8 =	vand.u32 $0xFFFF0000, v9;
	v9 =	vld [tilespmem:s8+$0x10];
	[tilespmem:s9+$0xFFFFFFA0] =	vst v5  }
0x528: {  	v5 =	vshll.u32 v10, $0x10;
	v11 =	vld [tilespmem:s2+$0xFFFFFFE0];
	v4 =	vadd.s32 $0x8000, v4;
	v6 =	vadd.s32 $0x8000, v6  }
0x529: {  	v10 =	vand.u32 $0xFFFF0000, v10;
	v13 =	vld [tilespmem:s22+$0xFFFFFFE0];
	v4 =	vshrl.u32 v4, $0x10;
	v6 =	vand.u32 $0xFFFF0000, v6  }
0x52a: {  	v5 =	vadd.f32 v5, v7;
	v7 =	vadd.f32 v10, v8;
	v4 =	vor.u32 v4, v6  }
0x52b: {  	v0 =	vor.u32 v0, v1;
	v2 =	vor.u32 v3, v2;
	v6 =	vshll.u32 v12, $0x10;
	[tilespmem:s9+$0x70] =	vst v4  }
0x52c: {  	v3 =	vand.u32 $0xFFFF0000, v12;
	v1 =	vshll.u32 v9, $0x10;
	v4 =	vand.u32 $0xFFFF0000, v9;
	[tilespmem:s13+$0xFFFFFFB0] =	vst v2  }
0x52d: {  	v2 =	vadd.s32 $0x8000, v5;
	v1 =	vadd.f32 v1, v6;
	v3 =	vadd.f32 v4, v3;
	v4 =	vld [tilespmem:s16+$0xFFFFFFF0];
	[tilespmem:s11+$0xFFFFFFF0] =	vst v0;
	s11 =	smov.u32 s13;
	s13 =	smov.u32 s9;
	s9 =	smov.u32 s20  }
0x52e: {  	v0 =	vshrl.u32 v2, $0x10;
	v2 =	vadd.s32 $0x8000, v7;
	v5 =	vshll.u32 v11, $0x10;
	s16 =	smov.u32 s2;
	s2 =	smov.u32 s7;
	v6 =	vld [tilespmem:s15+$0xFFFFFFF0];
	s15 =	smov.u32 s22  }
0x52f: {  	v2 =	vand.u32 $0xFFFF0000, v2;
	s22 =	smov.u32 s8;
	v1 =	vadd.s32 $0x8000, v1;
	v3 =	vadd.s32 $0x8000, v3  }
0x530: {  	v0 =	vor.u32 v0, v2;
	v1 =	vshrl.u32 v1, $0x10;
	v2 =	vand.u32 $0xFFFF0000, v3  }
0x531: {  	[tilespmem:s20+$0xFFFFFF90] =	vst v0;
	v0 =	vor.u32 v1, v2;
	v1 =	vshll.u32 v13, $0x10;
	v2 =	vand.u32 $0xFFFF0000, v11  }
0x532: {  	v7 =	vld [tilespmem:s7+$0xFFFFFFD0];
	[tilespmem:s20+$0x50] =	vst v0;
	v0 =	vadd.f32 v1, v5;
	v1 =	vand.u32 $0xFFFF0000, v13;
	v3 =	vshll.u32 v4, $0x10  }
0x533: {  	v4 =	vand.u32 $0xFFFF0000, v4;
	v8 =	vld [tilespmem:s18+$0x20];
	v1 =	vadd.f32 v1, v2;
	v2 =	vshll.u32 v6, $0x10  }
0x534: {  	v5 =	vand.u32 $0xFFFF0000, v6;
	v9 =	vld [tilespmem:s19+$0x20];
	v0 =	vadd.s32 $0x8000, v0;
	v2 =	vadd.f32 v2, v3  }
.Ltmp10:
0x535: {  	v10 =	vadd.f32 v5, v4;
	v3 =	vld [tilespmem:s8+$0xFFFFFFD0];
	v0 =	vshrl.u32 v0, $0x10;
	v1 =	vadd.s32 $0x8000, v1;
	(pc) =	sbr.rel @p0 .LBB2_14-.Ltmp10, $4  }
0x536: {  	v1 =	vand.u32 $0xFFFF0000, v1;
	v2 =	vadd.s32 $0x8000, v2  }
0x537: {  	v5 =	vshll.u32 v7, $0x10;
	v4 =	vand.u32 $0xFFFF0000, v7;
	v0 =	vor.u32 v0, v1  }
0x538: {  	v1 =	vadd.s32 $0x8000, v10;
	v6 =	vshll.u32 v8, $0x10;
	[tilespmem:s13+$0xFFFFFFE0] =	vst v0;
	v0 =	vshrl.u32 v2, $0x10  }
0x539: {  	v8 =	vand.u32 $0xFFFF0000, v8;
	v7 =	vshll.u32 v9, $0x10;
	v9 =	vand.u32 $0xFFFF0000, v9;
	v2 =	vld [tilespmem:s17+$0xFFFFFFF0];
	s17 =	smov.u32 s18;
	s18 =	sadd.s32 $0x80, s18  }
0x53a: {  	v10 =	vshll.u32 v3, $0x10;
	v57 =	vand.u32 $0xFFFF0000, v3  }
0x53b: {  	v5 =	vadd.f32 v10, v5;
	v3 =	vadd.f32 v57, v4  }
0x53c: {  	v6 =	vadd.f32 v7, v6  }
0x53d: {  	v56 =	vadd.f32 v9, v8;
	v5 =	vadd.s32 $0x8000, v5;
	v3 =	vadd.s32 $0x8000, v3  }
0x53e: {  	v5 =	vshrl.u32 v5, $0x10;
	v3 =	vand.u32 $0xFFFF0000, v3  }
0x53f: {  	v58 =	vadd.s32 $0x8000, v6;
	v59 =	vadd.s32 $0x8000, v56;
	v3 =	vor.u32 v5, v3  }
0x540: {  	v4 =	vshrl.u32 v58, $0x10;
	v6 =	vand.u32 $0xFFFF0000, v59;
	[tilespmem:s9+$0xFFFFFFD0] =	vst v3  }
0x541: {  	v4 =	vor.u32 v4, v6;
	v3 =	vld [tilespmem:s17+$0xFFFFFFE0]  }
0x542: {  	[tilespmem:s20+$0x20] =	vst v4;
	v60 =	vld [tilespmem:s4+$0xFFFFFFE0]  }
0x543: {  	v4 =	vld [tilespmem:s7+$0x20]  }
0x544: {  	v61 =	vld [tilespmem:s8+$0x20];
	_ =	sdelay $0x1  }
0x545: {  	v63 =	vshll.u32 v3, $0x10  }
0x546: {  	v3 =	vand.u32 $0xFFFF0000, v3;
	v12 =	vshll.u32 v60, $0x10;
	v5 =	vand.u32 $0xFFFF0000, v60  }
0x547: {  	v8 =	vadd.f32 v12, v63;
	v3 =	vadd.f32 v5, v3  }
0x548: {  	v62 =	vshll.u32 v4, $0x10;
	v13 =	vshll.u32 v61, $0x10  }
0x549: {  	v4 =	vand.u32 $0xFFFF0000, v4;
	v16 =	vadd.s32 $0x8000, v8;
	v3 =	vadd.s32 $0x8000, v3  }
0x54a: {  	v14 =	vand.u32 $0xFFFF0000, v61;
	v5 =	vshrl.u32 v16, $0x10;
	v3 =	vand.u32 $0xFFFF0000, v3  }
0x54b: {  	v15 =	vadd.f32 v13, v62;
	v4 =	vadd.f32 v14, v4;
	v3 =	vor.u32 v5, v3  }
0x54c: {  	[tilespmem:s9+$0xFFFFFFA0] =	vst v3  }
0x54d: {  	v6 =	vadd.s32 $0x8000, v15;
	v4 =	vadd.s32 $0x8000, v4;
	v19 =	vld [tilespmem:s2+$0xFFFFFFE0]  }
0x54e: {  	v17 =	vshrl.u32 v6, $0x10;
	v4 =	vand.u32 $0xFFFF0000, v4;
	v20 =	vld [tilespmem:s22+$0xFFFFFFE0]  }
0x54f: {  	v18 =	vor.u32 v17, v4  }
0x550: {  	[tilespmem:s9+$0x60] =	vst v18  }
0x551: {  	v21 =	vld [tilespmem:s17+$0x30]  }
0x552: {  	v22 =	vld [tilespmem:s4+$0x30];
	v23 =	vshll.u32 v19, $0x10  }
0x553: {  	v24 =	vshll.u32 v20, $0x10;
	v4 =	vand.u32 $0xFFFF0000, v19;
	v3 =	vand.u32 $0xFFFF0000, v20  }
0x554: {  	v7 =	vadd.f32 v24, v23;
	v3 =	vadd.f32 v3, v4  }
0x555: {  	v27 =	vld [tilespmem:s14+$0xFFFFFFF0]  }
0x556: {  	v25 =	vshll.u32 v21, $0x10;
	v7 =	vadd.s32 $0x8000, v7;
	v3 =	vadd.s32 $0x8000, v3  }
0x557: {  	v26 =	vshll.u32 v22, $0x10;
	v28 =	vshrl.u32 v7, $0x10;
	v3 =	vand.u32 $0xFFFF0000, v3  }
0x558: {  	v5 =	vand.u32 $0xFFFF0000, v21;
	v6 =	vand.u32 $0xFFFF0000, v22;
	v3 =	vor.u32 v28, v3  }
0x559: {  	v33 =	vshll.u32 v2, $0x10;
	v5 =	vadd.f32 v6, v5;
	v4 =	vadd.f32 v26, v25;
	[tilespmem:s9+$0xFFFFFFE0] =	vst v3  }
0x55a: {  	v37 =	vand.u32 $0xFFFF0000, v2;
	v34 =	vshll.u32 v27, $0x10;
	v38 =	vand.u32 $0xFFFF0000, v27;
	v31 =	vld [tilespmem:s17+$0xFFFFFFF0]  }
0x55b: {  	v35 =	vadd.f32 v34, v33;
	v5 =	vadd.s32 $0x8000, v5;
	v4 =	vadd.s32 $0x8000, v4;
	v32 =	vld [tilespmem:s4+$0xFFFFFFF0]  }
0x55c: {  	v2 =	vadd.f32 v38, v37;
	v30 =	vand.u32 $0xFFFF0000, v5;
	v29 =	vshrl.u32 v4, $0x10  }
0x55d: {  	v3 =	vor.u32 v29, v30  }
0x55e: {  	v2 =	vadd.s32 $0x8000, v2;
	[tilespmem:s9+$0x30] =	vst v3;
	v3 =	vadd.s32 $0x8000, v35  }
0x55f: {  	v2 =	vand.u32 $0xFFFF0000, v2;
	v3 =	vshrl.u32 v3, $0x10;
	v40 =	vshll.u32 v31, $0x10  }
0x560: {  	v36 =	vld [tilespmem:s2+$0x30];
	v41 =	vshll.u32 v32, $0x10;
	v5 =	vand.u32 $0xFFFF0000, v31;
	v4 =	vand.u32 $0xFFFF0000, v32  }
0x561: {  	v39 =	vld [tilespmem:s22+$0x30];
	v2 =	vor.u32 v3, v2;
	v8 =	vadd.f32 v41, v40;
	v4 =	vadd.f32 v4, v5  }
0x562: {  	[tilespmem:s13+$0xFFFFFFB0] =	vst v2  }
0x563: {  	v49 =	vld [tilespmem:s16+$0xFFFFFFF0];
	v43 =	vadd.s32 $0x8000, v8;
	v4 =	vadd.s32 $0x8000, v4  }
0x564: {  	v51 =	vld [tilespmem:s15+$0xFFFFFFF0];
	v45 =	vshrl.u32 v43, $0x10;
	v46 =	vand.u32 $0xFFFF0000, v4  }
0x565: {  	v2 =	vor.u32 v45, v46  }
0x566: {  	v42 =	vshll.u32 v36, $0x10;
	v44 =	vshll.u32 v39, $0x10;
	[tilespmem:s9+$0xFFFFFFB0] =	vst v2  }
0x567: {  	v47 =	vand.u32 $0xFFFF0000, v36;
	v48 =	vand.u32 $0xFFFF0000, v39;
	v50 =	vadd.f32 v44, v42;
	v2 =	vld [tilespmem:s2+$0xFFFFFFF0]  }
0x568: {  	v1 =	vand.u32 $0xFFFF0000, v1;
	v4 =	vadd.f32 v48, v47;
	v52 =	vld [tilespmem:s22+$0xFFFFFFF0]  }
0x569: {  	v3 =	vadd.s32 $0x8000, v50;
	v53 =	vshll.u32 v49, $0x10;
	v54 =	vshll.u32 v51, $0x10  }
0x56a: {  	v7 =	vand.u32 $0xFFFF0000, v49;
	v5 =	vand.u32 $0xFFFF0000, v51;
	v4 =	vadd.s32 $0x8000, v4  }
0x56b: {  	v3 =	vshrl.u32 v3, $0x10;
	v5 =	vadd.f32 v5, v7;
	v4 =	vand.u32 $0xFFFF0000, v4  }
0x56c: {  	v3 =	vor.u32 v3, v4;
	v4 =	vadd.f32 v54, v53;
	v55 =	vshll.u32 v2, $0x10  }
0x56d: {  	v56 =	vshll.u32 v52, $0x10;
	v2 =	vand.u32 $0xFFFF0000, v2;
	v6 =	vand.u32 $0xFFFF0000, v52  }
0x56e: {  	s23 =	smul.u32 $0x28, s12;
	v58 =	vadd.s32 $0x8000, v5;
	v7 =	vadd.f32 v56, v55;
	v2 =	vadd.f32 v6, v2  }
0x56f: {  	v0 =	vor.u32 v0, v1;
	v59 =	vand.u32 $0xFFFF0000, v58;
	v4 =	vadd.s32 $0x8000, v4  }
.Ltmp11:
0x570: {  	[tilespmem:s11+$0xFFFFFFF0] =	vst v0;
	s2 =	sadd.s32 s26, s23;
	v57 =	vshrl.u32 v4, $0x10;
	v60 =	vadd.s32 $0x8000, v7;
	v2 =	vadd.s32 $0x8000, v2;
	(pc) =	sbr.rel .LBB2_16-.Ltmp11, $4  }
0x571: {  	s2 =	sshll.u32 s2, $0x4;
	[tilespmem:s9+$0x70] =	vst v3;
	v61 =	vor.u32 v57, v59;
	v62 =	vshrl.u32 v60, $0x10;
	v2 =	vand.u32 $0xFFFF0000, v2  }
0x572: {  	s2 =	sand.u32 $0x1FFFFF80, s2;
	[tilespmem:s13+$0xFFFFFFF0] =	vst v61;
	v63 =	vor.u32 v62, v2  }
0x573: {  	s28 =	simm.s32 $0x12A20;
	s2 =	sadd.s32 s25, s2;
	[tilespmem:s9+$0xFFFFFFF0] =	vst v63  }
0x574: {  	[hbm4b:s2+s1] =	stream.linear.scatter [tilespmem:s28], [sflag:$0x8], $0x1400, $0x38;
	[tilespmem:$0x13E20] =	vst v63  }
.LBB2_18:
0x575: {  	_ =	sfence.sel $0x180000  }
0x576: {  	[bflag:$0x0] =	sbarrier.arrive $0xFFFF  }
0x577: {  	_ =	strace $0x90000047  }
0x578: {  	s0 =	stileid.u32;
	[bflag:$0x2] =	sbarrier.arrive $0xFFFF  }
0x579: {  	p0 =	sne.s32 s0, $0x0;
	s0 =	rddreg [dreg:$0x2]  }
0x57a: {  	s0 =	sadd.s32 @!p0 $0x100000, s0  }
0x57b: {  	[sflag:s0] =	ssyncadd.tile.s32 @!p0 $0x1;
	_ =	shalt  }
.Lfunc_end2:
_tile_overlayer_lowered:
.L_overlay_start_2:
0x57c: {  	(tag) =	ssettag $0x2  }
0x57d: {  	s0 =	rddreg [dreg:$0x0];
	s2 =	stileid.u32  }
0x57e: {  	s1 =	rddreg [dreg:$0x1];
	p0 =	sne.s32 s2, $0x0  }
0x57f: {  	s3 =	rddreg [dreg:$0x2];
	[bflag:$0x3] =	sbarrier.arrive $0xFFFF;
	s2 =	simm.s32 @!p0 $0x1C09  }
0x580: {  	[timem:s3], [sflag:s2] =	dma.local @!p0 [hbm:s0], s1  }
0x581: {  	s0 =	simm.s32 @!p0 $0x9  }
0x582: {  	_ =	swait.ge @!p0 [sflag:s0], s1  }
0x583: {  	s1 =	ssub.s32 @!p0 $0x0, s1;
	[sflag:s0] =	ssyncset.done @!p0 $0x0  }
0x584: {  	[sflag:s0] =	ssyncadd.s32 @!p0 s1  }
0x585: {  	[bflag:$0x3] =	sbarrier.arrive $0xFFFF  }
0x586: {  	_ =	shalt  }

</sc_bundles>
